<compile_context>
chip_gen: v7x
topology: tpu7x:2x2x1
jax: 0.10.2.dev20260603
libtpu: 0.0.44.dev20260713+nightly
codegen_flags: <defaults>
</compile_context>

<pallas_src>
import functools

import jax
import jax.numpy as jnp
from jax import lax
from jax.experimental import pallas as pl
from jax.experimental.pallas import tpu as pltpu
from jax.experimental.pallas import tpu_sc as plsc

N = 10000
E = 320000
V = 50000
D = 128

NC = 2
NS = 16

ROWS_T = 624
EK = 128
ECHUNKS = E // EK
EJ = -(-ECHUNKS // NS)
IK = 80
ICHUNKS = N // IK
IJ = -(-ICHUNKS // NS)
NBUF = 2
IB = 6
SPN = 10112
RPAD = 20096

_mesh = plsc.VectorSubcoreMesh(core_axis_name="c", subcore_axis_name="s")


def _zero_vec(ref, nwords):
    def body(i, _):
        ref[pl.ds(i * 16, 16)] = jnp.zeros((16,), jnp.float32)
        return 0
    lax.fori_loop(0, nwords // 16, body, 0)


def _tile_node_init(zbuf, shared, sid):
    pltpu.sync_copy(zbuf.at[pl.ds(0, ROWS_T)], shared.at[pl.ds(sid * ROWS_T, ROWS_T)])
    @pl.when(sid == NS - 1)
    def _():
        pltpu.sync_copy(zbuf.at[pl.ds(0, 16)], shared.at[pl.ds(NS * ROWS_T, 16)])


def _tile_node_out(shared, out, sid, base, stage):
    pltpu.sync_copy(shared.at[pl.ds(sid * ROWS_T, ROWS_T)],
                    stage.at[pl.ds(0, ROWS_T)])
    pltpu.sync_copy(stage.at[pl.ds(0, ROWS_T)],
                    out.at[pl.ds(base + sid * ROWS_T, ROWS_T)])
    @pl.when(sid == NS - 1)
    def _():
        pltpu.sync_copy(shared.at[pl.ds(NS * ROWS_T, 16)], stage.at[pl.ds(0, 16)])
        pltpu.sync_copy(stage.at[pl.ds(0, 16)],
                        out.at[pl.ds(base + NS * ROWS_T, 16)])


@functools.partial(
    pl.kernel,
    out_type=(jax.ShapeDtypeStruct((2 * N, D), jnp.float32),
              jax.ShapeDtypeStruct((2 * N,), jnp.float32)),
    mesh=_mesh,
    scratch_types=[
        pltpu.VMEM((2, IK), jnp.int32),
        pltpu.VMEM((2, IK, D), jnp.float32),
        pltpu.VMEM((8, EK), jnp.int32),
        pltpu.VMEM((EK,), jnp.float32),
        pltpu.VMEM((ROWS_T + 16,), jnp.float32),
        pltpu.VMEM_SHARED((SPN,), jnp.float32),
        pltpu.SemaphoreType.DMA,
        pltpu.SemaphoreType.DMA,
        pltpu.SemaphoreType.DMA,
    ],
)
def _sc_deg_gather(ids2, dst2, emb, h_out, deg_out,
                   idbufs, rowbufs, dstbufs, onesbuf, zbuf, degsp,
                   isem, asem, gsem):
    cid = lax.axis_index("c")
    sid = lax.axis_index("s")

    def fill_ones(i, _):
        onesbuf[pl.ds(i * 16, 16)] = jnp.full((16,), 1.0, jnp.float32)
        return 0
    lax.fori_loop(0, EK // 16, fill_ones, 0)
    _zero_vec(zbuf, ROWS_T + 16)
    _tile_node_init(zbuf, degsp, sid)
    plsc.subcore_barrier()

    def deg_grp(grp, _):
        for b in range(8):
            g = (grp * 8 + b) * NS + sid
            @pl.when(g < ECHUNKS)
            def _():
                pltpu.async_copy(dst2.at[pl.ds(cid * E + g * EK, EK)],
                                 dstbufs.at[b], isem)
        for b in range(8):
            g = (grp * 8 + b) * NS + sid
            @pl.when(g < ECHUNKS)
            def _():
                pltpu.make_async_copy(dst2.at[pl.ds(0, EK)], dstbufs.at[b],
                                      isem).wait()
        for b in range(8):
            g = (grp * 8 + b) * NS + sid
            @pl.when(g < ECHUNKS)
            def _():
                pltpu.async_copy(onesbuf, degsp.at[dstbufs.at[b]], asem,
                                 add=True)
        for b in range(8):
            g = (grp * 8 + b) * NS + sid
            @pl.when(g < ECHUNKS)
            def _():
                pltpu.make_async_copy(onesbuf, degsp.at[dstbufs.at[b]],
                                      asem).wait()
        return 0
    lax.fori_loop(0, -(-EJ // 8), deg_grp, 0)

    def g_fire(k, b):
        g = k * NS + sid
        @pl.when(g < ICHUNKS)
        def _():
            base = cid * N + g * IK
            pltpu.sync_copy(ids2.at[pl.ds(base, IK)], idbufs.at[b])
            pltpu.async_copy(emb.at[idbufs.at[b]], rowbufs.at[b], gsem)

    def g_consume(k, b):
        g = k * NS + sid
        @pl.when(g < ICHUNKS)
        def _():
            pltpu.make_async_copy(emb.at[pl.ds(0, IK)], rowbufs.at[b],
                                  gsem).wait()
            pltpu.sync_copy(rowbufs.at[b], h_out.at[pl.ds(cid * N + g * IK, IK)])

    g_fire(0, 0)
    g_fire(1, 1)
    for j in range(IJ):
        g_consume(j, j % 2)
        g_fire(j + 2, j % 2)

    plsc.subcore_barrier()
    _tile_node_out(degsp, deg_out, sid, cid * N, zbuf)


@functools.partial(
    pl.kernel,
    out_type=(jax.ShapeDtypeStruct((2 * N, D), jnp.float32),
              jax.ShapeDtypeStruct((2 * N,), jnp.float32)),
    mesh=_mesh,
    scratch_types=[
        pltpu.VMEM((IB, EK), jnp.int32),
        pltpu.VMEM((IB, EK), jnp.int32),
        pltpu.VMEM((IB, EK), jnp.int32),
        pltpu.VMEM((IB, EK), jnp.int32),
        pltpu.VMEM((NBUF, EK, D), jnp.float32),
        pltpu.VMEM((NBUF, EK), jnp.float32),
        pltpu.VMEM((16, D), jnp.float32),
        pltpu.VMEM((ROWS_T + 16,), jnp.float32),
        pltpu.VMEM_SHARED((N, D), jnp.float32),
        pltpu.VMEM_SHARED((SPN,), jnp.float32),
        pltpu.SemaphoreType.DMA,
        pltpu.SemaphoreType.DMA,
        pltpu.SemaphoreType.DMA,
        pltpu.SemaphoreType.DMA,
        pltpu.SemaphoreType.DMA,
    ],
)
def _sc_segsum(src2, dst2, hwr2, r2, agg_out, t_out,
               srcbufs, srcgbufs, dstbufs, dstgbufs, rowbufs, valbufs,
               zrow, zbuf, aggsp, tsp, isem, gsem, vsem, ssem, tsem):
    cid = lax.axis_index("c")
    sid = lax.axis_index("s")

    def zrow_body(i, _):
        zrow[i // 8, pl.ds((i % 8) * 16, 16)] = jnp.zeros((16,), jnp.float32)
        return 0
    lax.fori_loop(0, 16 * (D // 16), zrow_body, 0)
    _zero_vec(zbuf, ROWS_T + 16)

    def zagg_body(i, _):
        pltpu.sync_copy(zrow, aggsp.at[pl.ds(sid * ROWS_T + i * 16, 16)])
        return 0
    lax.fori_loop(0, ROWS_T // 16, zagg_body, 0)
    @pl.when(sid == NS - 1)
    def _():
        pltpu.sync_copy(zrow, aggsp.at[pl.ds(NS * ROWS_T, 16)])
    _tile_node_init(zbuf, tsp, sid)
    plsc.subcore_barrier()

    coff = cid * N

    def fire_idx(k, ib):
        g = k * NS + sid
        @pl.when(g < ECHUNKS)
        def _():
            base = cid * E + g * EK
            pltpu.async_copy(src2.at[pl.ds(base, EK)], srcbufs.at[ib], isem)
            pltpu.async_copy(dst2.at[pl.ds(base, EK)], dstbufs.at[ib], isem)

    def fire_gather(k, ib, rb, drain):
        if drain:
            @pl.when((k - NBUF) * NS + sid < ECHUNKS)
            def _():
                pltpu.make_async_copy(rowbufs.at[rb], aggsp.at[dstbufs.at[ib]],
                                      ssem).wait()
                pltpu.make_async_copy(valbufs.at[rb], tsp.at[srcbufs.at[ib]],
                                      tsem).wait()
        g = k * NS + sid
        @pl.when(g < ECHUNKS)
        def _():
            pltpu.make_async_copy(src2.at[pl.ds(0, EK)], srcbufs.at[ib], isem).wait()
            pltpu.make_async_copy(src2.at[pl.ds(0, EK)], dstbufs.at[ib], isem).wait()

            def idx_body(i, _):
                s16 = srcbufs[ib, pl.ds(i * 16, 16)]
                srcgbufs[ib, pl.ds(i * 16, 16)] = s16 + coff
                d16 = dstbufs[ib, pl.ds(i * 16, 16)]
                dstgbufs[ib, pl.ds(i * 16, 16)] = d16 + coff
                return 0
            lax.fori_loop(0, EK // 16, idx_body, 0)
            pltpu.async_copy(hwr2.at[srcgbufs.at[ib]], rowbufs.at[rb], gsem)
            pltpu.async_copy(r2.at[dstgbufs.at[ib]], valbufs.at[rb], vsem)

    def consume(k, ib, rb):
        g = k * NS + sid
        @pl.when(g < ECHUNKS)
        def _():
            pltpu.make_async_copy(hwr2.at[pl.ds(0, EK)], rowbufs.at[rb], gsem).wait()
            pltpu.make_async_copy(r2.at[pl.ds(0, EK)], valbufs.at[rb], vsem).wait()
            pltpu.async_copy(rowbufs.at[rb], aggsp.at[dstbufs.at[ib]], ssem,
                             add=True)
            pltpu.async_copy(valbufs.at[rb], tsp.at[srcbufs.at[ib]], tsem,
                             add=True)

    for k in range(4):
        fire_idx(k, k % IB)
    for k in range(NBUF):
        fire_gather(k, k % IB, k % NBUF, drain=False)

    GRP = 6
    NGRP = -(-EJ // GRP)

    def grp_body(grp, _):
        j0 = grp * GRP
        for b6 in range(GRP):
            j = j0 + b6
            consume(j, b6 % IB, b6 % NBUF)
            fire_gather(j + NBUF, (b6 + NBUF) % IB, b6 % NBUF, drain=True)
            fire_idx(j + 4, (b6 + 4) % IB)
        return 0
    lax.fori_loop(0, NGRP, grp_body, 0)


    plsc.subcore_barrier()
    def aout_body(i, _):
        row = sid * ROWS_T + i * 16
        pltpu.sync_copy(aggsp.at[pl.ds(row, 16)], rowbufs.at[0, pl.ds(0, 16)])
        pltpu.sync_copy(rowbufs.at[0, pl.ds(0, 16)],
                        agg_out.at[pl.ds(cid * N + row, 16)])
        return 0
    lax.fori_loop(0, ROWS_T // 16, aout_body, 0)
    @pl.when(sid == NS - 1)
    def _():
        pltpu.sync_copy(aggsp.at[pl.ds(NS * ROWS_T, 16)], rowbufs.at[0, pl.ds(0, 16)])
        pltpu.sync_copy(rowbufs.at[0, pl.ds(0, 16)],
                        agg_out.at[pl.ds(cid * N + NS * ROWS_T, 16)])
    _tile_node_out(tsp, t_out, sid, cid * N, zbuf)


def _tca_body(h_ref, deg_ref, w_ref, r_ref, hwr_ref):
    d = jnp.maximum(deg_ref[...], 1.0)
    r = lax.rsqrt(d)
    r_ref[...] = r
    for g in range(2):
        hw = jnp.dot(h_ref[g], w_ref[g], preferred_element_type=jnp.float32,
                     precision=lax.Precision.HIGHEST)
        hwr_ref[g] = r[g][:, None] * hw


_tca = pl.pallas_call(
    _tca_body,
    out_shape=(jax.ShapeDtypeStruct((2, N), jnp.float32),
               jax.ShapeDtypeStruct((2, N, D), jnp.float32)),
    compiler_params=pltpu.CompilerParams(vmem_limit_bytes=100 * 1024 * 1024),
)


def _tcb_body(agg_ref, r_ref, t_ref, w_ref, out_ref):
    for g in range(2):
        r = r_ref[g]
        x = r[:, None] * agg_ref[g]
        h1 = jnp.where(x >= 0, x, 0.01 * x)
        c = r * t_ref[g]
        s = jnp.dot(c[None, :], h1, preferred_element_type=jnp.float32,
                    precision=lax.Precision.HIGHEST)
        out_ref[g] = (jnp.dot(s, w_ref[g], preferred_element_type=jnp.float32,
                              precision=lax.Precision.HIGHEST) / float(N))[0]


_tcb = pl.pallas_call(
    _tcb_body,
    out_shape=jax.ShapeDtypeStruct((2, D), jnp.float32),
    compiler_params=pltpu.CompilerParams(vmem_limit_bytes=100 * 1024 * 1024),
)


def kernel(gu_ids, gu_edge_index, gv_ids, gv_edge_index, emb, Wp1, Wp2, Wc1, Wc2):
    ids2 = jnp.concatenate([gu_ids, gv_ids]).astype(jnp.int32)
    src2 = jnp.concatenate([gu_edge_index[0], gv_edge_index[0]]).astype(jnp.int32)
    dst2 = jnp.concatenate([gu_edge_index[1], gv_edge_index[1]]).astype(jnp.int32)
    emb = emb.astype(jnp.float32)

    h2, deg2 = _sc_deg_gather(ids2, dst2, emb)
    r, hwr = _tca(h2.reshape(2, N, D), deg2.reshape(2, N),
                  jnp.stack([Wp1, Wc1]))
    r_pad = jnp.pad(r.reshape(2 * N), (0, RPAD - 2 * N))
    agg2, t2 = _sc_segsum(src2, dst2, hwr.reshape(2 * N, D), r_pad)
    out = _tcb(agg2.reshape(2, N, D), r, t2.reshape(2, N),
               jnp.stack([Wp2, Wc2]))
    return out

# --- scband reference (transcript-rebuilt; emitter-appended) ---
"""Pipeline reference for scband-expan-match-model-78529182040163 (READ-ONLY COPY).

The authoritative reference and input builder live on the scoring server;
editing this copy changes nothing except your own understanding.
"""

import jax, jax.numpy as jnp
import numpy as np

N = 10000
E = 320000
V = 50000
D = 128

def setup_inputs(seed: int = 0) -> dict:
    key = jax.random.key(seed)
    ks = jax.random.split(key, 10)
    gu_ids = jax.random.randint(ks[0], (N,), 0, V)
    gu_edge_index = jax.random.randint(ks[1], (2, E), 0, N)
    gv_ids = jax.random.randint(ks[2], (N,), 0, V)
    gv_edge_index = jax.random.randint(ks[3], (2, E), 0, N)
    emb = jax.random.normal(ks[4], (V, D), dtype=jnp.float32) * 0.02
    s = 1.0 / np.sqrt(D)
    Wp1 = jax.random.normal(ks[5], (D, D), dtype=jnp.float32) * s
    Wp2 = jax.random.normal(ks[6], (D, D), dtype=jnp.float32) * s
    Wc1 = jax.random.normal(ks[7], (D, D), dtype=jnp.float32) * s
    Wc2 = jax.random.normal(ks[8], (D, D), dtype=jnp.float32) * s
    return {"gu_ids": gu_ids, "gu_edge_index": gu_edge_index,
            "gv_ids": gv_ids, "gv_edge_index": gv_edge_index,
            "emb": emb, "Wp1": Wp1, "Wp2": Wp2, "Wc1": Wc1, "Wc2": Wc2}

def gcn_conv(h, src, dst, W, n):
    deg = jnp.zeros((n,), h.dtype).at[dst].add(1.0)
    deg = jnp.clip(deg, 1.0)
    norm = jax.lax.rsqrt(deg[src] * deg[dst])
    m = h[src] * norm[:, None]
    agg = jnp.zeros_like(h).at[dst].add(m)
    return agg @ W

def encode_graph(ids, edge_index, emb, W1, W2):
    # embedding lookup of node ids (self.embedding(g.ndata['_id']))
    h = emb[ids]
    src = edge_index[0]
    dst = edge_index[1]
    n = h.shape[0]
    # 2-layer GCN with leaky_relu activation (num_layers=2)
    h1 = jax.nn.leaky_relu(gcn_conv(h, src, dst, W1, n), 0.01)
    h2 = gcn_conv(h1, src, dst, W2, n)
    # MeanReadout over the graph's nodes
    return jnp.mean(h2, axis=0)

def reference(gu_ids, gu_edge_index, gv_ids, gv_edge_index, emb, Wp1, Wp2, Wc1, Wc2):
    hgu = encode_graph(gu_ids, gu_edge_index, emb, Wp1, Wp2)   # parent_graph_propagate + p_readout
    hgv = encode_graph(gv_ids, gv_edge_index, emb, Wc1, Wc2)   # child_graph_propagate + c_readout
    return jnp.stack([hgu, hgv])

if __name__ == "__main__":
    import jax
    _d = setup_inputs()
    print(jax.jit(kernel)(*tuple(_d.values())))

</pallas_src>

<mosaic_0001>
#map = affine_map<(d0, d1) -> (0)>
#map1 = affine_map<(d0, d1) -> (0, 0)>
module attributes {stable_mosaic.version = 14 : i64} {
  func.func @_sc_deg_gather(%arg0: i32, %arg1: i32, %arg2: memref<20000xi32, #tpu.memory_space<hbm>>, %arg3: memref<640000xi32, #tpu.memory_space<hbm>>, %arg4: memref<50000x128xf32, #tpu.memory_space<hbm>>, %arg5: memref<20000x128xf32, #tpu.memory_space<hbm>>, %arg6: memref<20000xf32, #tpu.memory_space<hbm>>, %arg7: memref<2x80xi32, #tpu.memory_space<vmem>>, %arg8: memref<2x80x128xf32, #tpu.memory_space<vmem>>, %arg9: memref<8x128xi32, #tpu.memory_space<vmem>>, %arg10: memref<128xf32, #tpu.memory_space<vmem>>, %arg11: memref<640xf32, #tpu.memory_space<vmem>>, %arg12: memref<10112xf32, #tpu.memory_space<vmem_shared>>, %arg13: memref<!tpu.dma_semaphore, #tpu.memory_space<semaphore_mem>>, %arg14: memref<!tpu.dma_semaphore, #tpu.memory_space<semaphore_mem>>, %arg15: memref<!tpu.dma_semaphore, #tpu.memory_space<semaphore_mem>>) attributes {dimension_semantics = [#tpu.dimension_semantics<core_parallel>, #tpu.dimension_semantics<subcore_parallel>], iteration_bounds = array<i64: 2, 16>, scalar_prefetch = 0 : i64, scratch_operands = 9 : i64, tpu.core_type = #tpu.core_type<sc_vector_subcore>, window_params = [{transform_indices = #map}, {transform_indices = #map}, {transform_indices = #map1}, {transform_indices = #map1}, {transform_indices = #map}]} {
    %scan3A = arith.constant 0 : i32
    %scan3A_0 = arith.constant 0 : i32
    %scan3A_1 = arith.constant 8 : i32
    %scan3A_2 = arith.addi %scan3A_0, %scan3A_1 : i32
    %scan3A_3 = arith.constant 1 : i32
    %scan3A_4 = scf.for %scan3A_160 = %scan3A_0 to %scan3A_2 step %scan3A_3 iter_args(%scan3A_161 = %scan3A) -> (i32)  : i32 {
      %broadcast_in_dim3A = arith.constant 1.000000e+00 : f32
      %broadcast_in_dim3A_162 = vector.broadcast %broadcast_in_dim3A : f32 to vector<16xf32>
      %mul3A_163 = arith.constant 16 : i32
      %mul3A_164 = arith.muli %scan3A_160, %mul3A_163 : i32
      %swap3A = arith.index_cast %mul3A_164 : i32 to index
      %swap3A_165 = tpu.vector_load %arg10[%swap3A] {strides = array<i32>} : memref<128xf32, #tpu.memory_space<vmem>>, vector<16xf32>,
      %swap3A_166 = vector.shape_cast %swap3A_165 : vector<16xf32> to vector<16xf32>
      %swap3A_167 = vector.shape_cast %broadcast_in_dim3A_162 : vector<16xf32> to vector<16xf32>
      tpu.vector_store %arg10[%swap3A], %swap3A_167 {strides = array<i32>} : memref<128xf32, #tpu.memory_space<vmem>>, vector<16xf32>,
      %scan3A_168 = arith.constant 0 : i32
      scf.yield %scan3A_168 : i32
    }
    %scan3A_5 = arith.constant 8 : i32
    %scan3A_6 = arith.constant 0 : i32
    %scan3A_7 = arith.constant 0 : i32
    %scan3A_8 = arith.constant 40 : i32
    %scan3A_9 = arith.addi %scan3A_7, %scan3A_8 : i32
    %scan3A_10 = arith.constant 1 : i32
    %scan3A_11 = scf.for %scan3A_160 = %scan3A_7 to %scan3A_9 step %scan3A_10 iter_args(%scan3A_161 = %scan3A_6) -> (i32)  : i32 {
      %broadcast_in_dim3A = arith.constant 0.000000e+00 : f32
      %broadcast_in_dim3A_162 = vector.broadcast %broadcast_in_dim3A : f32 to vector<16xf32>
      %mul3A_163 = arith.constant 16 : i32
      %mul3A_164 = arith.muli %scan3A_160, %mul3A_163 : i32
      %swap3A = arith.index_cast %mul3A_164 : i32 to index
      %swap3A_165 = tpu.vector_load %arg11[%swap3A] {strides = array<i32>} : memref<640xf32, #tpu.memory_space<vmem>>, vector<16xf32>,
      %swap3A_166 = vector.shape_cast %swap3A_165 : vector<16xf32> to vector<16xf32>
      %swap3A_167 = vector.shape_cast %broadcast_in_dim3A_162 : vector<16xf32> to vector<16xf32>
      tpu.vector_store %arg11[%swap3A], %swap3A_167 {strides = array<i32>} : memref<640xf32, #tpu.memory_space<vmem>>, vector<16xf32>,
      %scan3A_168 = arith.constant 0 : i32
      scf.yield %scan3A_168 : i32
    }
    %scan3A_12 = arith.constant 40 : i32
    %mul3A = arith.constant 624 : i32
    %mul3A_13 = arith.muli %arg1, %mul3A : i32
    "tpu.region"() ({
      %run_scoped3A = tpu.sem_alloc : memref<!tpu.dma_semaphore, #tpu.memory_space<semaphore_mem>>
      %dma_start3A = arith.constant 0 : i32
      %dma_start3A_160 = tpu.memref_slice %arg11[%dma_start3A] : memref<640xf32, #tpu.memory_space<vmem>> -> memref<624xf32, #tpu.memory_space<vmem>>
      %dma_start3A_161 = tpu.memref_slice %arg12[%mul3A_13] : memref<10112xf32, #tpu.memory_space<vmem_shared>> -> memref<624xf32, #tpu.memory_space<vmem_shared>>
      %dma_start3A_162 = tpu.memref_slice %arg12[%mul3A_13] : memref<10112xf32, #tpu.memory_space<vmem_shared>> -> memref<624xf32, #tpu.memory_space<vmem_shared>>
      %dma_start3A_163 = arith.constant 0 : i32
      %dma_start3A_164 = tpu.memref_slice %arg11[%dma_start3A_163] : memref<640xf32, #tpu.memory_space<vmem>> -> memref<624xf32, #tpu.memory_space<vmem>>
      tpu.enqueue_dma source(%dma_start3A_164 : memref<624xf32, #tpu.memory_space<vmem>>) target(%dma_start3A_162 : memref<624xf32, #tpu.memory_space<vmem_shared>>) target_semaphore(%run_scoped3A : memref<!tpu.dma_semaphore, #tpu.memory_space<semaphore_mem>>)
      %dma_wait3A = arith.constant 0 : i32
      %dma_wait3A_165 = tpu.memref_slice %arg11[%dma_wait3A] : memref<640xf32, #tpu.memory_space<vmem>> -> memref<624xf32, #tpu.memory_space<vmem>>
      %dma_wait3A_166 = tpu.memref_slice %arg12[%mul3A_13] : memref<10112xf32, #tpu.memory_space<vmem_shared>> -> memref<624xf32, #tpu.memory_space<vmem_shared>>
      %dma_wait3A_167 = tpu.memref_slice %arg12[%mul3A_13] : memref<10112xf32, #tpu.memory_space<vmem_shared>> -> memref<624xf32, #tpu.memory_space<vmem_shared>>
      %dma_wait3A_168 = arith.constant 0 : i32
      %dma_wait3A_169 = tpu.memref_slice %arg11[%dma_wait3A_168] : memref<640xf32, #tpu.memory_space<vmem>> -> memref<624xf32, #tpu.memory_space<vmem>>
      tpu.wait_dma2 semaphore(%run_scoped3A : memref<!tpu.dma_semaphore, #tpu.memory_space<semaphore_mem>>) src(%dma_wait3A_169 : memref<624xf32, #tpu.memory_space<vmem>>) dst(%dma_wait3A_167 : memref<624xf32, #tpu.memory_space<vmem_shared>>)
      tpu.yield
    }) : () -> ()
    %eq3A = arith.constant 15 : i32
    %eq3A_14 = arith.cmpi eq, %arg1, %eq3A : i32
    %convert_element_type3A = arith.extui %eq3A_14 : i1 to i32
    %cond3A = arith.constant 0 : i32
    %cond3A_15 = arith.cmpi ne, %convert_element_type3A, %cond3A : i32
    scf.if %cond3A_15 {
      "tpu.region"() ({
        %run_scoped3A = tpu.sem_alloc : memref<!tpu.dma_semaphore, #tpu.memory_space<semaphore_mem>>
        %dma_start3A = arith.constant 0 : i32
        %dma_start3A_160 = tpu.memref_slice %arg11[%dma_start3A] : memref<640xf32, #tpu.memory_space<vmem>> -> memref<16xf32, #tpu.memory_space<vmem>>
        %dma_start3A_161 = arith.constant 9984 : i32
        %dma_start3A_162 = tpu.memref_slice %arg12[%dma_start3A_161] : memref<10112xf32, #tpu.memory_space<vmem_shared>> -> memref<16xf32, #tpu.memory_space<vmem_shared>>
        %dma_start3A_163 = arith.constant 9984 : i32
        %dma_start3A_164 = tpu.memref_slice %arg12[%dma_start3A_163] : memref<10112xf32, #tpu.memory_space<vmem_shared>> -> memref<16xf32, #tpu.memory_space<vmem_shared>>
        %dma_start3A_165 = arith.constant 0 : i32
        %dma_start3A_166 = tpu.memref_slice %arg11[%dma_start3A_165] : memref<640xf32, #tpu.memory_space<vmem>> -> memref<16xf32, #tpu.memory_space<vmem>>
        tpu.enqueue_dma source(%dma_start3A_166 : memref<16xf32, #tpu.memory_space<vmem>>) target(%dma_start3A_164 : memref<16xf32, #tpu.memory_space<vmem_shared>>) target_semaphore(%run_scoped3A : memref<!tpu.dma_semaphore, #tpu.memory_space<semaphore_mem>>)
        %dma_wait3A = arith.constant 0 : i32
        %dma_wait3A_167 = tpu.memref_slice %arg11[%dma_wait3A] : memref<640xf32, #tpu.memory_space<vmem>> -> memref<16xf32, #tpu.memory_space<vmem>>
        %dma_wait3A_168 = arith.constant 9984 : i32
        %dma_wait3A_169 = tpu.memref_slice %arg12[%dma_wait3A_168] : memref<10112xf32, #tpu.memory_space<vmem_shared>> -> memref<16xf32, #tpu.memory_space<vmem_shared>>
        %dma_wait3A_170 = arith.constant 9984 : i32
        %dma_wait3A_171 = tpu.memref_slice %arg12[%dma_wait3A_170] : memref<10112xf32, #tpu.memory_space<vmem_shared>> -> memref<16xf32, #tpu.memory_space<vmem_shared>>
        %dma_wait3A_172 = arith.constant 0 : i32
        %dma_wait3A_173 = tpu.memref_slice %arg11[%dma_wait3A_172] : memref<640xf32, #tpu.memory_space<vmem>> -> memref<16xf32, #tpu.memory_space<vmem>>
        tpu.wait_dma2 semaphore(%run_scoped3A : memref<!tpu.dma_semaphore, #tpu.memory_space<semaphore_mem>>) src(%dma_wait3A_173 : memref<16xf32, #tpu.memory_space<vmem>>) dst(%dma_wait3A_171 : memref<16xf32, #tpu.memory_space<vmem_shared>>)
        tpu.yield
      }) : () -> ()
    } else {
    }
    %barrier3A = arith.constant 0 : index
    tpu.barrier barrier_id(%barrier3A)
    %scan3A_16 = arith.constant 0 : i32
    %scan3A_17 = arith.constant 0 : i32
    %scan3A_18 = arith.constant 20 : i32
    %scan3A_19 = arith.addi %scan3A_17, %scan3A_18 : i32
    %scan3A_20 = arith.constant 1 : i32
    %scan3A_21 = scf.for %scan3A_160 = %scan3A_17 to %scan3A_19 step %scan3A_20 iter_args(%scan3A_161 = %scan3A_16) -> (i32)  : i32 {
      %mul3A_162 = arith.constant 8 : i32
      %mul3A_163 = arith.muli %scan3A_160, %mul3A_162 : i32
      %add3A_164 = arith.constant 0 : i32
      %add3A_165 = arith.addi %mul3A_163, %add3A_164 : i32
      %mul3A_166 = arith.constant 16 : i32
      %mul3A_167 = arith.muli %add3A_165, %mul3A_166 : i32
      %add3A_168 = arith.addi %mul3A_167, %arg1 : i32
      %lt3A_169 = arith.constant 2500 : i32
      %lt3A_170 = arith.cmpi slt, %add3A_168, %lt3A_169 : i32
      %convert_element_type3A_171 = arith.extui %lt3A_170 : i1 to i32
      %cond3A_172 = arith.constant 0 : i32
      %cond3A_173 = arith.cmpi ne, %convert_element_type3A_171, %cond3A_172 : i32
      scf.if %cond3A_173 {
        %mul3A_547 = arith.constant 320000 : i32
        %mul3A_548 = arith.muli %arg0, %mul3A_547 : i32
        %mul3A_549 = arith.constant 128 : i32
        %mul3A_550 = arith.muli %add3A_168, %mul3A_549 : i32
        %add3A_551 = arith.addi %mul3A_548, %mul3A_550 : i32
        %dma_start3A = arith.constant 0 : i32
        %dma_start3A_552 = arith.constant 0 : i32
        %dma_start3A_553 = tpu.memref_slice %arg9[%dma_start3A, %dma_start3A_552] : memref<8x128xi32, #tpu.memory_space<vmem>> -> memref<1x128xi32, #tpu.memory_space<vmem>>
        %dma_start3A_554 = tpu.memref_squeeze %dma_start3A_553 : memref<1x128xi32, #tpu.memory_space<vmem>> -> memref<128xi32, #tpu.memory_space<vmem>>
        %dma_start3A_555 = tpu.memref_slice %arg3[%add3A_551] : memref<640000xi32, #tpu.memory_space<hbm>> -> memref<128xi32, #tpu.memory_space<hbm>>
        %dma_start3A_556 = arith.constant 0 : i32
        %dma_start3A_557 = tpu.memref_slice %arg9[%dma_start3A, %dma_start3A_556] : memref<8x128xi32, #tpu.memory_space<vmem>> -> memref<1x128xi32, #tpu.memory_space<vmem>>
        %dma_start3A_558 = tpu.memref_squeeze %dma_start3A_557 : memref<1x128xi32, #tpu.memory_space<vmem>> -> memref<128xi32, #tpu.memory_space<vmem>>
        %dma_start3A_559 = tpu.memref_slice %arg3[%add3A_551] : memref<640000xi32, #tpu.memory_space<hbm>> -> memref<128xi32, #tpu.memory_space<hbm>>
        tpu.enqueue_dma source(%dma_start3A_559 : memref<128xi32, #tpu.memory_space<hbm>>) target(%dma_start3A_558 : memref<128xi32, #tpu.memory_space<vmem>>) target_semaphore(%arg13 : memref<!tpu.dma_semaphore, #tpu.memory_space<semaphore_mem>>)
      } else {
      }
      %mul3A_174 = arith.constant 8 : i32
      %mul3A_175 = arith.muli %scan3A_160, %mul3A_174 : i32
      %add3A_176 = arith.constant 1 : i32
      %add3A_177 = arith.addi %mul3A_175, %add3A_176 : i32
      %mul3A_178 = arith.constant 16 : i32
      %mul3A_179 = arith.muli %add3A_177, %mul3A_178 : i32
      %add3A_180 = arith.addi %mul3A_179, %arg1 : i32
      %lt3A_181 = arith.constant 2500 : i32
      %lt3A_182 = arith.cmpi slt, %add3A_180, %lt3A_181 : i32
      %convert_element_type3A_183 = arith.extui %lt3A_182 : i1 to i32
      %cond3A_184 = arith.constant 0 : i32
      %cond3A_185 = arith.cmpi ne, %convert_element_type3A_183, %cond3A_184 : i32
      scf.if %cond3A_185 {
        %mul3A_547 = arith.constant 320000 : i32
        %mul3A_548 = arith.muli %arg0, %mul3A_547 : i32
        %mul3A_549 = arith.constant 128 : i32
        %mul3A_550 = arith.muli %add3A_180, %mul3A_549 : i32
        %add3A_551 = arith.addi %mul3A_548, %mul3A_550 : i32
        %dma_start3A = arith.constant 1 : i32
        %dma_start3A_552 = arith.constant 0 : i32
        %dma_start3A_553 = tpu.memref_slice %arg9[%dma_start3A, %dma_start3A_552] : memref<8x128xi32, #tpu.memory_space<vmem>> -> memref<1x128xi32, #tpu.memory_space<vmem>>
        %dma_start3A_554 = tpu.memref_squeeze %dma_start3A_553 : memref<1x128xi32, #tpu.memory_space<vmem>> -> memref<128xi32, #tpu.memory_space<vmem>>
        %dma_start3A_555 = tpu.memref_slice %arg3[%add3A_551] : memref<640000xi32, #tpu.memory_space<hbm>> -> memref<128xi32, #tpu.memory_space<hbm>>
        %dma_start3A_556 = arith.constant 0 : i32
        %dma_start3A_557 = tpu.memref_slice %arg9[%dma_start3A, %dma_start3A_556] : memref<8x128xi32, #tpu.memory_space<vmem>> -> memref<1x128xi32, #tpu.memory_space<vmem>>
        %dma_start3A_558 = tpu.memref_squeeze %dma_start3A_557 : memref<1x128xi32, #tpu.memory_space<vmem>> -> memref<128xi32, #tpu.memory_space<vmem>>
        %dma_start3A_559 = tpu.memref_slice %arg3[%add3A_551] : memref<640000xi32, #tpu.memory_space<hbm>> -> memref<128xi32, #tpu.memory_space<hbm>>
        tpu.enqueue_dma source(%dma_start3A_559 : memref<128xi32, #tpu.memory_space<hbm>>) target(%dma_start3A_558 : memref<128xi32, #tpu.memory_space<vmem>>) target_semaphore(%arg13 : memref<!tpu.dma_semaphore, #tpu.memory_space<semaphore_mem>>)
      } else {
      }
      %mul3A_186 = arith.constant 8 : i32
      %mul3A_187 = arith.muli %scan3A_160, %mul3A_186 : i32
      %add3A_188 = arith.constant 2 : i32
      %add3A_189 = arith.addi %mul3A_187, %add3A_188 : i32
      %mul3A_190 = arith.constant 16 : i32
      %mul3A_191 = arith.muli %add3A_189, %mul3A_190 : i32
      %add3A_192 = arith.addi %mul3A_191, %arg1 : i32
      %lt3A_193 = arith.constant 2500 : i32
      %lt3A_194 = arith.cmpi slt, %add3A_192, %lt3A_193 : i32
      %convert_element_type3A_195 = arith.extui %lt3A_194 : i1 to i32
      %cond3A_196 = arith.constant 0 : i32
      %cond3A_197 = arith.cmpi ne, %convert_element_type3A_195, %cond3A_196 : i32
      scf.if %cond3A_197 {
        %mul3A_547 = arith.constant 320000 : i32
        %mul3A_548 = arith.muli %arg0, %mul3A_547 : i32
        %mul3A_549 = arith.constant 128 : i32
        %mul3A_550 = arith.muli %add3A_192, %mul3A_549 : i32
        %add3A_551 = arith.addi %mul3A_548, %mul3A_550 : i32
        %dma_start3A = arith.constant 2 : i32
        %dma_start3A_552 = arith.constant 0 : i32
        %dma_start3A_553 = tpu.memref_slice %arg9[%dma_start3A, %dma_start3A_552] : memref<8x128xi32, #tpu.memory_space<vmem>> -> memref<1x128xi32, #tpu.memory_space<vmem>>
        %dma_start3A_554 = tpu.memref_squeeze %dma_start3A_553 : memref<1x128xi32, #tpu.memory_space<vmem>> -> memref<128xi32, #tpu.memory_space<vmem>>
        %dma_start3A_555 = tpu.memref_slice %arg3[%add3A_551] : memref<640000xi32, #tpu.memory_space<hbm>> -> memref<128xi32, #tpu.memory_space<hbm>>
        %dma_start3A_556 = arith.constant 0 : i32
        %dma_start3A_557 = tpu.memref_slice %arg9[%dma_start3A, %dma_start3A_556] : memref<8x128xi32, #tpu.memory_space<vmem>> -> memref<1x128xi32, #tpu.memory_space<vmem>>
        %dma_start3A_558 = tpu.memref_squeeze %dma_start3A_557 : memref<1x128xi32, #tpu.memory_space<vmem>> -> memref<128xi32, #tpu.memory_space<vmem>>
        %dma_start3A_559 = tpu.memref_slice %arg3[%add3A_551] : memref<640000xi32, #tpu.memory_space<hbm>> -> memref<128xi32, #tpu.memory_space<hbm>>
        tpu.enqueue_dma source(%dma_start3A_559 : memref<128xi32, #tpu.memory_space<hbm>>) target(%dma_start3A_558 : memref<128xi32, #tpu.memory_space<vmem>>) target_semaphore(%arg13 : memref<!tpu.dma_semaphore, #tpu.memory_space<semaphore_mem>>)
      } else {
      }
      %mul3A_198 = arith.constant 8 : i32
      %mul3A_199 = arith.muli %scan3A_160, %mul3A_198 : i32
      %add3A_200 = arith.constant 3 : i32
      %add3A_201 = arith.addi %mul3A_199, %add3A_200 : i32
      %mul3A_202 = arith.constant 16 : i32
      %mul3A_203 = arith.muli %add3A_201, %mul3A_202 : i32
      %add3A_204 = arith.addi %mul3A_203, %arg1 : i32
      %lt3A_205 = arith.constant 2500 : i32
      %lt3A_206 = arith.cmpi slt, %add3A_204, %lt3A_205 : i32
      %convert_element_type3A_207 = arith.extui %lt3A_206 : i1 to i32
      %cond3A_208 = arith.constant 0 : i32
      %cond3A_209 = arith.cmpi ne, %convert_element_type3A_207, %cond3A_208 : i32
      scf.if %cond3A_209 {
        %mul3A_547 = arith.constant 320000 : i32
        %mul3A_548 = arith.muli %arg0, %mul3A_547 : i32
        %mul3A_549 = arith.constant 128 : i32
        %mul3A_550 = arith.muli %add3A_204, %mul3A_549 : i32
        %add3A_551 = arith.addi %mul3A_548, %mul3A_550 : i32
        %dma_start3A = arith.constant 3 : i32
        %dma_start3A_552 = arith.constant 0 : i32
        %dma_start3A_553 = tpu.memref_slice %arg9[%dma_start3A, %dma_start3A_552] : memref<8x128xi32, #tpu.memory_space<vmem>> -> memref<1x128xi32, #tpu.memory_space<vmem>>
        %dma_start3A_554 = tpu.memref_squeeze %dma_start3A_553 : memref<1x128xi32, #tpu.memory_space<vmem>> -> memref<128xi32, #tpu.memory_space<vmem>>
        %dma_start3A_555 = tpu.memref_slice %arg3[%add3A_551] : memref<640000xi32, #tpu.memory_space<hbm>> -> memref<128xi32, #tpu.memory_space<hbm>>
        %dma_start3A_556 = arith.constant 0 : i32
        %dma_start3A_557 = tpu.memref_slice %arg9[%dma_start3A, %dma_start3A_556] : memref<8x128xi32, #tpu.memory_space<vmem>> -> memref<1x128xi32, #tpu.memory_space<vmem>>
        %dma_start3A_558 = tpu.memref_squeeze %dma_start3A_557 : memref<1x128xi32, #tpu.memory_space<vmem>> -> memref<128xi32, #tpu.memory_space<vmem>>
        %dma_start3A_559 = tpu.memref_slice %arg3[%add3A_551] : memref<640000xi32, #tpu.memory_space<hbm>> -> memref<128xi32, #tpu.memory_space<hbm>>
        tpu.enqueue_dma source(%dma_start3A_559 : memref<128xi32, #tpu.memory_space<hbm>>) target(%dma_start3A_558 : memref<128xi32, #tpu.memory_space<vmem>>) target_semaphore(%arg13 : memref<!tpu.dma_semaphore, #tpu.memory_space<semaphore_mem>>)
      } else {
      }
      %mul3A_210 = arith.constant 8 : i32
      %mul3A_211 = arith.muli %scan3A_160, %mul3A_210 : i32
      %add3A_212 = arith.constant 4 : i32
      %add3A_213 = arith.addi %mul3A_211, %add3A_212 : i32
      %mul3A_214 = arith.constant 16 : i32
      %mul3A_215 = arith.muli %add3A_213, %mul3A_214 : i32
      %add3A_216 = arith.addi %mul3A_215, %arg1 : i32
      %lt3A_217 = arith.constant 2500 : i32
      %lt3A_218 = arith.cmpi slt, %add3A_216, %lt3A_217 : i32
      %convert_element_type3A_219 = arith.extui %lt3A_218 : i1 to i32
      %cond3A_220 = arith.constant 0 : i32
      %cond3A_221 = arith.cmpi ne, %convert_element_type3A_219, %cond3A_220 : i32
      scf.if %cond3A_221 {
        %mul3A_547 = arith.constant 320000 : i32
        %mul3A_548 = arith.muli %arg0, %mul3A_547 : i32
        %mul3A_549 = arith.constant 128 : i32
        %mul3A_550 = arith.muli %add3A_216, %mul3A_549 : i32
        %add3A_551 = arith.addi %mul3A_548, %mul3A_550 : i32
        %dma_start3A = arith.constant 4 : i32
        %dma_start3A_552 = arith.constant 0 : i32
        %dma_start3A_553 = tpu.memref_slice %arg9[%dma_start3A, %dma_start3A_552] : memref<8x128xi32, #tpu.memory_space<vmem>> -> memref<1x128xi32, #tpu.memory_space<vmem>>
        %dma_start3A_554 = tpu.memref_squeeze %dma_start3A_553 : memref<1x128xi32, #tpu.memory_space<vmem>> -> memref<128xi32, #tpu.memory_space<vmem>>
        %dma_start3A_555 = tpu.memref_slice %arg3[%add3A_551] : memref<640000xi32, #tpu.memory_space<hbm>> -> memref<128xi32, #tpu.memory_space<hbm>>
        %dma_start3A_556 = arith.constant 0 : i32
        %dma_start3A_557 = tpu.memref_slice %arg9[%dma_start3A, %dma_start3A_556] : memref<8x128xi32, #tpu.memory_space<vmem>> -> memref<1x128xi32, #tpu.memory_space<vmem>>
        %dma_start3A_558 = tpu.memref_squeeze %dma_start3A_557 : memref<1x128xi32, #tpu.memory_space<vmem>> -> memref<128xi32, #tpu.memory_space<vmem>>
        %dma_start3A_559 = tpu.memref_slice %arg3[%add3A_551] : memref<640000xi32, #tpu.memory_space<hbm>> -> memref<128xi32, #tpu.memory_space<hbm>>
        tpu.enqueue_dma source(%dma_start3A_559 : memref<128xi32, #tpu.memory_space<hbm>>) target(%dma_start3A_558 : memref<128xi32, #tpu.memory_space<vmem>>) target_semaphore(%arg13 : memref<!tpu.dma_semaphore, #tpu.memory_space<semaphore_mem>>)
      } else {
      }
      %mul3A_222 = arith.constant 8 : i32
      %mul3A_223 = arith.muli %scan3A_160, %mul3A_222 : i32
      %add3A_224 = arith.constant 5 : i32
      %add3A_225 = arith.addi %mul3A_223, %add3A_224 : i32
      %mul3A_226 = arith.constant 16 : i32
      %mul3A_227 = arith.muli %add3A_225, %mul3A_226 : i32
      %add3A_228 = arith.addi %mul3A_227, %arg1 : i32
      %lt3A_229 = arith.constant 2500 : i32
      %lt3A_230 = arith.cmpi slt, %add3A_228, %lt3A_229 : i32
      %convert_element_type3A_231 = arith.extui %lt3A_230 : i1 to i32
      %cond3A_232 = arith.constant 0 : i32
      %cond3A_233 = arith.cmpi ne, %convert_element_type3A_231, %cond3A_232 : i32
      scf.if %cond3A_233 {
        %mul3A_547 = arith.constant 320000 : i32
        %mul3A_548 = arith.muli %arg0, %mul3A_547 : i32
        %mul3A_549 = arith.constant 128 : i32
        %mul3A_550 = arith.muli %add3A_228, %mul3A_549 : i32
        %add3A_551 = arith.addi %mul3A_548, %mul3A_550 : i32
        %dma_start3A = arith.constant 5 : i32
        %dma_start3A_552 = arith.constant 0 : i32
        %dma_start3A_553 = tpu.memref_slice %arg9[%dma_start3A, %dma_start3A_552] : memref<8x128xi32, #tpu.memory_space<vmem>> -> memref<1x128xi32, #tpu.memory_space<vmem>>
        %dma_start3A_554 = tpu.memref_squeeze %dma_start3A_553 : memref<1x128xi32, #tpu.memory_space<vmem>> -> memref<128xi32, #tpu.memory_space<vmem>>
        %dma_start3A_555 = tpu.memref_slice %arg3[%add3A_551] : memref<640000xi32, #tpu.memory_space<hbm>> -> memref<128xi32, #tpu.memory_space<hbm>>
        %dma_start3A_556 = arith.constant 0 : i32
        %dma_start3A_557 = tpu.memref_slice %arg9[%dma_start3A, %dma_start3A_556] : memref<8x128xi32, #tpu.memory_space<vmem>> -> memref<1x128xi32, #tpu.memory_space<vmem>>
        %dma_start3A_558 = tpu.memref_squeeze %dma_start3A_557 : memref<1x128xi32, #tpu.memory_space<vmem>> -> memref<128xi32, #tpu.memory_space<vmem>>
        %dma_start3A_559 = tpu.memref_slice %arg3[%add3A_551] : memref<640000xi32, #tpu.memory_space<hbm>> -> memref<128xi32, #tpu.memory_space<hbm>>
        tpu.enqueue_dma source(%dma_start3A_559 : memref<128xi32, #tpu.memory_space<hbm>>) target(%dma_start3A_558 : memref<128xi32, #tpu.memory_space<vmem>>) target_semaphore(%arg13 : memref<!tpu.dma_semaphore, #tpu.memory_space<semaphore_mem>>)
      } else {
      }
      %mul3A_234 = arith.constant 8 : i32
      %mul3A_235 = arith.muli %scan3A_160, %mul3A_234 : i32
      %add3A_236 = arith.constant 6 : i32
      %add3A_237 = arith.addi %mul3A_235, %add3A_236 : i32
      %mul3A_238 = arith.constant 16 : i32
      %mul3A_239 = arith.muli %add3A_237, %mul3A_238 : i32
      %add3A_240 = arith.addi %mul3A_239, %arg1 : i32
      %lt3A_241 = arith.constant 2500 : i32
      %lt3A_242 = arith.cmpi slt, %add3A_240, %lt3A_241 : i32
      %convert_element_type3A_243 = arith.extui %lt3A_242 : i1 to i32
      %cond3A_244 = arith.constant 0 : i32
      %cond3A_245 = arith.cmpi ne, %convert_element_type3A_243, %cond3A_244 : i32
      scf.if %cond3A_245 {
        %mul3A_547 = arith.constant 320000 : i32
        %mul3A_548 = arith.muli %arg0, %mul3A_547 : i32
        %mul3A_549 = arith.constant 128 : i32
        %mul3A_550 = arith.muli %add3A_240, %mul3A_549 : i32
        %add3A_551 = arith.addi %mul3A_548, %mul3A_550 : i32
        %dma_start3A = arith.constant 6 : i32
        %dma_start3A_552 = arith.constant 0 : i32
        %dma_start3A_553 = tpu.memref_slice %arg9[%dma_start3A, %dma_start3A_552] : memref<8x128xi32, #tpu.memory_space<vmem>> -> memref<1x128xi32, #tpu.memory_space<vmem>>
        %dma_start3A_554 = tpu.memref_squeeze %dma_start3A_553 : memref<1x128xi32, #tpu.memory_space<vmem>> -> memref<128xi32, #tpu.memory_space<vmem>>
        %dma_start3A_555 = tpu.memref_slice %arg3[%add3A_551] : memref<640000xi32, #tpu.memory_space<hbm>> -> memref<128xi32, #tpu.memory_space<hbm>>
        %dma_start3A_556 = arith.constant 0 : i32
        %dma_start3A_557 = tpu.memref_slice %arg9[%dma_start3A, %dma_start3A_556] : memref<8x128xi32, #tpu.memory_space<vmem>> -> memref<1x128xi32, #tpu.memory_space<vmem>>
        %dma_start3A_558 = tpu.memref_squeeze %dma_start3A_557 : memref<1x128xi32, #tpu.memory_space<vmem>> -> memref<128xi32, #tpu.memory_space<vmem>>
        %dma_start3A_559 = tpu.memref_slice %arg3[%add3A_551] : memref<640000xi32, #tpu.memory_space<hbm>> -> memref<128xi32, #tpu.memory_space<hbm>>
        tpu.enqueue_dma source(%dma_start3A_559 : memref<128xi32, #tpu.memory_space<hbm>>) target(%dma_start3A_558 : memref<128xi32, #tpu.memory_space<vmem>>) target_semaphore(%arg13 : memref<!tpu.dma_semaphore, #tpu.memory_space<semaphore_mem>>)
      } else {
      }
      %mul3A_246 = arith.constant 8 : i32
      %mul3A_247 = arith.muli %scan3A_160, %mul3A_246 : i32
      %add3A_248 = arith.constant 7 : i32
      %add3A_249 = arith.addi %mul3A_247, %add3A_248 : i32
      %mul3A_250 = arith.constant 16 : i32
      %mul3A_251 = arith.muli %add3A_249, %mul3A_250 : i32
      %add3A_252 = arith.addi %mul3A_251, %arg1 : i32
      %lt3A_253 = arith.constant 2500 : i32
      %lt3A_254 = arith.cmpi slt, %add3A_252, %lt3A_253 : i32
      %convert_element_type3A_255 = arith.extui %lt3A_254 : i1 to i32
      %cond3A_256 = arith.constant 0 : i32
      %cond3A_257 = arith.cmpi ne, %convert_element_type3A_255, %cond3A_256 : i32
      scf.if %cond3A_257 {
        %mul3A_547 = arith.constant 320000 : i32
        %mul3A_548 = arith.muli %arg0, %mul3A_547 : i32
        %mul3A_549 = arith.constant 128 : i32
        %mul3A_550 = arith.muli %add3A_252, %mul3A_549 : i32
        %add3A_551 = arith.addi %mul3A_548, %mul3A_550 : i32
        %dma_start3A = arith.constant 7 : i32
        %dma_start3A_552 = arith.constant 0 : i32
        %dma_start3A_553 = tpu.memref_slice %arg9[%dma_start3A, %dma_start3A_552] : memref<8x128xi32, #tpu.memory_space<vmem>> -> memref<1x128xi32, #tpu.memory_space<vmem>>
        %dma_start3A_554 = tpu.memref_squeeze %dma_start3A_553 : memref<1x128xi32, #tpu.memory_space<vmem>> -> memref<128xi32, #tpu.memory_space<vmem>>
        %dma_start3A_555 = tpu.memref_slice %arg3[%add3A_551] : memref<640000xi32, #tpu.memory_space<hbm>> -> memref<128xi32, #tpu.memory_space<hbm>>
        %dma_start3A_556 = arith.constant 0 : i32
        %dma_start3A_557 = tpu.memref_slice %arg9[%dma_start3A, %dma_start3A_556] : memref<8x128xi32, #tpu.memory_space<vmem>> -> memref<1x128xi32, #tpu.memory_space<vmem>>
        %dma_start3A_558 = tpu.memref_squeeze %dma_start3A_557 : memref<1x128xi32, #tpu.memory_space<vmem>> -> memref<128xi32, #tpu.memory_space<vmem>>
        %dma_start3A_559 = tpu.memref_slice %arg3[%add3A_551] : memref<640000xi32, #tpu.memory_space<hbm>> -> memref<128xi32, #tpu.memory_space<hbm>>
        tpu.enqueue_dma source(%dma_start3A_559 : memref<128xi32, #tpu.memory_space<hbm>>) target(%dma_start3A_558 : memref<128xi32, #tpu.memory_space<vmem>>) target_semaphore(%arg13 : memref<!tpu.dma_semaphore, #tpu.memory_space<semaphore_mem>>)
      } else {
      }
      %mul3A_258 = arith.constant 8 : i32
      %mul3A_259 = arith.muli %scan3A_160, %mul3A_258 : i32
      %add3A_260 = arith.constant 0 : i32
      %add3A_261 = arith.addi %mul3A_259, %add3A_260 : i32
      %mul3A_262 = arith.constant 16 : i32
      %mul3A_263 = arith.muli %add3A_261, %mul3A_262 : i32
      %add3A_264 = arith.addi %mul3A_263, %arg1 : i32
      %lt3A_265 = arith.constant 2500 : i32
      %lt3A_266 = arith.cmpi slt, %add3A_264, %lt3A_265 : i32
      %convert_element_type3A_267 = arith.extui %lt3A_266 : i1 to i32
      %cond3A_268 = arith.constant 0 : i32
      %cond3A_269 = arith.cmpi ne, %convert_element_type3A_267, %cond3A_268 : i32
      scf.if %cond3A_269 {
        %dma_wait3A = arith.constant 0 : i32
        %dma_wait3A_547 = arith.constant 0 : i32
        %dma_wait3A_548 = tpu.memref_slice %arg9[%dma_wait3A, %dma_wait3A_547] : memref<8x128xi32, #tpu.memory_space<vmem>> -> memref<1x128xi32, #tpu.memory_space<vmem>>
        %dma_wait3A_549 = tpu.memref_squeeze %dma_wait3A_548 : memref<1x128xi32, #tpu.memory_space<vmem>> -> memref<128xi32, #tpu.memory_space<vmem>>
        %dma_wait3A_550 = arith.constant 0 : i32
        %dma_wait3A_551 = tpu.memref_slice %arg3[%dma_wait3A_550] : memref<640000xi32, #tpu.memory_space<hbm>> -> memref<128xi32, #tpu.memory_space<hbm>>
        %dma_wait3A_552 = arith.constant 0 : i32
        %dma_wait3A_553 = tpu.memref_slice %arg9[%dma_wait3A, %dma_wait3A_552] : memref<8x128xi32, #tpu.memory_space<vmem>> -> memref<1x128xi32, #tpu.memory_space<vmem>>
        %dma_wait3A_554 = tpu.memref_squeeze %dma_wait3A_553 : memref<1x128xi32, #tpu.memory_space<vmem>> -> memref<128xi32, #tpu.memory_space<vmem>>
        %dma_wait3A_555 = arith.constant 0 : i32
        %dma_wait3A_556 = tpu.memref_slice %arg3[%dma_wait3A_555] : memref<640000xi32, #tpu.memory_space<hbm>> -> memref<128xi32, #tpu.memory_space<hbm>>
        tpu.wait_dma2 semaphore(%arg13 : memref<!tpu.dma_semaphore, #tpu.memory_space<semaphore_mem>>) src(%dma_wait3A_556 : memref<128xi32, #tpu.memory_space<hbm>>) dst(%dma_wait3A_554 : memref<128xi32, #tpu.memory_space<vmem>>)
      } else {
      }
      %mul3A_270 = arith.constant 8 : i32
      %mul3A_271 = arith.muli %scan3A_160, %mul3A_270 : i32
      %add3A_272 = arith.constant 1 : i32
      %add3A_273 = arith.addi %mul3A_271, %add3A_272 : i32
      %mul3A_274 = arith.constant 16 : i32
      %mul3A_275 = arith.muli %add3A_273, %mul3A_274 : i32
      %add3A_276 = arith.addi %mul3A_275, %arg1 : i32
      %lt3A_277 = arith.constant 2500 : i32
      %lt3A_278 = arith.cmpi slt, %add3A_276, %lt3A_277 : i32
      %convert_element_type3A_279 = arith.extui %lt3A_278 : i1 to i32
      %cond3A_280 = arith.constant 0 : i32
      %cond3A_281 = arith.cmpi ne, %convert_element_type3A_279, %cond3A_280 : i32
      scf.if %cond3A_281 {
        %dma_wait3A = arith.constant 1 : i32
        %dma_wait3A_547 = arith.constant 0 : i32
        %dma_wait3A_548 = tpu.memref_slice %arg9[%dma_wait3A, %dma_wait3A_547] : memref<8x128xi32, #tpu.memory_space<vmem>> -> memref<1x128xi32, #tpu.memory_space<vmem>>
        %dma_wait3A_549 = tpu.memref_squeeze %dma_wait3A_548 : memref<1x128xi32, #tpu.memory_space<vmem>> -> memref<128xi32, #tpu.memory_space<vmem>>
        %dma_wait3A_550 = arith.constant 0 : i32
        %dma_wait3A_551 = tpu.memref_slice %arg3[%dma_wait3A_550] : memref<640000xi32, #tpu.memory_space<hbm>> -> memref<128xi32, #tpu.memory_space<hbm>>
        %dma_wait3A_552 = arith.constant 0 : i32
        %dma_wait3A_553 = tpu.memref_slice %arg9[%dma_wait3A, %dma_wait3A_552] : memref<8x128xi32, #tpu.memory_space<vmem>> -> memref<1x128xi32, #tpu.memory_space<vmem>>
        %dma_wait3A_554 = tpu.memref_squeeze %dma_wait3A_553 : memref<1x128xi32, #tpu.memory_space<vmem>> -> memref<128xi32, #tpu.memory_space<vmem>>
        %dma_wait3A_555 = arith.constant 0 : i32
        %dma_wait3A_556 = tpu.memref_slice %arg3[%dma_wait3A_555] : memref<640000xi32, #tpu.memory_space<hbm>> -> memref<128xi32, #tpu.memory_space<hbm>>
        tpu.wait_dma2 semaphore(%arg13 : memref<!tpu.dma_semaphore, #tpu.memory_space<semaphore_mem>>) src(%dma_wait3A_556 : memref<128xi32, #tpu.memory_space<hbm>>) dst(%dma_wait3A_554 : memref<128xi32, #tpu.memory_space<vmem>>)
      } else {
      }
      %mul3A_282 = arith.constant 8 : i32
      %mul3A_283 = arith.muli %scan3A_160, %mul3A_282 : i32
      %add3A_284 = arith.constant 2 : i32
      %add3A_285 = arith.addi %mul3A_283, %add3A_284 : i32
      %mul3A_286 = arith.constant 16 : i32
      %mul3A_287 = arith.muli %add3A_285, %mul3A_286 : i32
      %add3A_288 = arith.addi %mul3A_287, %arg1 : i32
      %lt3A_289 = arith.constant 2500 : i32
      %lt3A_290 = arith.cmpi slt, %add3A_288, %lt3A_289 : i32
      %convert_element_type3A_291 = arith.extui %lt3A_290 : i1 to i32
      %cond3A_292 = arith.constant 0 : i32
      %cond3A_293 = arith.cmpi ne, %convert_element_type3A_291, %cond3A_292 : i32
      scf.if %cond3A_293 {
        %dma_wait3A = arith.constant 2 : i32
        %dma_wait3A_547 = arith.constant 0 : i32
        %dma_wait3A_548 = tpu.memref_slice %arg9[%dma_wait3A, %dma_wait3A_547] : memref<8x128xi32, #tpu.memory_space<vmem>> -> memref<1x128xi32, #tpu.memory_space<vmem>>
        %dma_wait3A_549 = tpu.memref_squeeze %dma_wait3A_548 : memref<1x128xi32, #tpu.memory_space<vmem>> -> memref<128xi32, #tpu.memory_space<vmem>>
        %dma_wait3A_550 = arith.constant 0 : i32
        %dma_wait3A_551 = tpu.memref_slice %arg3[%dma_wait3A_550] : memref<640000xi32, #tpu.memory_space<hbm>> -> memref<128xi32, #tpu.memory_space<hbm>>
        %dma_wait3A_552 = arith.constant 0 : i32
        %dma_wait3A_553 = tpu.memref_slice %arg9[%dma_wait3A, %dma_wait3A_552] : memref<8x128xi32, #tpu.memory_space<vmem>> -> memref<1x128xi32, #tpu.memory_space<vmem>>
        %dma_wait3A_554 = tpu.memref_squeeze %dma_wait3A_553 : memref<1x128xi32, #tpu.memory_space<vmem>> -> memref<128xi32, #tpu.memory_space<vmem>>
        %dma_wait3A_555 = arith.constant 0 : i32
        %dma_wait3A_556 = tpu.memref_slice %arg3[%dma_wait3A_555] : memref<640000xi32, #tpu.memory_space<hbm>> -> memref<128xi32, #tpu.memory_space<hbm>>
        tpu.wait_dma2 semaphore(%arg13 : memref<!tpu.dma_semaphore, #tpu.memory_space<semaphore_mem>>) src(%dma_wait3A_556 : memref<128xi32, #tpu.memory_space<hbm>>) dst(%dma_wait3A_554 : memref<128xi32, #tpu.memory_space<vmem>>)
      } else {
      }
      %mul3A_294 = arith.constant 8 : i32
      %mul3A_295 = arith.muli %scan3A_160, %mul3A_294 : i32
      %add3A_296 = arith.constant 3 : i32
      %add3A_297 = arith.addi %mul3A_295, %add3A_296 : i32
      %mul3A_298 = arith.constant 16 : i32
      %mul3A_299 = arith.muli %add3A_297, %mul3A_298 : i32
      %add3A_300 = arith.addi %mul3A_299, %arg1 : i32
      %lt3A_301 = arith.constant 2500 : i32
      %lt3A_302 = arith.cmpi slt, %add3A_300, %lt3A_301 : i32
      %convert_element_type3A_303 = arith.extui %lt3A_302 : i1 to i32
      %cond3A_304 = arith.constant 0 : i32
      %cond3A_305 = arith.cmpi ne, %convert_element_type3A_303, %cond3A_304 : i32
      scf.if %cond3A_305 {
        %dma_wait3A = arith.constant 3 : i32
        %dma_wait3A_547 = arith.constant 0 : i32
        %dma_wait3A_548 = tpu.memref_slice %arg9[%dma_wait3A, %dma_wait3A_547] : memref<8x128xi32, #tpu.memory_space<vmem>> -> memref<1x128xi32, #tpu.memory_space<vmem>>
        %dma_wait3A_549 = tpu.memref_squeeze %dma_wait3A_548 : memref<1x128xi32, #tpu.memory_space<vmem>> -> memref<128xi32, #tpu.memory_space<vmem>>
        %dma_wait3A_550 = arith.constant 0 : i32
        %dma_wait3A_551 = tpu.memref_slice %arg3[%dma_wait3A_550] : memref<640000xi32, #tpu.memory_space<hbm>> -> memref<128xi32, #tpu.memory_space<hbm>>
        %dma_wait3A_552 = arith.constant 0 : i32
        %dma_wait3A_553 = tpu.memref_slice %arg9[%dma_wait3A, %dma_wait3A_552] : memref<8x128xi32, #tpu.memory_space<vmem>> -> memref<1x128xi32, #tpu.memory_space<vmem>>
        %dma_wait3A_554 = tpu.memref_squeeze %dma_wait3A_553 : memref<1x128xi32, #tpu.memory_space<vmem>> -> memref<128xi32, #tpu.memory_space<vmem>>
        %dma_wait3A_555 = arith.constant 0 : i32
        %dma_wait3A_556 = tpu.memref_slice %arg3[%dma_wait3A_555] : memref<640000xi32, #tpu.memory_space<hbm>> -> memref<128xi32, #tpu.memory_space<hbm>>
        tpu.wait_dma2 semaphore(%arg13 : memref<!tpu.dma_semaphore, #tpu.memory_space<semaphore_mem>>) src(%dma_wait3A_556 : memref<128xi32, #tpu.memory_space<hbm>>) dst(%dma_wait3A_554 : memref<128xi32, #tpu.memory_space<vmem>>)
      } else {
      }
      %mul3A_306 = arith.constant 8 : i32
      %mul3A_307 = arith.muli %scan3A_160, %mul3A_306 : i32
      %add3A_308 = arith.constant 4 : i32
      %add3A_309 = arith.addi %mul3A_307, %add3A_308 : i32
      %mul3A_310 = arith.constant 16 : i32
      %mul3A_311 = arith.muli %add3A_309, %mul3A_310 : i32
      %add3A_312 = arith.addi %mul3A_311, %arg1 : i32
      %lt3A_313 = arith.constant 2500 : i32
      %lt3A_314 = arith.cmpi slt, %add3A_312, %lt3A_313 : i32
      %convert_element_type3A_315 = arith.extui %lt3A_314 : i1 to i32
      %cond3A_316 = arith.constant 0 : i32
      %cond3A_317 = arith.cmpi ne, %convert_element_type3A_315, %cond3A_316 : i32
      scf.if %cond3A_317 {
        %dma_wait3A = arith.constant 4 : i32
        %dma_wait3A_547 = arith.constant 0 : i32
        %dma_wait3A_548 = tpu.memref_slice %arg9[%dma_wait3A, %dma_wait3A_547] : memref<8x128xi32, #tpu.memory_space<vmem>> -> memref<1x128xi32, #tpu.memory_space<vmem>>
        %dma_wait3A_549 = tpu.memref_squeeze %dma_wait3A_548 : memref<1x128xi32, #tpu.memory_space<vmem>> -> memref<128xi32, #tpu.memory_space<vmem>>
        %dma_wait3A_550 = arith.constant 0 : i32
        %dma_wait3A_551 = tpu.memref_slice %arg3[%dma_wait3A_550] : memref<640000xi32, #tpu.memory_space<hbm>> -> memref<128xi32, #tpu.memory_space<hbm>>
        %dma_wait3A_552 = arith.constant 0 : i32
        %dma_wait3A_553 = tpu.memref_slice %arg9[%dma_wait3A, %dma_wait3A_552] : memref<8x128xi32, #tpu.memory_space<vmem>> -> memref<1x128xi32, #tpu.memory_space<vmem>>
        %dma_wait3A_554 = tpu.memref_squeeze %dma_wait3A_553 : memref<1x128xi32, #tpu.memory_space<vmem>> -> memref<128xi32, #tpu.memory_space<vmem>>
        %dma_wait3A_555 = arith.constant 0 : i32
        %dma_wait3A_556 = tpu.memref_slice %arg3[%dma_wait3A_555] : memref<640000xi32, #tpu.memory_space<hbm>> -> memref<128xi32, #tpu.memory_space<hbm>>
        tpu.wait_dma2 semaphore(%arg13 : memref<!tpu.dma_semaphore, #tpu.memory_space<semaphore_mem>>) src(%dma_wait3A_556 : memref<128xi32, #tpu.memory_space<hbm>>) dst(%dma_wait3A_554 : memref<128xi32, #tpu.memory_space<vmem>>)
      } else {
      }
      %mul3A_318 = arith.constant 8 : i32
      %mul3A_319 = arith.muli %scan3A_160, %mul3A_318 : i32
      %add3A_320 = arith.constant 5 : i32
      %add3A_321 = arith.addi %mul3A_319, %add3A_320 : i32
      %mul3A_322 = arith.constant 16 : i32
      %mul3A_323 = arith.muli %add3A_321, %mul3A_322 : i32
      %add3A_324 = arith.addi %mul3A_323, %arg1 : i32
      %lt3A_325 = arith.constant 2500 : i32
      %lt3A_326 = arith.cmpi slt, %add3A_324, %lt3A_325 : i32
      %convert_element_type3A_327 = arith.extui %lt3A_326 : i1 to i32
      %cond3A_328 = arith.constant 0 : i32
      %cond3A_329 = arith.cmpi ne, %convert_element_type3A_327, %cond3A_328 : i32
      scf.if %cond3A_329 {
        %dma_wait3A = arith.constant 5 : i32
        %dma_wait3A_547 = arith.constant 0 : i32
        %dma_wait3A_548 = tpu.memref_slice %arg9[%dma_wait3A, %dma_wait3A_547] : memref<8x128xi32, #tpu.memory_space<vmem>> -> memref<1x128xi32, #tpu.memory_space<vmem>>
        %dma_wait3A_549 = tpu.memref_squeeze %dma_wait3A_548 : memref<1x128xi32, #tpu.memory_space<vmem>> -> memref<128xi32, #tpu.memory_space<vmem>>
        %dma_wait3A_550 = arith.constant 0 : i32
        %dma_wait3A_551 = tpu.memref_slice %arg3[%dma_wait3A_550] : memref<640000xi32, #tpu.memory_space<hbm>> -> memref<128xi32, #tpu.memory_space<hbm>>
        %dma_wait3A_552 = arith.constant 0 : i32
        %dma_wait3A_553 = tpu.memref_slice %arg9[%dma_wait3A, %dma_wait3A_552] : memref<8x128xi32, #tpu.memory_space<vmem>> -> memref<1x128xi32, #tpu.memory_space<vmem>>
        %dma_wait3A_554 = tpu.memref_squeeze %dma_wait3A_553 : memref<1x128xi32, #tpu.memory_space<vmem>> -> memref<128xi32, #tpu.memory_space<vmem>>
        %dma_wait3A_555 = arith.constant 0 : i32
        %dma_wait3A_556 = tpu.memref_slice %arg3[%dma_wait3A_555] : memref<640000xi32, #tpu.memory_space<hbm>> -> memref<128xi32, #tpu.memory_space<hbm>>
        tpu.wait_dma2 semaphore(%arg13 : memref<!tpu.dma_semaphore, #tpu.memory_space<semaphore_mem>>) src(%dma_wait3A_556 : memref<128xi32, #tpu.memory_space<hbm>>) dst(%dma_wait3A_554 : memref<128xi32, #tpu.memory_space<vmem>>)
      } else {
      }
      %mul3A_330 = arith.constant 8 : i32
      %mul3A_331 = arith.muli %scan3A_160, %mul3A_330 : i32
      %add3A_332 = arith.constant 6 : i32
      %add3A_333 = arith.addi %mul3A_331, %add3A_332 : i32
      %mul3A_334 = arith.constant 16 : i32
      %mul3A_335 = arith.muli %add3A_333, %mul3A_334 : i32
      %add3A_336 = arith.addi %mul3A_335, %arg1 : i32
      %lt3A_337 = arith.constant 2500 : i32
      %lt3A_338 = arith.cmpi slt, %add3A_336, %lt3A_337 : i32
      %convert_element_type3A_339 = arith.extui %lt3A_338 : i1 to i32
      %cond3A_340 = arith.constant 0 : i32
      %cond3A_341 = arith.cmpi ne, %convert_element_type3A_339, %cond3A_340 : i32
      scf.if %cond3A_341 {
        %dma_wait3A = arith.constant 6 : i32
        %dma_wait3A_547 = arith.constant 0 : i32
        %dma_wait3A_548 = tpu.memref_slice %arg9[%dma_wait3A, %dma_wait3A_547] : memref<8x128xi32, #tpu.memory_space<vmem>> -> memref<1x128xi32, #tpu.memory_space<vmem>>
        %dma_wait3A_549 = tpu.memref_squeeze %dma_wait3A_548 : memref<1x128xi32, #tpu.memory_space<vmem>> -> memref<128xi32, #tpu.memory_space<vmem>>
        %dma_wait3A_550 = arith.constant 0 : i32
        %dma_wait3A_551 = tpu.memref_slice %arg3[%dma_wait3A_550] : memref<640000xi32, #tpu.memory_space<hbm>> -> memref<128xi32, #tpu.memory_space<hbm>>
        %dma_wait3A_552 = arith.constant 0 : i32
        %dma_wait3A_553 = tpu.memref_slice %arg9[%dma_wait3A, %dma_wait3A_552] : memref<8x128xi32, #tpu.memory_space<vmem>> -> memref<1x128xi32, #tpu.memory_space<vmem>>
        %dma_wait3A_554 = tpu.memref_squeeze %dma_wait3A_553 : memref<1x128xi32, #tpu.memory_space<vmem>> -> memref<128xi32, #tpu.memory_space<vmem>>
        %dma_wait3A_555 = arith.constant 0 : i32
        %dma_wait3A_556 = tpu.memref_slice %arg3[%dma_wait3A_555] : memref<640000xi32, #tpu.memory_space<hbm>> -> memref<128xi32, #tpu.memory_space<hbm>>
        tpu.wait_dma2 semaphore(%arg13 : memref<!tpu.dma_semaphore, #tpu.memory_space<semaphore_mem>>) src(%dma_wait3A_556 : memref<128xi32, #tpu.memory_space<hbm>>) dst(%dma_wait3A_554 : memref<128xi32, #tpu.memory_space<vmem>>)
      } else {
      }
      %mul3A_342 = arith.constant 8 : i32
      %mul3A_343 = arith.muli %scan3A_160, %mul3A_342 : i32
      %add3A_344 = arith.constant 7 : i32
      %add3A_345 = arith.addi %mul3A_343, %add3A_344 : i32
      %mul3A_346 = arith.constant 16 : i32
      %mul3A_347 = arith.muli %add3A_345, %mul3A_346 : i32
      %add3A_348 = arith.addi %mul3A_347, %arg1 : i32
      %lt3A_349 = arith.constant 2500 : i32
      %lt3A_350 = arith.cmpi slt, %add3A_348, %lt3A_349 : i32
      %convert_element_type3A_351 = arith.extui %lt3A_350 : i1 to i32
      %cond3A_352 = arith.constant 0 : i32
      %cond3A_353 = arith.cmpi ne, %convert_element_type3A_351, %cond3A_352 : i32
      scf.if %cond3A_353 {
        %dma_wait3A = arith.constant 7 : i32
        %dma_wait3A_547 = arith.constant 0 : i32
        %dma_wait3A_548 = tpu.memref_slice %arg9[%dma_wait3A, %dma_wait3A_547] : memref<8x128xi32, #tpu.memory_space<vmem>> -> memref<1x128xi32, #tpu.memory_space<vmem>>
        %dma_wait3A_549 = tpu.memref_squeeze %dma_wait3A_548 : memref<1x128xi32, #tpu.memory_space<vmem>> -> memref<128xi32, #tpu.memory_space<vmem>>
        %dma_wait3A_550 = arith.constant 0 : i32
        %dma_wait3A_551 = tpu.memref_slice %arg3[%dma_wait3A_550] : memref<640000xi32, #tpu.memory_space<hbm>> -> memref<128xi32, #tpu.memory_space<hbm>>
        %dma_wait3A_552 = arith.constant 0 : i32
        %dma_wait3A_553 = tpu.memref_slice %arg9[%dma_wait3A, %dma_wait3A_552] : memref<8x128xi32, #tpu.memory_space<vmem>> -> memref<1x128xi32, #tpu.memory_space<vmem>>
        %dma_wait3A_554 = tpu.memref_squeeze %dma_wait3A_553 : memref<1x128xi32, #tpu.memory_space<vmem>> -> memref<128xi32, #tpu.memory_space<vmem>>
        %dma_wait3A_555 = arith.constant 0 : i32
        %dma_wait3A_556 = tpu.memref_slice %arg3[%dma_wait3A_555] : memref<640000xi32, #tpu.memory_space<hbm>> -> memref<128xi32, #tpu.memory_space<hbm>>
        tpu.wait_dma2 semaphore(%arg13 : memref<!tpu.dma_semaphore, #tpu.memory_space<semaphore_mem>>) src(%dma_wait3A_556 : memref<128xi32, #tpu.memory_space<hbm>>) dst(%dma_wait3A_554 : memref<128xi32, #tpu.memory_space<vmem>>)
      } else {
      }
      %mul3A_354 = arith.constant 8 : i32
      %mul3A_355 = arith.muli %scan3A_160, %mul3A_354 : i32
      %add3A_356 = arith.constant 0 : i32
      %add3A_357 = arith.addi %mul3A_355, %add3A_356 : i32
      %mul3A_358 = arith.constant 16 : i32
      %mul3A_359 = arith.muli %add3A_357, %mul3A_358 : i32
      %add3A_360 = arith.addi %mul3A_359, %arg1 : i32
      %lt3A_361 = arith.constant 2500 : i32
      %lt3A_362 = arith.cmpi slt, %add3A_360, %lt3A_361 : i32
      %convert_element_type3A_363 = arith.extui %lt3A_362 : i1 to i32
      %cond3A_364 = arith.constant 0 : i32
      %cond3A_365 = arith.cmpi ne, %convert_element_type3A_363, %cond3A_364 : i32
      scf.if %cond3A_365 {
        %dma_start3A = arith.constant 0 : i32
        %dma_start3A_547 = arith.constant 0 : i32
        %dma_start3A_548 = tpu.memref_slice %arg9[%dma_start3A, %dma_start3A_547] : memref<8x128xi32, #tpu.memory_space<vmem>> -> memref<1x128xi32, #tpu.memory_space<vmem>>
        %dma_start3A_549 = tpu.memref_squeeze %dma_start3A_548 : memref<1x128xi32, #tpu.memory_space<vmem>> -> memref<128xi32, #tpu.memory_space<vmem>>
        %dma_start3A_550 = arith.constant 0 : i32
        %dma_start3A_551 = tpu.memref_slice %arg12[%dma_start3A_550] : memref<10112xf32, #tpu.memory_space<vmem_shared>> -> memref<10112xf32, #tpu.memory_space<vmem_shared>>
        tpu.enqueue_indirect_dma source(%arg10 : memref<128xf32, #tpu.memory_space<vmem>>) target(%dma_start3A_551 : memref<10112xf32, #tpu.memory_space<vmem_shared>>) offsets(%dma_start3A_549 : memref<128xi32, #tpu.memory_space<vmem>>) semaphore(%arg14 : memref<!tpu.dma_semaphore, #tpu.memory_space<semaphore_mem>>) {add = true}
      } else {
      }
      %mul3A_366 = arith.constant 8 : i32
      %mul3A_367 = arith.muli %scan3A_160, %mul3A_366 : i32
      %add3A_368 = arith.constant 1 : i32
      %add3A_369 = arith.addi %mul3A_367, %add3A_368 : i32
      %mul3A_370 = arith.constant 16 : i32
      %mul3A_371 = arith.muli %add3A_369, %mul3A_370 : i32
      %add3A_372 = arith.addi %mul3A_371, %arg1 : i32
      %lt3A_373 = arith.constant 2500 : i32
      %lt3A_374 = arith.cmpi slt, %add3A_372, %lt3A_373 : i32
      %convert_element_type3A_375 = arith.extui %lt3A_374 : i1 to i32
      %cond3A_376 = arith.constant 0 : i32
      %cond3A_377 = arith.cmpi ne, %convert_element_type3A_375, %cond3A_376 : i32
      scf.if %cond3A_377 {
        %dma_start3A = arith.constant 1 : i32
        %dma_start3A_547 = arith.constant 0 : i32
        %dma_start3A_548 = tpu.memref_slice %arg9[%dma_start3A, %dma_start3A_547] : memref<8x128xi32, #tpu.memory_space<vmem>> -> memref<1x128xi32, #tpu.memory_space<vmem>>
        %dma_start3A_549 = tpu.memref_squeeze %dma_start3A_548 : memref<1x128xi32, #tpu.memory_space<vmem>> -> memref<128xi32, #tpu.memory_space<vmem>>
        %dma_start3A_550 = arith.constant 0 : i32
        %dma_start3A_551 = tpu.memref_slice %arg12[%dma_start3A_550] : memref<10112xf32, #tpu.memory_space<vmem_shared>> -> memref<10112xf32, #tpu.memory_space<vmem_shared>>
        tpu.enqueue_indirect_dma source(%arg10 : memref<128xf32, #tpu.memory_space<vmem>>) target(%dma_start3A_551 : memref<10112xf32, #tpu.memory_space<vmem_shared>>) offsets(%dma_start3A_549 : memref<128xi32, #tpu.memory_space<vmem>>) semaphore(%arg14 : memref<!tpu.dma_semaphore, #tpu.memory_space<semaphore_mem>>) {add = true}
      } else {
      }
      %mul3A_378 = arith.constant 8 : i32
      %mul3A_379 = arith.muli %scan3A_160, %mul3A_378 : i32
      %add3A_380 = arith.constant 2 : i32
      %add3A_381 = arith.addi %mul3A_379, %add3A_380 : i32
      %mul3A_382 = arith.constant 16 : i32
      %mul3A_383 = arith.muli %add3A_381, %mul3A_382 : i32
      %add3A_384 = arith.addi %mul3A_383, %arg1 : i32
      %lt3A_385 = arith.constant 2500 : i32
      %lt3A_386 = arith.cmpi slt, %add3A_384, %lt3A_385 : i32
      %convert_element_type3A_387 = arith.extui %lt3A_386 : i1 to i32
      %cond3A_388 = arith.constant 0 : i32
      %cond3A_389 = arith.cmpi ne, %convert_element_type3A_387, %cond3A_388 : i32
      scf.if %cond3A_389 {
        %dma_start3A = arith.constant 2 : i32
        %dma_start3A_547 = arith.constant 0 : i32
        %dma_start3A_548 = tpu.memref_slice %arg9[%dma_start3A, %dma_start3A_547] : memref<8x128xi32, #tpu.memory_space<vmem>> -> memref<1x128xi32, #tpu.memory_space<vmem>>
        %dma_start3A_549 = tpu.memref_squeeze %dma_start3A_548 : memref<1x128xi32, #tpu.memory_space<vmem>> -> memref<128xi32, #tpu.memory_space<vmem>>
        %dma_start3A_550 = arith.constant 0 : i32
        %dma_start3A_551 = tpu.memref_slice %arg12[%dma_start3A_550] : memref<10112xf32, #tpu.memory_space<vmem_shared>> -> memref<10112xf32, #tpu.memory_space<vmem_shared>>
        tpu.enqueue_indirect_dma source(%arg10 : memref<128xf32, #tpu.memory_space<vmem>>) target(%dma_start3A_551 : memref<10112xf32, #tpu.memory_space<vmem_shared>>) offsets(%dma_start3A_549 : memref<128xi32, #tpu.memory_space<vmem>>) semaphore(%arg14 : memref<!tpu.dma_semaphore, #tpu.memory_space<semaphore_mem>>) {add = true}
      } else {
      }
      %mul3A_390 = arith.constant 8 : i32
      %mul3A_391 = arith.muli %scan3A_160, %mul3A_390 : i32
      %add3A_392 = arith.constant 3 : i32
      %add3A_393 = arith.addi %mul3A_391, %add3A_392 : i32
      %mul3A_394 = arith.constant 16 : i32
      %mul3A_395 = arith.muli %add3A_393, %mul3A_394 : i32
      %add3A_396 = arith.addi %mul3A_395, %arg1 : i32
      %lt3A_397 = arith.constant 2500 : i32
      %lt3A_398 = arith.cmpi slt, %add3A_396, %lt3A_397 : i32
      %convert_element_type3A_399 = arith.extui %lt3A_398 : i1 to i32
      %cond3A_400 = arith.constant 0 : i32
      %cond3A_401 = arith.cmpi ne, %convert_element_type3A_399, %cond3A_400 : i32
      scf.if %cond3A_401 {
        %dma_start3A = arith.constant 3 : i32
        %dma_start3A_547 = arith.constant 0 : i32
        %dma_start3A_548 = tpu.memref_slice %arg9[%dma_start3A, %dma_start3A_547] : memref<8x128xi32, #tpu.memory_space<vmem>> -> memref<1x128xi32, #tpu.memory_space<vmem>>
        %dma_start3A_549 = tpu.memref_squeeze %dma_start3A_548 : memref<1x128xi32, #tpu.memory_space<vmem>> -> memref<128xi32, #tpu.memory_space<vmem>>
        %dma_start3A_550 = arith.constant 0 : i32
        %dma_start3A_551 = tpu.memref_slice %arg12[%dma_start3A_550] : memref<10112xf32, #tpu.memory_space<vmem_shared>> -> memref<10112xf32, #tpu.memory_space<vmem_shared>>
        tpu.enqueue_indirect_dma source(%arg10 : memref<128xf32, #tpu.memory_space<vmem>>) target(%dma_start3A_551 : memref<10112xf32, #tpu.memory_space<vmem_shared>>) offsets(%dma_start3A_549 : memref<128xi32, #tpu.memory_space<vmem>>) semaphore(%arg14 : memref<!tpu.dma_semaphore, #tpu.memory_space<semaphore_mem>>) {add = true}
      } else {
      }
      %mul3A_402 = arith.constant 8 : i32
      %mul3A_403 = arith.muli %scan3A_160, %mul3A_402 : i32
      %add3A_404 = arith.constant 4 : i32
      %add3A_405 = arith.addi %mul3A_403, %add3A_404 : i32
      %mul3A_406 = arith.constant 16 : i32
      %mul3A_407 = arith.muli %add3A_405, %mul3A_406 : i32
      %add3A_408 = arith.addi %mul3A_407, %arg1 : i32
      %lt3A_409 = arith.constant 2500 : i32
      %lt3A_410 = arith.cmpi slt, %add3A_408, %lt3A_409 : i32
      %convert_element_type3A_411 = arith.extui %lt3A_410 : i1 to i32
      %cond3A_412 = arith.constant 0 : i32
      %cond3A_413 = arith.cmpi ne, %convert_element_type3A_411, %cond3A_412 : i32
      scf.if %cond3A_413 {
        %dma_start3A = arith.constant 4 : i32
        %dma_start3A_547 = arith.constant 0 : i32
        %dma_start3A_548 = tpu.memref_slice %arg9[%dma_start3A, %dma_start3A_547] : memref<8x128xi32, #tpu.memory_space<vmem>> -> memref<1x128xi32, #tpu.memory_space<vmem>>
        %dma_start3A_549 = tpu.memref_squeeze %dma_start3A_548 : memref<1x128xi32, #tpu.memory_space<vmem>> -> memref<128xi32, #tpu.memory_space<vmem>>
        %dma_start3A_550 = arith.constant 0 : i32
        %dma_start3A_551 = tpu.memref_slice %arg12[%dma_start3A_550] : memref<10112xf32, #tpu.memory_space<vmem_shared>> -> memref<10112xf32, #tpu.memory_space<vmem_shared>>
        tpu.enqueue_indirect_dma source(%arg10 : memref<128xf32, #tpu.memory_space<vmem>>) target(%dma_start3A_551 : memref<10112xf32, #tpu.memory_space<vmem_shared>>) offsets(%dma_start3A_549 : memref<128xi32, #tpu.memory_space<vmem>>) semaphore(%arg14 : memref<!tpu.dma_semaphore, #tpu.memory_space<semaphore_mem>>) {add = true}
      } else {
      }
      %mul3A_414 = arith.constant 8 : i32
      %mul3A_415 = arith.muli %scan3A_160, %mul3A_414 : i32
      %add3A_416 = arith.constant 5 : i32
      %add3A_417 = arith.addi %mul3A_415, %add3A_416 : i32
      %mul3A_418 = arith.constant 16 : i32
      %mul3A_419 = arith.muli %add3A_417, %mul3A_418 : i32
      %add3A_420 = arith.addi %mul3A_419, %arg1 : i32
      %lt3A_421 = arith.constant 2500 : i32
      %lt3A_422 = arith.cmpi slt, %add3A_420, %lt3A_421 : i32
      %convert_element_type3A_423 = arith.extui %lt3A_422 : i1 to i32
      %cond3A_424 = arith.constant 0 : i32
      %cond3A_425 = arith.cmpi ne, %convert_element_type3A_423, %cond3A_424 : i32
      scf.if %cond3A_425 {
        %dma_start3A = arith.constant 5 : i32
        %dma_start3A_547 = arith.constant 0 : i32
        %dma_start3A_548 = tpu.memref_slice %arg9[%dma_start3A, %dma_start3A_547] : memref<8x128xi32, #tpu.memory_space<vmem>> -> memref<1x128xi32, #tpu.memory_space<vmem>>
        %dma_start3A_549 = tpu.memref_squeeze %dma_start3A_548 : memref<1x128xi32, #tpu.memory_space<vmem>> -> memref<128xi32, #tpu.memory_space<vmem>>
        %dma_start3A_550 = arith.constant 0 : i32
        %dma_start3A_551 = tpu.memref_slice %arg12[%dma_start3A_550] : memref<10112xf32, #tpu.memory_space<vmem_shared>> -> memref<10112xf32, #tpu.memory_space<vmem_shared>>
        tpu.enqueue_indirect_dma source(%arg10 : memref<128xf32, #tpu.memory_space<vmem>>) target(%dma_start3A_551 : memref<10112xf32, #tpu.memory_space<vmem_shared>>) offsets(%dma_start3A_549 : memref<128xi32, #tpu.memory_space<vmem>>) semaphore(%arg14 : memref<!tpu.dma_semaphore, #tpu.memory_space<semaphore_mem>>) {add = true}
      } else {
      }
      %mul3A_426 = arith.constant 8 : i32
      %mul3A_427 = arith.muli %scan3A_160, %mul3A_426 : i32
      %add3A_428 = arith.constant 6 : i32
      %add3A_429 = arith.addi %mul3A_427, %add3A_428 : i32
      %mul3A_430 = arith.constant 16 : i32
      %mul3A_431 = arith.muli %add3A_429, %mul3A_430 : i32
      %add3A_432 = arith.addi %mul3A_431, %arg1 : i32
      %lt3A_433 = arith.constant 2500 : i32
      %lt3A_434 = arith.cmpi slt, %add3A_432, %lt3A_433 : i32
      %convert_element_type3A_435 = arith.extui %lt3A_434 : i1 to i32
      %cond3A_436 = arith.constant 0 : i32
      %cond3A_437 = arith.cmpi ne, %convert_element_type3A_435, %cond3A_436 : i32
      scf.if %cond3A_437 {
        %dma_start3A = arith.constant 6 : i32
        %dma_start3A_547 = arith.constant 0 : i32
        %dma_start3A_548 = tpu.memref_slice %arg9[%dma_start3A, %dma_start3A_547] : memref<8x128xi32, #tpu.memory_space<vmem>> -> memref<1x128xi32, #tpu.memory_space<vmem>>
        %dma_start3A_549 = tpu.memref_squeeze %dma_start3A_548 : memref<1x128xi32, #tpu.memory_space<vmem>> -> memref<128xi32, #tpu.memory_space<vmem>>
        %dma_start3A_550 = arith.constant 0 : i32
        %dma_start3A_551 = tpu.memref_slice %arg12[%dma_start3A_550] : memref<10112xf32, #tpu.memory_space<vmem_shared>> -> memref<10112xf32, #tpu.memory_space<vmem_shared>>
        tpu.enqueue_indirect_dma source(%arg10 : memref<128xf32, #tpu.memory_space<vmem>>) target(%dma_start3A_551 : memref<10112xf32, #tpu.memory_space<vmem_shared>>) offsets(%dma_start3A_549 : memref<128xi32, #tpu.memory_space<vmem>>) semaphore(%arg14 : memref<!tpu.dma_semaphore, #tpu.memory_space<semaphore_mem>>) {add = true}
      } else {
      }
      %mul3A_438 = arith.constant 8 : i32
      %mul3A_439 = arith.muli %scan3A_160, %mul3A_438 : i32
      %add3A_440 = arith.constant 7 : i32
      %add3A_441 = arith.addi %mul3A_439, %add3A_440 : i32
      %mul3A_442 = arith.constant 16 : i32
      %mul3A_443 = arith.muli %add3A_441, %mul3A_442 : i32
      %add3A_444 = arith.addi %mul3A_443, %arg1 : i32
      %lt3A_445 = arith.constant 2500 : i32
      %lt3A_446 = arith.cmpi slt, %add3A_444, %lt3A_445 : i32
      %convert_element_type3A_447 = arith.extui %lt3A_446 : i1 to i32
      %cond3A_448 = arith.constant 0 : i32
      %cond3A_449 = arith.cmpi ne, %convert_element_type3A_447, %cond3A_448 : i32
      scf.if %cond3A_449 {
        %dma_start3A = arith.constant 7 : i32
        %dma_start3A_547 = arith.constant 0 : i32
        %dma_start3A_548 = tpu.memref_slice %arg9[%dma_start3A, %dma_start3A_547] : memref<8x128xi32, #tpu.memory_space<vmem>> -> memref<1x128xi32, #tpu.memory_space<vmem>>
        %dma_start3A_549 = tpu.memref_squeeze %dma_start3A_548 : memref<1x128xi32, #tpu.memory_space<vmem>> -> memref<128xi32, #tpu.memory_space<vmem>>
        %dma_start3A_550 = arith.constant 0 : i32
        %dma_start3A_551 = tpu.memref_slice %arg12[%dma_start3A_550] : memref<10112xf32, #tpu.memory_space<vmem_shared>> -> memref<10112xf32, #tpu.memory_space<vmem_shared>>
        tpu.enqueue_indirect_dma source(%arg10 : memref<128xf32, #tpu.memory_space<vmem>>) target(%dma_start3A_551 : memref<10112xf32, #tpu.memory_space<vmem_shared>>) offsets(%dma_start3A_549 : memref<128xi32, #tpu.memory_space<vmem>>) semaphore(%arg14 : memref<!tpu.dma_semaphore, #tpu.memory_space<semaphore_mem>>) {add = true}
      } else {
      }
      %mul3A_450 = arith.constant 8 : i32
      %mul3A_451 = arith.muli %scan3A_160, %mul3A_450 : i32
      %add3A_452 = arith.constant 0 : i32
      %add3A_453 = arith.addi %mul3A_451, %add3A_452 : i32
      %mul3A_454 = arith.constant 16 : i32
      %mul3A_455 = arith.muli %add3A_453, %mul3A_454 : i32
      %add3A_456 = arith.addi %mul3A_455, %arg1 : i32
      %lt3A_457 = arith.constant 2500 : i32
      %lt3A_458 = arith.cmpi slt, %add3A_456, %lt3A_457 : i32
      %convert_element_type3A_459 = arith.extui %lt3A_458 : i1 to i32
      %cond3A_460 = arith.constant 0 : i32
      %cond3A_461 = arith.cmpi ne, %convert_element_type3A_459, %cond3A_460 : i32
      scf.if %cond3A_461 {
        %dma_wait3A = arith.constant 0 : i32
        %dma_wait3A_547 = arith.constant 0 : i32
        %dma_wait3A_548 = tpu.memref_slice %arg9[%dma_wait3A, %dma_wait3A_547] : memref<8x128xi32, #tpu.memory_space<vmem>> -> memref<1x128xi32, #tpu.memory_space<vmem>>
        %dma_wait3A_549 = tpu.memref_squeeze %dma_wait3A_548 : memref<1x128xi32, #tpu.memory_space<vmem>> -> memref<128xi32, #tpu.memory_space<vmem>>
        %dma_wait3A_550 = arith.constant 0 : i32
        %dma_wait3A_551 = tpu.memref_slice %arg12[%dma_wait3A_550] : memref<10112xf32, #tpu.memory_space<vmem_shared>> -> memref<10112xf32, #tpu.memory_space<vmem_shared>>
        tpu.wait_indirect_dma semaphore(%arg14 : memref<!tpu.dma_semaphore, #tpu.memory_space<semaphore_mem>>) src(%arg10 : memref<128xf32, #tpu.memory_space<vmem>>) dst(%dma_wait3A_551 : memref<10112xf32, #tpu.memory_space<vmem_shared>>)
      } else {
      }
      %mul3A_462 = arith.constant 8 : i32
      %mul3A_463 = arith.muli %scan3A_160, %mul3A_462 : i32
      %add3A_464 = arith.constant 1 : i32
      %add3A_465 = arith.addi %mul3A_463, %add3A_464 : i32
      %mul3A_466 = arith.constant 16 : i32
      %mul3A_467 = arith.muli %add3A_465, %mul3A_466 : i32
      %add3A_468 = arith.addi %mul3A_467, %arg1 : i32
      %lt3A_469 = arith.constant 2500 : i32
      %lt3A_470 = arith.cmpi slt, %add3A_468, %lt3A_469 : i32
      %convert_element_type3A_471 = arith.extui %lt3A_470 : i1 to i32
      %cond3A_472 = arith.constant 0 : i32
      %cond3A_473 = arith.cmpi ne, %convert_element_type3A_471, %cond3A_472 : i32
      scf.if %cond3A_473 {
        %dma_wait3A = arith.constant 1 : i32
        %dma_wait3A_547 = arith.constant 0 : i32
        %dma_wait3A_548 = tpu.memref_slice %arg9[%dma_wait3A, %dma_wait3A_547] : memref<8x128xi32, #tpu.memory_space<vmem>> -> memref<1x128xi32, #tpu.memory_space<vmem>>
        %dma_wait3A_549 = tpu.memref_squeeze %dma_wait3A_548 : memref<1x128xi32, #tpu.memory_space<vmem>> -> memref<128xi32, #tpu.memory_space<vmem>>
        %dma_wait3A_550 = arith.constant 0 : i32
        %dma_wait3A_551 = tpu.memref_slice %arg12[%dma_wait3A_550] : memref<10112xf32, #tpu.memory_space<vmem_shared>> -> memref<10112xf32, #tpu.memory_space<vmem_shared>>
        tpu.wait_indirect_dma semaphore(%arg14 : memref<!tpu.dma_semaphore, #tpu.memory_space<semaphore_mem>>) src(%arg10 : memref<128xf32, #tpu.memory_space<vmem>>) dst(%dma_wait3A_551 : memref<10112xf32, #tpu.memory_space<vmem_shared>>)
      } else {
      }
      %mul3A_474 = arith.constant 8 : i32
      %mul3A_475 = arith.muli %scan3A_160, %mul3A_474 : i32
      %add3A_476 = arith.constant 2 : i32
      %add3A_477 = arith.addi %mul3A_475, %add3A_476 : i32
      %mul3A_478 = arith.constant 16 : i32
      %mul3A_479 = arith.muli %add3A_477, %mul3A_478 : i32
      %add3A_480 = arith.addi %mul3A_479, %arg1 : i32
      %lt3A_481 = arith.constant 2500 : i32
      %lt3A_482 = arith.cmpi slt, %add3A_480, %lt3A_481 : i32
      %convert_element_type3A_483 = arith.extui %lt3A_482 : i1 to i32
      %cond3A_484 = arith.constant 0 : i32
      %cond3A_485 = arith.cmpi ne, %convert_element_type3A_483, %cond3A_484 : i32
      scf.if %cond3A_485 {
        %dma_wait3A = arith.constant 2 : i32
        %dma_wait3A_547 = arith.constant 0 : i32
        %dma_wait3A_548 = tpu.memref_slice %arg9[%dma_wait3A, %dma_wait3A_547] : memref<8x128xi32, #tpu.memory_space<vmem>> -> memref<1x128xi32, #tpu.memory_space<vmem>>
        %dma_wait3A_549 = tpu.memref_squeeze %dma_wait3A_548 : memref<1x128xi32, #tpu.memory_space<vmem>> -> memref<128xi32, #tpu.memory_space<vmem>>
        %dma_wait3A_550 = arith.constant 0 : i32
        %dma_wait3A_551 = tpu.memref_slice %arg12[%dma_wait3A_550] : memref<10112xf32, #tpu.memory_space<vmem_shared>> -> memref<10112xf32, #tpu.memory_space<vmem_shared>>
        tpu.wait_indirect_dma semaphore(%arg14 : memref<!tpu.dma_semaphore, #tpu.memory_space<semaphore_mem>>) src(%arg10 : memref<128xf32, #tpu.memory_space<vmem>>) dst(%dma_wait3A_551 : memref<10112xf32, #tpu.memory_space<vmem_shared>>)
      } else {
      }
      %mul3A_486 = arith.constant 8 : i32
      %mul3A_487 = arith.muli %scan3A_160, %mul3A_486 : i32
      %add3A_488 = arith.constant 3 : i32
      %add3A_489 = arith.addi %mul3A_487, %add3A_488 : i32
      %mul3A_490 = arith.constant 16 : i32
      %mul3A_491 = arith.muli %add3A_489, %mul3A_490 : i32
      %add3A_492 = arith.addi %mul3A_491, %arg1 : i32
      %lt3A_493 = arith.constant 2500 : i32
      %lt3A_494 = arith.cmpi slt, %add3A_492, %lt3A_493 : i32
      %convert_element_type3A_495 = arith.extui %lt3A_494 : i1 to i32
      %cond3A_496 = arith.constant 0 : i32
      %cond3A_497 = arith.cmpi ne, %convert_element_type3A_495, %cond3A_496 : i32
      scf.if %cond3A_497 {
        %dma_wait3A = arith.constant 3 : i32
        %dma_wait3A_547 = arith.constant 0 : i32
        %dma_wait3A_548 = tpu.memref_slice %arg9[%dma_wait3A, %dma_wait3A_547] : memref<8x128xi32, #tpu.memory_space<vmem>> -> memref<1x128xi32, #tpu.memory_space<vmem>>
        %dma_wait3A_549 = tpu.memref_squeeze %dma_wait3A_548 : memref<1x128xi32, #tpu.memory_space<vmem>> -> memref<128xi32, #tpu.memory_space<vmem>>
        %dma_wait3A_550 = arith.constant 0 : i32
        %dma_wait3A_551 = tpu.memref_slice %arg12[%dma_wait3A_550] : memref<10112xf32, #tpu.memory_space<vmem_shared>> -> memref<10112xf32, #tpu.memory_space<vmem_shared>>
        tpu.wait_indirect_dma semaphore(%arg14 : memref<!tpu.dma_semaphore, #tpu.memory_space<semaphore_mem>>) src(%arg10 : memref<128xf32, #tpu.memory_space<vmem>>) dst(%dma_wait3A_551 : memref<10112xf32, #tpu.memory_space<vmem_shared>>)
      } else {
      }
      %mul3A_498 = arith.constant 8 : i32
      %mul3A_499 = arith.muli %scan3A_160, %mul3A_498 : i32
      %add3A_500 = arith.constant 4 : i32
      %add3A_501 = arith.addi %mul3A_499, %add3A_500 : i32
      %mul3A_502 = arith.constant 16 : i32
      %mul3A_503 = arith.muli %add3A_501, %mul3A_502 : i32
      %add3A_504 = arith.addi %mul3A_503, %arg1 : i32
      %lt3A_505 = arith.constant 2500 : i32
      %lt3A_506 = arith.cmpi slt, %add3A_504, %lt3A_505 : i32
      %convert_element_type3A_507 = arith.extui %lt3A_506 : i1 to i32
      %cond3A_508 = arith.constant 0 : i32
      %cond3A_509 = arith.cmpi ne, %convert_element_type3A_507, %cond3A_508 : i32
      scf.if %cond3A_509 {
        %dma_wait3A = arith.constant 4 : i32
        %dma_wait3A_547 = arith.constant 0 : i32
        %dma_wait3A_548 = tpu.memref_slice %arg9[%dma_wait3A, %dma_wait3A_547] : memref<8x128xi32, #tpu.memory_space<vmem>> -> memref<1x128xi32, #tpu.memory_space<vmem>>
        %dma_wait3A_549 = tpu.memref_squeeze %dma_wait3A_548 : memref<1x128xi32, #tpu.memory_space<vmem>> -> memref<128xi32, #tpu.memory_space<vmem>>
        %dma_wait3A_550 = arith.constant 0 : i32
        %dma_wait3A_551 = tpu.memref_slice %arg12[%dma_wait3A_550] : memref<10112xf32, #tpu.memory_space<vmem_shared>> -> memref<10112xf32, #tpu.memory_space<vmem_shared>>
        tpu.wait_indirect_dma semaphore(%arg14 : memref<!tpu.dma_semaphore, #tpu.memory_space<semaphore_mem>>) src(%arg10 : memref<128xf32, #tpu.memory_space<vmem>>) dst(%dma_wait3A_551 : memref<10112xf32, #tpu.memory_space<vmem_shared>>)
      } else {
      }
      %mul3A_510 = arith.constant 8 : i32
      %mul3A_511 = arith.muli %scan3A_160, %mul3A_510 : i32
      %add3A_512 = arith.constant 5 : i32
      %add3A_513 = arith.addi %mul3A_511, %add3A_512 : i32
      %mul3A_514 = arith.constant 16 : i32
      %mul3A_515 = arith.muli %add3A_513, %mul3A_514 : i32
      %add3A_516 = arith.addi %mul3A_515, %arg1 : i32
      %lt3A_517 = arith.constant 2500 : i32
      %lt3A_518 = arith.cmpi slt, %add3A_516, %lt3A_517 : i32
      %convert_element_type3A_519 = arith.extui %lt3A_518 : i1 to i32
      %cond3A_520 = arith.constant 0 : i32
      %cond3A_521 = arith.cmpi ne, %convert_element_type3A_519, %cond3A_520 : i32
      scf.if %cond3A_521 {
        %dma_wait3A = arith.constant 5 : i32
        %dma_wait3A_547 = arith.constant 0 : i32
        %dma_wait3A_548 = tpu.memref_slice %arg9[%dma_wait3A, %dma_wait3A_547] : memref<8x128xi32, #tpu.memory_space<vmem>> -> memref<1x128xi32, #tpu.memory_space<vmem>>
        %dma_wait3A_549 = tpu.memref_squeeze %dma_wait3A_548 : memref<1x128xi32, #tpu.memory_space<vmem>> -> memref<128xi32, #tpu.memory_space<vmem>>
        %dma_wait3A_550 = arith.constant 0 : i32
        %dma_wait3A_551 = tpu.memref_slice %arg12[%dma_wait3A_550] : memref<10112xf32, #tpu.memory_space<vmem_shared>> -> memref<10112xf32, #tpu.memory_space<vmem_shared>>
        tpu.wait_indirect_dma semaphore(%arg14 : memref<!tpu.dma_semaphore, #tpu.memory_space<semaphore_mem>>) src(%arg10 : memref<128xf32, #tpu.memory_space<vmem>>) dst(%dma_wait3A_551 : memref<10112xf32, #tpu.memory_space<vmem_shared>>)
      } else {
      }
      %mul3A_522 = arith.constant 8 : i32
      %mul3A_523 = arith.muli %scan3A_160, %mul3A_522 : i32
      %add3A_524 = arith.constant 6 : i32
      %add3A_525 = arith.addi %mul3A_523, %add3A_524 : i32
      %mul3A_526 = arith.constant 16 : i32
      %mul3A_527 = arith.muli %add3A_525, %mul3A_526 : i32
      %add3A_528 = arith.addi %mul3A_527, %arg1 : i32
      %lt3A_529 = arith.constant 2500 : i32
      %lt3A_530 = arith.cmpi slt, %add3A_528, %lt3A_529 : i32
      %convert_element_type3A_531 = arith.extui %lt3A_530 : i1 to i32
      %cond3A_532 = arith.constant 0 : i32
      %cond3A_533 = arith.cmpi ne, %convert_element_type3A_531, %cond3A_532 : i32
      scf.if %cond3A_533 {
        %dma_wait3A = arith.constant 6 : i32
        %dma_wait3A_547 = arith.constant 0 : i32
        %dma_wait3A_548 = tpu.memref_slice %arg9[%dma_wait3A, %dma_wait3A_547] : memref<8x128xi32, #tpu.memory_space<vmem>> -> memref<1x128xi32, #tpu.memory_space<vmem>>
        %dma_wait3A_549 = tpu.memref_squeeze %dma_wait3A_548 : memref<1x128xi32, #tpu.memory_space<vmem>> -> memref<128xi32, #tpu.memory_space<vmem>>
        %dma_wait3A_550 = arith.constant 0 : i32
        %dma_wait3A_551 = tpu.memref_slice %arg12[%dma_wait3A_550] : memref<10112xf32, #tpu.memory_space<vmem_shared>> -> memref<10112xf32, #tpu.memory_space<vmem_shared>>
        tpu.wait_indirect_dma semaphore(%arg14 : memref<!tpu.dma_semaphore, #tpu.memory_space<semaphore_mem>>) src(%arg10 : memref<128xf32, #tpu.memory_space<vmem>>) dst(%dma_wait3A_551 : memref<10112xf32, #tpu.memory_space<vmem_shared>>)
      } else {
      }
      %mul3A_534 = arith.constant 8 : i32
      %mul3A_535 = arith.muli %scan3A_160, %mul3A_534 : i32
      %add3A_536 = arith.constant 7 : i32
      %add3A_537 = arith.addi %mul3A_535, %add3A_536 : i32
      %mul3A_538 = arith.constant 16 : i32
      %mul3A_539 = arith.muli %add3A_537, %mul3A_538 : i32
      %add3A_540 = arith.addi %mul3A_539, %arg1 : i32
      %lt3A_541 = arith.constant 2500 : i32
      %lt3A_542 = arith.cmpi slt, %add3A_540, %lt3A_541 : i32
      %convert_element_type3A_543 = arith.extui %lt3A_542 : i1 to i32
      %cond3A_544 = arith.constant 0 : i32
      %cond3A_545 = arith.cmpi ne, %convert_element_type3A_543, %cond3A_544 : i32
      scf.if %cond3A_545 {
        %dma_wait3A = arith.constant 7 : i32
        %dma_wait3A_547 = arith.constant 0 : i32
        %dma_wait3A_548 = tpu.memref_slice %arg9[%dma_wait3A, %dma_wait3A_547] : memref<8x128xi32, #tpu.memory_space<vmem>> -> memref<1x128xi32, #tpu.memory_space<vmem>>
        %dma_wait3A_549 = tpu.memref_squeeze %dma_wait3A_548 : memref<1x128xi32, #tpu.memory_space<vmem>> -> memref<128xi32, #tpu.memory_space<vmem>>
        %dma_wait3A_550 = arith.constant 0 : i32
        %dma_wait3A_551 = tpu.memref_slice %arg12[%dma_wait3A_550] : memref<10112xf32, #tpu.memory_space<vmem_shared>> -> memref<10112xf32, #tpu.memory_space<vmem_shared>>
        tpu.wait_indirect_dma semaphore(%arg14 : memref<!tpu.dma_semaphore, #tpu.memory_space<semaphore_mem>>) src(%arg10 : memref<128xf32, #tpu.memory_space<vmem>>) dst(%dma_wait3A_551 : memref<10112xf32, #tpu.memory_space<vmem_shared>>)
      } else {
      }
      %scan3A_546 = arith.constant 0 : i32
      scf.yield %scan3A_546 : i32
    }
    %scan3A_22 = arith.constant 20 : i32
    %add3A = arith.constant 0 : i32
    %add3A_23 = arith.addi %add3A, %arg1 : i32
    %lt3A = arith.constant 125 : i32
    %lt3A_24 = arith.cmpi slt, %add3A_23, %lt3A : i32
    %convert_element_type3A_25 = arith.extui %lt3A_24 : i1 to i32
    %cond3A_26 = arith.constant 0 : i32
    %cond3A_27 = arith.cmpi ne, %convert_element_type3A_25, %cond3A_26 : i32
    scf.if %cond3A_27 {
      %mul3A_160 = arith.constant 10000 : i32
      %mul3A_161 = arith.muli %arg0, %mul3A_160 : i32
      %mul3A_162 = arith.constant 80 : i32
      %mul3A_163 = arith.muli %add3A_23, %mul3A_162 : i32
      %add3A_164 = arith.addi %mul3A_161, %mul3A_163 : i32
      %run_scoped3A = arith.constant 0 : i32
      "tpu.region"() ({
        %run_scoped3A_176 = tpu.sem_alloc : memref<!tpu.dma_semaphore, #tpu.memory_space<semaphore_mem>>
        %dma_start3A_177 = arith.constant 0 : i32
        %dma_start3A_178 = tpu.memref_slice %arg7[%run_scoped3A, %dma_start3A_177] : memref<2x80xi32, #tpu.memory_space<vmem>> -> memref<1x80xi32, #tpu.memory_space<vmem>>
        %dma_start3A_179 = tpu.memref_squeeze %dma_start3A_178 : memref<1x80xi32, #tpu.memory_space<vmem>> -> memref<80xi32, #tpu.memory_space<vmem>>
        %dma_start3A_180 = tpu.memref_slice %arg2[%add3A_164] : memref<20000xi32, #tpu.memory_space<hbm>> -> memref<80xi32, #tpu.memory_space<hbm>>
        %dma_start3A_181 = arith.constant 0 : i32
        %dma_start3A_182 = tpu.memref_slice %arg7[%run_scoped3A, %dma_start3A_181] : memref<2x80xi32, #tpu.memory_space<vmem>> -> memref<1x80xi32, #tpu.memory_space<vmem>>
        %dma_start3A_183 = tpu.memref_squeeze %dma_start3A_182 : memref<1x80xi32, #tpu.memory_space<vmem>> -> memref<80xi32, #tpu.memory_space<vmem>>
        %dma_start3A_184 = tpu.memref_slice %arg2[%add3A_164] : memref<20000xi32, #tpu.memory_space<hbm>> -> memref<80xi32, #tpu.memory_space<hbm>>
        tpu.enqueue_dma source(%dma_start3A_184 : memref<80xi32, #tpu.memory_space<hbm>>) target(%dma_start3A_183 : memref<80xi32, #tpu.memory_space<vmem>>) target_semaphore(%run_scoped3A_176 : memref<!tpu.dma_semaphore, #tpu.memory_space<semaphore_mem>>)
        %dma_wait3A = arith.constant 0 : i32
        %dma_wait3A_185 = tpu.memref_slice %arg7[%run_scoped3A, %dma_wait3A] : memref<2x80xi32, #tpu.memory_space<vmem>> -> memref<1x80xi32, #tpu.memory_space<vmem>>
        %dma_wait3A_186 = tpu.memref_squeeze %dma_wait3A_185 : memref<1x80xi32, #tpu.memory_space<vmem>> -> memref<80xi32, #tpu.memory_space<vmem>>
        %dma_wait3A_187 = tpu.memref_slice %arg2[%add3A_164] : memref<20000xi32, #tpu.memory_space<hbm>> -> memref<80xi32, #tpu.memory_space<hbm>>
        %dma_wait3A_188 = arith.constant 0 : i32
        %dma_wait3A_189 = tpu.memref_slice %arg7[%run_scoped3A, %dma_wait3A_188] : memref<2x80xi32, #tpu.memory_space<vmem>> -> memref<1x80xi32, #tpu.memory_space<vmem>>
        %dma_wait3A_190 = tpu.memref_squeeze %dma_wait3A_189 : memref<1x80xi32, #tpu.memory_space<vmem>> -> memref<80xi32, #tpu.memory_space<vmem>>
        %dma_wait3A_191 = tpu.memref_slice %arg2[%add3A_164] : memref<20000xi32, #tpu.memory_space<hbm>> -> memref<80xi32, #tpu.memory_space<hbm>>
        tpu.wait_dma2 semaphore(%run_scoped3A_176 : memref<!tpu.dma_semaphore, #tpu.memory_space<semaphore_mem>>) src(%dma_wait3A_191 : memref<80xi32, #tpu.memory_space<hbm>>) dst(%dma_wait3A_190 : memref<80xi32, #tpu.memory_space<vmem>>)
        tpu.yield
      }) : () -> ()
      %dma_start3A = arith.constant 0 : i32
      %dma_start3A_165 = arith.constant 0 : i32
      %dma_start3A_166 = arith.constant 0 : i32
      %dma_start3A_167 = arith.constant 0 : i32
      %dma_start3A_168 = tpu.memref_slice %arg8[%dma_start3A_165, %dma_start3A_166, %dma_start3A_167] : memref<2x80x128xf32, #tpu.memory_space<vmem>> -> memref<1x80x128xf32, #tpu.memory_space<vmem>>
      %dma_start3A_169 = tpu.memref_squeeze %dma_start3A_168 : memref<1x80x128xf32, #tpu.memory_space<vmem>> -> memref<80x128xf32, #tpu.memory_space<vmem>>
      %dma_start3A_170 = arith.constant 0 : i32
      %dma_start3A_171 = tpu.memref_slice %arg7[%dma_start3A, %dma_start3A_170] : memref<2x80xi32, #tpu.memory_space<vmem>> -> memref<1x80xi32, #tpu.memory_space<vmem>>
      %dma_start3A_172 = tpu.memref_squeeze %dma_start3A_171 : memref<1x80xi32, #tpu.memory_space<vmem>> -> memref<80xi32, #tpu.memory_space<vmem>>
      %dma_start3A_173 = arith.constant 0 : i32
      %dma_start3A_174 = arith.constant 0 : i32
      %dma_start3A_175 = tpu.memref_slice %arg4[%dma_start3A_173, %dma_start3A_174] : memref<50000x128xf32, #tpu.memory_space<hbm>> -> memref<50000x128xf32, #tpu.memory_space<hbm>>
      tpu.enqueue_indirect_dma source(%dma_start3A_175 : memref<50000x128xf32, #tpu.memory_space<hbm>>) target(%dma_start3A_169 : memref<80x128xf32, #tpu.memory_space<vmem>>) offsets(%dma_start3A_172 : memref<80xi32, #tpu.memory_space<vmem>>) semaphore(%arg15 : memref<!tpu.dma_semaphore, #tpu.memory_space<semaphore_mem>>)
    } else {
    }
    %add3A_28 = arith.constant 16 : i32
    %add3A_29 = arith.addi %add3A_28, %arg1 : i32
    %lt3A_30 = arith.constant 125 : i32
    %lt3A_31 = arith.cmpi slt, %add3A_29, %lt3A_30 : i32
    %convert_element_type3A_32 = arith.extui %lt3A_31 : i1 to i32
    %cond3A_33 = arith.constant 0 : i32
    %cond3A_34 = arith.cmpi ne, %convert_element_type3A_32, %cond3A_33 : i32
    scf.if %cond3A_34 {
      %mul3A_160 = arith.constant 10000 : i32
      %mul3A_161 = arith.muli %arg0, %mul3A_160 : i32
      %mul3A_162 = arith.constant 80 : i32
      %mul3A_163 = arith.muli %add3A_29, %mul3A_162 : i32
      %add3A_164 = arith.addi %mul3A_161, %mul3A_163 : i32
      %run_scoped3A = arith.constant 1 : i32
      "tpu.region"() ({
        %run_scoped3A_176 = tpu.sem_alloc : memref<!tpu.dma_semaphore, #tpu.memory_space<semaphore_mem>>
        %dma_start3A_177 = arith.constant 0 : i32
        %dma_start3A_178 = tpu.memref_slice %arg7[%run_scoped3A, %dma_start3A_177] : memref<2x80xi32, #tpu.memory_space<vmem>> -> memref<1x80xi32, #tpu.memory_space<vmem>>
        %dma_start3A_179 = tpu.memref_squeeze %dma_start3A_178 : memref<1x80xi32, #tpu.memory_space<vmem>> -> memref<80xi32, #tpu.memory_space<vmem>>
        %dma_start3A_180 = tpu.memref_slice %arg2[%add3A_164] : memref<20000xi32, #tpu.memory_space<hbm>> -> memref<80xi32, #tpu.memory_space<hbm>>
        %dma_start3A_181 = arith.constant 0 : i32
        %dma_start3A_182 = tpu.memref_slice %arg7[%run_scoped3A, %dma_start3A_181] : memref<2x80xi32, #tpu.memory_space<vmem>> -> memref<1x80xi32, #tpu.memory_space<vmem>>
        %dma_start3A_183 = tpu.memref_squeeze %dma_start3A_182 : memref<1x80xi32, #tpu.memory_space<vmem>> -> memref<80xi32, #tpu.memory_space<vmem>>
        %dma_start3A_184 = tpu.memref_slice %arg2[%add3A_164] : memref<20000xi32, #tpu.memory_space<hbm>> -> memref<80xi32, #tpu.memory_space<hbm>>
        tpu.enqueue_dma source(%dma_start3A_184 : memref<80xi32, #tpu.memory_space<hbm>>) target(%dma_start3A_183 : memref<80xi32, #tpu.memory_space<vmem>>) target_semaphore(%run_scoped3A_176 : memref<!tpu.dma_semaphore, #tpu.memory_space<semaphore_mem>>)
        %dma_wait3A = arith.constant 0 : i32
        %dma_wait3A_185 = tpu.memref_slice %arg7[%run_scoped3A, %dma_wait3A] : memref<2x80xi32, #tpu.memory_space<vmem>> -> memref<1x80xi32, #tpu.memory_space<vmem>>
        %dma_wait3A_186 = tpu.memref_squeeze %dma_wait3A_185 : memref<1x80xi32, #tpu.memory_space<vmem>> -> memref<80xi32, #tpu.memory_space<vmem>>
        %dma_wait3A_187 = tpu.memref_slice %arg2[%add3A_164] : memref<20000xi32, #tpu.memory_space<hbm>> -> memref<80xi32, #tpu.memory_space<hbm>>
        %dma_wait3A_188 = arith.constant 0 : i32
        %dma_wait3A_189 = tpu.memref_slice %arg7[%run_scoped3A, %dma_wait3A_188] : memref<2x80xi32, #tpu.memory_space<vmem>> -> memref<1x80xi32, #tpu.memory_space<vmem>>
        %dma_wait3A_190 = tpu.memref_squeeze %dma_wait3A_189 : memref<1x80xi32, #tpu.memory_space<vmem>> -> memref<80xi32, #tpu.memory_space<vmem>>
        %dma_wait3A_191 = tpu.memref_slice %arg2[%add3A_164] : memref<20000xi32, #tpu.memory_space<hbm>> -> memref<80xi32, #tpu.memory_space<hbm>>
        tpu.wait_dma2 semaphore(%run_scoped3A_176 : memref<!tpu.dma_semaphore, #tpu.memory_space<semaphore_mem>>) src(%dma_wait3A_191 : memref<80xi32, #tpu.memory_space<hbm>>) dst(%dma_wait3A_190 : memref<80xi32, #tpu.memory_space<vmem>>)
        tpu.yield
      }) : () -> ()
      %dma_start3A = arith.constant 1 : i32
      %dma_start3A_165 = arith.constant 1 : i32
      %dma_start3A_166 = arith.constant 0 : i32
      %dma_start3A_167 = arith.constant 0 : i32
      %dma_start3A_168 = tpu.memref_slice %arg8[%dma_start3A_165, %dma_start3A_166, %dma_start3A_167] : memref<2x80x128xf32, #tpu.memory_space<vmem>> -> memref<1x80x128xf32, #tpu.memory_space<vmem>>
      %dma_start3A_169 = tpu.memref_squeeze %dma_start3A_168 : memref<1x80x128xf32, #tpu.memory_space<vmem>> -> memref<80x128xf32, #tpu.memory_space<vmem>>
      %dma_start3A_170 = arith.constant 0 : i32
      %dma_start3A_171 = tpu.memref_slice %arg7[%dma_start3A, %dma_start3A_170] : memref<2x80xi32, #tpu.memory_space<vmem>> -> memref<1x80xi32, #tpu.memory_space<vmem>>
      %dma_start3A_172 = tpu.memref_squeeze %dma_start3A_171 : memref<1x80xi32, #tpu.memory_space<vmem>> -> memref<80xi32, #tpu.memory_space<vmem>>
      %dma_start3A_173 = arith.constant 0 : i32
      %dma_start3A_174 = arith.constant 0 : i32
      %dma_start3A_175 = tpu.memref_slice %arg4[%dma_start3A_173, %dma_start3A_174] : memref<50000x128xf32, #tpu.memory_space<hbm>> -> memref<50000x128xf32, #tpu.memory_space<hbm>>
      tpu.enqueue_indirect_dma source(%dma_start3A_175 : memref<50000x128xf32, #tpu.memory_space<hbm>>) target(%dma_start3A_169 : memref<80x128xf32, #tpu.memory_space<vmem>>) offsets(%dma_start3A_172 : memref<80xi32, #tpu.memory_space<vmem>>) semaphore(%arg15 : memref<!tpu.dma_semaphore, #tpu.memory_space<semaphore_mem>>)
    } else {
    }
    %add3A_35 = arith.constant 0 : i32
    %add3A_36 = arith.addi %add3A_35, %arg1 : i32
    %lt3A_37 = arith.constant 125 : i32
    %lt3A_38 = arith.cmpi slt, %add3A_36, %lt3A_37 : i32
    %convert_element_type3A_39 = arith.extui %lt3A_38 : i1 to i32
    %cond3A_40 = arith.constant 0 : i32
    %cond3A_41 = arith.cmpi ne, %convert_element_type3A_39, %cond3A_40 : i32
    scf.if %cond3A_41 {
      %dma_wait3A = arith.constant 0 : i32
      %dma_wait3A_160 = arith.constant 0 : i32
      %dma_wait3A_161 = arith.constant 0 : i32
      %dma_wait3A_162 = tpu.memref_slice %arg8[%dma_wait3A, %dma_wait3A_160, %dma_wait3A_161] : memref<2x80x128xf32, #tpu.memory_space<vmem>> -> memref<1x80x128xf32, #tpu.memory_space<vmem>>
      %dma_wait3A_163 = tpu.memref_squeeze %dma_wait3A_162 : memref<1x80x128xf32, #tpu.memory_space<vmem>> -> memref<80x128xf32, #tpu.memory_space<vmem>>
      %dma_wait3A_164 = arith.constant 0 : i32
      %dma_wait3A_165 = arith.constant 0 : i32
      %dma_wait3A_166 = tpu.memref_slice %arg4[%dma_wait3A_164, %dma_wait3A_165] : memref<50000x128xf32, #tpu.memory_space<hbm>> -> memref<80x128xf32, #tpu.memory_space<hbm>>
      %dma_wait3A_167 = arith.constant 0 : i32
      %dma_wait3A_168 = arith.constant 0 : i32
      %dma_wait3A_169 = tpu.memref_slice %arg8[%dma_wait3A, %dma_wait3A_167, %dma_wait3A_168] : memref<2x80x128xf32, #tpu.memory_space<vmem>> -> memref<1x80x128xf32, #tpu.memory_space<vmem>>
      %dma_wait3A_170 = tpu.memref_squeeze %dma_wait3A_169 : memref<1x80x128xf32, #tpu.memory_space<vmem>> -> memref<80x128xf32, #tpu.memory_space<vmem>>
      %dma_wait3A_171 = arith.constant 0 : i32
      %dma_wait3A_172 = arith.constant 0 : i32
      %dma_wait3A_173 = tpu.memref_slice %arg4[%dma_wait3A_171, %dma_wait3A_172] : memref<50000x128xf32, #tpu.memory_space<hbm>> -> memref<80x128xf32, #tpu.memory_space<hbm>>
      tpu.wait_dma2 semaphore(%arg15 : memref<!tpu.dma_semaphore, #tpu.memory_space<semaphore_mem>>) src(%dma_wait3A_173 : memref<80x128xf32, #tpu.memory_space<hbm>>) dst(%dma_wait3A_170 : memref<80x128xf32, #tpu.memory_space<vmem>>)
      %mul3A_174 = arith.constant 10000 : i32
      %mul3A_175 = arith.muli %arg0, %mul3A_174 : i32
      %mul3A_176 = arith.constant 80 : i32
      %mul3A_177 = arith.muli %add3A_36, %mul3A_176 : i32
      %add3A_178 = arith.addi %mul3A_175, %mul3A_177 : i32
      %run_scoped3A = arith.constant 0 : i32
      "tpu.region"() ({
        %run_scoped3A_179 = tpu.sem_alloc : memref<!tpu.dma_semaphore, #tpu.memory_space<semaphore_mem>>
        %dma_start3A = arith.constant 0 : i32
        %dma_start3A_180 = arith.constant 0 : i32
        %dma_start3A_181 = tpu.memref_slice %arg8[%run_scoped3A, %dma_start3A, %dma_start3A_180] : memref<2x80x128xf32, #tpu.memory_space<vmem>> -> memref<1x80x128xf32, #tpu.memory_space<vmem>>
        %dma_start3A_182 = tpu.memref_squeeze %dma_start3A_181 : memref<1x80x128xf32, #tpu.memory_space<vmem>> -> memref<80x128xf32, #tpu.memory_space<vmem>>
        %dma_start3A_183 = arith.constant 0 : i32
        %dma_start3A_184 = tpu.memref_slice %arg5[%add3A_178, %dma_start3A_183] : memref<20000x128xf32, #tpu.memory_space<hbm>> -> memref<80x128xf32, #tpu.memory_space<hbm>>
        %dma_start3A_185 = arith.constant 0 : i32
        %dma_start3A_186 = tpu.memref_slice %arg5[%add3A_178, %dma_start3A_185] : memref<20000x128xf32, #tpu.memory_space<hbm>> -> memref<80x128xf32, #tpu.memory_space<hbm>>
        %dma_start3A_187 = arith.constant 0 : i32
        %dma_start3A_188 = arith.constant 0 : i32
        %dma_start3A_189 = tpu.memref_slice %arg8[%run_scoped3A, %dma_start3A_187, %dma_start3A_188] : memref<2x80x128xf32, #tpu.memory_space<vmem>> -> memref<1x80x128xf32, #tpu.memory_space<vmem>>
        %dma_start3A_190 = tpu.memref_squeeze %dma_start3A_189 : memref<1x80x128xf32, #tpu.memory_space<vmem>> -> memref<80x128xf32, #tpu.memory_space<vmem>>
        tpu.enqueue_dma source(%dma_start3A_190 : memref<80x128xf32, #tpu.memory_space<vmem>>) target(%dma_start3A_186 : memref<80x128xf32, #tpu.memory_space<hbm>>) target_semaphore(%run_scoped3A_179 : memref<!tpu.dma_semaphore, #tpu.memory_space<semaphore_mem>>)
        %dma_wait3A_191 = arith.constant 0 : i32
        %dma_wait3A_192 = arith.constant 0 : i32
        %dma_wait3A_193 = tpu.memref_slice %arg8[%run_scoped3A, %dma_wait3A_191, %dma_wait3A_192] : memref<2x80x128xf32, #tpu.memory_space<vmem>> -> memref<1x80x128xf32, #tpu.memory_space<vmem>>
        %dma_wait3A_194 = tpu.memref_squeeze %dma_wait3A_193 : memref<1x80x128xf32, #tpu.memory_space<vmem>> -> memref<80x128xf32, #tpu.memory_space<vmem>>
        %dma_wait3A_195 = arith.constant 0 : i32
        %dma_wait3A_196 = tpu.memref_slice %arg5[%add3A_178, %dma_wait3A_195] : memref<20000x128xf32, #tpu.memory_space<hbm>> -> memref<80x128xf32, #tpu.memory_space<hbm>>
        %dma_wait3A_197 = arith.constant 0 : i32
        %dma_wait3A_198 = tpu.memref_slice %arg5[%add3A_178, %dma_wait3A_197] : memref<20000x128xf32, #tpu.memory_space<hbm>> -> memref<80x128xf32, #tpu.memory_space<hbm>>
        %dma_wait3A_199 = arith.constant 0 : i32
        %dma_wait3A_200 = arith.constant 0 : i32
        %dma_wait3A_201 = tpu.memref_slice %arg8[%run_scoped3A, %dma_wait3A_199, %dma_wait3A_200] : memref<2x80x128xf32, #tpu.memory_space<vmem>> -> memref<1x80x128xf32, #tpu.memory_space<vmem>>
        %dma_wait3A_202 = tpu.memref_squeeze %dma_wait3A_201 : memref<1x80x128xf32, #tpu.memory_space<vmem>> -> memref<80x128xf32, #tpu.memory_space<vmem>>
        tpu.wait_dma2 semaphore(%run_scoped3A_179 : memref<!tpu.dma_semaphore, #tpu.memory_space<semaphore_mem>>) src(%dma_wait3A_202 : memref<80x128xf32, #tpu.memory_space<vmem>>) dst(%dma_wait3A_198 : memref<80x128xf32, #tpu.memory_space<hbm>>)
        tpu.yield
      }) : () -> ()
    } else {
    }
    %add3A_42 = arith.constant 32 : i32
    %add3A_43 = arith.addi %add3A_42, %arg1 : i32
    %lt3A_44 = arith.constant 125 : i32
    %lt3A_45 = arith.cmpi slt, %add3A_43, %lt3A_44 : i32
    %convert_element_type3A_46 = arith.extui %lt3A_45 : i1 to i32
    %cond3A_47 = arith.constant 0 : i32
    %cond3A_48 = arith.cmpi ne, %convert_element_type3A_46, %cond3A_47 : i32
    scf.if %cond3A_48 {
      %mul3A_160 = arith.constant 10000 : i32
      %mul3A_161 = arith.muli %arg0, %mul3A_160 : i32
      %mul3A_162 = arith.constant 80 : i32
      %mul3A_163 = arith.muli %add3A_43, %mul3A_162 : i32
      %add3A_164 = arith.addi %mul3A_161, %mul3A_163 : i32
      %run_scoped3A = arith.constant 0 : i32
      "tpu.region"() ({
        %run_scoped3A_176 = tpu.sem_alloc : memref<!tpu.dma_semaphore, #tpu.memory_space<semaphore_mem>>
        %dma_start3A_177 = arith.constant 0 : i32
        %dma_start3A_178 = tpu.memref_slice %arg7[%run_scoped3A, %dma_start3A_177] : memref<2x80xi32, #tpu.memory_space<vmem>> -> memref<1x80xi32, #tpu.memory_space<vmem>>
        %dma_start3A_179 = tpu.memref_squeeze %dma_start3A_178 : memref<1x80xi32, #tpu.memory_space<vmem>> -> memref<80xi32, #tpu.memory_space<vmem>>
        %dma_start3A_180 = tpu.memref_slice %arg2[%add3A_164] : memref<20000xi32, #tpu.memory_space<hbm>> -> memref<80xi32, #tpu.memory_space<hbm>>
        %dma_start3A_181 = arith.constant 0 : i32
        %dma_start3A_182 = tpu.memref_slice %arg7[%run_scoped3A, %dma_start3A_181] : memref<2x80xi32, #tpu.memory_space<vmem>> -> memref<1x80xi32, #tpu.memory_space<vmem>>
        %dma_start3A_183 = tpu.memref_squeeze %dma_start3A_182 : memref<1x80xi32, #tpu.memory_space<vmem>> -> memref<80xi32, #tpu.memory_space<vmem>>
        %dma_start3A_184 = tpu.memref_slice %arg2[%add3A_164] : memref<20000xi32, #tpu.memory_space<hbm>> -> memref<80xi32, #tpu.memory_space<hbm>>
        tpu.enqueue_dma source(%dma_start3A_184 : memref<80xi32, #tpu.memory_space<hbm>>) target(%dma_start3A_183 : memref<80xi32, #tpu.memory_space<vmem>>) target_semaphore(%run_scoped3A_176 : memref<!tpu.dma_semaphore, #tpu.memory_space<semaphore_mem>>)
        %dma_wait3A = arith.constant 0 : i32
        %dma_wait3A_185 = tpu.memref_slice %arg7[%run_scoped3A, %dma_wait3A] : memref<2x80xi32, #tpu.memory_space<vmem>> -> memref<1x80xi32, #tpu.memory_space<vmem>>
        %dma_wait3A_186 = tpu.memref_squeeze %dma_wait3A_185 : memref<1x80xi32, #tpu.memory_space<vmem>> -> memref<80xi32, #tpu.memory_space<vmem>>
        %dma_wait3A_187 = tpu.memref_slice %arg2[%add3A_164] : memref<20000xi32, #tpu.memory_space<hbm>> -> memref<80xi32, #tpu.memory_space<hbm>>
        %dma_wait3A_188 = arith.constant 0 : i32
        %dma_wait3A_189 = tpu.memref_slice %arg7[%run_scoped3A, %dma_wait3A_188] : memref<2x80xi32, #tpu.memory_space<vmem>> -> memref<1x80xi32, #tpu.memory_space<vmem>>
        %dma_wait3A_190 = tpu.memref_squeeze %dma_wait3A_189 : memref<1x80xi32, #tpu.memory_space<vmem>> -> memref<80xi32, #tpu.memory_space<vmem>>
        %dma_wait3A_191 = tpu.memref_slice %arg2[%add3A_164] : memref<20000xi32, #tpu.memory_space<hbm>> -> memref<80xi32, #tpu.memory_space<hbm>>
        tpu.wait_dma2 semaphore(%run_scoped3A_176 : memref<!tpu.dma_semaphore, #tpu.memory_space<semaphore_mem>>) src(%dma_wait3A_191 : memref<80xi32, #tpu.memory_space<hbm>>) dst(%dma_wait3A_190 : memref<80xi32, #tpu.memory_space<vmem>>)
        tpu.yield
      }) : () -> ()
      %dma_start3A = arith.constant 0 : i32
      %dma_start3A_165 = arith.constant 0 : i32
      %dma_start3A_166 = arith.constant 0 : i32
      %dma_start3A_167 = arith.constant 0 : i32
      %dma_start3A_168 = tpu.memref_slice %arg8[%dma_start3A_165, %dma_start3A_166, %dma_start3A_167] : memref<2x80x128xf32, #tpu.memory_space<vmem>> -> memref<1x80x128xf32, #tpu.memory_space<vmem>>
      %dma_start3A_169 = tpu.memref_squeeze %dma_start3A_168 : memref<1x80x128xf32, #tpu.memory_space<vmem>> -> memref<80x128xf32, #tpu.memory_space<vmem>>
      %dma_start3A_170 = arith.constant 0 : i32
      %dma_start3A_171 = tpu.memref_slice %arg7[%dma_start3A, %dma_start3A_170] : memref<2x80xi32, #tpu.memory_space<vmem>> -> memref<1x80xi32, #tpu.memory_space<vmem>>
      %dma_start3A_172 = tpu.memref_squeeze %dma_start3A_171 : memref<1x80xi32, #tpu.memory_space<vmem>> -> memref<80xi32, #tpu.memory_space<vmem>>
      %dma_start3A_173 = arith.constant 0 : i32
      %dma_start3A_174 = arith.constant 0 : i32
      %dma_start3A_175 = tpu.memref_slice %arg4[%dma_start3A_173, %dma_start3A_174] : memref<50000x128xf32, #tpu.memory_space<hbm>> -> memref<50000x128xf32, #tpu.memory_space<hbm>>
      tpu.enqueue_indirect_dma source(%dma_start3A_175 : memref<50000x128xf32, #tpu.memory_space<hbm>>) target(%dma_start3A_169 : memref<80x128xf32, #tpu.memory_space<vmem>>) offsets(%dma_start3A_172 : memref<80xi32, #tpu.memory_space<vmem>>) semaphore(%arg15 : memref<!tpu.dma_semaphore, #tpu.memory_space<semaphore_mem>>)
    } else {
    }
    %add3A_49 = arith.constant 16 : i32
    %add3A_50 = arith.addi %add3A_49, %arg1 : i32
    %lt3A_51 = arith.constant 125 : i32
    %lt3A_52 = arith.cmpi slt, %add3A_50, %lt3A_51 : i32
    %convert_element_type3A_53 = arith.extui %lt3A_52 : i1 to i32
    %cond3A_54 = arith.constant 0 : i32
    %cond3A_55 = arith.cmpi ne, %convert_element_type3A_53, %cond3A_54 : i32
    scf.if %cond3A_55 {
      %dma_wait3A = arith.constant 1 : i32
      %dma_wait3A_160 = arith.constant 0 : i32
      %dma_wait3A_161 = arith.constant 0 : i32
      %dma_wait3A_162 = tpu.memref_slice %arg8[%dma_wait3A, %dma_wait3A_160, %dma_wait3A_161] : memref<2x80x128xf32, #tpu.memory_space<vmem>> -> memref<1x80x128xf32, #tpu.memory_space<vmem>>
      %dma_wait3A_163 = tpu.memref_squeeze %dma_wait3A_162 : memref<1x80x128xf32, #tpu.memory_space<vmem>> -> memref<80x128xf32, #tpu.memory_space<vmem>>
      %dma_wait3A_164 = arith.constant 0 : i32
      %dma_wait3A_165 = arith.constant 0 : i32
      %dma_wait3A_166 = tpu.memref_slice %arg4[%dma_wait3A_164, %dma_wait3A_165] : memref<50000x128xf32, #tpu.memory_space<hbm>> -> memref<80x128xf32, #tpu.memory_space<hbm>>
      %dma_wait3A_167 = arith.constant 0 : i32
      %dma_wait3A_168 = arith.constant 0 : i32
      %dma_wait3A_169 = tpu.memref_slice %arg8[%dma_wait3A, %dma_wait3A_167, %dma_wait3A_168] : memref<2x80x128xf32, #tpu.memory_space<vmem>> -> memref<1x80x128xf32, #tpu.memory_space<vmem>>
      %dma_wait3A_170 = tpu.memref_squeeze %dma_wait3A_169 : memref<1x80x128xf32, #tpu.memory_space<vmem>> -> memref<80x128xf32, #tpu.memory_space<vmem>>
      %dma_wait3A_171 = arith.constant 0 : i32
      %dma_wait3A_172 = arith.constant 0 : i32
      %dma_wait3A_173 = tpu.memref_slice %arg4[%dma_wait3A_171, %dma_wait3A_172] : memref<50000x128xf32, #tpu.memory_space<hbm>> -> memref<80x128xf32, #tpu.memory_space<hbm>>
      tpu.wait_dma2 semaphore(%arg15 : memref<!tpu.dma_semaphore, #tpu.memory_space<semaphore_mem>>) src(%dma_wait3A_173 : memref<80x128xf32, #tpu.memory_space<hbm>>) dst(%dma_wait3A_170 : memref<80x128xf32, #tpu.memory_space<vmem>>)
      %mul3A_174 = arith.constant 10000 : i32
      %mul3A_175 = arith.muli %arg0, %mul3A_174 : i32
      %mul3A_176 = arith.constant 80 : i32
      %mul3A_177 = arith.muli %add3A_50, %mul3A_176 : i32
      %add3A_178 = arith.addi %mul3A_175, %mul3A_177 : i32
      %run_scoped3A = arith.constant 1 : i32
      "tpu.region"() ({
        %run_scoped3A_179 = tpu.sem_alloc : memref<!tpu.dma_semaphore, #tpu.memory_space<semaphore_mem>>
        %dma_start3A = arith.constant 0 : i32
        %dma_start3A_180 = arith.constant 0 : i32
        %dma_start3A_181 = tpu.memref_slice %arg8[%run_scoped3A, %dma_start3A, %dma_start3A_180] : memref<2x80x128xf32, #tpu.memory_space<vmem>> -> memref<1x80x128xf32, #tpu.memory_space<vmem>>
        %dma_start3A_182 = tpu.memref_squeeze %dma_start3A_181 : memref<1x80x128xf32, #tpu.memory_space<vmem>> -> memref<80x128xf32, #tpu.memory_space<vmem>>
        %dma_start3A_183 = arith.constant 0 : i32
        %dma_start3A_184 = tpu.memref_slice %arg5[%add3A_178, %dma_start3A_183] : memref<20000x128xf32, #tpu.memory_space<hbm>> -> memref<80x128xf32, #tpu.memory_space<hbm>>
        %dma_start3A_185 = arith.constant 0 : i32
        %dma_start3A_186 = tpu.memref_slice %arg5[%add3A_178, %dma_start3A_185] : memref<20000x128xf32, #tpu.memory_space<hbm>> -> memref<80x128xf32, #tpu.memory_space<hbm>>
        %dma_start3A_187 = arith.constant 0 : i32
        %dma_start3A_188 = arith.constant 0 : i32
        %dma_start3A_189 = tpu.memref_slice %arg8[%run_scoped3A, %dma_start3A_187, %dma_start3A_188] : memref<2x80x128xf32, #tpu.memory_space<vmem>> -> memref<1x80x128xf32, #tpu.memory_space<vmem>>
        %dma_start3A_190 = tpu.memref_squeeze %dma_start3A_189 : memref<1x80x128xf32, #tpu.memory_space<vmem>> -> memref<80x128xf32, #tpu.memory_space<vmem>>
        tpu.enqueue_dma source(%dma_start3A_190 : memref<80x128xf32, #tpu.memory_space<vmem>>) target(%dma_start3A_186 : memref<80x128xf32, #tpu.memory_space<hbm>>) target_semaphore(%run_scoped3A_179 : memref<!tpu.dma_semaphore, #tpu.memory_space<semaphore_mem>>)
        %dma_wait3A_191 = arith.constant 0 : i32
        %dma_wait3A_192 = arith.constant 0 : i32
        %dma_wait3A_193 = tpu.memref_slice %arg8[%run_scoped3A, %dma_wait3A_191, %dma_wait3A_192] : memref<2x80x128xf32, #tpu.memory_space<vmem>> -> memref<1x80x128xf32, #tpu.memory_space<vmem>>
        %dma_wait3A_194 = tpu.memref_squeeze %dma_wait3A_193 : memref<1x80x128xf32, #tpu.memory_space<vmem>> -> memref<80x128xf32, #tpu.memory_space<vmem>>
        %dma_wait3A_195 = arith.constant 0 : i32
        %dma_wait3A_196 = tpu.memref_slice %arg5[%add3A_178, %dma_wait3A_195] : memref<20000x128xf32, #tpu.memory_space<hbm>> -> memref<80x128xf32, #tpu.memory_space<hbm>>
        %dma_wait3A_197 = arith.constant 0 : i32
        %dma_wait3A_198 = tpu.memref_slice %arg5[%add3A_178, %dma_wait3A_197] : memref<20000x128xf32, #tpu.memory_space<hbm>> -> memref<80x128xf32, #tpu.memory_space<hbm>>
        %dma_wait3A_199 = arith.constant 0 : i32
        %dma_wait3A_200 = arith.constant 0 : i32
        %dma_wait3A_201 = tpu.memref_slice %arg8[%run_scoped3A, %dma_wait3A_199, %dma_wait3A_200] : memref<2x80x128xf32, #tpu.memory_space<vmem>> -> memref<1x80x128xf32, #tpu.memory_space<vmem>>
        %dma_wait3A_202 = tpu.memref_squeeze %dma_wait3A_201 : memref<1x80x128xf32, #tpu.memory_space<vmem>> -> memref<80x128xf32, #tpu.memory_space<vmem>>
        tpu.wait_dma2 semaphore(%run_scoped3A_179 : memref<!tpu.dma_semaphore, #tpu.memory_space<semaphore_mem>>) src(%dma_wait3A_202 : memref<80x128xf32, #tpu.memory_space<vmem>>) dst(%dma_wait3A_198 : memref<80x128xf32, #tpu.memory_space<hbm>>)
        tpu.yield
      }) : () -> ()
    } else {
    }
    %add3A_56 = arith.constant 48 : i32
    %add3A_57 = arith.addi %add3A_56, %arg1 : i32
    %lt3A_58 = arith.constant 125 : i32
    %lt3A_59 = arith.cmpi slt, %add3A_57, %lt3A_58 : i32
    %convert_element_type3A_60 = arith.extui %lt3A_59 : i1 to i32
    %cond3A_61 = arith.constant 0 : i32
    %cond3A_62 = arith.cmpi ne, %convert_element_type3A_60, %cond3A_61 : i32
    scf.if %cond3A_62 {
      %mul3A_160 = arith.constant 10000 : i32
      %mul3A_161 = arith.muli %arg0, %mul3A_160 : i32
      %mul3A_162 = arith.constant 80 : i32
      %mul3A_163 = arith.muli %add3A_57, %mul3A_162 : i32
      %add3A_164 = arith.addi %mul3A_161, %mul3A_163 : i32
      %run_scoped3A = arith.constant 1 : i32
      "tpu.region"() ({
        %run_scoped3A_176 = tpu.sem_alloc : memref<!tpu.dma_semaphore, #tpu.memory_space<semaphore_mem>>
        %dma_start3A_177 = arith.constant 0 : i32
        %dma_start3A_178 = tpu.memref_slice %arg7[%run_scoped3A, %dma_start3A_177] : memref<2x80xi32, #tpu.memory_space<vmem>> -> memref<1x80xi32, #tpu.memory_space<vmem>>
        %dma_start3A_179 = tpu.memref_squeeze %dma_start3A_178 : memref<1x80xi32, #tpu.memory_space<vmem>> -> memref<80xi32, #tpu.memory_space<vmem>>
        %dma_start3A_180 = tpu.memref_slice %arg2[%add3A_164] : memref<20000xi32, #tpu.memory_space<hbm>> -> memref<80xi32, #tpu.memory_space<hbm>>
        %dma_start3A_181 = arith.constant 0 : i32
        %dma_start3A_182 = tpu.memref_slice %arg7[%run_scoped3A, %dma_start3A_181] : memref<2x80xi32, #tpu.memory_space<vmem>> -> memref<1x80xi32, #tpu.memory_space<vmem>>
        %dma_start3A_183 = tpu.memref_squeeze %dma_start3A_182 : memref<1x80xi32, #tpu.memory_space<vmem>> -> memref<80xi32, #tpu.memory_space<vmem>>
        %dma_start3A_184 = tpu.memref_slice %arg2[%add3A_164] : memref<20000xi32, #tpu.memory_space<hbm>> -> memref<80xi32, #tpu.memory_space<hbm>>
        tpu.enqueue_dma source(%dma_start3A_184 : memref<80xi32, #tpu.memory_space<hbm>>) target(%dma_start3A_183 : memref<80xi32, #tpu.memory_space<vmem>>) target_semaphore(%run_scoped3A_176 : memref<!tpu.dma_semaphore, #tpu.memory_space<semaphore_mem>>)
        %dma_wait3A = arith.constant 0 : i32
        %dma_wait3A_185 = tpu.memref_slice %arg7[%run_scoped3A, %dma_wait3A] : memref<2x80xi32, #tpu.memory_space<vmem>> -> memref<1x80xi32, #tpu.memory_space<vmem>>
        %dma_wait3A_186 = tpu.memref_squeeze %dma_wait3A_185 : memref<1x80xi32, #tpu.memory_space<vmem>> -> memref<80xi32, #tpu.memory_space<vmem>>
        %dma_wait3A_187 = tpu.memref_slice %arg2[%add3A_164] : memref<20000xi32, #tpu.memory_space<hbm>> -> memref<80xi32, #tpu.memory_space<hbm>>
        %dma_wait3A_188 = arith.constant 0 : i32
        %dma_wait3A_189 = tpu.memref_slice %arg7[%run_scoped3A, %dma_wait3A_188] : memref<2x80xi32, #tpu.memory_space<vmem>> -> memref<1x80xi32, #tpu.memory_space<vmem>>
        %dma_wait3A_190 = tpu.memref_squeeze %dma_wait3A_189 : memref<1x80xi32, #tpu.memory_space<vmem>> -> memref<80xi32, #tpu.memory_space<vmem>>
        %dma_wait3A_191 = tpu.memref_slice %arg2[%add3A_164] : memref<20000xi32, #tpu.memory_space<hbm>> -> memref<80xi32, #tpu.memory_space<hbm>>
        tpu.wait_dma2 semaphore(%run_scoped3A_176 : memref<!tpu.dma_semaphore, #tpu.memory_space<semaphore_mem>>) src(%dma_wait3A_191 : memref<80xi32, #tpu.memory_space<hbm>>) dst(%dma_wait3A_190 : memref<80xi32, #tpu.memory_space<vmem>>)
        tpu.yield
      }) : () -> ()
      %dma_start3A = arith.constant 1 : i32
      %dma_start3A_165 = arith.constant 1 : i32
      %dma_start3A_166 = arith.constant 0 : i32
      %dma_start3A_167 = arith.constant 0 : i32
      %dma_start3A_168 = tpu.memref_slice %arg8[%dma_start3A_165, %dma_start3A_166, %dma_start3A_167] : memref<2x80x128xf32, #tpu.memory_space<vmem>> -> memref<1x80x128xf32, #tpu.memory_space<vmem>>
      %dma_start3A_169 = tpu.memref_squeeze %dma_start3A_168 : memref<1x80x128xf32, #tpu.memory_space<vmem>> -> memref<80x128xf32, #tpu.memory_space<vmem>>
      %dma_start3A_170 = arith.constant 0 : i32
      %dma_start3A_171 = tpu.memref_slice %arg7[%dma_start3A, %dma_start3A_170] : memref<2x80xi32, #tpu.memory_space<vmem>> -> memref<1x80xi32, #tpu.memory_space<vmem>>
      %dma_start3A_172 = tpu.memref_squeeze %dma_start3A_171 : memref<1x80xi32, #tpu.memory_space<vmem>> -> memref<80xi32, #tpu.memory_space<vmem>>
      %dma_start3A_173 = arith.constant 0 : i32
      %dma_start3A_174 = arith.constant 0 : i32
      %dma_start3A_175 = tpu.memref_slice %arg4[%dma_start3A_173, %dma_start3A_174] : memref<50000x128xf32, #tpu.memory_space<hbm>> -> memref<50000x128xf32, #tpu.memory_space<hbm>>
      tpu.enqueue_indirect_dma source(%dma_start3A_175 : memref<50000x128xf32, #tpu.memory_space<hbm>>) target(%dma_start3A_169 : memref<80x128xf32, #tpu.memory_space<vmem>>) offsets(%dma_start3A_172 : memref<80xi32, #tpu.memory_space<vmem>>) semaphore(%arg15 : memref<!tpu.dma_semaphore, #tpu.memory_space<semaphore_mem>>)
    } else {
    }
    %add3A_63 = arith.constant 32 : i32
    %add3A_64 = arith.addi %add3A_63, %arg1 : i32
    %lt3A_65 = arith.constant 125 : i32
    %lt3A_66 = arith.cmpi slt, %add3A_64, %lt3A_65 : i32
    %convert_element_type3A_67 = arith.extui %lt3A_66 : i1 to i32
    %cond3A_68 = arith.constant 0 : i32
    %cond3A_69 = arith.cmpi ne, %convert_element_type3A_67, %cond3A_68 : i32
    scf.if %cond3A_69 {
      %dma_wait3A = arith.constant 0 : i32
      %dma_wait3A_160 = arith.constant 0 : i32
      %dma_wait3A_161 = arith.constant 0 : i32
      %dma_wait3A_162 = tpu.memref_slice %arg8[%dma_wait3A, %dma_wait3A_160, %dma_wait3A_161] : memref<2x80x128xf32, #tpu.memory_space<vmem>> -> memref<1x80x128xf32, #tpu.memory_space<vmem>>
      %dma_wait3A_163 = tpu.memref_squeeze %dma_wait3A_162 : memref<1x80x128xf32, #tpu.memory_space<vmem>> -> memref<80x128xf32, #tpu.memory_space<vmem>>
      %dma_wait3A_164 = arith.constant 0 : i32
      %dma_wait3A_165 = arith.constant 0 : i32
      %dma_wait3A_166 = tpu.memref_slice %arg4[%dma_wait3A_164, %dma_wait3A_165] : memref<50000x128xf32, #tpu.memory_space<hbm>> -> memref<80x128xf32, #tpu.memory_space<hbm>>
      %dma_wait3A_167 = arith.constant 0 : i32
      %dma_wait3A_168 = arith.constant 0 : i32
      %dma_wait3A_169 = tpu.memref_slice %arg8[%dma_wait3A, %dma_wait3A_167, %dma_wait3A_168] : memref<2x80x128xf32, #tpu.memory_space<vmem>> -> memref<1x80x128xf32, #tpu.memory_space<vmem>>
      %dma_wait3A_170 = tpu.memref_squeeze %dma_wait3A_169 : memref<1x80x128xf32, #tpu.memory_space<vmem>> -> memref<80x128xf32, #tpu.memory_space<vmem>>
      %dma_wait3A_171 = arith.constant 0 : i32
      %dma_wait3A_172 = arith.constant 0 : i32
      %dma_wait3A_173 = tpu.memref_slice %arg4[%dma_wait3A_171, %dma_wait3A_172] : memref<50000x128xf32, #tpu.memory_space<hbm>> -> memref<80x128xf32, #tpu.memory_space<hbm>>
      tpu.wait_dma2 semaphore(%arg15 : memref<!tpu.dma_semaphore, #tpu.memory_space<semaphore_mem>>) src(%dma_wait3A_173 : memref<80x128xf32, #tpu.memory_space<hbm>>) dst(%dma_wait3A_170 : memref<80x128xf32, #tpu.memory_space<vmem>>)
      %mul3A_174 = arith.constant 10000 : i32
      %mul3A_175 = arith.muli %arg0, %mul3A_174 : i32
      %mul3A_176 = arith.constant 80 : i32
      %mul3A_177 = arith.muli %add3A_64, %mul3A_176 : i32
      %add3A_178 = arith.addi %mul3A_175, %mul3A_177 : i32
      %run_scoped3A = arith.constant 0 : i32
      "tpu.region"() ({
        %run_scoped3A_179 = tpu.sem_alloc : memref<!tpu.dma_semaphore, #tpu.memory_space<semaphore_mem>>
        %dma_start3A = arith.constant 0 : i32
        %dma_start3A_180 = arith.constant 0 : i32
        %dma_start3A_181 = tpu.memref_slice %arg8[%run_scoped3A, %dma_start3A, %dma_start3A_180] : memref<2x80x128xf32, #tpu.memory_space<vmem>> -> memref<1x80x128xf32, #tpu.memory_space<vmem>>
        %dma_start3A_182 = tpu.memref_squeeze %dma_start3A_181 : memref<1x80x128xf32, #tpu.memory_space<vmem>> -> memref<80x128xf32, #tpu.memory_space<vmem>>
        %dma_start3A_183 = arith.constant 0 : i32
        %dma_start3A_184 = tpu.memref_slice %arg5[%add3A_178, %dma_start3A_183] : memref<20000x128xf32, #tpu.memory_space<hbm>> -> memref<80x128xf32, #tpu.memory_space<hbm>>
        %dma_start3A_185 = arith.constant 0 : i32
        %dma_start3A_186 = tpu.memref_slice %arg5[%add3A_178, %dma_start3A_185] : memref<20000x128xf32, #tpu.memory_space<hbm>> -> memref<80x128xf32, #tpu.memory_space<hbm>>
        %dma_start3A_187 = arith.constant 0 : i32
        %dma_start3A_188 = arith.constant 0 : i32
        %dma_start3A_189 = tpu.memref_slice %arg8[%run_scoped3A, %dma_start3A_187, %dma_start3A_188] : memref<2x80x128xf32, #tpu.memory_space<vmem>> -> memref<1x80x128xf32, #tpu.memory_space<vmem>>
        %dma_start3A_190 = tpu.memref_squeeze %dma_start3A_189 : memref<1x80x128xf32, #tpu.memory_space<vmem>> -> memref<80x128xf32, #tpu.memory_space<vmem>>
        tpu.enqueue_dma source(%dma_start3A_190 : memref<80x128xf32, #tpu.memory_space<vmem>>) target(%dma_start3A_186 : memref<80x128xf32, #tpu.memory_space<hbm>>) target_semaphore(%run_scoped3A_179 : memref<!tpu.dma_semaphore, #tpu.memory_space<semaphore_mem>>)
        %dma_wait3A_191 = arith.constant 0 : i32
        %dma_wait3A_192 = arith.constant 0 : i32
        %dma_wait3A_193 = tpu.memref_slice %arg8[%run_scoped3A, %dma_wait3A_191, %dma_wait3A_192] : memref<2x80x128xf32, #tpu.memory_space<vmem>> -> memref<1x80x128xf32, #tpu.memory_space<vmem>>
        %dma_wait3A_194 = tpu.memref_squeeze %dma_wait3A_193 : memref<1x80x128xf32, #tpu.memory_space<vmem>> -> memref<80x128xf32, #tpu.memory_space<vmem>>
        %dma_wait3A_195 = arith.constant 0 : i32
        %dma_wait3A_196 = tpu.memref_slice %arg5[%add3A_178, %dma_wait3A_195] : memref<20000x128xf32, #tpu.memory_space<hbm>> -> memref<80x128xf32, #tpu.memory_space<hbm>>
        %dma_wait3A_197 = arith.constant 0 : i32
        %dma_wait3A_198 = tpu.memref_slice %arg5[%add3A_178, %dma_wait3A_197] : memref<20000x128xf32, #tpu.memory_space<hbm>> -> memref<80x128xf32, #tpu.memory_space<hbm>>
        %dma_wait3A_199 = arith.constant 0 : i32
        %dma_wait3A_200 = arith.constant 0 : i32
        %dma_wait3A_201 = tpu.memref_slice %arg8[%run_scoped3A, %dma_wait3A_199, %dma_wait3A_200] : memref<2x80x128xf32, #tpu.memory_space<vmem>> -> memref<1x80x128xf32, #tpu.memory_space<vmem>>
        %dma_wait3A_202 = tpu.memref_squeeze %dma_wait3A_201 : memref<1x80x128xf32, #tpu.memory_space<vmem>> -> memref<80x128xf32, #tpu.memory_space<vmem>>
        tpu.wait_dma2 semaphore(%run_scoped3A_179 : memref<!tpu.dma_semaphore, #tpu.memory_space<semaphore_mem>>) src(%dma_wait3A_202 : memref<80x128xf32, #tpu.memory_space<vmem>>) dst(%dma_wait3A_198 : memref<80x128xf32, #tpu.memory_space<hbm>>)
        tpu.yield
      }) : () -> ()
    } else {
    }
    %add3A_70 = arith.constant 64 : i32
    %add3A_71 = arith.addi %add3A_70, %arg1 : i32
    %lt3A_72 = arith.constant 125 : i32
    %lt3A_73 = arith.cmpi slt, %add3A_71, %lt3A_72 : i32
    %convert_element_type3A_74 = arith.extui %lt3A_73 : i1 to i32
    %cond3A_75 = arith.constant 0 : i32
    %cond3A_76 = arith.cmpi ne, %convert_element_type3A_74, %cond3A_75 : i32
    scf.if %cond3A_76 {
      %mul3A_160 = arith.constant 10000 : i32
      %mul3A_161 = arith.muli %arg0, %mul3A_160 : i32
      %mul3A_162 = arith.constant 80 : i32
      %mul3A_163 = arith.muli %add3A_71, %mul3A_162 : i32
      %add3A_164 = arith.addi %mul3A_161, %mul3A_163 : i32
      %run_scoped3A = arith.constant 0 : i32
      "tpu.region"() ({
        %run_scoped3A_176 = tpu.sem_alloc : memref<!tpu.dma_semaphore, #tpu.memory_space<semaphore_mem>>
        %dma_start3A_177 = arith.constant 0 : i32
        %dma_start3A_178 = tpu.memref_slice %arg7[%run_scoped3A, %dma_start3A_177] : memref<2x80xi32, #tpu.memory_space<vmem>> -> memref<1x80xi32, #tpu.memory_space<vmem>>
        %dma_start3A_179 = tpu.memref_squeeze %dma_start3A_178 : memref<1x80xi32, #tpu.memory_space<vmem>> -> memref<80xi32, #tpu.memory_space<vmem>>
        %dma_start3A_180 = tpu.memref_slice %arg2[%add3A_164] : memref<20000xi32, #tpu.memory_space<hbm>> -> memref<80xi32, #tpu.memory_space<hbm>>
        %dma_start3A_181 = arith.constant 0 : i32
        %dma_start3A_182 = tpu.memref_slice %arg7[%run_scoped3A, %dma_start3A_181] : memref<2x80xi32, #tpu.memory_space<vmem>> -> memref<1x80xi32, #tpu.memory_space<vmem>>
        %dma_start3A_183 = tpu.memref_squeeze %dma_start3A_182 : memref<1x80xi32, #tpu.memory_space<vmem>> -> memref<80xi32, #tpu.memory_space<vmem>>
        %dma_start3A_184 = tpu.memref_slice %arg2[%add3A_164] : memref<20000xi32, #tpu.memory_space<hbm>> -> memref<80xi32, #tpu.memory_space<hbm>>
        tpu.enqueue_dma source(%dma_start3A_184 : memref<80xi32, #tpu.memory_space<hbm>>) target(%dma_start3A_183 : memref<80xi32, #tpu.memory_space<vmem>>) target_semaphore(%run_scoped3A_176 : memref<!tpu.dma_semaphore, #tpu.memory_space<semaphore_mem>>)
        %dma_wait3A = arith.constant 0 : i32
        %dma_wait3A_185 = tpu.memref_slice %arg7[%run_scoped3A, %dma_wait3A] : memref<2x80xi32, #tpu.memory_space<vmem>> -> memref<1x80xi32, #tpu.memory_space<vmem>>
        %dma_wait3A_186 = tpu.memref_squeeze %dma_wait3A_185 : memref<1x80xi32, #tpu.memory_space<vmem>> -> memref<80xi32, #tpu.memory_space<vmem>>
        %dma_wait3A_187 = tpu.memref_slice %arg2[%add3A_164] : memref<20000xi32, #tpu.memory_space<hbm>> -> memref<80xi32, #tpu.memory_space<hbm>>
        %dma_wait3A_188 = arith.constant 0 : i32
        %dma_wait3A_189 = tpu.memref_slice %arg7[%run_scoped3A, %dma_wait3A_188] : memref<2x80xi32, #tpu.memory_space<vmem>> -> memref<1x80xi32, #tpu.memory_space<vmem>>
        %dma_wait3A_190 = tpu.memref_squeeze %dma_wait3A_189 : memref<1x80xi32, #tpu.memory_space<vmem>> -> memref<80xi32, #tpu.memory_space<vmem>>
        %dma_wait3A_191 = tpu.memref_slice %arg2[%add3A_164] : memref<20000xi32, #tpu.memory_space<hbm>> -> memref<80xi32, #tpu.memory_space<hbm>>
        tpu.wait_dma2 semaphore(%run_scoped3A_176 : memref<!tpu.dma_semaphore, #tpu.memory_space<semaphore_mem>>) src(%dma_wait3A_191 : memref<80xi32, #tpu.memory_space<hbm>>) dst(%dma_wait3A_190 : memref<80xi32, #tpu.memory_space<vmem>>)
        tpu.yield
      }) : () -> ()
      %dma_start3A = arith.constant 0 : i32
      %dma_start3A_165 = arith.constant 0 : i32
      %dma_start3A_166 = arith.constant 0 : i32
      %dma_start3A_167 = arith.constant 0 : i32
      %dma_start3A_168 = tpu.memref_slice %arg8[%dma_start3A_165, %dma_start3A_166, %dma_start3A_167] : memref<2x80x128xf32, #tpu.memory_space<vmem>> -> memref<1x80x128xf32, #tpu.memory_space<vmem>>
      %dma_start3A_169 = tpu.memref_squeeze %dma_start3A_168 : memref<1x80x128xf32, #tpu.memory_space<vmem>> -> memref<80x128xf32, #tpu.memory_space<vmem>>
      %dma_start3A_170 = arith.constant 0 : i32
      %dma_start3A_171 = tpu.memref_slice %arg7[%dma_start3A, %dma_start3A_170] : memref<2x80xi32, #tpu.memory_space<vmem>> -> memref<1x80xi32, #tpu.memory_space<vmem>>
      %dma_start3A_172 = tpu.memref_squeeze %dma_start3A_171 : memref<1x80xi32, #tpu.memory_space<vmem>> -> memref<80xi32, #tpu.memory_space<vmem>>
      %dma_start3A_173 = arith.constant 0 : i32
      %dma_start3A_174 = arith.constant 0 : i32
      %dma_start3A_175 = tpu.memref_slice %arg4[%dma_start3A_173, %dma_start3A_174] : memref<50000x128xf32, #tpu.memory_space<hbm>> -> memref<50000x128xf32, #tpu.memory_space<hbm>>
      tpu.enqueue_indirect_dma source(%dma_start3A_175 : memref<50000x128xf32, #tpu.memory_space<hbm>>) target(%dma_start3A_169 : memref<80x128xf32, #tpu.memory_space<vmem>>) offsets(%dma_start3A_172 : memref<80xi32, #tpu.memory_space<vmem>>) semaphore(%arg15 : memref<!tpu.dma_semaphore, #tpu.memory_space<semaphore_mem>>)
    } else {
    }
    %add3A_77 = arith.constant 48 : i32
    %add3A_78 = arith.addi %add3A_77, %arg1 : i32
    %lt3A_79 = arith.constant 125 : i32
    %lt3A_80 = arith.cmpi slt, %add3A_78, %lt3A_79 : i32
    %convert_element_type3A_81 = arith.extui %lt3A_80 : i1 to i32
    %cond3A_82 = arith.constant 0 : i32
    %cond3A_83 = arith.cmpi ne, %convert_element_type3A_81, %cond3A_82 : i32
    scf.if %cond3A_83 {
      %dma_wait3A = arith.constant 1 : i32
      %dma_wait3A_160 = arith.constant 0 : i32
      %dma_wait3A_161 = arith.constant 0 : i32
      %dma_wait3A_162 = tpu.memref_slice %arg8[%dma_wait3A, %dma_wait3A_160, %dma_wait3A_161] : memref<2x80x128xf32, #tpu.memory_space<vmem>> -> memref<1x80x128xf32, #tpu.memory_space<vmem>>
      %dma_wait3A_163 = tpu.memref_squeeze %dma_wait3A_162 : memref<1x80x128xf32, #tpu.memory_space<vmem>> -> memref<80x128xf32, #tpu.memory_space<vmem>>
      %dma_wait3A_164 = arith.constant 0 : i32
      %dma_wait3A_165 = arith.constant 0 : i32
      %dma_wait3A_166 = tpu.memref_slice %arg4[%dma_wait3A_164, %dma_wait3A_165] : memref<50000x128xf32, #tpu.memory_space<hbm>> -> memref<80x128xf32, #tpu.memory_space<hbm>>
      %dma_wait3A_167 = arith.constant 0 : i32
      %dma_wait3A_168 = arith.constant 0 : i32
      %dma_wait3A_169 = tpu.memref_slice %arg8[%dma_wait3A, %dma_wait3A_167, %dma_wait3A_168] : memref<2x80x128xf32, #tpu.memory_space<vmem>> -> memref<1x80x128xf32, #tpu.memory_space<vmem>>
      %dma_wait3A_170 = tpu.memref_squeeze %dma_wait3A_169 : memref<1x80x128xf32, #tpu.memory_space<vmem>> -> memref<80x128xf32, #tpu.memory_space<vmem>>
      %dma_wait3A_171 = arith.constant 0 : i32
      %dma_wait3A_172 = arith.constant 0 : i32
      %dma_wait3A_173 = tpu.memref_slice %arg4[%dma_wait3A_171, %dma_wait3A_172] : memref<50000x128xf32, #tpu.memory_space<hbm>> -> memref<80x128xf32, #tpu.memory_space<hbm>>
      tpu.wait_dma2 semaphore(%arg15 : memref<!tpu.dma_semaphore, #tpu.memory_space<semaphore_mem>>) src(%dma_wait3A_173 : memref<80x128xf32, #tpu.memory_space<hbm>>) dst(%dma_wait3A_170 : memref<80x128xf32, #tpu.memory_space<vmem>>)
      %mul3A_174 = arith.constant 10000 : i32
      %mul3A_175 = arith.muli %arg0, %mul3A_174 : i32
      %mul3A_176 = arith.constant 80 : i32
      %mul3A_177 = arith.muli %add3A_78, %mul3A_176 : i32
      %add3A_178 = arith.addi %mul3A_175, %mul3A_177 : i32
      %run_scoped3A = arith.constant 1 : i32
      "tpu.region"() ({
        %run_scoped3A_179 = tpu.sem_alloc : memref<!tpu.dma_semaphore, #tpu.memory_space<semaphore_mem>>
        %dma_start3A = arith.constant 0 : i32
        %dma_start3A_180 = arith.constant 0 : i32
        %dma_start3A_181 = tpu.memref_slice %arg8[%run_scoped3A, %dma_start3A, %dma_start3A_180] : memref<2x80x128xf32, #tpu.memory_space<vmem>> -> memref<1x80x128xf32, #tpu.memory_space<vmem>>
        %dma_start3A_182 = tpu.memref_squeeze %dma_start3A_181 : memref<1x80x128xf32, #tpu.memory_space<vmem>> -> memref<80x128xf32, #tpu.memory_space<vmem>>
        %dma_start3A_183 = arith.constant 0 : i32
        %dma_start3A_184 = tpu.memref_slice %arg5[%add3A_178, %dma_start3A_183] : memref<20000x128xf32, #tpu.memory_space<hbm>> -> memref<80x128xf32, #tpu.memory_space<hbm>>
        %dma_start3A_185 = arith.constant 0 : i32
        %dma_start3A_186 = tpu.memref_slice %arg5[%add3A_178, %dma_start3A_185] : memref<20000x128xf32, #tpu.memory_space<hbm>> -> memref<80x128xf32, #tpu.memory_space<hbm>>
        %dma_start3A_187 = arith.constant 0 : i32
        %dma_start3A_188 = arith.constant 0 : i32
        %dma_start3A_189 = tpu.memref_slice %arg8[%run_scoped3A, %dma_start3A_187, %dma_start3A_188] : memref<2x80x128xf32, #tpu.memory_space<vmem>> -> memref<1x80x128xf32, #tpu.memory_space<vmem>>
        %dma_start3A_190 = tpu.memref_squeeze %dma_start3A_189 : memref<1x80x128xf32, #tpu.memory_space<vmem>> -> memref<80x128xf32, #tpu.memory_space<vmem>>
        tpu.enqueue_dma source(%dma_start3A_190 : memref<80x128xf32, #tpu.memory_space<vmem>>) target(%dma_start3A_186 : memref<80x128xf32, #tpu.memory_space<hbm>>) target_semaphore(%run_scoped3A_179 : memref<!tpu.dma_semaphore, #tpu.memory_space<semaphore_mem>>)
        %dma_wait3A_191 = arith.constant 0 : i32
        %dma_wait3A_192 = arith.constant 0 : i32
        %dma_wait3A_193 = tpu.memref_slice %arg8[%run_scoped3A, %dma_wait3A_191, %dma_wait3A_192] : memref<2x80x128xf32, #tpu.memory_space<vmem>> -> memref<1x80x128xf32, #tpu.memory_space<vmem>>
        %dma_wait3A_194 = tpu.memref_squeeze %dma_wait3A_193 : memref<1x80x128xf32, #tpu.memory_space<vmem>> -> memref<80x128xf32, #tpu.memory_space<vmem>>
        %dma_wait3A_195 = arith.constant 0 : i32
        %dma_wait3A_196 = tpu.memref_slice %arg5[%add3A_178, %dma_wait3A_195] : memref<20000x128xf32, #tpu.memory_space<hbm>> -> memref<80x128xf32, #tpu.memory_space<hbm>>
        %dma_wait3A_197 = arith.constant 0 : i32
        %dma_wait3A_198 = tpu.memref_slice %arg5[%add3A_178, %dma_wait3A_197] : memref<20000x128xf32, #tpu.memory_space<hbm>> -> memref<80x128xf32, #tpu.memory_space<hbm>>
        %dma_wait3A_199 = arith.constant 0 : i32
        %dma_wait3A_200 = arith.constant 0 : i32
        %dma_wait3A_201 = tpu.memref_slice %arg8[%run_scoped3A, %dma_wait3A_199, %dma_wait3A_200] : memref<2x80x128xf32, #tpu.memory_space<vmem>> -> memref<1x80x128xf32, #tpu.memory_space<vmem>>
        %dma_wait3A_202 = tpu.memref_squeeze %dma_wait3A_201 : memref<1x80x128xf32, #tpu.memory_space<vmem>> -> memref<80x128xf32, #tpu.memory_space<vmem>>
        tpu.wait_dma2 semaphore(%run_scoped3A_179 : memref<!tpu.dma_semaphore, #tpu.memory_space<semaphore_mem>>) src(%dma_wait3A_202 : memref<80x128xf32, #tpu.memory_space<vmem>>) dst(%dma_wait3A_198 : memref<80x128xf32, #tpu.memory_space<hbm>>)
        tpu.yield
      }) : () -> ()
    } else {
    }
    %add3A_84 = arith.constant 80 : i32
    %add3A_85 = arith.addi %add3A_84, %arg1 : i32
    %lt3A_86 = arith.constant 125 : i32
    %lt3A_87 = arith.cmpi slt, %add3A_85, %lt3A_86 : i32
    %convert_element_type3A_88 = arith.extui %lt3A_87 : i1 to i32
    %cond3A_89 = arith.constant 0 : i32
    %cond3A_90 = arith.cmpi ne, %convert_element_type3A_88, %cond3A_89 : i32
    scf.if %cond3A_90 {
      %mul3A_160 = arith.constant 10000 : i32
      %mul3A_161 = arith.muli %arg0, %mul3A_160 : i32
      %mul3A_162 = arith.constant 80 : i32
      %mul3A_163 = arith.muli %add3A_85, %mul3A_162 : i32
      %add3A_164 = arith.addi %mul3A_161, %mul3A_163 : i32
      %run_scoped3A = arith.constant 1 : i32
      "tpu.region"() ({
        %run_scoped3A_176 = tpu.sem_alloc : memref<!tpu.dma_semaphore, #tpu.memory_space<semaphore_mem>>
        %dma_start3A_177 = arith.constant 0 : i32
        %dma_start3A_178 = tpu.memref_slice %arg7[%run_scoped3A, %dma_start3A_177] : memref<2x80xi32, #tpu.memory_space<vmem>> -> memref<1x80xi32, #tpu.memory_space<vmem>>
        %dma_start3A_179 = tpu.memref_squeeze %dma_start3A_178 : memref<1x80xi32, #tpu.memory_space<vmem>> -> memref<80xi32, #tpu.memory_space<vmem>>
        %dma_start3A_180 = tpu.memref_slice %arg2[%add3A_164] : memref<20000xi32, #tpu.memory_space<hbm>> -> memref<80xi32, #tpu.memory_space<hbm>>
        %dma_start3A_181 = arith.constant 0 : i32
        %dma_start3A_182 = tpu.memref_slice %arg7[%run_scoped3A, %dma_start3A_181] : memref<2x80xi32, #tpu.memory_space<vmem>> -> memref<1x80xi32, #tpu.memory_space<vmem>>
        %dma_start3A_183 = tpu.memref_squeeze %dma_start3A_182 : memref<1x80xi32, #tpu.memory_space<vmem>> -> memref<80xi32, #tpu.memory_space<vmem>>
        %dma_start3A_184 = tpu.memref_slice %arg2[%add3A_164] : memref<20000xi32, #tpu.memory_space<hbm>> -> memref<80xi32, #tpu.memory_space<hbm>>
        tpu.enqueue_dma source(%dma_start3A_184 : memref<80xi32, #tpu.memory_space<hbm>>) target(%dma_start3A_183 : memref<80xi32, #tpu.memory_space<vmem>>) target_semaphore(%run_scoped3A_176 : memref<!tpu.dma_semaphore, #tpu.memory_space<semaphore_mem>>)
        %dma_wait3A = arith.constant 0 : i32
        %dma_wait3A_185 = tpu.memref_slice %arg7[%run_scoped3A, %dma_wait3A] : memref<2x80xi32, #tpu.memory_space<vmem>> -> memref<1x80xi32, #tpu.memory_space<vmem>>
        %dma_wait3A_186 = tpu.memref_squeeze %dma_wait3A_185 : memref<1x80xi32, #tpu.memory_space<vmem>> -> memref<80xi32, #tpu.memory_space<vmem>>
        %dma_wait3A_187 = tpu.memref_slice %arg2[%add3A_164] : memref<20000xi32, #tpu.memory_space<hbm>> -> memref<80xi32, #tpu.memory_space<hbm>>
        %dma_wait3A_188 = arith.constant 0 : i32
        %dma_wait3A_189 = tpu.memref_slice %arg7[%run_scoped3A, %dma_wait3A_188] : memref<2x80xi32, #tpu.memory_space<vmem>> -> memref<1x80xi32, #tpu.memory_space<vmem>>
        %dma_wait3A_190 = tpu.memref_squeeze %dma_wait3A_189 : memref<1x80xi32, #tpu.memory_space<vmem>> -> memref<80xi32, #tpu.memory_space<vmem>>
        %dma_wait3A_191 = tpu.memref_slice %arg2[%add3A_164] : memref<20000xi32, #tpu.memory_space<hbm>> -> memref<80xi32, #tpu.memory_space<hbm>>
        tpu.wait_dma2 semaphore(%run_scoped3A_176 : memref<!tpu.dma_semaphore, #tpu.memory_space<semaphore_mem>>) src(%dma_wait3A_191 : memref<80xi32, #tpu.memory_space<hbm>>) dst(%dma_wait3A_190 : memref<80xi32, #tpu.memory_space<vmem>>)
        tpu.yield
      }) : () -> ()
      %dma_start3A = arith.constant 1 : i32
      %dma_start3A_165 = arith.constant 1 : i32
      %dma_start3A_166 = arith.constant 0 : i32
      %dma_start3A_167 = arith.constant 0 : i32
      %dma_start3A_168 = tpu.memref_slice %arg8[%dma_start3A_165, %dma_start3A_166, %dma_start3A_167] : memref<2x80x128xf32, #tpu.memory_space<vmem>> -> memref<1x80x128xf32, #tpu.memory_space<vmem>>
      %dma_start3A_169 = tpu.memref_squeeze %dma_start3A_168 : memref<1x80x128xf32, #tpu.memory_space<vmem>> -> memref<80x128xf32, #tpu.memory_space<vmem>>
      %dma_start3A_170 = arith.constant 0 : i32
      %dma_start3A_171 = tpu.memref_slice %arg7[%dma_start3A, %dma_start3A_170] : memref<2x80xi32, #tpu.memory_space<vmem>> -> memref<1x80xi32, #tpu.memory_space<vmem>>
      %dma_start3A_172 = tpu.memref_squeeze %dma_start3A_171 : memref<1x80xi32, #tpu.memory_space<vmem>> -> memref<80xi32, #tpu.memory_space<vmem>>
      %dma_start3A_173 = arith.constant 0 : i32
      %dma_start3A_174 = arith.constant 0 : i32
      %dma_start3A_175 = tpu.memref_slice %arg4[%dma_start3A_173, %dma_start3A_174] : memref<50000x128xf32, #tpu.memory_space<hbm>> -> memref<50000x128xf32, #tpu.memory_space<hbm>>
      tpu.enqueue_indirect_dma source(%dma_start3A_175 : memref<50000x128xf32, #tpu.memory_space<hbm>>) target(%dma_start3A_169 : memref<80x128xf32, #tpu.memory_space<vmem>>) offsets(%dma_start3A_172 : memref<80xi32, #tpu.memory_space<vmem>>) semaphore(%arg15 : memref<!tpu.dma_semaphore, #tpu.memory_space<semaphore_mem>>)
    } else {
    }
    %add3A_91 = arith.constant 64 : i32
    %add3A_92 = arith.addi %add3A_91, %arg1 : i32
    %lt3A_93 = arith.constant 125 : i32
    %lt3A_94 = arith.cmpi slt, %add3A_92, %lt3A_93 : i32
    %convert_element_type3A_95 = arith.extui %lt3A_94 : i1 to i32
    %cond3A_96 = arith.constant 0 : i32
    %cond3A_97 = arith.cmpi ne, %convert_element_type3A_95, %cond3A_96 : i32
    scf.if %cond3A_97 {
      %dma_wait3A = arith.constant 0 : i32
      %dma_wait3A_160 = arith.constant 0 : i32
      %dma_wait3A_161 = arith.constant 0 : i32
      %dma_wait3A_162 = tpu.memref_slice %arg8[%dma_wait3A, %dma_wait3A_160, %dma_wait3A_161] : memref<2x80x128xf32, #tpu.memory_space<vmem>> -> memref<1x80x128xf32, #tpu.memory_space<vmem>>
      %dma_wait3A_163 = tpu.memref_squeeze %dma_wait3A_162 : memref<1x80x128xf32, #tpu.memory_space<vmem>> -> memref<80x128xf32, #tpu.memory_space<vmem>>
      %dma_wait3A_164 = arith.constant 0 : i32
      %dma_wait3A_165 = arith.constant 0 : i32
      %dma_wait3A_166 = tpu.memref_slice %arg4[%dma_wait3A_164, %dma_wait3A_165] : memref<50000x128xf32, #tpu.memory_space<hbm>> -> memref<80x128xf32, #tpu.memory_space<hbm>>
      %dma_wait3A_167 = arith.constant 0 : i32
      %dma_wait3A_168 = arith.constant 0 : i32
      %dma_wait3A_169 = tpu.memref_slice %arg8[%dma_wait3A, %dma_wait3A_167, %dma_wait3A_168] : memref<2x80x128xf32, #tpu.memory_space<vmem>> -> memref<1x80x128xf32, #tpu.memory_space<vmem>>
      %dma_wait3A_170 = tpu.memref_squeeze %dma_wait3A_169 : memref<1x80x128xf32, #tpu.memory_space<vmem>> -> memref<80x128xf32, #tpu.memory_space<vmem>>
      %dma_wait3A_171 = arith.constant 0 : i32
      %dma_wait3A_172 = arith.constant 0 : i32
      %dma_wait3A_173 = tpu.memref_slice %arg4[%dma_wait3A_171, %dma_wait3A_172] : memref<50000x128xf32, #tpu.memory_space<hbm>> -> memref<80x128xf32, #tpu.memory_space<hbm>>
      tpu.wait_dma2 semaphore(%arg15 : memref<!tpu.dma_semaphore, #tpu.memory_space<semaphore_mem>>) src(%dma_wait3A_173 : memref<80x128xf32, #tpu.memory_space<hbm>>) dst(%dma_wait3A_170 : memref<80x128xf32, #tpu.memory_space<vmem>>)
      %mul3A_174 = arith.constant 10000 : i32
      %mul3A_175 = arith.muli %arg0, %mul3A_174 : i32
      %mul3A_176 = arith.constant 80 : i32
      %mul3A_177 = arith.muli %add3A_92, %mul3A_176 : i32
      %add3A_178 = arith.addi %mul3A_175, %mul3A_177 : i32
      %run_scoped3A = arith.constant 0 : i32
      "tpu.region"() ({
        %run_scoped3A_179 = tpu.sem_alloc : memref<!tpu.dma_semaphore, #tpu.memory_space<semaphore_mem>>
        %dma_start3A = arith.constant 0 : i32
        %dma_start3A_180 = arith.constant 0 : i32
        %dma_start3A_181 = tpu.memref_slice %arg8[%run_scoped3A, %dma_start3A, %dma_start3A_180] : memref<2x80x128xf32, #tpu.memory_space<vmem>> -> memref<1x80x128xf32, #tpu.memory_space<vmem>>
        %dma_start3A_182 = tpu.memref_squeeze %dma_start3A_181 : memref<1x80x128xf32, #tpu.memory_space<vmem>> -> memref<80x128xf32, #tpu.memory_space<vmem>>
        %dma_start3A_183 = arith.constant 0 : i32
        %dma_start3A_184 = tpu.memref_slice %arg5[%add3A_178, %dma_start3A_183] : memref<20000x128xf32, #tpu.memory_space<hbm>> -> memref<80x128xf32, #tpu.memory_space<hbm>>
        %dma_start3A_185 = arith.constant 0 : i32
        %dma_start3A_186 = tpu.memref_slice %arg5[%add3A_178, %dma_start3A_185] : memref<20000x128xf32, #tpu.memory_space<hbm>> -> memref<80x128xf32, #tpu.memory_space<hbm>>
        %dma_start3A_187 = arith.constant 0 : i32
        %dma_start3A_188 = arith.constant 0 : i32
        %dma_start3A_189 = tpu.memref_slice %arg8[%run_scoped3A, %dma_start3A_187, %dma_start3A_188] : memref<2x80x128xf32, #tpu.memory_space<vmem>> -> memref<1x80x128xf32, #tpu.memory_space<vmem>>
        %dma_start3A_190 = tpu.memref_squeeze %dma_start3A_189 : memref<1x80x128xf32, #tpu.memory_space<vmem>> -> memref<80x128xf32, #tpu.memory_space<vmem>>
        tpu.enqueue_dma source(%dma_start3A_190 : memref<80x128xf32, #tpu.memory_space<vmem>>) target(%dma_start3A_186 : memref<80x128xf32, #tpu.memory_space<hbm>>) target_semaphore(%run_scoped3A_179 : memref<!tpu.dma_semaphore, #tpu.memory_space<semaphore_mem>>)
        %dma_wait3A_191 = arith.constant 0 : i32
        %dma_wait3A_192 = arith.constant 0 : i32
        %dma_wait3A_193 = tpu.memref_slice %arg8[%run_scoped3A, %dma_wait3A_191, %dma_wait3A_192] : memref<2x80x128xf32, #tpu.memory_space<vmem>> -> memref<1x80x128xf32, #tpu.memory_space<vmem>>
        %dma_wait3A_194 = tpu.memref_squeeze %dma_wait3A_193 : memref<1x80x128xf32, #tpu.memory_space<vmem>> -> memref<80x128xf32, #tpu.memory_space<vmem>>
        %dma_wait3A_195 = arith.constant 0 : i32
        %dma_wait3A_196 = tpu.memref_slice %arg5[%add3A_178, %dma_wait3A_195] : memref<20000x128xf32, #tpu.memory_space<hbm>> -> memref<80x128xf32, #tpu.memory_space<hbm>>
        %dma_wait3A_197 = arith.constant 0 : i32
        %dma_wait3A_198 = tpu.memref_slice %arg5[%add3A_178, %dma_wait3A_197] : memref<20000x128xf32, #tpu.memory_space<hbm>> -> memref<80x128xf32, #tpu.memory_space<hbm>>
        %dma_wait3A_199 = arith.constant 0 : i32
        %dma_wait3A_200 = arith.constant 0 : i32
        %dma_wait3A_201 = tpu.memref_slice %arg8[%run_scoped3A, %dma_wait3A_199, %dma_wait3A_200] : memref<2x80x128xf32, #tpu.memory_space<vmem>> -> memref<1x80x128xf32, #tpu.memory_space<vmem>>
        %dma_wait3A_202 = tpu.memref_squeeze %dma_wait3A_201 : memref<1x80x128xf32, #tpu.memory_space<vmem>> -> memref<80x128xf32, #tpu.memory_space<vmem>>
        tpu.wait_dma2 semaphore(%run_scoped3A_179 : memref<!tpu.dma_semaphore, #tpu.memory_space<semaphore_mem>>) src(%dma_wait3A_202 : memref<80x128xf32, #tpu.memory_space<vmem>>) dst(%dma_wait3A_198 : memref<80x128xf32, #tpu.memory_space<hbm>>)
        tpu.yield
      }) : () -> ()
    } else {
    }
    %add3A_98 = arith.constant 96 : i32
    %add3A_99 = arith.addi %add3A_98, %arg1 : i32
    %lt3A_100 = arith.constant 125 : i32
    %lt3A_101 = arith.cmpi slt, %add3A_99, %lt3A_100 : i32
    %convert_element_type3A_102 = arith.extui %lt3A_101 : i1 to i32
    %cond3A_103 = arith.constant 0 : i32
    %cond3A_104 = arith.cmpi ne, %convert_element_type3A_102, %cond3A_103 : i32
    scf.if %cond3A_104 {
      %mul3A_160 = arith.constant 10000 : i32
      %mul3A_161 = arith.muli %arg0, %mul3A_160 : i32
      %mul3A_162 = arith.constant 80 : i32
      %mul3A_163 = arith.muli %add3A_99, %mul3A_162 : i32
      %add3A_164 = arith.addi %mul3A_161, %mul3A_163 : i32
      %run_scoped3A = arith.constant 0 : i32
      "tpu.region"() ({
        %run_scoped3A_176 = tpu.sem_alloc : memref<!tpu.dma_semaphore, #tpu.memory_space<semaphore_mem>>
        %dma_start3A_177 = arith.constant 0 : i32
        %dma_start3A_178 = tpu.memref_slice %arg7[%run_scoped3A, %dma_start3A_177] : memref<2x80xi32, #tpu.memory_space<vmem>> -> memref<1x80xi32, #tpu.memory_space<vmem>>
        %dma_start3A_179 = tpu.memref_squeeze %dma_start3A_178 : memref<1x80xi32, #tpu.memory_space<vmem>> -> memref<80xi32, #tpu.memory_space<vmem>>
        %dma_start3A_180 = tpu.memref_slice %arg2[%add3A_164] : memref<20000xi32, #tpu.memory_space<hbm>> -> memref<80xi32, #tpu.memory_space<hbm>>
        %dma_start3A_181 = arith.constant 0 : i32
        %dma_start3A_182 = tpu.memref_slice %arg7[%run_scoped3A, %dma_start3A_181] : memref<2x80xi32, #tpu.memory_space<vmem>> -> memref<1x80xi32, #tpu.memory_space<vmem>>
        %dma_start3A_183 = tpu.memref_squeeze %dma_start3A_182 : memref<1x80xi32, #tpu.memory_space<vmem>> -> memref<80xi32, #tpu.memory_space<vmem>>
        %dma_start3A_184 = tpu.memref_slice %arg2[%add3A_164] : memref<20000xi32, #tpu.memory_space<hbm>> -> memref<80xi32, #tpu.memory_space<hbm>>
        tpu.enqueue_dma source(%dma_start3A_184 : memref<80xi32, #tpu.memory_space<hbm>>) target(%dma_start3A_183 : memref<80xi32, #tpu.memory_space<vmem>>) target_semaphore(%run_scoped3A_176 : memref<!tpu.dma_semaphore, #tpu.memory_space<semaphore_mem>>)
        %dma_wait3A = arith.constant 0 : i32
        %dma_wait3A_185 = tpu.memref_slice %arg7[%run_scoped3A, %dma_wait3A] : memref<2x80xi32, #tpu.memory_space<vmem>> -> memref<1x80xi32, #tpu.memory_space<vmem>>
        %dma_wait3A_186 = tpu.memref_squeeze %dma_wait3A_185 : memref<1x80xi32, #tpu.memory_space<vmem>> -> memref<80xi32, #tpu.memory_space<vmem>>
        %dma_wait3A_187 = tpu.memref_slice %arg2[%add3A_164] : memref<20000xi32, #tpu.memory_space<hbm>> -> memref<80xi32, #tpu.memory_space<hbm>>
        %dma_wait3A_188 = arith.constant 0 : i32
        %dma_wait3A_189 = tpu.memref_slice %arg7[%run_scoped3A, %dma_wait3A_188] : memref<2x80xi32, #tpu.memory_space<vmem>> -> memref<1x80xi32, #tpu.memory_space<vmem>>
        %dma_wait3A_190 = tpu.memref_squeeze %dma_wait3A_189 : memref<1x80xi32, #tpu.memory_space<vmem>> -> memref<80xi32, #tpu.memory_space<vmem>>
        %dma_wait3A_191 = tpu.memref_slice %arg2[%add3A_164] : memref<20000xi32, #tpu.memory_space<hbm>> -> memref<80xi32, #tpu.memory_space<hbm>>
        tpu.wait_dma2 semaphore(%run_scoped3A_176 : memref<!tpu.dma_semaphore, #tpu.memory_space<semaphore_mem>>) src(%dma_wait3A_191 : memref<80xi32, #tpu.memory_space<hbm>>) dst(%dma_wait3A_190 : memref<80xi32, #tpu.memory_space<vmem>>)
        tpu.yield
      }) : () -> ()
      %dma_start3A = arith.constant 0 : i32
      %dma_start3A_165 = arith.constant 0 : i32
      %dma_start3A_166 = arith.constant 0 : i32
      %dma_start3A_167 = arith.constant 0 : i32
      %dma_start3A_168 = tpu.memref_slice %arg8[%dma_start3A_165, %dma_start3A_166, %dma_start3A_167] : memref<2x80x128xf32, #tpu.memory_space<vmem>> -> memref<1x80x128xf32, #tpu.memory_space<vmem>>
      %dma_start3A_169 = tpu.memref_squeeze %dma_start3A_168 : memref<1x80x128xf32, #tpu.memory_space<vmem>> -> memref<80x128xf32, #tpu.memory_space<vmem>>
      %dma_start3A_170 = arith.constant 0 : i32
      %dma_start3A_171 = tpu.memref_slice %arg7[%dma_start3A, %dma_start3A_170] : memref<2x80xi32, #tpu.memory_space<vmem>> -> memref<1x80xi32, #tpu.memory_space<vmem>>
      %dma_start3A_172 = tpu.memref_squeeze %dma_start3A_171 : memref<1x80xi32, #tpu.memory_space<vmem>> -> memref<80xi32, #tpu.memory_space<vmem>>
      %dma_start3A_173 = arith.constant 0 : i32
      %dma_start3A_174 = arith.constant 0 : i32
      %dma_start3A_175 = tpu.memref_slice %arg4[%dma_start3A_173, %dma_start3A_174] : memref<50000x128xf32, #tpu.memory_space<hbm>> -> memref<50000x128xf32, #tpu.memory_space<hbm>>
      tpu.enqueue_indirect_dma source(%dma_start3A_175 : memref<50000x128xf32, #tpu.memory_space<hbm>>) target(%dma_start3A_169 : memref<80x128xf32, #tpu.memory_space<vmem>>) offsets(%dma_start3A_172 : memref<80xi32, #tpu.memory_space<vmem>>) semaphore(%arg15 : memref<!tpu.dma_semaphore, #tpu.memory_space<semaphore_mem>>)
    } else {
    }
    %add3A_105 = arith.constant 80 : i32
    %add3A_106 = arith.addi %add3A_105, %arg1 : i32
    %lt3A_107 = arith.constant 125 : i32
    %lt3A_108 = arith.cmpi slt, %add3A_106, %lt3A_107 : i32
    %convert_element_type3A_109 = arith.extui %lt3A_108 : i1 to i32
    %cond3A_110 = arith.constant 0 : i32
    %cond3A_111 = arith.cmpi ne, %convert_element_type3A_109, %cond3A_110 : i32
    scf.if %cond3A_111 {
      %dma_wait3A = arith.constant 1 : i32
      %dma_wait3A_160 = arith.constant 0 : i32
      %dma_wait3A_161 = arith.constant 0 : i32
      %dma_wait3A_162 = tpu.memref_slice %arg8[%dma_wait3A, %dma_wait3A_160, %dma_wait3A_161] : memref<2x80x128xf32, #tpu.memory_space<vmem>> -> memref<1x80x128xf32, #tpu.memory_space<vmem>>
      %dma_wait3A_163 = tpu.memref_squeeze %dma_wait3A_162 : memref<1x80x128xf32, #tpu.memory_space<vmem>> -> memref<80x128xf32, #tpu.memory_space<vmem>>
      %dma_wait3A_164 = arith.constant 0 : i32
      %dma_wait3A_165 = arith.constant 0 : i32
      %dma_wait3A_166 = tpu.memref_slice %arg4[%dma_wait3A_164, %dma_wait3A_165] : memref<50000x128xf32, #tpu.memory_space<hbm>> -> memref<80x128xf32, #tpu.memory_space<hbm>>
      %dma_wait3A_167 = arith.constant 0 : i32
      %dma_wait3A_168 = arith.constant 0 : i32
      %dma_wait3A_169 = tpu.memref_slice %arg8[%dma_wait3A, %dma_wait3A_167, %dma_wait3A_168] : memref<2x80x128xf32, #tpu.memory_space<vmem>> -> memref<1x80x128xf32, #tpu.memory_space<vmem>>
      %dma_wait3A_170 = tpu.memref_squeeze %dma_wait3A_169 : memref<1x80x128xf32, #tpu.memory_space<vmem>> -> memref<80x128xf32, #tpu.memory_space<vmem>>
      %dma_wait3A_171 = arith.constant 0 : i32
      %dma_wait3A_172 = arith.constant 0 : i32
      %dma_wait3A_173 = tpu.memref_slice %arg4[%dma_wait3A_171, %dma_wait3A_172] : memref<50000x128xf32, #tpu.memory_space<hbm>> -> memref<80x128xf32, #tpu.memory_space<hbm>>
      tpu.wait_dma2 semaphore(%arg15 : memref<!tpu.dma_semaphore, #tpu.memory_space<semaphore_mem>>) src(%dma_wait3A_173 : memref<80x128xf32, #tpu.memory_space<hbm>>) dst(%dma_wait3A_170 : memref<80x128xf32, #tpu.memory_space<vmem>>)
      %mul3A_174 = arith.constant 10000 : i32
      %mul3A_175 = arith.muli %arg0, %mul3A_174 : i32
      %mul3A_176 = arith.constant 80 : i32
      %mul3A_177 = arith.muli %add3A_106, %mul3A_176 : i32
      %add3A_178 = arith.addi %mul3A_175, %mul3A_177 : i32
      %run_scoped3A = arith.constant 1 : i32
      "tpu.region"() ({
        %run_scoped3A_179 = tpu.sem_alloc : memref<!tpu.dma_semaphore, #tpu.memory_space<semaphore_mem>>
        %dma_start3A = arith.constant 0 : i32
        %dma_start3A_180 = arith.constant 0 : i32
        %dma_start3A_181 = tpu.memref_slice %arg8[%run_scoped3A, %dma_start3A, %dma_start3A_180] : memref<2x80x128xf32, #tpu.memory_space<vmem>> -> memref<1x80x128xf32, #tpu.memory_space<vmem>>
        %dma_start3A_182 = tpu.memref_squeeze %dma_start3A_181 : memref<1x80x128xf32, #tpu.memory_space<vmem>> -> memref<80x128xf32, #tpu.memory_space<vmem>>
        %dma_start3A_183 = arith.constant 0 : i32
        %dma_start3A_184 = tpu.memref_slice %arg5[%add3A_178, %dma_start3A_183] : memref<20000x128xf32, #tpu.memory_space<hbm>> -> memref<80x128xf32, #tpu.memory_space<hbm>>
        %dma_start3A_185 = arith.constant 0 : i32
        %dma_start3A_186 = tpu.memref_slice %arg5[%add3A_178, %dma_start3A_185] : memref<20000x128xf32, #tpu.memory_space<hbm>> -> memref<80x128xf32, #tpu.memory_space<hbm>>
        %dma_start3A_187 = arith.constant 0 : i32
        %dma_start3A_188 = arith.constant 0 : i32
        %dma_start3A_189 = tpu.memref_slice %arg8[%run_scoped3A, %dma_start3A_187, %dma_start3A_188] : memref<2x80x128xf32, #tpu.memory_space<vmem>> -> memref<1x80x128xf32, #tpu.memory_space<vmem>>
        %dma_start3A_190 = tpu.memref_squeeze %dma_start3A_189 : memref<1x80x128xf32, #tpu.memory_space<vmem>> -> memref<80x128xf32, #tpu.memory_space<vmem>>
        tpu.enqueue_dma source(%dma_start3A_190 : memref<80x128xf32, #tpu.memory_space<vmem>>) target(%dma_start3A_186 : memref<80x128xf32, #tpu.memory_space<hbm>>) target_semaphore(%run_scoped3A_179 : memref<!tpu.dma_semaphore, #tpu.memory_space<semaphore_mem>>)
        %dma_wait3A_191 = arith.constant 0 : i32
        %dma_wait3A_192 = arith.constant 0 : i32
        %dma_wait3A_193 = tpu.memref_slice %arg8[%run_scoped3A, %dma_wait3A_191, %dma_wait3A_192] : memref<2x80x128xf32, #tpu.memory_space<vmem>> -> memref<1x80x128xf32, #tpu.memory_space<vmem>>
        %dma_wait3A_194 = tpu.memref_squeeze %dma_wait3A_193 : memref<1x80x128xf32, #tpu.memory_space<vmem>> -> memref<80x128xf32, #tpu.memory_space<vmem>>
        %dma_wait3A_195 = arith.constant 0 : i32
        %dma_wait3A_196 = tpu.memref_slice %arg5[%add3A_178, %dma_wait3A_195] : memref<20000x128xf32, #tpu.memory_space<hbm>> -> memref<80x128xf32, #tpu.memory_space<hbm>>
        %dma_wait3A_197 = arith.constant 0 : i32
        %dma_wait3A_198 = tpu.memref_slice %arg5[%add3A_178, %dma_wait3A_197] : memref<20000x128xf32, #tpu.memory_space<hbm>> -> memref<80x128xf32, #tpu.memory_space<hbm>>
        %dma_wait3A_199 = arith.constant 0 : i32
        %dma_wait3A_200 = arith.constant 0 : i32
        %dma_wait3A_201 = tpu.memref_slice %arg8[%run_scoped3A, %dma_wait3A_199, %dma_wait3A_200] : memref<2x80x128xf32, #tpu.memory_space<vmem>> -> memref<1x80x128xf32, #tpu.memory_space<vmem>>
        %dma_wait3A_202 = tpu.memref_squeeze %dma_wait3A_201 : memref<1x80x128xf32, #tpu.memory_space<vmem>> -> memref<80x128xf32, #tpu.memory_space<vmem>>
        tpu.wait_dma2 semaphore(%run_scoped3A_179 : memref<!tpu.dma_semaphore, #tpu.memory_space<semaphore_mem>>) src(%dma_wait3A_202 : memref<80x128xf32, #tpu.memory_space<vmem>>) dst(%dma_wait3A_198 : memref<80x128xf32, #tpu.memory_space<hbm>>)
        tpu.yield
      }) : () -> ()
    } else {
    }
    %add3A_112 = arith.constant 112 : i32
    %add3A_113 = arith.addi %add3A_112, %arg1 : i32
    %lt3A_114 = arith.constant 125 : i32
    %lt3A_115 = arith.cmpi slt, %add3A_113, %lt3A_114 : i32
    %convert_element_type3A_116 = arith.extui %lt3A_115 : i1 to i32
    %cond3A_117 = arith.constant 0 : i32
    %cond3A_118 = arith.cmpi ne, %convert_element_type3A_116, %cond3A_117 : i32
    scf.if %cond3A_118 {
      %mul3A_160 = arith.constant 10000 : i32
      %mul3A_161 = arith.muli %arg0, %mul3A_160 : i32
      %mul3A_162 = arith.constant 80 : i32
      %mul3A_163 = arith.muli %add3A_113, %mul3A_162 : i32
      %add3A_164 = arith.addi %mul3A_161, %mul3A_163 : i32
      %run_scoped3A = arith.constant 1 : i32
      "tpu.region"() ({
        %run_scoped3A_176 = tpu.sem_alloc : memref<!tpu.dma_semaphore, #tpu.memory_space<semaphore_mem>>
        %dma_start3A_177 = arith.constant 0 : i32
        %dma_start3A_178 = tpu.memref_slice %arg7[%run_scoped3A, %dma_start3A_177] : memref<2x80xi32, #tpu.memory_space<vmem>> -> memref<1x80xi32, #tpu.memory_space<vmem>>
        %dma_start3A_179 = tpu.memref_squeeze %dma_start3A_178 : memref<1x80xi32, #tpu.memory_space<vmem>> -> memref<80xi32, #tpu.memory_space<vmem>>
        %dma_start3A_180 = tpu.memref_slice %arg2[%add3A_164] : memref<20000xi32, #tpu.memory_space<hbm>> -> memref<80xi32, #tpu.memory_space<hbm>>
        %dma_start3A_181 = arith.constant 0 : i32
        %dma_start3A_182 = tpu.memref_slice %arg7[%run_scoped3A, %dma_start3A_181] : memref<2x80xi32, #tpu.memory_space<vmem>> -> memref<1x80xi32, #tpu.memory_space<vmem>>
        %dma_start3A_183 = tpu.memref_squeeze %dma_start3A_182 : memref<1x80xi32, #tpu.memory_space<vmem>> -> memref<80xi32, #tpu.memory_space<vmem>>
        %dma_start3A_184 = tpu.memref_slice %arg2[%add3A_164] : memref<20000xi32, #tpu.memory_space<hbm>> -> memref<80xi32, #tpu.memory_space<hbm>>
        tpu.enqueue_dma source(%dma_start3A_184 : memref<80xi32, #tpu.memory_space<hbm>>) target(%dma_start3A_183 : memref<80xi32, #tpu.memory_space<vmem>>) target_semaphore(%run_scoped3A_176 : memref<!tpu.dma_semaphore, #tpu.memory_space<semaphore_mem>>)
        %dma_wait3A = arith.constant 0 : i32
        %dma_wait3A_185 = tpu.memref_slice %arg7[%run_scoped3A, %dma_wait3A] : memref<2x80xi32, #tpu.memory_space<vmem>> -> memref<1x80xi32, #tpu.memory_space<vmem>>
        %dma_wait3A_186 = tpu.memref_squeeze %dma_wait3A_185 : memref<1x80xi32, #tpu.memory_space<vmem>> -> memref<80xi32, #tpu.memory_space<vmem>>
        %dma_wait3A_187 = tpu.memref_slice %arg2[%add3A_164] : memref<20000xi32, #tpu.memory_space<hbm>> -> memref<80xi32, #tpu.memory_space<hbm>>
        %dma_wait3A_188 = arith.constant 0 : i32
        %dma_wait3A_189 = tpu.memref_slice %arg7[%run_scoped3A, %dma_wait3A_188] : memref<2x80xi32, #tpu.memory_space<vmem>> -> memref<1x80xi32, #tpu.memory_space<vmem>>
        %dma_wait3A_190 = tpu.memref_squeeze %dma_wait3A_189 : memref<1x80xi32, #tpu.memory_space<vmem>> -> memref<80xi32, #tpu.memory_space<vmem>>
        %dma_wait3A_191 = tpu.memref_slice %arg2[%add3A_164] : memref<20000xi32, #tpu.memory_space<hbm>> -> memref<80xi32, #tpu.memory_space<hbm>>
        tpu.wait_dma2 semaphore(%run_scoped3A_176 : memref<!tpu.dma_semaphore, #tpu.memory_space<semaphore_mem>>) src(%dma_wait3A_191 : memref<80xi32, #tpu.memory_space<hbm>>) dst(%dma_wait3A_190 : memref<80xi32, #tpu.memory_space<vmem>>)
        tpu.yield
      }) : () -> ()
      %dma_start3A = arith.constant 1 : i32
      %dma_start3A_165 = arith.constant 1 : i32
      %dma_start3A_166 = arith.constant 0 : i32
      %dma_start3A_167 = arith.constant 0 : i32
      %dma_start3A_168 = tpu.memref_slice %arg8[%dma_start3A_165, %dma_start3A_166, %dma_start3A_167] : memref<2x80x128xf32, #tpu.memory_space<vmem>> -> memref<1x80x128xf32, #tpu.memory_space<vmem>>
      %dma_start3A_169 = tpu.memref_squeeze %dma_start3A_168 : memref<1x80x128xf32, #tpu.memory_space<vmem>> -> memref<80x128xf32, #tpu.memory_space<vmem>>
      %dma_start3A_170 = arith.constant 0 : i32
      %dma_start3A_171 = tpu.memref_slice %arg7[%dma_start3A, %dma_start3A_170] : memref<2x80xi32, #tpu.memory_space<vmem>> -> memref<1x80xi32, #tpu.memory_space<vmem>>
      %dma_start3A_172 = tpu.memref_squeeze %dma_start3A_171 : memref<1x80xi32, #tpu.memory_space<vmem>> -> memref<80xi32, #tpu.memory_space<vmem>>
      %dma_start3A_173 = arith.constant 0 : i32
      %dma_start3A_174 = arith.constant 0 : i32
      %dma_start3A_175 = tpu.memref_slice %arg4[%dma_start3A_173, %dma_start3A_174] : memref<50000x128xf32, #tpu.memory_space<hbm>> -> memref<50000x128xf32, #tpu.memory_space<hbm>>
      tpu.enqueue_indirect_dma source(%dma_start3A_175 : memref<50000x128xf32, #tpu.memory_space<hbm>>) target(%dma_start3A_169 : memref<80x128xf32, #tpu.memory_space<vmem>>) offsets(%dma_start3A_172 : memref<80xi32, #tpu.memory_space<vmem>>) semaphore(%arg15 : memref<!tpu.dma_semaphore, #tpu.memory_space<semaphore_mem>>)
    } else {
    }
    %add3A_119 = arith.constant 96 : i32
    %add3A_120 = arith.addi %add3A_119, %arg1 : i32
    %lt3A_121 = arith.constant 125 : i32
    %lt3A_122 = arith.cmpi slt, %add3A_120, %lt3A_121 : i32
    %convert_element_type3A_123 = arith.extui %lt3A_122 : i1 to i32
    %cond3A_124 = arith.constant 0 : i32
    %cond3A_125 = arith.cmpi ne, %convert_element_type3A_123, %cond3A_124 : i32
    scf.if %cond3A_125 {
      %dma_wait3A = arith.constant 0 : i32
      %dma_wait3A_160 = arith.constant 0 : i32
      %dma_wait3A_161 = arith.constant 0 : i32
      %dma_wait3A_162 = tpu.memref_slice %arg8[%dma_wait3A, %dma_wait3A_160, %dma_wait3A_161] : memref<2x80x128xf32, #tpu.memory_space<vmem>> -> memref<1x80x128xf32, #tpu.memory_space<vmem>>
      %dma_wait3A_163 = tpu.memref_squeeze %dma_wait3A_162 : memref<1x80x128xf32, #tpu.memory_space<vmem>> -> memref<80x128xf32, #tpu.memory_space<vmem>>
      %dma_wait3A_164 = arith.constant 0 : i32
      %dma_wait3A_165 = arith.constant 0 : i32
      %dma_wait3A_166 = tpu.memref_slice %arg4[%dma_wait3A_164, %dma_wait3A_165] : memref<50000x128xf32, #tpu.memory_space<hbm>> -> memref<80x128xf32, #tpu.memory_space<hbm>>
      %dma_wait3A_167 = arith.constant 0 : i32
      %dma_wait3A_168 = arith.constant 0 : i32
      %dma_wait3A_169 = tpu.memref_slice %arg8[%dma_wait3A, %dma_wait3A_167, %dma_wait3A_168] : memref<2x80x128xf32, #tpu.memory_space<vmem>> -> memref<1x80x128xf32, #tpu.memory_space<vmem>>
      %dma_wait3A_170 = tpu.memref_squeeze %dma_wait3A_169 : memref<1x80x128xf32, #tpu.memory_space<vmem>> -> memref<80x128xf32, #tpu.memory_space<vmem>>
      %dma_wait3A_171 = arith.constant 0 : i32
      %dma_wait3A_172 = arith.constant 0 : i32
      %dma_wait3A_173 = tpu.memref_slice %arg4[%dma_wait3A_171, %dma_wait3A_172] : memref<50000x128xf32, #tpu.memory_space<hbm>> -> memref<80x128xf32, #tpu.memory_space<hbm>>
      tpu.wait_dma2 semaphore(%arg15 : memref<!tpu.dma_semaphore, #tpu.memory_space<semaphore_mem>>) src(%dma_wait3A_173 : memref<80x128xf32, #tpu.memory_space<hbm>>) dst(%dma_wait3A_170 : memref<80x128xf32, #tpu.memory_space<vmem>>)
      %mul3A_174 = arith.constant 10000 : i32
      %mul3A_175 = arith.muli %arg0, %mul3A_174 : i32
      %mul3A_176 = arith.constant 80 : i32
      %mul3A_177 = arith.muli %add3A_120, %mul3A_176 : i32
      %add3A_178 = arith.addi %mul3A_175, %mul3A_177 : i32
      %run_scoped3A = arith.constant 0 : i32
      "tpu.region"() ({
        %run_scoped3A_179 = tpu.sem_alloc : memref<!tpu.dma_semaphore, #tpu.memory_space<semaphore_mem>>
        %dma_start3A = arith.constant 0 : i32
        %dma_start3A_180 = arith.constant 0 : i32
        %dma_start3A_181 = tpu.memref_slice %arg8[%run_scoped3A, %dma_start3A, %dma_start3A_180] : memref<2x80x128xf32, #tpu.memory_space<vmem>> -> memref<1x80x128xf32, #tpu.memory_space<vmem>>
        %dma_start3A_182 = tpu.memref_squeeze %dma_start3A_181 : memref<1x80x128xf32, #tpu.memory_space<vmem>> -> memref<80x128xf32, #tpu.memory_space<vmem>>
        %dma_start3A_183 = arith.constant 0 : i32
        %dma_start3A_184 = tpu.memref_slice %arg5[%add3A_178, %dma_start3A_183] : memref<20000x128xf32, #tpu.memory_space<hbm>> -> memref<80x128xf32, #tpu.memory_space<hbm>>
        %dma_start3A_185 = arith.constant 0 : i32
        %dma_start3A_186 = tpu.memref_slice %arg5[%add3A_178, %dma_start3A_185] : memref<20000x128xf32, #tpu.memory_space<hbm>> -> memref<80x128xf32, #tpu.memory_space<hbm>>
        %dma_start3A_187 = arith.constant 0 : i32
        %dma_start3A_188 = arith.constant 0 : i32
        %dma_start3A_189 = tpu.memref_slice %arg8[%run_scoped3A, %dma_start3A_187, %dma_start3A_188] : memref<2x80x128xf32, #tpu.memory_space<vmem>> -> memref<1x80x128xf32, #tpu.memory_space<vmem>>
        %dma_start3A_190 = tpu.memref_squeeze %dma_start3A_189 : memref<1x80x128xf32, #tpu.memory_space<vmem>> -> memref<80x128xf32, #tpu.memory_space<vmem>>
        tpu.enqueue_dma source(%dma_start3A_190 : memref<80x128xf32, #tpu.memory_space<vmem>>) target(%dma_start3A_186 : memref<80x128xf32, #tpu.memory_space<hbm>>) target_semaphore(%run_scoped3A_179 : memref<!tpu.dma_semaphore, #tpu.memory_space<semaphore_mem>>)
        %dma_wait3A_191 = arith.constant 0 : i32
        %dma_wait3A_192 = arith.constant 0 : i32
        %dma_wait3A_193 = tpu.memref_slice %arg8[%run_scoped3A, %dma_wait3A_191, %dma_wait3A_192] : memref<2x80x128xf32, #tpu.memory_space<vmem>> -> memref<1x80x128xf32, #tpu.memory_space<vmem>>
        %dma_wait3A_194 = tpu.memref_squeeze %dma_wait3A_193 : memref<1x80x128xf32, #tpu.memory_space<vmem>> -> memref<80x128xf32, #tpu.memory_space<vmem>>
        %dma_wait3A_195 = arith.constant 0 : i32
        %dma_wait3A_196 = tpu.memref_slice %arg5[%add3A_178, %dma_wait3A_195] : memref<20000x128xf32, #tpu.memory_space<hbm>> -> memref<80x128xf32, #tpu.memory_space<hbm>>
        %dma_wait3A_197 = arith.constant 0 : i32
        %dma_wait3A_198 = tpu.memref_slice %arg5[%add3A_178, %dma_wait3A_197] : memref<20000x128xf32, #tpu.memory_space<hbm>> -> memref<80x128xf32, #tpu.memory_space<hbm>>
        %dma_wait3A_199 = arith.constant 0 : i32
        %dma_wait3A_200 = arith.constant 0 : i32
        %dma_wait3A_201 = tpu.memref_slice %arg8[%run_scoped3A, %dma_wait3A_199, %dma_wait3A_200] : memref<2x80x128xf32, #tpu.memory_space<vmem>> -> memref<1x80x128xf32, #tpu.memory_space<vmem>>
        %dma_wait3A_202 = tpu.memref_squeeze %dma_wait3A_201 : memref<1x80x128xf32, #tpu.memory_space<vmem>> -> memref<80x128xf32, #tpu.memory_space<vmem>>
        tpu.wait_dma2 semaphore(%run_scoped3A_179 : memref<!tpu.dma_semaphore, #tpu.memory_space<semaphore_mem>>) src(%dma_wait3A_202 : memref<80x128xf32, #tpu.memory_space<vmem>>) dst(%dma_wait3A_198 : memref<80x128xf32, #tpu.memory_space<hbm>>)
        tpu.yield
      }) : () -> ()
    } else {
    }
    %add3A_126 = arith.constant 128 : i32
    %add3A_127 = arith.addi %add3A_126, %arg1 : i32
    %lt3A_128 = arith.constant 125 : i32
    %lt3A_129 = arith.cmpi slt, %add3A_127, %lt3A_128 : i32
    %convert_element_type3A_130 = arith.extui %lt3A_129 : i1 to i32
    %cond3A_131 = arith.constant 0 : i32
    %cond3A_132 = arith.cmpi ne, %convert_element_type3A_130, %cond3A_131 : i32
    scf.if %cond3A_132 {
      %mul3A_160 = arith.constant 10000 : i32
      %mul3A_161 = arith.muli %arg0, %mul3A_160 : i32
      %mul3A_162 = arith.constant 80 : i32
      %mul3A_163 = arith.muli %add3A_127, %mul3A_162 : i32
      %add3A_164 = arith.addi %mul3A_161, %mul3A_163 : i32
      %run_scoped3A = arith.constant 0 : i32
      "tpu.region"() ({
        %run_scoped3A_176 = tpu.sem_alloc : memref<!tpu.dma_semaphore, #tpu.memory_space<semaphore_mem>>
        %dma_start3A_177 = arith.constant 0 : i32
        %dma_start3A_178 = tpu.memref_slice %arg7[%run_scoped3A, %dma_start3A_177] : memref<2x80xi32, #tpu.memory_space<vmem>> -> memref<1x80xi32, #tpu.memory_space<vmem>>
        %dma_start3A_179 = tpu.memref_squeeze %dma_start3A_178 : memref<1x80xi32, #tpu.memory_space<vmem>> -> memref<80xi32, #tpu.memory_space<vmem>>
        %dma_start3A_180 = tpu.memref_slice %arg2[%add3A_164] : memref<20000xi32, #tpu.memory_space<hbm>> -> memref<80xi32, #tpu.memory_space<hbm>>
        %dma_start3A_181 = arith.constant 0 : i32
        %dma_start3A_182 = tpu.memref_slice %arg7[%run_scoped3A, %dma_start3A_181] : memref<2x80xi32, #tpu.memory_space<vmem>> -> memref<1x80xi32, #tpu.memory_space<vmem>>
        %dma_start3A_183 = tpu.memref_squeeze %dma_start3A_182 : memref<1x80xi32, #tpu.memory_space<vmem>> -> memref<80xi32, #tpu.memory_space<vmem>>
        %dma_start3A_184 = tpu.memref_slice %arg2[%add3A_164] : memref<20000xi32, #tpu.memory_space<hbm>> -> memref<80xi32, #tpu.memory_space<hbm>>
        tpu.enqueue_dma source(%dma_start3A_184 : memref<80xi32, #tpu.memory_space<hbm>>) target(%dma_start3A_183 : memref<80xi32, #tpu.memory_space<vmem>>) target_semaphore(%run_scoped3A_176 : memref<!tpu.dma_semaphore, #tpu.memory_space<semaphore_mem>>)
        %dma_wait3A = arith.constant 0 : i32
        %dma_wait3A_185 = tpu.memref_slice %arg7[%run_scoped3A, %dma_wait3A] : memref<2x80xi32, #tpu.memory_space<vmem>> -> memref<1x80xi32, #tpu.memory_space<vmem>>
        %dma_wait3A_186 = tpu.memref_squeeze %dma_wait3A_185 : memref<1x80xi32, #tpu.memory_space<vmem>> -> memref<80xi32, #tpu.memory_space<vmem>>
        %dma_wait3A_187 = tpu.memref_slice %arg2[%add3A_164] : memref<20000xi32, #tpu.memory_space<hbm>> -> memref<80xi32, #tpu.memory_space<hbm>>
        %dma_wait3A_188 = arith.constant 0 : i32
        %dma_wait3A_189 = tpu.memref_slice %arg7[%run_scoped3A, %dma_wait3A_188] : memref<2x80xi32, #tpu.memory_space<vmem>> -> memref<1x80xi32, #tpu.memory_space<vmem>>
        %dma_wait3A_190 = tpu.memref_squeeze %dma_wait3A_189 : memref<1x80xi32, #tpu.memory_space<vmem>> -> memref<80xi32, #tpu.memory_space<vmem>>
        %dma_wait3A_191 = tpu.memref_slice %arg2[%add3A_164] : memref<20000xi32, #tpu.memory_space<hbm>> -> memref<80xi32, #tpu.memory_space<hbm>>
        tpu.wait_dma2 semaphore(%run_scoped3A_176 : memref<!tpu.dma_semaphore, #tpu.memory_space<semaphore_mem>>) src(%dma_wait3A_191 : memref<80xi32, #tpu.memory_space<hbm>>) dst(%dma_wait3A_190 : memref<80xi32, #tpu.memory_space<vmem>>)
        tpu.yield
      }) : () -> ()
      %dma_start3A = arith.constant 0 : i32
      %dma_start3A_165 = arith.constant 0 : i32
      %dma_start3A_166 = arith.constant 0 : i32
      %dma_start3A_167 = arith.constant 0 : i32
      %dma_start3A_168 = tpu.memref_slice %arg8[%dma_start3A_165, %dma_start3A_166, %dma_start3A_167] : memref<2x80x128xf32, #tpu.memory_space<vmem>> -> memref<1x80x128xf32, #tpu.memory_space<vmem>>
      %dma_start3A_169 = tpu.memref_squeeze %dma_start3A_168 : memref<1x80x128xf32, #tpu.memory_space<vmem>> -> memref<80x128xf32, #tpu.memory_space<vmem>>
      %dma_start3A_170 = arith.constant 0 : i32
      %dma_start3A_171 = tpu.memref_slice %arg7[%dma_start3A, %dma_start3A_170] : memref<2x80xi32, #tpu.memory_space<vmem>> -> memref<1x80xi32, #tpu.memory_space<vmem>>
      %dma_start3A_172 = tpu.memref_squeeze %dma_start3A_171 : memref<1x80xi32, #tpu.memory_space<vmem>> -> memref<80xi32, #tpu.memory_space<vmem>>
      %dma_start3A_173 = arith.constant 0 : i32
      %dma_start3A_174 = arith.constant 0 : i32
      %dma_start3A_175 = tpu.memref_slice %arg4[%dma_start3A_173, %dma_start3A_174] : memref<50000x128xf32, #tpu.memory_space<hbm>> -> memref<50000x128xf32, #tpu.memory_space<hbm>>
      tpu.enqueue_indirect_dma source(%dma_start3A_175 : memref<50000x128xf32, #tpu.memory_space<hbm>>) target(%dma_start3A_169 : memref<80x128xf32, #tpu.memory_space<vmem>>) offsets(%dma_start3A_172 : memref<80xi32, #tpu.memory_space<vmem>>) semaphore(%arg15 : memref<!tpu.dma_semaphore, #tpu.memory_space<semaphore_mem>>)
    } else {
    }
    %add3A_133 = arith.constant 112 : i32
    %add3A_134 = arith.addi %add3A_133, %arg1 : i32
    %lt3A_135 = arith.constant 125 : i32
    %lt3A_136 = arith.cmpi slt, %add3A_134, %lt3A_135 : i32
    %convert_element_type3A_137 = arith.extui %lt3A_136 : i1 to i32
    %cond3A_138 = arith.constant 0 : i32
    %cond3A_139 = arith.cmpi ne, %convert_element_type3A_137, %cond3A_138 : i32
    scf.if %cond3A_139 {
      %dma_wait3A = arith.constant 1 : i32
      %dma_wait3A_160 = arith.constant 0 : i32
      %dma_wait3A_161 = arith.constant 0 : i32
      %dma_wait3A_162 = tpu.memref_slice %arg8[%dma_wait3A, %dma_wait3A_160, %dma_wait3A_161] : memref<2x80x128xf32, #tpu.memory_space<vmem>> -> memref<1x80x128xf32, #tpu.memory_space<vmem>>
      %dma_wait3A_163 = tpu.memref_squeeze %dma_wait3A_162 : memref<1x80x128xf32, #tpu.memory_space<vmem>> -> memref<80x128xf32, #tpu.memory_space<vmem>>
      %dma_wait3A_164 = arith.constant 0 : i32
      %dma_wait3A_165 = arith.constant 0 : i32
      %dma_wait3A_166 = tpu.memref_slice %arg4[%dma_wait3A_164, %dma_wait3A_165] : memref<50000x128xf32, #tpu.memory_space<hbm>> -> memref<80x128xf32, #tpu.memory_space<hbm>>
      %dma_wait3A_167 = arith.constant 0 : i32
      %dma_wait3A_168 = arith.constant 0 : i32
      %dma_wait3A_169 = tpu.memref_slice %arg8[%dma_wait3A, %dma_wait3A_167, %dma_wait3A_168] : memref<2x80x128xf32, #tpu.memory_space<vmem>> -> memref<1x80x128xf32, #tpu.memory_space<vmem>>
      %dma_wait3A_170 = tpu.memref_squeeze %dma_wait3A_169 : memref<1x80x128xf32, #tpu.memory_space<vmem>> -> memref<80x128xf32, #tpu.memory_space<vmem>>
      %dma_wait3A_171 = arith.constant 0 : i32
      %dma_wait3A_172 = arith.constant 0 : i32
      %dma_wait3A_173 = tpu.memref_slice %arg4[%dma_wait3A_171, %dma_wait3A_172] : memref<50000x128xf32, #tpu.memory_space<hbm>> -> memref<80x128xf32, #tpu.memory_space<hbm>>
      tpu.wait_dma2 semaphore(%arg15 : memref<!tpu.dma_semaphore, #tpu.memory_space<semaphore_mem>>) src(%dma_wait3A_173 : memref<80x128xf32, #tpu.memory_space<hbm>>) dst(%dma_wait3A_170 : memref<80x128xf32, #tpu.memory_space<vmem>>)
      %mul3A_174 = arith.constant 10000 : i32
      %mul3A_175 = arith.muli %arg0, %mul3A_174 : i32
      %mul3A_176 = arith.constant 80 : i32
      %mul3A_177 = arith.muli %add3A_134, %mul3A_176 : i32
      %add3A_178 = arith.addi %mul3A_175, %mul3A_177 : i32
      %run_scoped3A = arith.constant 1 : i32
      "tpu.region"() ({
        %run_scoped3A_179 = tpu.sem_alloc : memref<!tpu.dma_semaphore, #tpu.memory_space<semaphore_mem>>
        %dma_start3A = arith.constant 0 : i32
        %dma_start3A_180 = arith.constant 0 : i32
        %dma_start3A_181 = tpu.memref_slice %arg8[%run_scoped3A, %dma_start3A, %dma_start3A_180] : memref<2x80x128xf32, #tpu.memory_space<vmem>> -> memref<1x80x128xf32, #tpu.memory_space<vmem>>
        %dma_start3A_182 = tpu.memref_squeeze %dma_start3A_181 : memref<1x80x128xf32, #tpu.memory_space<vmem>> -> memref<80x128xf32, #tpu.memory_space<vmem>>
        %dma_start3A_183 = arith.constant 0 : i32
        %dma_start3A_184 = tpu.memref_slice %arg5[%add3A_178, %dma_start3A_183] : memref<20000x128xf32, #tpu.memory_space<hbm>> -> memref<80x128xf32, #tpu.memory_space<hbm>>
        %dma_start3A_185 = arith.constant 0 : i32
        %dma_start3A_186 = tpu.memref_slice %arg5[%add3A_178, %dma_start3A_185] : memref<20000x128xf32, #tpu.memory_space<hbm>> -> memref<80x128xf32, #tpu.memory_space<hbm>>
        %dma_start3A_187 = arith.constant 0 : i32
        %dma_start3A_188 = arith.constant 0 : i32
        %dma_start3A_189 = tpu.memref_slice %arg8[%run_scoped3A, %dma_start3A_187, %dma_start3A_188] : memref<2x80x128xf32, #tpu.memory_space<vmem>> -> memref<1x80x128xf32, #tpu.memory_space<vmem>>
        %dma_start3A_190 = tpu.memref_squeeze %dma_start3A_189 : memref<1x80x128xf32, #tpu.memory_space<vmem>> -> memref<80x128xf32, #tpu.memory_space<vmem>>
        tpu.enqueue_dma source(%dma_start3A_190 : memref<80x128xf32, #tpu.memory_space<vmem>>) target(%dma_start3A_186 : memref<80x128xf32, #tpu.memory_space<hbm>>) target_semaphore(%run_scoped3A_179 : memref<!tpu.dma_semaphore, #tpu.memory_space<semaphore_mem>>)
        %dma_wait3A_191 = arith.constant 0 : i32
        %dma_wait3A_192 = arith.constant 0 : i32
        %dma_wait3A_193 = tpu.memref_slice %arg8[%run_scoped3A, %dma_wait3A_191, %dma_wait3A_192] : memref<2x80x128xf32, #tpu.memory_space<vmem>> -> memref<1x80x128xf32, #tpu.memory_space<vmem>>
        %dma_wait3A_194 = tpu.memref_squeeze %dma_wait3A_193 : memref<1x80x128xf32, #tpu.memory_space<vmem>> -> memref<80x128xf32, #tpu.memory_space<vmem>>
        %dma_wait3A_195 = arith.constant 0 : i32
        %dma_wait3A_196 = tpu.memref_slice %arg5[%add3A_178, %dma_wait3A_195] : memref<20000x128xf32, #tpu.memory_space<hbm>> -> memref<80x128xf32, #tpu.memory_space<hbm>>
        %dma_wait3A_197 = arith.constant 0 : i32
        %dma_wait3A_198 = tpu.memref_slice %arg5[%add3A_178, %dma_wait3A_197] : memref<20000x128xf32, #tpu.memory_space<hbm>> -> memref<80x128xf32, #tpu.memory_space<hbm>>
        %dma_wait3A_199 = arith.constant 0 : i32
        %dma_wait3A_200 = arith.constant 0 : i32
        %dma_wait3A_201 = tpu.memref_slice %arg8[%run_scoped3A, %dma_wait3A_199, %dma_wait3A_200] : memref<2x80x128xf32, #tpu.memory_space<vmem>> -> memref<1x80x128xf32, #tpu.memory_space<vmem>>
        %dma_wait3A_202 = tpu.memref_squeeze %dma_wait3A_201 : memref<1x80x128xf32, #tpu.memory_space<vmem>> -> memref<80x128xf32, #tpu.memory_space<vmem>>
        tpu.wait_dma2 semaphore(%run_scoped3A_179 : memref<!tpu.dma_semaphore, #tpu.memory_space<semaphore_mem>>) src(%dma_wait3A_202 : memref<80x128xf32, #tpu.memory_space<vmem>>) dst(%dma_wait3A_198 : memref<80x128xf32, #tpu.memory_space<hbm>>)
        tpu.yield
      }) : () -> ()
    } else {
    }
    %add3A_140 = arith.constant 144 : i32
    %add3A_141 = arith.addi %add3A_140, %arg1 : i32
    %lt3A_142 = arith.constant 125 : i32
    %lt3A_143 = arith.cmpi slt, %add3A_141, %lt3A_142 : i32
    %convert_element_type3A_144 = arith.extui %lt3A_143 : i1 to i32
    %cond3A_145 = arith.constant 0 : i32
    %cond3A_146 = arith.cmpi ne, %convert_element_type3A_144, %cond3A_145 : i32
    scf.if %cond3A_146 {
      %mul3A_160 = arith.constant 10000 : i32
      %mul3A_161 = arith.muli %arg0, %mul3A_160 : i32
      %mul3A_162 = arith.constant 80 : i32
      %mul3A_163 = arith.muli %add3A_141, %mul3A_162 : i32
      %add3A_164 = arith.addi %mul3A_161, %mul3A_163 : i32
      %run_scoped3A = arith.constant 1 : i32
      "tpu.region"() ({
        %run_scoped3A_176 = tpu.sem_alloc : memref<!tpu.dma_semaphore, #tpu.memory_space<semaphore_mem>>
        %dma_start3A_177 = arith.constant 0 : i32
        %dma_start3A_178 = tpu.memref_slice %arg7[%run_scoped3A, %dma_start3A_177] : memref<2x80xi32, #tpu.memory_space<vmem>> -> memref<1x80xi32, #tpu.memory_space<vmem>>
        %dma_start3A_179 = tpu.memref_squeeze %dma_start3A_178 : memref<1x80xi32, #tpu.memory_space<vmem>> -> memref<80xi32, #tpu.memory_space<vmem>>
        %dma_start3A_180 = tpu.memref_slice %arg2[%add3A_164] : memref<20000xi32, #tpu.memory_space<hbm>> -> memref<80xi32, #tpu.memory_space<hbm>>
        %dma_start3A_181 = arith.constant 0 : i32
        %dma_start3A_182 = tpu.memref_slice %arg7[%run_scoped3A, %dma_start3A_181] : memref<2x80xi32, #tpu.memory_space<vmem>> -> memref<1x80xi32, #tpu.memory_space<vmem>>
        %dma_start3A_183 = tpu.memref_squeeze %dma_start3A_182 : memref<1x80xi32, #tpu.memory_space<vmem>> -> memref<80xi32, #tpu.memory_space<vmem>>
        %dma_start3A_184 = tpu.memref_slice %arg2[%add3A_164] : memref<20000xi32, #tpu.memory_space<hbm>> -> memref<80xi32, #tpu.memory_space<hbm>>
        tpu.enqueue_dma source(%dma_start3A_184 : memref<80xi32, #tpu.memory_space<hbm>>) target(%dma_start3A_183 : memref<80xi32, #tpu.memory_space<vmem>>) target_semaphore(%run_scoped3A_176 : memref<!tpu.dma_semaphore, #tpu.memory_space<semaphore_mem>>)
        %dma_wait3A = arith.constant 0 : i32
        %dma_wait3A_185 = tpu.memref_slice %arg7[%run_scoped3A, %dma_wait3A] : memref<2x80xi32, #tpu.memory_space<vmem>> -> memref<1x80xi32, #tpu.memory_space<vmem>>
        %dma_wait3A_186 = tpu.memref_squeeze %dma_wait3A_185 : memref<1x80xi32, #tpu.memory_space<vmem>> -> memref<80xi32, #tpu.memory_space<vmem>>
        %dma_wait3A_187 = tpu.memref_slice %arg2[%add3A_164] : memref<20000xi32, #tpu.memory_space<hbm>> -> memref<80xi32, #tpu.memory_space<hbm>>
        %dma_wait3A_188 = arith.constant 0 : i32
        %dma_wait3A_189 = tpu.memref_slice %arg7[%run_scoped3A, %dma_wait3A_188] : memref<2x80xi32, #tpu.memory_space<vmem>> -> memref<1x80xi32, #tpu.memory_space<vmem>>
        %dma_wait3A_190 = tpu.memref_squeeze %dma_wait3A_189 : memref<1x80xi32, #tpu.memory_space<vmem>> -> memref<80xi32, #tpu.memory_space<vmem>>
        %dma_wait3A_191 = tpu.memref_slice %arg2[%add3A_164] : memref<20000xi32, #tpu.memory_space<hbm>> -> memref<80xi32, #tpu.memory_space<hbm>>
        tpu.wait_dma2 semaphore(%run_scoped3A_176 : memref<!tpu.dma_semaphore, #tpu.memory_space<semaphore_mem>>) src(%dma_wait3A_191 : memref<80xi32, #tpu.memory_space<hbm>>) dst(%dma_wait3A_190 : memref<80xi32, #tpu.memory_space<vmem>>)
        tpu.yield
      }) : () -> ()
      %dma_start3A = arith.constant 1 : i32
      %dma_start3A_165 = arith.constant 1 : i32
      %dma_start3A_166 = arith.constant 0 : i32
      %dma_start3A_167 = arith.constant 0 : i32
      %dma_start3A_168 = tpu.memref_slice %arg8[%dma_start3A_165, %dma_start3A_166, %dma_start3A_167] : memref<2x80x128xf32, #tpu.memory_space<vmem>> -> memref<1x80x128xf32, #tpu.memory_space<vmem>>
      %dma_start3A_169 = tpu.memref_squeeze %dma_start3A_168 : memref<1x80x128xf32, #tpu.memory_space<vmem>> -> memref<80x128xf32, #tpu.memory_space<vmem>>
      %dma_start3A_170 = arith.constant 0 : i32
      %dma_start3A_171 = tpu.memref_slice %arg7[%dma_start3A, %dma_start3A_170] : memref<2x80xi32, #tpu.memory_space<vmem>> -> memref<1x80xi32, #tpu.memory_space<vmem>>
      %dma_start3A_172 = tpu.memref_squeeze %dma_start3A_171 : memref<1x80xi32, #tpu.memory_space<vmem>> -> memref<80xi32, #tpu.memory_space<vmem>>
      %dma_start3A_173 = arith.constant 0 : i32
      %dma_start3A_174 = arith.constant 0 : i32
      %dma_start3A_175 = tpu.memref_slice %arg4[%dma_start3A_173, %dma_start3A_174] : memref<50000x128xf32, #tpu.memory_space<hbm>> -> memref<50000x128xf32, #tpu.memory_space<hbm>>
      tpu.enqueue_indirect_dma source(%dma_start3A_175 : memref<50000x128xf32, #tpu.memory_space<hbm>>) target(%dma_start3A_169 : memref<80x128xf32, #tpu.memory_space<vmem>>) offsets(%dma_start3A_172 : memref<80xi32, #tpu.memory_space<vmem>>) semaphore(%arg15 : memref<!tpu.dma_semaphore, #tpu.memory_space<semaphore_mem>>)
    } else {
    }
    %barrier3A_147 = arith.constant 0 : index
    tpu.barrier barrier_id(%barrier3A_147)
    %mul3A_148 = arith.constant 10000 : i32
    %mul3A_149 = arith.muli %arg0, %mul3A_148 : i32
    %mul3A_150 = arith.constant 624 : i32
    %mul3A_151 = arith.muli %arg1, %mul3A_150 : i32
    "tpu.region"() ({
      %run_scoped3A = tpu.sem_alloc : memref<!tpu.dma_semaphore, #tpu.memory_space<semaphore_mem>>
      %dma_start3A = arith.constant 0 : i32
      %dma_start3A_160 = tpu.memref_slice %arg11[%dma_start3A] : memref<640xf32, #tpu.memory_space<vmem>> -> memref<624xf32, #tpu.memory_space<vmem>>
      %dma_start3A_161 = tpu.memref_slice %arg12[%mul3A_151] : memref<10112xf32, #tpu.memory_space<vmem_shared>> -> memref<624xf32, #tpu.memory_space<vmem_shared>>
      %dma_start3A_162 = arith.constant 0 : i32
      %dma_start3A_163 = tpu.memref_slice %arg11[%dma_start3A_162] : memref<640xf32, #tpu.memory_space<vmem>> -> memref<624xf32, #tpu.memory_space<vmem>>
      %dma_start3A_164 = tpu.memref_slice %arg12[%mul3A_151] : memref<10112xf32, #tpu.memory_space<vmem_shared>> -> memref<624xf32, #tpu.memory_space<vmem_shared>>
      tpu.enqueue_dma source(%dma_start3A_164 : memref<624xf32, #tpu.memory_space<vmem_shared>>) target(%dma_start3A_163 : memref<624xf32, #tpu.memory_space<vmem>>) target_semaphore(%run_scoped3A : memref<!tpu.dma_semaphore, #tpu.memory_space<semaphore_mem>>)
      %dma_wait3A = arith.constant 0 : i32
      %dma_wait3A_165 = tpu.memref_slice %arg11[%dma_wait3A] : memref<640xf32, #tpu.memory_space<vmem>> -> memref<624xf32, #tpu.memory_space<vmem>>
      %dma_wait3A_166 = tpu.memref_slice %arg12[%mul3A_151] : memref<10112xf32, #tpu.memory_space<vmem_shared>> -> memref<624xf32, #tpu.memory_space<vmem_shared>>
      %dma_wait3A_167 = arith.constant 0 : i32
      %dma_wait3A_168 = tpu.memref_slice %arg11[%dma_wait3A_167] : memref<640xf32, #tpu.memory_space<vmem>> -> memref<624xf32, #tpu.memory_space<vmem>>
      %dma_wait3A_169 = tpu.memref_slice %arg12[%mul3A_151] : memref<10112xf32, #tpu.memory_space<vmem_shared>> -> memref<624xf32, #tpu.memory_space<vmem_shared>>
      tpu.wait_dma2 semaphore(%run_scoped3A : memref<!tpu.dma_semaphore, #tpu.memory_space<semaphore_mem>>) src(%dma_wait3A_169 : memref<624xf32, #tpu.memory_space<vmem_shared>>) dst(%dma_wait3A_168 : memref<624xf32, #tpu.memory_space<vmem>>)
      tpu.yield
    }) : () -> ()
    %mul3A_152 = arith.constant 624 : i32
    %mul3A_153 = arith.muli %arg1, %mul3A_152 : i32
    %add3A_154 = arith.addi %mul3A_149, %mul3A_153 : i32
    "tpu.region"() ({
      %run_scoped3A = tpu.sem_alloc : memref<!tpu.dma_semaphore, #tpu.memory_space<semaphore_mem>>
      %dma_start3A = arith.constant 0 : i32
      %dma_start3A_160 = tpu.memref_slice %arg11[%dma_start3A] : memref<640xf32, #tpu.memory_space<vmem>> -> memref<624xf32, #tpu.memory_space<vmem>>
      %dma_start3A_161 = tpu.memref_slice %arg6[%add3A_154] : memref<20000xf32, #tpu.memory_space<hbm>> -> memref<624xf32, #tpu.memory_space<hbm>>
      %dma_start3A_162 = tpu.memref_slice %arg6[%add3A_154] : memref<20000xf32, #tpu.memory_space<hbm>> -> memref<624xf32, #tpu.memory_space<hbm>>
      %dma_start3A_163 = arith.constant 0 : i32
      %dma_start3A_164 = tpu.memref_slice %arg11[%dma_start3A_163] : memref<640xf32, #tpu.memory_space<vmem>> -> memref<624xf32, #tpu.memory_space<vmem>>
      tpu.enqueue_dma source(%dma_start3A_164 : memref<624xf32, #tpu.memory_space<vmem>>) target(%dma_start3A_162 : memref<624xf32, #tpu.memory_space<hbm>>) target_semaphore(%run_scoped3A : memref<!tpu.dma_semaphore, #tpu.memory_space<semaphore_mem>>)
      %dma_wait3A = arith.constant 0 : i32
      %dma_wait3A_165 = tpu.memref_slice %arg11[%dma_wait3A] : memref<640xf32, #tpu.memory_space<vmem>> -> memref<624xf32, #tpu.memory_space<vmem>>
      %dma_wait3A_166 = tpu.memref_slice %arg6[%add3A_154] : memref<20000xf32, #tpu.memory_space<hbm>> -> memref<624xf32, #tpu.memory_space<hbm>>
      %dma_wait3A_167 = tpu.memref_slice %arg6[%add3A_154] : memref<20000xf32, #tpu.memory_space<hbm>> -> memref<624xf32, #tpu.memory_space<hbm>>
      %dma_wait3A_168 = arith.constant 0 : i32
      %dma_wait3A_169 = tpu.memref_slice %arg11[%dma_wait3A_168] : memref<640xf32, #tpu.memory_space<vmem>> -> memref<624xf32, #tpu.memory_space<vmem>>
      tpu.wait_dma2 semaphore(%run_scoped3A : memref<!tpu.dma_semaphore, #tpu.memory_space<semaphore_mem>>) src(%dma_wait3A_169 : memref<624xf32, #tpu.memory_space<vmem>>) dst(%dma_wait3A_167 : memref<624xf32, #tpu.memory_space<hbm>>)
      tpu.yield
    }) : () -> ()
    %eq3A_155 = arith.constant 15 : i32
    %eq3A_156 = arith.cmpi eq, %arg1, %eq3A_155 : i32
    %convert_element_type3A_157 = arith.extui %eq3A_156 : i1 to i32
    %cond3A_158 = arith.constant 0 : i32
    %cond3A_159 = arith.cmpi ne, %convert_element_type3A_157, %cond3A_158 : i32
    scf.if %cond3A_159 {
      "tpu.region"() ({
        %run_scoped3A = tpu.sem_alloc : memref<!tpu.dma_semaphore, #tpu.memory_space<semaphore_mem>>
        %dma_start3A = arith.constant 0 : i32
        %dma_start3A_162 = tpu.memref_slice %arg11[%dma_start3A] : memref<640xf32, #tpu.memory_space<vmem>> -> memref<16xf32, #tpu.memory_space<vmem>>
        %dma_start3A_163 = arith.constant 9984 : i32
        %dma_start3A_164 = tpu.memref_slice %arg12[%dma_start3A_163] : memref<10112xf32, #tpu.memory_space<vmem_shared>> -> memref<16xf32, #tpu.memory_space<vmem_shared>>
        %dma_start3A_165 = arith.constant 0 : i32
        %dma_start3A_166 = tpu.memref_slice %arg11[%dma_start3A_165] : memref<640xf32, #tpu.memory_space<vmem>> -> memref<16xf32, #tpu.memory_space<vmem>>
        %dma_start3A_167 = arith.constant 9984 : i32
        %dma_start3A_168 = tpu.memref_slice %arg12[%dma_start3A_167] : memref<10112xf32, #tpu.memory_space<vmem_shared>> -> memref<16xf32, #tpu.memory_space<vmem_shared>>
        tpu.enqueue_dma source(%dma_start3A_168 : memref<16xf32, #tpu.memory_space<vmem_shared>>) target(%dma_start3A_166 : memref<16xf32, #tpu.memory_space<vmem>>) target_semaphore(%run_scoped3A : memref<!tpu.dma_semaphore, #tpu.memory_space<semaphore_mem>>)
        %dma_wait3A = arith.constant 0 : i32
        %dma_wait3A_169 = tpu.memref_slice %arg11[%dma_wait3A] : memref<640xf32, #tpu.memory_space<vmem>> -> memref<16xf32, #tpu.memory_space<vmem>>
        %dma_wait3A_170 = arith.constant 9984 : i32
        %dma_wait3A_171 = tpu.memref_slice %arg12[%dma_wait3A_170] : memref<10112xf32, #tpu.memory_space<vmem_shared>> -> memref<16xf32, #tpu.memory_space<vmem_shared>>
        %dma_wait3A_172 = arith.constant 0 : i32
        %dma_wait3A_173 = tpu.memref_slice %arg11[%dma_wait3A_172] : memref<640xf32, #tpu.memory_space<vmem>> -> memref<16xf32, #tpu.memory_space<vmem>>
        %dma_wait3A_174 = arith.constant 9984 : i32
        %dma_wait3A_175 = tpu.memref_slice %arg12[%dma_wait3A_174] : memref<10112xf32, #tpu.memory_space<vmem_shared>> -> memref<16xf32, #tpu.memory_space<vmem_shared>>
        tpu.wait_dma2 semaphore(%run_scoped3A : memref<!tpu.dma_semaphore, #tpu.memory_space<semaphore_mem>>) src(%dma_wait3A_175 : memref<16xf32, #tpu.memory_space<vmem_shared>>) dst(%dma_wait3A_173 : memref<16xf32, #tpu.memory_space<vmem>>)
        tpu.yield
      }) : () -> ()
      %add3A_160 = arith.constant 9984 : i32
      %add3A_161 = arith.addi %mul3A_149, %add3A_160 : i32
      "tpu.region"() ({
        %run_scoped3A = tpu.sem_alloc : memref<!tpu.dma_semaphore, #tpu.memory_space<semaphore_mem>>
        %dma_start3A = arith.constant 0 : i32
        %dma_start3A_162 = tpu.memref_slice %arg11[%dma_start3A] : memref<640xf32, #tpu.memory_space<vmem>> -> memref<16xf32, #tpu.memory_space<vmem>>
        %dma_start3A_163 = tpu.memref_slice %arg6[%add3A_161] : memref<20000xf32, #tpu.memory_space<hbm>> -> memref<16xf32, #tpu.memory_space<hbm>>
        %dma_start3A_164 = tpu.memref_slice %arg6[%add3A_161] : memref<20000xf32, #tpu.memory_space<hbm>> -> memref<16xf32, #tpu.memory_space<hbm>>
        %dma_start3A_165 = arith.constant 0 : i32
        %dma_start3A_166 = tpu.memref_slice %arg11[%dma_start3A_165] : memref<640xf32, #tpu.memory_space<vmem>> -> memref<16xf32, #tpu.memory_space<vmem>>
        tpu.enqueue_dma source(%dma_start3A_166 : memref<16xf32, #tpu.memory_space<vmem>>) target(%dma_start3A_164 : memref<16xf32, #tpu.memory_space<hbm>>) target_semaphore(%run_scoped3A : memref<!tpu.dma_semaphore, #tpu.memory_space<semaphore_mem>>)
        %dma_wait3A = arith.constant 0 : i32
        %dma_wait3A_167 = tpu.memref_slice %arg11[%dma_wait3A] : memref<640xf32, #tpu.memory_space<vmem>> -> memref<16xf32, #tpu.memory_space<vmem>>
        %dma_wait3A_168 = tpu.memref_slice %arg6[%add3A_161] : memref<20000xf32, #tpu.memory_space<hbm>> -> memref<16xf32, #tpu.memory_space<hbm>>
        %dma_wait3A_169 = tpu.memref_slice %arg6[%add3A_161] : memref<20000xf32, #tpu.memory_space<hbm>> -> memref<16xf32, #tpu.memory_space<hbm>>
        %dma_wait3A_170 = arith.constant 0 : i32
        %dma_wait3A_171 = tpu.memref_slice %arg11[%dma_wait3A_170] : memref<640xf32, #tpu.memory_space<vmem>> -> memref<16xf32, #tpu.memory_space<vmem>>
        tpu.wait_dma2 semaphore(%run_scoped3A : memref<!tpu.dma_semaphore, #tpu.memory_space<semaphore_mem>>) src(%dma_wait3A_171 : memref<16xf32, #tpu.memory_space<vmem>>) dst(%dma_wait3A_169 : memref<16xf32, #tpu.memory_space<hbm>>)
        tpu.yield
      }) : () -> ()
    } else {
    }
    return
  }
}

#map = affine_map<(d0, d1) -> (0)>
#map1 = affine_map<(d0, d1) -> (0, 0)>
module attributes {stable_mosaic.version = 14 : i64} {
  func.func @_sc_segsum(%arg0: i32, %arg1: i32, %arg2: memref<640000xi32, #tpu.memory_space<hbm>>, %arg3: memref<640000xi32, #tpu.memory_space<hbm>>, %arg4: memref<20000x128xf32, #tpu.memory_space<hbm>>, %arg5: memref<20096xf32, #tpu.memory_space<hbm>>, %arg6: memref<20000x128xf32, #tpu.memory_space<hbm>>, %arg7: memref<20000xf32, #tpu.memory_space<hbm>>, %arg8: memref<6x128xi32, #tpu.memory_space<vmem>>, %arg9: memref<6x128xi32, #tpu.memory_space<vmem>>, %arg10: memref<6x128xi32, #tpu.memory_space<vmem>>, %arg11: memref<6x128xi32, #tpu.memory_space<vmem>>, %arg12: memref<2x128x128xf32, #tpu.memory_space<vmem>>, %arg13: memref<2x128xf32, #tpu.memory_space<vmem>>, %arg14: memref<16x128xf32, #tpu.memory_space<vmem>>, %arg15: memref<640xf32, #tpu.memory_space<vmem>>, %arg16: memref<10000x128xf32, #tpu.memory_space<vmem_shared>>, %arg17: memref<10112xf32, #tpu.memory_space<vmem_shared>>, %arg18: memref<!tpu.dma_semaphore, #tpu.memory_space<semaphore_mem>>, %arg19: memref<!tpu.dma_semaphore, #tpu.memory_space<semaphore_mem>>, %arg20: memref<!tpu.dma_semaphore, #tpu.memory_space<semaphore_mem>>, %arg21: memref<!tpu.dma_semaphore, #tpu.memory_space<semaphore_mem>>, %arg22: memref<!tpu.dma_semaphore, #tpu.memory_space<semaphore_mem>>) attributes {dimension_semantics = [#tpu.dimension_semantics<core_parallel>, #tpu.dimension_semantics<subcore_parallel>], iteration_bounds = array<i64: 2, 16>, scalar_prefetch = 0 : i64, scratch_operands = 15 : i64, tpu.core_type = #tpu.core_type<sc_vector_subcore>, window_params = [{transform_indices = #map}, {transform_indices = #map}, {transform_indices = #map1}, {transform_indices = #map}, {transform_indices = #map1}, {transform_indices = #map}]} {
    %scan3A = arith.constant 0 : i32
    %scan3A_0 = arith.constant 0 : i32
    %scan3A_1 = arith.constant 128 : i32
    %scan3A_2 = arith.addi %scan3A_0, %scan3A_1 : i32
    %scan3A_3 = arith.constant 1 : i32
    %scan3A_4 = scf.for %scan3A_102 = %scan3A_0 to %scan3A_2 step %scan3A_3 iter_args(%scan3A_103 = %scan3A) -> (i32)  : i32 {
      %broadcast_in_dim3A = arith.constant 0.000000e+00 : f32
      %broadcast_in_dim3A_104 = vector.broadcast %broadcast_in_dim3A : f32 to vector<16xf32>
      %jit3A = arith.constant 8 : i32
      %div3A = arith.divsi %scan3A_102, %jit3A : i32
      %sign3A = arith.constant 0 : i32
      %sign3A_105 = arith.cmpi sgt, %scan3A_102, %sign3A : i32
      %sign3A_106 = arith.extui %sign3A_105 : i1 to i32
      %sign3A_107 = arith.constant 0 : i32
      %sign3A_108 = arith.cmpi slt, %scan3A_102, %sign3A_107 : i32
      %sign3A_109 = arith.extui %sign3A_108 : i1 to i32
      %sign3A_110 = arith.subi %sign3A_106, %sign3A_109 : i32
      %sign3A_111 = arith.constant 0 : i32
      %sign3A_112 = arith.cmpi sgt, %jit3A, %sign3A_111 : i32
      %sign3A_113 = arith.extui %sign3A_112 : i1 to i32
      %sign3A_114 = arith.constant 0 : i32
      %sign3A_115 = arith.cmpi slt, %jit3A, %sign3A_114 : i32
      %sign3A_116 = arith.extui %sign3A_115 : i1 to i32
      %sign3A_117 = arith.subi %sign3A_113, %sign3A_116 : i32
      %ne3A = arith.cmpi ne, %sign3A_110, %sign3A_117 : i32
      %rem3A = arith.remsi %scan3A_102, %jit3A : i32
      %ne3A_118 = arith.constant 0 : i32
      %ne3A_119 = arith.cmpi ne, %rem3A, %ne3A_118 : i32
      %and3A = arith.andi %ne3A, %ne3A_119 : i1
      %sub3A = arith.constant 1 : i32
      %sub3A_120 = arith.subi %div3A, %sub3A : i32
      %select_n3A = arith.select %and3A, %sub3A_120, %div3A : i32
      %jit3A_121 = arith.constant 8 : i32
      %eq3A_122 = arith.constant 0 : i32
      %eq3A_123 = arith.cmpi eq, %jit3A_121, %eq3A_122 : i32
      %jit3A_124 = arith.constant 1 : i32
      %select_n3A_125 = arith.select %eq3A_123, %jit3A_124, %jit3A_121 : i32
      %rem3A_126 = arith.remsi %scan3A_102, %select_n3A_125 : i32
      %ne3A_127 = arith.constant 0 : i32
      %ne3A_128 = arith.cmpi ne, %rem3A_126, %ne3A_127 : i32
      %lt3A_129 = arith.constant 0 : i32
      %lt3A_130 = arith.cmpi slt, %rem3A_126, %lt3A_129 : i32
      %lt3A_131 = arith.constant 0 : i32
      %lt3A_132 = arith.cmpi slt, %select_n3A_125, %lt3A_131 : i32
      %ne3A_133 = arith.xori %lt3A_130, %lt3A_132 : i1
      %and3A_134 = arith.andi %ne3A_133, %ne3A_128 : i1
      %add3A_135 = arith.addi %rem3A_126, %select_n3A_125 : i32
      %select_n3A_136 = arith.select %and3A_134, %add3A_135, %rem3A_126 : i32
      %mul3A_137 = arith.constant 16 : i32
      %mul3A_138 = arith.muli %select_n3A_136, %mul3A_137 : i32
      %swap3A = arith.index_cast %select_n3A : i32 to index
      %swap3A_139 = arith.index_cast %mul3A_138 : i32 to index
      %swap3A_140 = tpu.vector_load %arg14[%swap3A, %swap3A_139] {strides = array<i32>} : memref<16x128xf32, #tpu.memory_space<vmem>>, vector<1x16xf32>,
      %swap3A_141 = vector.shape_cast %swap3A_140 : vector<1x16xf32> to vector<16xf32>
      %swap3A_142 = vector.shape_cast %broadcast_in_dim3A_104 : vector<16xf32> to vector<1x16xf32>
      tpu.vector_store %arg14[%swap3A, %swap3A_139], %swap3A_142 {strides = array<i32>} : memref<16x128xf32, #tpu.memory_space<vmem>>, vector<1x16xf32>,
      %scan3A_143 = arith.constant 0 : i32
      scf.yield %scan3A_143 : i32
    }
    %scan3A_5 = arith.constant 128 : i32
    %scan3A_6 = arith.constant 0 : i32
    %scan3A_7 = arith.constant 0 : i32
    %scan3A_8 = arith.constant 40 : i32
    %scan3A_9 = arith.addi %scan3A_7, %scan3A_8 : i32
    %scan3A_10 = arith.constant 1 : i32
    %scan3A_11 = scf.for %scan3A_102 = %scan3A_7 to %scan3A_9 step %scan3A_10 iter_args(%scan3A_103 = %scan3A_6) -> (i32)  : i32 {
      %broadcast_in_dim3A = arith.constant 0.000000e+00 : f32
      %broadcast_in_dim3A_104 = vector.broadcast %broadcast_in_dim3A : f32 to vector<16xf32>
      %mul3A_105 = arith.constant 16 : i32
      %mul3A_106 = arith.muli %scan3A_102, %mul3A_105 : i32
      %swap3A = arith.index_cast %mul3A_106 : i32 to index
      %swap3A_107 = tpu.vector_load %arg15[%swap3A] {strides = array<i32>} : memref<640xf32, #tpu.memory_space<vmem>>, vector<16xf32>,
      %swap3A_108 = vector.shape_cast %swap3A_107 : vector<16xf32> to vector<16xf32>
      %swap3A_109 = vector.shape_cast %broadcast_in_dim3A_104 : vector<16xf32> to vector<16xf32>
      tpu.vector_store %arg15[%swap3A], %swap3A_109 {strides = array<i32>} : memref<640xf32, #tpu.memory_space<vmem>>, vector<16xf32>,
      %scan3A_110 = arith.constant 0 : i32
      scf.yield %scan3A_110 : i32
    }
    %scan3A_12 = arith.constant 40 : i32
    %scan3A_13 = arith.constant 0 : i32
    %scan3A_14 = arith.constant 0 : i32
    %scan3A_15 = arith.constant 39 : i32
    %scan3A_16 = arith.addi %scan3A_14, %scan3A_15 : i32
    %scan3A_17 = arith.constant 1 : i32
    %scan3A_18 = scf.for %scan3A_102 = %scan3A_14 to %scan3A_16 step %scan3A_17 iter_args(%scan3A_103 = %scan3A_13) -> (i32)  : i32 {
      %mul3A_104 = arith.constant 624 : i32
      %mul3A_105 = arith.muli %arg1, %mul3A_104 : i32
      %mul3A_106 = arith.constant 16 : i32
      %mul3A_107 = arith.muli %scan3A_102, %mul3A_106 : i32
      %add3A_108 = arith.addi %mul3A_105, %mul3A_107 : i32
      "tpu.region"() ({
        %run_scoped3A = tpu.sem_alloc : memref<!tpu.dma_semaphore, #tpu.memory_space<semaphore_mem>>
        %dma_start3A = arith.constant 0 : i32
        %dma_start3A_110 = tpu.memref_slice %arg16[%add3A_108, %dma_start3A] : memref<10000x128xf32, #tpu.memory_space<vmem_shared>> -> memref<16x128xf32, #tpu.memory_space<vmem_shared>>
        %dma_start3A_111 = arith.constant 0 : i32
        %dma_start3A_112 = tpu.memref_slice %arg16[%add3A_108, %dma_start3A_111] : memref<10000x128xf32, #tpu.memory_space<vmem_shared>> -> memref<16x128xf32, #tpu.memory_space<vmem_shared>>
        tpu.enqueue_dma source(%arg14 : memref<16x128xf32, #tpu.memory_space<vmem>>) target(%dma_start3A_112 : memref<16x128xf32, #tpu.memory_space<vmem_shared>>) target_semaphore(%run_scoped3A : memref<!tpu.dma_semaphore, #tpu.memory_space<semaphore_mem>>)
        %dma_wait3A = arith.constant 0 : i32
        %dma_wait3A_113 = tpu.memref_slice %arg16[%add3A_108, %dma_wait3A] : memref<10000x128xf32, #tpu.memory_space<vmem_shared>> -> memref<16x128xf32, #tpu.memory_space<vmem_shared>>
        %dma_wait3A_114 = arith.constant 0 : i32
        %dma_wait3A_115 = tpu.memref_slice %arg16[%add3A_108, %dma_wait3A_114] : memref<10000x128xf32, #tpu.memory_space<vmem_shared>> -> memref<16x128xf32, #tpu.memory_space<vmem_shared>>
        tpu.wait_dma2 semaphore(%run_scoped3A : memref<!tpu.dma_semaphore, #tpu.memory_space<semaphore_mem>>) src(%arg14 : memref<16x128xf32, #tpu.memory_space<vmem>>) dst(%dma_wait3A_115 : memref<16x128xf32, #tpu.memory_space<vmem_shared>>)
        tpu.yield
      }) : () -> ()
      %scan3A_109 = arith.constant 0 : i32
      scf.yield %scan3A_109 : i32
    }
    %scan3A_19 = arith.constant 39 : i32
    %eq3A = arith.constant 15 : i32
    %eq3A_20 = arith.cmpi eq, %arg1, %eq3A : i32
    %convert_element_type3A = arith.extui %eq3A_20 : i1 to i32
    %cond3A = arith.constant 0 : i32
    %cond3A_21 = arith.cmpi ne, %convert_element_type3A, %cond3A : i32
    scf.if %cond3A_21 {
      "tpu.region"() ({
        %run_scoped3A = tpu.sem_alloc : memref<!tpu.dma_semaphore, #tpu.memory_space<semaphore_mem>>
        %dma_start3A = arith.constant 9984 : i32
        %dma_start3A_102 = arith.constant 0 : i32
        %dma_start3A_103 = tpu.memref_slice %arg16[%dma_start3A, %dma_start3A_102] : memref<10000x128xf32, #tpu.memory_space<vmem_shared>> -> memref<16x128xf32, #tpu.memory_space<vmem_shared>>
        %dma_start3A_104 = arith.constant 9984 : i32
        %dma_start3A_105 = arith.constant 0 : i32
        %dma_start3A_106 = tpu.memref_slice %arg16[%dma_start3A_104, %dma_start3A_105] : memref<10000x128xf32, #tpu.memory_space<vmem_shared>> -> memref<16x128xf32, #tpu.memory_space<vmem_shared>>
        tpu.enqueue_dma source(%arg14 : memref<16x128xf32, #tpu.memory_space<vmem>>) target(%dma_start3A_106 : memref<16x128xf32, #tpu.memory_space<vmem_shared>>) target_semaphore(%run_scoped3A : memref<!tpu.dma_semaphore, #tpu.memory_space<semaphore_mem>>)
        %dma_wait3A = arith.constant 9984 : i32
        %dma_wait3A_107 = arith.constant 0 : i32
        %dma_wait3A_108 = tpu.memref_slice %arg16[%dma_wait3A, %dma_wait3A_107] : memref<10000x128xf32, #tpu.memory_space<vmem_shared>> -> memref<16x128xf32, #tpu.memory_space<vmem_shared>>
        %dma_wait3A_109 = arith.constant 9984 : i32
        %dma_wait3A_110 = arith.constant 0 : i32
        %dma_wait3A_111 = tpu.memref_slice %arg16[%dma_wait3A_109, %dma_wait3A_110] : memref<10000x128xf32, #tpu.memory_space<vmem_shared>> -> memref<16x128xf32, #tpu.memory_space<vmem_shared>>
        tpu.wait_dma2 semaphore(%run_scoped3A : memref<!tpu.dma_semaphore, #tpu.memory_space<semaphore_mem>>) src(%arg14 : memref<16x128xf32, #tpu.memory_space<vmem>>) dst(%dma_wait3A_111 : memref<16x128xf32, #tpu.memory_space<vmem_shared>>)
        tpu.yield
      }) : () -> ()
    } else {
    }
    %mul3A = arith.constant 624 : i32
    %mul3A_22 = arith.muli %arg1, %mul3A : i32
    "tpu.region"() ({
      %run_scoped3A = tpu.sem_alloc : memref<!tpu.dma_semaphore, #tpu.memory_space<semaphore_mem>>
      %dma_start3A = arith.constant 0 : i32
      %dma_start3A_102 = tpu.memref_slice %arg15[%dma_start3A] : memref<640xf32, #tpu.memory_space<vmem>> -> memref<624xf32, #tpu.memory_space<vmem>>
      %dma_start3A_103 = tpu.memref_slice %arg17[%mul3A_22] : memref<10112xf32, #tpu.memory_space<vmem_shared>> -> memref<624xf32, #tpu.memory_space<vmem_shared>>
      %dma_start3A_104 = tpu.memref_slice %arg17[%mul3A_22] : memref<10112xf32, #tpu.memory_space<vmem_shared>> -> memref<624xf32, #tpu.memory_space<vmem_shared>>
      %dma_start3A_105 = arith.constant 0 : i32
      %dma_start3A_106 = tpu.memref_slice %arg15[%dma_start3A_105] : memref<640xf32, #tpu.memory_space<vmem>> -> memref<624xf32, #tpu.memory_space<vmem>>
      tpu.enqueue_dma source(%dma_start3A_106 : memref<624xf32, #tpu.memory_space<vmem>>) target(%dma_start3A_104 : memref<624xf32, #tpu.memory_space<vmem_shared>>) target_semaphore(%run_scoped3A : memref<!tpu.dma_semaphore, #tpu.memory_space<semaphore_mem>>)
      %dma_wait3A = arith.constant 0 : i32
      %dma_wait3A_107 = tpu.memref_slice %arg15[%dma_wait3A] : memref<640xf32, #tpu.memory_space<vmem>> -> memref<624xf32, #tpu.memory_space<vmem>>
      %dma_wait3A_108 = tpu.memref_slice %arg17[%mul3A_22] : memref<10112xf32, #tpu.memory_space<vmem_shared>> -> memref<624xf32, #tpu.memory_space<vmem_shared>>
      %dma_wait3A_109 = tpu.memref_slice %arg17[%mul3A_22] : memref<10112xf32, #tpu.memory_space<vmem_shared>> -> memref<624xf32, #tpu.memory_space<vmem_shared>>
      %dma_wait3A_110 = arith.constant 0 : i32
      %dma_wait3A_111 = tpu.memref_slice %arg15[%dma_wait3A_110] : memref<640xf32, #tpu.memory_space<vmem>> -> memref<624xf32, #tpu.memory_space<vmem>>
      tpu.wait_dma2 semaphore(%run_scoped3A : memref<!tpu.dma_semaphore, #tpu.memory_space<semaphore_mem>>) src(%dma_wait3A_111 : memref<624xf32, #tpu.memory_space<vmem>>) dst(%dma_wait3A_109 : memref<624xf32, #tpu.memory_space<vmem_shared>>)
      tpu.yield
    }) : () -> ()
    %eq3A_23 = arith.constant 15 : i32
    %eq3A_24 = arith.cmpi eq, %arg1, %eq3A_23 : i32
    %convert_element_type3A_25 = arith.extui %eq3A_24 : i1 to i32
    %cond3A_26 = arith.constant 0 : i32
    %cond3A_27 = arith.cmpi ne, %convert_element_type3A_25, %cond3A_26 : i32
    scf.if %cond3A_27 {
      "tpu.region"() ({
        %run_scoped3A = tpu.sem_alloc : memref<!tpu.dma_semaphore, #tpu.memory_space<semaphore_mem>>
        %dma_start3A = arith.constant 0 : i32
        %dma_start3A_102 = tpu.memref_slice %arg15[%dma_start3A] : memref<640xf32, #tpu.memory_space<vmem>> -> memref<16xf32, #tpu.memory_space<vmem>>
        %dma_start3A_103 = arith.constant 9984 : i32
        %dma_start3A_104 = tpu.memref_slice %arg17[%dma_start3A_103] : memref<10112xf32, #tpu.memory_space<vmem_shared>> -> memref<16xf32, #tpu.memory_space<vmem_shared>>
        %dma_start3A_105 = arith.constant 9984 : i32
        %dma_start3A_106 = tpu.memref_slice %arg17[%dma_start3A_105] : memref<10112xf32, #tpu.memory_space<vmem_shared>> -> memref<16xf32, #tpu.memory_space<vmem_shared>>
        %dma_start3A_107 = arith.constant 0 : i32
        %dma_start3A_108 = tpu.memref_slice %arg15[%dma_start3A_107] : memref<640xf32, #tpu.memory_space<vmem>> -> memref<16xf32, #tpu.memory_space<vmem>>
        tpu.enqueue_dma source(%dma_start3A_108 : memref<16xf32, #tpu.memory_space<vmem>>) target(%dma_start3A_106 : memref<16xf32, #tpu.memory_space<vmem_shared>>) target_semaphore(%run_scoped3A : memref<!tpu.dma_semaphore, #tpu.memory_space<semaphore_mem>>)
        %dma_wait3A = arith.constant 0 : i32
        %dma_wait3A_109 = tpu.memref_slice %arg15[%dma_wait3A] : memref<640xf32, #tpu.memory_space<vmem>> -> memref<16xf32, #tpu.memory_space<vmem>>
        %dma_wait3A_110 = arith.constant 9984 : i32
        %dma_wait3A_111 = tpu.memref_slice %arg17[%dma_wait3A_110] : memref<10112xf32, #tpu.memory_space<vmem_shared>> -> memref<16xf32, #tpu.memory_space<vmem_shared>>
        %dma_wait3A_112 = arith.constant 9984 : i32
        %dma_wait3A_113 = tpu.memref_slice %arg17[%dma_wait3A_112] : memref<10112xf32, #tpu.memory_space<vmem_shared>> -> memref<16xf32, #tpu.memory_space<vmem_shared>>
        %dma_wait3A_114 = arith.constant 0 : i32
        %dma_wait3A_115 = tpu.memref_slice %arg15[%dma_wait3A_114] : memref<640xf32, #tpu.memory_space<vmem>> -> memref<16xf32, #tpu.memory_space<vmem>>
        tpu.wait_dma2 semaphore(%run_scoped3A : memref<!tpu.dma_semaphore, #tpu.memory_space<semaphore_mem>>) src(%dma_wait3A_115 : memref<16xf32, #tpu.memory_space<vmem>>) dst(%dma_wait3A_113 : memref<16xf32, #tpu.memory_space<vmem_shared>>)
        tpu.yield
      }) : () -> ()
    } else {
    }
    %barrier3A = arith.constant 0 : index
    tpu.barrier barrier_id(%barrier3A)
    %mul3A_28 = arith.constant 10000 : i32
    %mul3A_29 = arith.muli %arg0, %mul3A_28 : i32
    %add3A = arith.constant 0 : i32
    %add3A_30 = arith.addi %add3A, %arg1 : i32
    %lt3A = arith.constant 2500 : i32
    %lt3A_31 = arith.cmpi slt, %add3A_30, %lt3A : i32
    %convert_element_type3A_32 = arith.extui %lt3A_31 : i1 to i32
    %cond3A_33 = arith.constant 0 : i32
    %cond3A_34 = arith.cmpi ne, %convert_element_type3A_32, %cond3A_33 : i32
    scf.if %cond3A_34 {
      %mul3A_102 = arith.constant 320000 : i32
      %mul3A_103 = arith.muli %arg0, %mul3A_102 : i32
      %mul3A_104 = arith.constant 128 : i32
      %mul3A_105 = arith.muli %add3A_30, %mul3A_104 : i32
      %add3A_106 = arith.addi %mul3A_103, %mul3A_105 : i32
      %dma_start3A = arith.constant 0 : i32
      %dma_start3A_107 = arith.constant 0 : i32
      %dma_start3A_108 = tpu.memref_slice %arg8[%dma_start3A, %dma_start3A_107] : memref<6x128xi32, #tpu.memory_space<vmem>> -> memref<1x128xi32, #tpu.memory_space<vmem>>
      %dma_start3A_109 = tpu.memref_squeeze %dma_start3A_108 : memref<1x128xi32, #tpu.memory_space<vmem>> -> memref<128xi32, #tpu.memory_space<vmem>>
      %dma_start3A_110 = tpu.memref_slice %arg2[%add3A_106] : memref<640000xi32, #tpu.memory_space<hbm>> -> memref<128xi32, #tpu.memory_space<hbm>>
      %dma_start3A_111 = arith.constant 0 : i32
      %dma_start3A_112 = tpu.memref_slice %arg8[%dma_start3A, %dma_start3A_111] : memref<6x128xi32, #tpu.memory_space<vmem>> -> memref<1x128xi32, #tpu.memory_space<vmem>>
      %dma_start3A_113 = tpu.memref_squeeze %dma_start3A_112 : memref<1x128xi32, #tpu.memory_space<vmem>> -> memref<128xi32, #tpu.memory_space<vmem>>
      %dma_start3A_114 = tpu.memref_slice %arg2[%add3A_106] : memref<640000xi32, #tpu.memory_space<hbm>> -> memref<128xi32, #tpu.memory_space<hbm>>
      tpu.enqueue_dma source(%dma_start3A_114 : memref<128xi32, #tpu.memory_space<hbm>>) target(%dma_start3A_113 : memref<128xi32, #tpu.memory_space<vmem>>) target_semaphore(%arg18 : memref<!tpu.dma_semaphore, #tpu.memory_space<semaphore_mem>>)
      %dma_start3A_115 = arith.constant 0 : i32
      %dma_start3A_116 = arith.constant 0 : i32
      %dma_start3A_117 = tpu.memref_slice %arg10[%dma_start3A_115, %dma_start3A_116] : memref<6x128xi32, #tpu.memory_space<vmem>> -> memref<1x128xi32, #tpu.memory_space<vmem>>
      %dma_start3A_118 = tpu.memref_squeeze %dma_start3A_117 : memref<1x128xi32, #tpu.memory_space<vmem>> -> memref<128xi32, #tpu.memory_space<vmem>>
      %dma_start3A_119 = tpu.memref_slice %arg3[%add3A_106] : memref<640000xi32, #tpu.memory_space<hbm>> -> memref<128xi32, #tpu.memory_space<hbm>>
      %dma_start3A_120 = arith.constant 0 : i32
      %dma_start3A_121 = tpu.memref_slice %arg10[%dma_start3A_115, %dma_start3A_120] : memref<6x128xi32, #tpu.memory_space<vmem>> -> memref<1x128xi32, #tpu.memory_space<vmem>>
      %dma_start3A_122 = tpu.memref_squeeze %dma_start3A_121 : memref<1x128xi32, #tpu.memory_space<vmem>> -> memref<128xi32, #tpu.memory_space<vmem>>
      %dma_start3A_123 = tpu.memref_slice %arg3[%add3A_106] : memref<640000xi32, #tpu.memory_space<hbm>> -> memref<128xi32, #tpu.memory_space<hbm>>
      tpu.enqueue_dma source(%dma_start3A_123 : memref<128xi32, #tpu.memory_space<hbm>>) target(%dma_start3A_122 : memref<128xi32, #tpu.memory_space<vmem>>) target_semaphore(%arg18 : memref<!tpu.dma_semaphore, #tpu.memory_space<semaphore_mem>>)
    } else {
    }
    %add3A_35 = arith.constant 16 : i32
    %add3A_36 = arith.addi %add3A_35, %arg1 : i32
    %lt3A_37 = arith.constant 2500 : i32
    %lt3A_38 = arith.cmpi slt, %add3A_36, %lt3A_37 : i32
    %convert_element_type3A_39 = arith.extui %lt3A_38 : i1 to i32
    %cond3A_40 = arith.constant 0 : i32
    %cond3A_41 = arith.cmpi ne, %convert_element_type3A_39, %cond3A_40 : i32
    scf.if %cond3A_41 {
      %mul3A_102 = arith.constant 320000 : i32
      %mul3A_103 = arith.muli %arg0, %mul3A_102 : i32
      %mul3A_104 = arith.constant 128 : i32
      %mul3A_105 = arith.muli %add3A_36, %mul3A_104 : i32
      %add3A_106 = arith.addi %mul3A_103, %mul3A_105 : i32
      %dma_start3A = arith.constant 1 : i32
      %dma_start3A_107 = arith.constant 0 : i32
      %dma_start3A_108 = tpu.memref_slice %arg8[%dma_start3A, %dma_start3A_107] : memref<6x128xi32, #tpu.memory_space<vmem>> -> memref<1x128xi32, #tpu.memory_space<vmem>>
      %dma_start3A_109 = tpu.memref_squeeze %dma_start3A_108 : memref<1x128xi32, #tpu.memory_space<vmem>> -> memref<128xi32, #tpu.memory_space<vmem>>
      %dma_start3A_110 = tpu.memref_slice %arg2[%add3A_106] : memref<640000xi32, #tpu.memory_space<hbm>> -> memref<128xi32, #tpu.memory_space<hbm>>
      %dma_start3A_111 = arith.constant 0 : i32
      %dma_start3A_112 = tpu.memref_slice %arg8[%dma_start3A, %dma_start3A_111] : memref<6x128xi32, #tpu.memory_space<vmem>> -> memref<1x128xi32, #tpu.memory_space<vmem>>
      %dma_start3A_113 = tpu.memref_squeeze %dma_start3A_112 : memref<1x128xi32, #tpu.memory_space<vmem>> -> memref<128xi32, #tpu.memory_space<vmem>>
      %dma_start3A_114 = tpu.memref_slice %arg2[%add3A_106] : memref<640000xi32, #tpu.memory_space<hbm>> -> memref<128xi32, #tpu.memory_space<hbm>>
      tpu.enqueue_dma source(%dma_start3A_114 : memref<128xi32, #tpu.memory_space<hbm>>) target(%dma_start3A_113 : memref<128xi32, #tpu.memory_space<vmem>>) target_semaphore(%arg18 : memref<!tpu.dma_semaphore, #tpu.memory_space<semaphore_mem>>)
      %dma_start3A_115 = arith.constant 1 : i32
      %dma_start3A_116 = arith.constant 0 : i32
      %dma_start3A_117 = tpu.memref_slice %arg10[%dma_start3A_115, %dma_start3A_116] : memref<6x128xi32, #tpu.memory_space<vmem>> -> memref<1x128xi32, #tpu.memory_space<vmem>>
      %dma_start3A_118 = tpu.memref_squeeze %dma_start3A_117 : memref<1x128xi32, #tpu.memory_space<vmem>> -> memref<128xi32, #tpu.memory_space<vmem>>
      %dma_start3A_119 = tpu.memref_slice %arg3[%add3A_106] : memref<640000xi32, #tpu.memory_space<hbm>> -> memref<128xi32, #tpu.memory_space<hbm>>
      %dma_start3A_120 = arith.constant 0 : i32
      %dma_start3A_121 = tpu.memref_slice %arg10[%dma_start3A_115, %dma_start3A_120] : memref<6x128xi32, #tpu.memory_space<vmem>> -> memref<1x128xi32, #tpu.memory_space<vmem>>
      %dma_start3A_122 = tpu.memref_squeeze %dma_start3A_121 : memref<1x128xi32, #tpu.memory_space<vmem>> -> memref<128xi32, #tpu.memory_space<vmem>>
      %dma_start3A_123 = tpu.memref_slice %arg3[%add3A_106] : memref<640000xi32, #tpu.memory_space<hbm>> -> memref<128xi32, #tpu.memory_space<hbm>>
      tpu.enqueue_dma source(%dma_start3A_123 : memref<128xi32, #tpu.memory_space<hbm>>) target(%dma_start3A_122 : memref<128xi32, #tpu.memory_space<vmem>>) target_semaphore(%arg18 : memref<!tpu.dma_semaphore, #tpu.memory_space<semaphore_mem>>)
    } else {
    }
    %add3A_42 = arith.constant 32 : i32
    %add3A_43 = arith.addi %add3A_42, %arg1 : i32
    %lt3A_44 = arith.constant 2500 : i32
    %lt3A_45 = arith.cmpi slt, %add3A_43, %lt3A_44 : i32
    %convert_element_type3A_46 = arith.extui %lt3A_45 : i1 to i32
    %cond3A_47 = arith.constant 0 : i32
    %cond3A_48 = arith.cmpi ne, %convert_element_type3A_46, %cond3A_47 : i32
    scf.if %cond3A_48 {
      %mul3A_102 = arith.constant 320000 : i32
      %mul3A_103 = arith.muli %arg0, %mul3A_102 : i32
      %mul3A_104 = arith.constant 128 : i32
      %mul3A_105 = arith.muli %add3A_43, %mul3A_104 : i32
      %add3A_106 = arith.addi %mul3A_103, %mul3A_105 : i32
      %dma_start3A = arith.constant 2 : i32
      %dma_start3A_107 = arith.constant 0 : i32
      %dma_start3A_108 = tpu.memref_slice %arg8[%dma_start3A, %dma_start3A_107] : memref<6x128xi32, #tpu.memory_space<vmem>> -> memref<1x128xi32, #tpu.memory_space<vmem>>
      %dma_start3A_109 = tpu.memref_squeeze %dma_start3A_108 : memref<1x128xi32, #tpu.memory_space<vmem>> -> memref<128xi32, #tpu.memory_space<vmem>>
      %dma_start3A_110 = tpu.memref_slice %arg2[%add3A_106] : memref<640000xi32, #tpu.memory_space<hbm>> -> memref<128xi32, #tpu.memory_space<hbm>>
      %dma_start3A_111 = arith.constant 0 : i32
      %dma_start3A_112 = tpu.memref_slice %arg8[%dma_start3A, %dma_start3A_111] : memref<6x128xi32, #tpu.memory_space<vmem>> -> memref<1x128xi32, #tpu.memory_space<vmem>>
      %dma_start3A_113 = tpu.memref_squeeze %dma_start3A_112 : memref<1x128xi32, #tpu.memory_space<vmem>> -> memref<128xi32, #tpu.memory_space<vmem>>
      %dma_start3A_114 = tpu.memref_slice %arg2[%add3A_106] : memref<640000xi32, #tpu.memory_space<hbm>> -> memref<128xi32, #tpu.memory_space<hbm>>
      tpu.enqueue_dma source(%dma_start3A_114 : memref<128xi32, #tpu.memory_space<hbm>>) target(%dma_start3A_113 : memref<128xi32, #tpu.memory_space<vmem>>) target_semaphore(%arg18 : memref<!tpu.dma_semaphore, #tpu.memory_space<semaphore_mem>>)
      %dma_start3A_115 = arith.constant 2 : i32
      %dma_start3A_116 = arith.constant 0 : i32
      %dma_start3A_117 = tpu.memref_slice %arg10[%dma_start3A_115, %dma_start3A_116] : memref<6x128xi32, #tpu.memory_space<vmem>> -> memref<1x128xi32, #tpu.memory_space<vmem>>
      %dma_start3A_118 = tpu.memref_squeeze %dma_start3A_117 : memref<1x128xi32, #tpu.memory_space<vmem>> -> memref<128xi32, #tpu.memory_space<vmem>>
      %dma_start3A_119 = tpu.memref_slice %arg3[%add3A_106] : memref<640000xi32, #tpu.memory_space<hbm>> -> memref<128xi32, #tpu.memory_space<hbm>>
      %dma_start3A_120 = arith.constant 0 : i32
      %dma_start3A_121 = tpu.memref_slice %arg10[%dma_start3A_115, %dma_start3A_120] : memref<6x128xi32, #tpu.memory_space<vmem>> -> memref<1x128xi32, #tpu.memory_space<vmem>>
      %dma_start3A_122 = tpu.memref_squeeze %dma_start3A_121 : memref<1x128xi32, #tpu.memory_space<vmem>> -> memref<128xi32, #tpu.memory_space<vmem>>
      %dma_start3A_123 = tpu.memref_slice %arg3[%add3A_106] : memref<640000xi32, #tpu.memory_space<hbm>> -> memref<128xi32, #tpu.memory_space<hbm>>
      tpu.enqueue_dma source(%dma_start3A_123 : memref<128xi32, #tpu.memory_space<hbm>>) target(%dma_start3A_122 : memref<128xi32, #tpu.memory_space<vmem>>) target_semaphore(%arg18 : memref<!tpu.dma_semaphore, #tpu.memory_space<semaphore_mem>>)
    } else {
    }
    %add3A_49 = arith.constant 48 : i32
    %add3A_50 = arith.addi %add3A_49, %arg1 : i32
    %lt3A_51 = arith.constant 2500 : i32
    %lt3A_52 = arith.cmpi slt, %add3A_50, %lt3A_51 : i32
    %convert_element_type3A_53 = arith.extui %lt3A_52 : i1 to i32
    %cond3A_54 = arith.constant 0 : i32
    %cond3A_55 = arith.cmpi ne, %convert_element_type3A_53, %cond3A_54 : i32
    scf.if %cond3A_55 {
      %mul3A_102 = arith.constant 320000 : i32
      %mul3A_103 = arith.muli %arg0, %mul3A_102 : i32
      %mul3A_104 = arith.constant 128 : i32
      %mul3A_105 = arith.muli %add3A_50, %mul3A_104 : i32
      %add3A_106 = arith.addi %mul3A_103, %mul3A_105 : i32
      %dma_start3A = arith.constant 3 : i32
      %dma_start3A_107 = arith.constant 0 : i32
      %dma_start3A_108 = tpu.memref_slice %arg8[%dma_start3A, %dma_start3A_107] : memref<6x128xi32, #tpu.memory_space<vmem>> -> memref<1x128xi32, #tpu.memory_space<vmem>>
      %dma_start3A_109 = tpu.memref_squeeze %dma_start3A_108 : memref<1x128xi32, #tpu.memory_space<vmem>> -> memref<128xi32, #tpu.memory_space<vmem>>
      %dma_start3A_110 = tpu.memref_slice %arg2[%add3A_106] : memref<640000xi32, #tpu.memory_space<hbm>> -> memref<128xi32, #tpu.memory_space<hbm>>
      %dma_start3A_111 = arith.constant 0 : i32
      %dma_start3A_112 = tpu.memref_slice %arg8[%dma_start3A, %dma_start3A_111] : memref<6x128xi32, #tpu.memory_space<vmem>> -> memref<1x128xi32, #tpu.memory_space<vmem>>
      %dma_start3A_113 = tpu.memref_squeeze %dma_start3A_112 : memref<1x128xi32, #tpu.memory_space<vmem>> -> memref<128xi32, #tpu.memory_space<vmem>>
      %dma_start3A_114 = tpu.memref_slice %arg2[%add3A_106] : memref<640000xi32, #tpu.memory_space<hbm>> -> memref<128xi32, #tpu.memory_space<hbm>>
      tpu.enqueue_dma source(%dma_start3A_114 : memref<128xi32, #tpu.memory_space<hbm>>) target(%dma_start3A_113 : memref<128xi32, #tpu.memory_space<vmem>>) target_semaphore(%arg18 : memref<!tpu.dma_semaphore, #tpu.memory_space<semaphore_mem>>)
      %dma_start3A_115 = arith.constant 3 : i32
      %dma_start3A_116 = arith.constant 0 : i32
      %dma_start3A_117 = tpu.memref_slice %arg10[%dma_start3A_115, %dma_start3A_116] : memref<6x128xi32, #tpu.memory_space<vmem>> -> memref<1x128xi32, #tpu.memory_space<vmem>>
      %dma_start3A_118 = tpu.memref_squeeze %dma_start3A_117 : memref<1x128xi32, #tpu.memory_space<vmem>> -> memref<128xi32, #tpu.memory_space<vmem>>
      %dma_start3A_119 = tpu.memref_slice %arg3[%add3A_106] : memref<640000xi32, #tpu.memory_space<hbm>> -> memref<128xi32, #tpu.memory_space<hbm>>
      %dma_start3A_120 = arith.constant 0 : i32
      %dma_start3A_121 = tpu.memref_slice %arg10[%dma_start3A_115, %dma_start3A_120] : memref<6x128xi32, #tpu.memory_space<vmem>> -> memref<1x128xi32, #tpu.memory_space<vmem>>
      %dma_start3A_122 = tpu.memref_squeeze %dma_start3A_121 : memref<1x128xi32, #tpu.memory_space<vmem>> -> memref<128xi32, #tpu.memory_space<vmem>>
      %dma_start3A_123 = tpu.memref_slice %arg3[%add3A_106] : memref<640000xi32, #tpu.memory_space<hbm>> -> memref<128xi32, #tpu.memory_space<hbm>>
      tpu.enqueue_dma source(%dma_start3A_123 : memref<128xi32, #tpu.memory_space<hbm>>) target(%dma_start3A_122 : memref<128xi32, #tpu.memory_space<vmem>>) target_semaphore(%arg18 : memref<!tpu.dma_semaphore, #tpu.memory_space<semaphore_mem>>)
    } else {
    }
    %add3A_56 = arith.constant 0 : i32
    %add3A_57 = arith.addi %add3A_56, %arg1 : i32
    %lt3A_58 = arith.constant 2500 : i32
    %lt3A_59 = arith.cmpi slt, %add3A_57, %lt3A_58 : i32
    %convert_element_type3A_60 = arith.extui %lt3A_59 : i1 to i32
    %cond3A_61 = arith.constant 0 : i32
    %cond3A_62 = arith.cmpi ne, %convert_element_type3A_60, %cond3A_61 : i32
    scf.if %cond3A_62 {
      %dma_wait3A = arith.constant 0 : i32
      %dma_wait3A_102 = arith.constant 0 : i32
      %dma_wait3A_103 = tpu.memref_slice %arg8[%dma_wait3A, %dma_wait3A_102] : memref<6x128xi32, #tpu.memory_space<vmem>> -> memref<1x128xi32, #tpu.memory_space<vmem>>
      %dma_wait3A_104 = tpu.memref_squeeze %dma_wait3A_103 : memref<1x128xi32, #tpu.memory_space<vmem>> -> memref<128xi32, #tpu.memory_space<vmem>>
      %dma_wait3A_105 = arith.constant 0 : i32
      %dma_wait3A_106 = tpu.memref_slice %arg2[%dma_wait3A_105] : memref<640000xi32, #tpu.memory_space<hbm>> -> memref<128xi32, #tpu.memory_space<hbm>>
      %dma_wait3A_107 = arith.constant 0 : i32
      %dma_wait3A_108 = tpu.memref_slice %arg8[%dma_wait3A, %dma_wait3A_107] : memref<6x128xi32, #tpu.memory_space<vmem>> -> memref<1x128xi32, #tpu.memory_space<vmem>>
      %dma_wait3A_109 = tpu.memref_squeeze %dma_wait3A_108 : memref<1x128xi32, #tpu.memory_space<vmem>> -> memref<128xi32, #tpu.memory_space<vmem>>
      %dma_wait3A_110 = arith.constant 0 : i32
      %dma_wait3A_111 = tpu.memref_slice %arg2[%dma_wait3A_110] : memref<640000xi32, #tpu.memory_space<hbm>> -> memref<128xi32, #tpu.memory_space<hbm>>
      tpu.wait_dma2 semaphore(%arg18 : memref<!tpu.dma_semaphore, #tpu.memory_space<semaphore_mem>>) src(%dma_wait3A_111 : memref<128xi32, #tpu.memory_space<hbm>>) dst(%dma_wait3A_109 : memref<128xi32, #tpu.memory_space<vmem>>)
      %dma_wait3A_112 = arith.constant 0 : i32
      %dma_wait3A_113 = arith.constant 0 : i32
      %dma_wait3A_114 = tpu.memref_slice %arg10[%dma_wait3A_112, %dma_wait3A_113] : memref<6x128xi32, #tpu.memory_space<vmem>> -> memref<1x128xi32, #tpu.memory_space<vmem>>
      %dma_wait3A_115 = tpu.memref_squeeze %dma_wait3A_114 : memref<1x128xi32, #tpu.memory_space<vmem>> -> memref<128xi32, #tpu.memory_space<vmem>>
      %dma_wait3A_116 = arith.constant 0 : i32
      %dma_wait3A_117 = tpu.memref_slice %arg2[%dma_wait3A_116] : memref<640000xi32, #tpu.memory_space<hbm>> -> memref<128xi32, #tpu.memory_space<hbm>>
      %dma_wait3A_118 = arith.constant 0 : i32
      %dma_wait3A_119 = tpu.memref_slice %arg10[%dma_wait3A_112, %dma_wait3A_118] : memref<6x128xi32, #tpu.memory_space<vmem>> -> memref<1x128xi32, #tpu.memory_space<vmem>>
      %dma_wait3A_120 = tpu.memref_squeeze %dma_wait3A_119 : memref<1x128xi32, #tpu.memory_space<vmem>> -> memref<128xi32, #tpu.memory_space<vmem>>
      %dma_wait3A_121 = arith.constant 0 : i32
      %dma_wait3A_122 = tpu.memref_slice %arg2[%dma_wait3A_121] : memref<640000xi32, #tpu.memory_space<hbm>> -> memref<128xi32, #tpu.memory_space<hbm>>
      tpu.wait_dma2 semaphore(%arg18 : memref<!tpu.dma_semaphore, #tpu.memory_space<semaphore_mem>>) src(%dma_wait3A_122 : memref<128xi32, #tpu.memory_space<hbm>>) dst(%dma_wait3A_120 : memref<128xi32, #tpu.memory_space<vmem>>)
      %scan3A_123 = arith.constant 0 : i32
      %scan3A_124 = arith.constant 0 : i32
      %scan3A_125 = arith.constant 8 : i32
      %scan3A_126 = arith.addi %scan3A_124, %scan3A_125 : i32
      %scan3A_127 = arith.constant 1 : i32
      %scan3A_128 = scf.for %scan3A_151 = %scan3A_124 to %scan3A_126 step %scan3A_127 iter_args(%scan3A_152 = %scan3A_123) -> (i32)  : i32 {
        %mul3A_153 = arith.constant 16 : i32
        %mul3A_154 = arith.muli %scan3A_151, %mul3A_153 : i32
        %get3A = arith.constant 0 : i32
        %get3A_155 = arith.index_cast %get3A : i32 to index
        %get3A_156 = arith.index_cast %mul3A_154 : i32 to index
        %get3A_157 = tpu.vector_load %arg8[%get3A_155, %get3A_156] {strides = array<i32>} : memref<6x128xi32, #tpu.memory_space<vmem>>, vector<1x16xi32>,
        %get3A_158 = vector.shape_cast %get3A_157 : vector<1x16xi32> to vector<16xi32>
        %add3A_159 = vector.broadcast %mul3A_29 : i32 to vector<16xi32>
        %add3A_160 = arith.addi %get3A_158, %add3A_159 : vector<16xi32>
        %mul3A_161 = arith.constant 16 : i32
        %mul3A_162 = arith.muli %scan3A_151, %mul3A_161 : i32
        %swap3A = arith.constant 0 : i32
        %swap3A_163 = arith.index_cast %swap3A : i32 to index
        %swap3A_164 = arith.index_cast %mul3A_162 : i32 to index
        %swap3A_165 = tpu.vector_load %arg9[%swap3A_163, %swap3A_164] {strides = array<i32>} : memref<6x128xi32, #tpu.memory_space<vmem>>, vector<1x16xi32>,
        %swap3A_166 = vector.shape_cast %swap3A_165 : vector<1x16xi32> to vector<16xi32>
        %swap3A_167 = vector.shape_cast %add3A_160 : vector<16xi32> to vector<1x16xi32>
        tpu.vector_store %arg9[%swap3A_163, %swap3A_164], %swap3A_167 {strides = array<i32>} : memref<6x128xi32, #tpu.memory_space<vmem>>, vector<1x16xi32>,
        %mul3A_168 = arith.constant 16 : i32
        %mul3A_169 = arith.muli %scan3A_151, %mul3A_168 : i32
        %get3A_170 = arith.constant 0 : i32
        %get3A_171 = arith.index_cast %get3A_170 : i32 to index
        %get3A_172 = arith.index_cast %mul3A_169 : i32 to index
        %get3A_173 = tpu.vector_load %arg10[%get3A_171, %get3A_172] {strides = array<i32>} : memref<6x128xi32, #tpu.memory_space<vmem>>, vector<1x16xi32>,
        %get3A_174 = vector.shape_cast %get3A_173 : vector<1x16xi32> to vector<16xi32>
        %add3A_175 = vector.broadcast %mul3A_29 : i32 to vector<16xi32>
        %add3A_176 = arith.addi %get3A_174, %add3A_175 : vector<16xi32>
        %mul3A_177 = arith.constant 16 : i32
        %mul3A_178 = arith.muli %scan3A_151, %mul3A_177 : i32
        %swap3A_179 = arith.constant 0 : i32
        %swap3A_180 = arith.index_cast %swap3A_179 : i32 to index
        %swap3A_181 = arith.index_cast %mul3A_178 : i32 to index
        %swap3A_182 = tpu.vector_load %arg11[%swap3A_180, %swap3A_181] {strides = array<i32>} : memref<6x128xi32, #tpu.memory_space<vmem>>, vector<1x16xi32>,
        %swap3A_183 = vector.shape_cast %swap3A_182 : vector<1x16xi32> to vector<16xi32>
        %swap3A_184 = vector.shape_cast %add3A_176 : vector<16xi32> to vector<1x16xi32>
        tpu.vector_store %arg11[%swap3A_180, %swap3A_181], %swap3A_184 {strides = array<i32>} : memref<6x128xi32, #tpu.memory_space<vmem>>, vector<1x16xi32>,
        %scan3A_185 = arith.constant 0 : i32
        scf.yield %scan3A_185 : i32
      }
      %scan3A_129 = arith.constant 8 : i32
      %dma_start3A = arith.constant 0 : i32
      %dma_start3A_130 = arith.constant 0 : i32
      %dma_start3A_131 = arith.constant 0 : i32
      %dma_start3A_132 = arith.constant 0 : i32
      %dma_start3A_133 = tpu.memref_slice %arg12[%dma_start3A_130, %dma_start3A_131, %dma_start3A_132] : memref<2x128x128xf32, #tpu.memory_space<vmem>> -> memref<1x128x128xf32, #tpu.memory_space<vmem>>
      %dma_start3A_134 = tpu.memref_squeeze %dma_start3A_133 : memref<1x128x128xf32, #tpu.memory_space<vmem>> -> memref<128x128xf32, #tpu.memory_space<vmem>>
      %dma_start3A_135 = arith.constant 0 : i32
      %dma_start3A_136 = tpu.memref_slice %arg9[%dma_start3A, %dma_start3A_135] : memref<6x128xi32, #tpu.memory_space<vmem>> -> memref<1x128xi32, #tpu.memory_space<vmem>>
      %dma_start3A_137 = tpu.memref_squeeze %dma_start3A_136 : memref<1x128xi32, #tpu.memory_space<vmem>> -> memref<128xi32, #tpu.memory_space<vmem>>
      %dma_start3A_138 = arith.constant 0 : i32
      %dma_start3A_139 = arith.constant 0 : i32
      %dma_start3A_140 = tpu.memref_slice %arg4[%dma_start3A_138, %dma_start3A_139] : memref<20000x128xf32, #tpu.memory_space<hbm>> -> memref<20000x128xf32, #tpu.memory_space<hbm>>
      tpu.enqueue_indirect_dma source(%dma_start3A_140 : memref<20000x128xf32, #tpu.memory_space<hbm>>) target(%dma_start3A_134 : memref<128x128xf32, #tpu.memory_space<vmem>>) offsets(%dma_start3A_137 : memref<128xi32, #tpu.memory_space<vmem>>) semaphore(%arg19 : memref<!tpu.dma_semaphore, #tpu.memory_space<semaphore_mem>>)
      %dma_start3A_141 = arith.constant 0 : i32
      %dma_start3A_142 = arith.constant 0 : i32
      %dma_start3A_143 = arith.constant 0 : i32
      %dma_start3A_144 = tpu.memref_slice %arg13[%dma_start3A_142, %dma_start3A_143] : memref<2x128xf32, #tpu.memory_space<vmem>> -> memref<1x128xf32, #tpu.memory_space<vmem>>
      %dma_start3A_145 = tpu.memref_squeeze %dma_start3A_144 : memref<1x128xf32, #tpu.memory_space<vmem>> -> memref<128xf32, #tpu.memory_space<vmem>>
      %dma_start3A_146 = arith.constant 0 : i32
      %dma_start3A_147 = tpu.memref_slice %arg11[%dma_start3A_141, %dma_start3A_146] : memref<6x128xi32, #tpu.memory_space<vmem>> -> memref<1x128xi32, #tpu.memory_space<vmem>>
      %dma_start3A_148 = tpu.memref_squeeze %dma_start3A_147 : memref<1x128xi32, #tpu.memory_space<vmem>> -> memref<128xi32, #tpu.memory_space<vmem>>
      %dma_start3A_149 = arith.constant 0 : i32
      %dma_start3A_150 = tpu.memref_slice %arg5[%dma_start3A_149] : memref<20096xf32, #tpu.memory_space<hbm>> -> memref<20096xf32, #tpu.memory_space<hbm>>
      tpu.enqueue_indirect_dma source(%dma_start3A_150 : memref<20096xf32, #tpu.memory_space<hbm>>) target(%dma_start3A_145 : memref<128xf32, #tpu.memory_space<vmem>>) offsets(%dma_start3A_148 : memref<128xi32, #tpu.memory_space<vmem>>) semaphore(%arg20 : memref<!tpu.dma_semaphore, #tpu.memory_space<semaphore_mem>>)
    } else {
    }
    %add3A_63 = arith.constant 16 : i32
    %add3A_64 = arith.addi %add3A_63, %arg1 : i32
    %lt3A_65 = arith.constant 2500 : i32
    %lt3A_66 = arith.cmpi slt, %add3A_64, %lt3A_65 : i32
    %convert_element_type3A_67 = arith.extui %lt3A_66 : i1 to i32
    %cond3A_68 = arith.constant 0 : i32
    %cond3A_69 = arith.cmpi ne, %convert_element_type3A_67, %cond3A_68 : i32
    scf.if %cond3A_69 {
      %dma_wait3A = arith.constant 1 : i32
      %dma_wait3A_102 = arith.constant 0 : i32
      %dma_wait3A_103 = tpu.memref_slice %arg8[%dma_wait3A, %dma_wait3A_102] : memref<6x128xi32, #tpu.memory_space<vmem>> -> memref<1x128xi32, #tpu.memory_space<vmem>>
      %dma_wait3A_104 = tpu.memref_squeeze %dma_wait3A_103 : memref<1x128xi32, #tpu.memory_space<vmem>> -> memref<128xi32, #tpu.memory_space<vmem>>
      %dma_wait3A_105 = arith.constant 0 : i32
      %dma_wait3A_106 = tpu.memref_slice %arg2[%dma_wait3A_105] : memref<640000xi32, #tpu.memory_space<hbm>> -> memref<128xi32, #tpu.memory_space<hbm>>
      %dma_wait3A_107 = arith.constant 0 : i32
      %dma_wait3A_108 = tpu.memref_slice %arg8[%dma_wait3A, %dma_wait3A_107] : memref<6x128xi32, #tpu.memory_space<vmem>> -> memref<1x128xi32, #tpu.memory_space<vmem>>
      %dma_wait3A_109 = tpu.memref_squeeze %dma_wait3A_108 : memref<1x128xi32, #tpu.memory_space<vmem>> -> memref<128xi32, #tpu.memory_space<vmem>>
      %dma_wait3A_110 = arith.constant 0 : i32
      %dma_wait3A_111 = tpu.memref_slice %arg2[%dma_wait3A_110] : memref<640000xi32, #tpu.memory_space<hbm>> -> memref<128xi32, #tpu.memory_space<hbm>>
      tpu.wait_dma2 semaphore(%arg18 : memref<!tpu.dma_semaphore, #tpu.memory_space<semaphore_mem>>) src(%dma_wait3A_111 : memref<128xi32, #tpu.memory_space<hbm>>) dst(%dma_wait3A_109 : memref<128xi32, #tpu.memory_space<vmem>>)
      %dma_wait3A_112 = arith.constant 1 : i32
      %dma_wait3A_113 = arith.constant 0 : i32
      %dma_wait3A_114 = tpu.memref_slice %arg10[%dma_wait3A_112, %dma_wait3A_113] : memref<6x128xi32, #tpu.memory_space<vmem>> -> memref<1x128xi32, #tpu.memory_space<vmem>>
      %dma_wait3A_115 = tpu.memref_squeeze %dma_wait3A_114 : memref<1x128xi32, #tpu.memory_space<vmem>> -> memref<128xi32, #tpu.memory_space<vmem>>
      %dma_wait3A_116 = arith.constant 0 : i32
      %dma_wait3A_117 = tpu.memref_slice %arg2[%dma_wait3A_116] : memref<640000xi32, #tpu.memory_space<hbm>> -> memref<128xi32, #tpu.memory_space<hbm>>
      %dma_wait3A_118 = arith.constant 0 : i32
      %dma_wait3A_119 = tpu.memref_slice %arg10[%dma_wait3A_112, %dma_wait3A_118] : memref<6x128xi32, #tpu.memory_space<vmem>> -> memref<1x128xi32, #tpu.memory_space<vmem>>
      %dma_wait3A_120 = tpu.memref_squeeze %dma_wait3A_119 : memref<1x128xi32, #tpu.memory_space<vmem>> -> memref<128xi32, #tpu.memory_space<vmem>>
      %dma_wait3A_121 = arith.constant 0 : i32
      %dma_wait3A_122 = tpu.memref_slice %arg2[%dma_wait3A_121] : memref<640000xi32, #tpu.memory_space<hbm>> -> memref<128xi32, #tpu.memory_space<hbm>>
      tpu.wait_dma2 semaphore(%arg18 : memref<!tpu.dma_semaphore, #tpu.memory_space<semaphore_mem>>) src(%dma_wait3A_122 : memref<128xi32, #tpu.memory_space<hbm>>) dst(%dma_wait3A_120 : memref<128xi32, #tpu.memory_space<vmem>>)
      %scan3A_123 = arith.constant 0 : i32
      %scan3A_124 = arith.constant 0 : i32
      %scan3A_125 = arith.constant 8 : i32
      %scan3A_126 = arith.addi %scan3A_124, %scan3A_125 : i32
      %scan3A_127 = arith.constant 1 : i32
      %scan3A_128 = scf.for %scan3A_151 = %scan3A_124 to %scan3A_126 step %scan3A_127 iter_args(%scan3A_152 = %scan3A_123) -> (i32)  : i32 {
        %mul3A_153 = arith.constant 16 : i32
        %mul3A_154 = arith.muli %scan3A_151, %mul3A_153 : i32
        %get3A = arith.constant 1 : i32
        %get3A_155 = arith.index_cast %get3A : i32 to index
        %get3A_156 = arith.index_cast %mul3A_154 : i32 to index
        %get3A_157 = tpu.vector_load %arg8[%get3A_155, %get3A_156] {strides = array<i32>} : memref<6x128xi32, #tpu.memory_space<vmem>>, vector<1x16xi32>,
        %get3A_158 = vector.shape_cast %get3A_157 : vector<1x16xi32> to vector<16xi32>
        %add3A_159 = vector.broadcast %mul3A_29 : i32 to vector<16xi32>
        %add3A_160 = arith.addi %get3A_158, %add3A_159 : vector<16xi32>
        %mul3A_161 = arith.constant 16 : i32
        %mul3A_162 = arith.muli %scan3A_151, %mul3A_161 : i32
        %swap3A = arith.constant 1 : i32
        %swap3A_163 = arith.index_cast %swap3A : i32 to index
        %swap3A_164 = arith.index_cast %mul3A_162 : i32 to index
        %swap3A_165 = tpu.vector_load %arg9[%swap3A_163, %swap3A_164] {strides = array<i32>} : memref<6x128xi32, #tpu.memory_space<vmem>>, vector<1x16xi32>,
        %swap3A_166 = vector.shape_cast %swap3A_165 : vector<1x16xi32> to vector<16xi32>
        %swap3A_167 = vector.shape_cast %add3A_160 : vector<16xi32> to vector<1x16xi32>
        tpu.vector_store %arg9[%swap3A_163, %swap3A_164], %swap3A_167 {strides = array<i32>} : memref<6x128xi32, #tpu.memory_space<vmem>>, vector<1x16xi32>,
        %mul3A_168 = arith.constant 16 : i32
        %mul3A_169 = arith.muli %scan3A_151, %mul3A_168 : i32
        %get3A_170 = arith.constant 1 : i32
        %get3A_171 = arith.index_cast %get3A_170 : i32 to index
        %get3A_172 = arith.index_cast %mul3A_169 : i32 to index
        %get3A_173 = tpu.vector_load %arg10[%get3A_171, %get3A_172] {strides = array<i32>} : memref<6x128xi32, #tpu.memory_space<vmem>>, vector<1x16xi32>,
        %get3A_174 = vector.shape_cast %get3A_173 : vector<1x16xi32> to vector<16xi32>
        %add3A_175 = vector.broadcast %mul3A_29 : i32 to vector<16xi32>
        %add3A_176 = arith.addi %get3A_174, %add3A_175 : vector<16xi32>
        %mul3A_177 = arith.constant 16 : i32
        %mul3A_178 = arith.muli %scan3A_151, %mul3A_177 : i32
        %swap3A_179 = arith.constant 1 : i32
        %swap3A_180 = arith.index_cast %swap3A_179 : i32 to index
        %swap3A_181 = arith.index_cast %mul3A_178 : i32 to index
        %swap3A_182 = tpu.vector_load %arg11[%swap3A_180, %swap3A_181] {strides = array<i32>} : memref<6x128xi32, #tpu.memory_space<vmem>>, vector<1x16xi32>,
        %swap3A_183 = vector.shape_cast %swap3A_182 : vector<1x16xi32> to vector<16xi32>
        %swap3A_184 = vector.shape_cast %add3A_176 : vector<16xi32> to vector<1x16xi32>
        tpu.vector_store %arg11[%swap3A_180, %swap3A_181], %swap3A_184 {strides = array<i32>} : memref<6x128xi32, #tpu.memory_space<vmem>>, vector<1x16xi32>,
        %scan3A_185 = arith.constant 0 : i32
        scf.yield %scan3A_185 : i32
      }
      %scan3A_129 = arith.constant 8 : i32
      %dma_start3A = arith.constant 1 : i32
      %dma_start3A_130 = arith.constant 1 : i32
      %dma_start3A_131 = arith.constant 0 : i32
      %dma_start3A_132 = arith.constant 0 : i32
      %dma_start3A_133 = tpu.memref_slice %arg12[%dma_start3A_130, %dma_start3A_131, %dma_start3A_132] : memref<2x128x128xf32, #tpu.memory_space<vmem>> -> memref<1x128x128xf32, #tpu.memory_space<vmem>>
      %dma_start3A_134 = tpu.memref_squeeze %dma_start3A_133 : memref<1x128x128xf32, #tpu.memory_space<vmem>> -> memref<128x128xf32, #tpu.memory_space<vmem>>
      %dma_start3A_135 = arith.constant 0 : i32
      %dma_start3A_136 = tpu.memref_slice %arg9[%dma_start3A, %dma_start3A_135] : memref<6x128xi32, #tpu.memory_space<vmem>> -> memref<1x128xi32, #tpu.memory_space<vmem>>
      %dma_start3A_137 = tpu.memref_squeeze %dma_start3A_136 : memref<1x128xi32, #tpu.memory_space<vmem>> -> memref<128xi32, #tpu.memory_space<vmem>>
      %dma_start3A_138 = arith.constant 0 : i32
      %dma_start3A_139 = arith.constant 0 : i32
      %dma_start3A_140 = tpu.memref_slice %arg4[%dma_start3A_138, %dma_start3A_139] : memref<20000x128xf32, #tpu.memory_space<hbm>> -> memref<20000x128xf32, #tpu.memory_space<hbm>>
      tpu.enqueue_indirect_dma source(%dma_start3A_140 : memref<20000x128xf32, #tpu.memory_space<hbm>>) target(%dma_start3A_134 : memref<128x128xf32, #tpu.memory_space<vmem>>) offsets(%dma_start3A_137 : memref<128xi32, #tpu.memory_space<vmem>>) semaphore(%arg19 : memref<!tpu.dma_semaphore, #tpu.memory_space<semaphore_mem>>)
      %dma_start3A_141 = arith.constant 1 : i32
      %dma_start3A_142 = arith.constant 1 : i32
      %dma_start3A_143 = arith.constant 0 : i32
      %dma_start3A_144 = tpu.memref_slice %arg13[%dma_start3A_142, %dma_start3A_143] : memref<2x128xf32, #tpu.memory_space<vmem>> -> memref<1x128xf32, #tpu.memory_space<vmem>>
      %dma_start3A_145 = tpu.memref_squeeze %dma_start3A_144 : memref<1x128xf32, #tpu.memory_space<vmem>> -> memref<128xf32, #tpu.memory_space<vmem>>
      %dma_start3A_146 = arith.constant 0 : i32
      %dma_start3A_147 = tpu.memref_slice %arg11[%dma_start3A_141, %dma_start3A_146] : memref<6x128xi32, #tpu.memory_space<vmem>> -> memref<1x128xi32, #tpu.memory_space<vmem>>
      %dma_start3A_148 = tpu.memref_squeeze %dma_start3A_147 : memref<1x128xi32, #tpu.memory_space<vmem>> -> memref<128xi32, #tpu.memory_space<vmem>>
      %dma_start3A_149 = arith.constant 0 : i32
      %dma_start3A_150 = tpu.memref_slice %arg5[%dma_start3A_149] : memref<20096xf32, #tpu.memory_space<hbm>> -> memref<20096xf32, #tpu.memory_space<hbm>>
      tpu.enqueue_indirect_dma source(%dma_start3A_150 : memref<20096xf32, #tpu.memory_space<hbm>>) target(%dma_start3A_145 : memref<128xf32, #tpu.memory_space<vmem>>) offsets(%dma_start3A_148 : memref<128xi32, #tpu.memory_space<vmem>>) semaphore(%arg20 : memref<!tpu.dma_semaphore, #tpu.memory_space<semaphore_mem>>)
    } else {
    }
    %scan3A_70 = arith.constant 0 : i32
    %scan3A_71 = arith.constant 0 : i32
    %scan3A_72 = arith.constant 27 : i32
    %scan3A_73 = arith.addi %scan3A_71, %scan3A_72 : i32
    %scan3A_74 = arith.constant 1 : i32
    %scan3A_75 = scf.for %scan3A_102 = %scan3A_71 to %scan3A_73 step %scan3A_74 iter_args(%scan3A_103 = %scan3A_70) -> (i32)  : i32 {
      %mul3A_104 = arith.constant 6 : i32
      %mul3A_105 = arith.muli %scan3A_102, %mul3A_104 : i32
      %add3A_106 = arith.constant 0 : i32
      %add3A_107 = arith.addi %mul3A_105, %add3A_106 : i32
      %mul3A_108 = arith.constant 16 : i32
      %mul3A_109 = arith.muli %add3A_107, %mul3A_108 : i32
      %add3A_110 = arith.addi %mul3A_109, %arg1 : i32
      %lt3A_111 = arith.constant 2500 : i32
      %lt3A_112 = arith.cmpi slt, %add3A_110, %lt3A_111 : i32
      %convert_element_type3A_113 = arith.extui %lt3A_112 : i1 to i32
      %cond3A_114 = arith.constant 0 : i32
      %cond3A_115 = arith.cmpi ne, %convert_element_type3A_113, %cond3A_114 : i32
      scf.if %cond3A_115 {
        %dma_wait3A = arith.constant 0 : i32
        %dma_wait3A_346 = arith.constant 0 : i32
        %dma_wait3A_347 = arith.constant 0 : i32
        %dma_wait3A_348 = tpu.memref_slice %arg12[%dma_wait3A, %dma_wait3A_346, %dma_wait3A_347] : memref<2x128x128xf32, #tpu.memory_space<vmem>> -> memref<1x128x128xf32, #tpu.memory_space<vmem>>
        %dma_wait3A_349 = tpu.memref_squeeze %dma_wait3A_348 : memref<1x128x128xf32, #tpu.memory_space<vmem>> -> memref<128x128xf32, #tpu.memory_space<vmem>>
        %dma_wait3A_350 = arith.constant 0 : i32
        %dma_wait3A_351 = arith.constant 0 : i32
        %dma_wait3A_352 = tpu.memref_slice %arg4[%dma_wait3A_350, %dma_wait3A_351] : memref<20000x128xf32, #tpu.memory_space<hbm>> -> memref<128x128xf32, #tpu.memory_space<hbm>>
        %dma_wait3A_353 = arith.constant 0 : i32
        %dma_wait3A_354 = arith.constant 0 : i32
        %dma_wait3A_355 = tpu.memref_slice %arg12[%dma_wait3A, %dma_wait3A_353, %dma_wait3A_354] : memref<2x128x128xf32, #tpu.memory_space<vmem>> -> memref<1x128x128xf32, #tpu.memory_space<vmem>>
        %dma_wait3A_356 = tpu.memref_squeeze %dma_wait3A_355 : memref<1x128x128xf32, #tpu.memory_space<vmem>> -> memref<128x128xf32, #tpu.memory_space<vmem>>
        %dma_wait3A_357 = arith.constant 0 : i32
        %dma_wait3A_358 = arith.constant 0 : i32
        %dma_wait3A_359 = tpu.memref_slice %arg4[%dma_wait3A_357, %dma_wait3A_358] : memref<20000x128xf32, #tpu.memory_space<hbm>> -> memref<128x128xf32, #tpu.memory_space<hbm>>
        tpu.wait_dma2 semaphore(%arg19 : memref<!tpu.dma_semaphore, #tpu.memory_space<semaphore_mem>>) src(%dma_wait3A_359 : memref<128x128xf32, #tpu.memory_space<hbm>>) dst(%dma_wait3A_356 : memref<128x128xf32, #tpu.memory_space<vmem>>)
        %dma_wait3A_360 = arith.constant 0 : i32
        %dma_wait3A_361 = arith.constant 0 : i32
        %dma_wait3A_362 = tpu.memref_slice %arg13[%dma_wait3A_360, %dma_wait3A_361] : memref<2x128xf32, #tpu.memory_space<vmem>> -> memref<1x128xf32, #tpu.memory_space<vmem>>
        %dma_wait3A_363 = tpu.memref_squeeze %dma_wait3A_362 : memref<1x128xf32, #tpu.memory_space<vmem>> -> memref<128xf32, #tpu.memory_space<vmem>>
        %dma_wait3A_364 = arith.constant 0 : i32
        %dma_wait3A_365 = tpu.memref_slice %arg5[%dma_wait3A_364] : memref<20096xf32, #tpu.memory_space<hbm>> -> memref<128xf32, #tpu.memory_space<hbm>>
        %dma_wait3A_366 = arith.constant 0 : i32
        %dma_wait3A_367 = tpu.memref_slice %arg13[%dma_wait3A_360, %dma_wait3A_366] : memref<2x128xf32, #tpu.memory_space<vmem>> -> memref<1x128xf32, #tpu.memory_space<vmem>>
        %dma_wait3A_368 = tpu.memref_squeeze %dma_wait3A_367 : memref<1x128xf32, #tpu.memory_space<vmem>> -> memref<128xf32, #tpu.memory_space<vmem>>
        %dma_wait3A_369 = arith.constant 0 : i32
        %dma_wait3A_370 = tpu.memref_slice %arg5[%dma_wait3A_369] : memref<20096xf32, #tpu.memory_space<hbm>> -> memref<128xf32, #tpu.memory_space<hbm>>
        tpu.wait_dma2 semaphore(%arg20 : memref<!tpu.dma_semaphore, #tpu.memory_space<semaphore_mem>>) src(%dma_wait3A_370 : memref<128xf32, #tpu.memory_space<hbm>>) dst(%dma_wait3A_368 : memref<128xf32, #tpu.memory_space<vmem>>)
        %dma_start3A = arith.constant 0 : i32
        %dma_start3A_371 = arith.constant 0 : i32
        %dma_start3A_372 = arith.constant 0 : i32
        %dma_start3A_373 = arith.constant 0 : i32
        %dma_start3A_374 = tpu.memref_slice %arg12[%dma_start3A, %dma_start3A_372, %dma_start3A_373] : memref<2x128x128xf32, #tpu.memory_space<vmem>> -> memref<1x128x128xf32, #tpu.memory_space<vmem>>
        %dma_start3A_375 = tpu.memref_squeeze %dma_start3A_374 : memref<1x128x128xf32, #tpu.memory_space<vmem>> -> memref<128x128xf32, #tpu.memory_space<vmem>>
        %dma_start3A_376 = arith.constant 0 : i32
        %dma_start3A_377 = tpu.memref_slice %arg10[%dma_start3A_371, %dma_start3A_376] : memref<6x128xi32, #tpu.memory_space<vmem>> -> memref<1x128xi32, #tpu.memory_space<vmem>>
        %dma_start3A_378 = tpu.memref_squeeze %dma_start3A_377 : memref<1x128xi32, #tpu.memory_space<vmem>> -> memref<128xi32, #tpu.memory_space<vmem>>
        %dma_start3A_379 = arith.constant 0 : i32
        %dma_start3A_380 = arith.constant 0 : i32
        %dma_start3A_381 = tpu.memref_slice %arg16[%dma_start3A_379, %dma_start3A_380] : memref<10000x128xf32, #tpu.memory_space<vmem_shared>> -> memref<10000x128xf32, #tpu.memory_space<vmem_shared>>
        tpu.enqueue_indirect_dma source(%dma_start3A_375 : memref<128x128xf32, #tpu.memory_space<vmem>>) target(%dma_start3A_381 : memref<10000x128xf32, #tpu.memory_space<vmem_shared>>) offsets(%dma_start3A_378 : memref<128xi32, #tpu.memory_space<vmem>>) semaphore(%arg21 : memref<!tpu.dma_semaphore, #tpu.memory_space<semaphore_mem>>) {add = true}
        %dma_start3A_382 = arith.constant 0 : i32
        %dma_start3A_383 = arith.constant 0 : i32
        %dma_start3A_384 = arith.constant 0 : i32
        %dma_start3A_385 = tpu.memref_slice %arg13[%dma_start3A_382, %dma_start3A_384] : memref<2x128xf32, #tpu.memory_space<vmem>> -> memref<1x128xf32, #tpu.memory_space<vmem>>
        %dma_start3A_386 = tpu.memref_squeeze %dma_start3A_385 : memref<1x128xf32, #tpu.memory_space<vmem>> -> memref<128xf32, #tpu.memory_space<vmem>>
        %dma_start3A_387 = arith.constant 0 : i32
        %dma_start3A_388 = tpu.memref_slice %arg8[%dma_start3A_383, %dma_start3A_387] : memref<6x128xi32, #tpu.memory_space<vmem>> -> memref<1x128xi32, #tpu.memory_space<vmem>>
        %dma_start3A_389 = tpu.memref_squeeze %dma_start3A_388 : memref<1x128xi32, #tpu.memory_space<vmem>> -> memref<128xi32, #tpu.memory_space<vmem>>
        %dma_start3A_390 = arith.constant 0 : i32
        %dma_start3A_391 = tpu.memref_slice %arg17[%dma_start3A_390] : memref<10112xf32, #tpu.memory_space<vmem_shared>> -> memref<10112xf32, #tpu.memory_space<vmem_shared>>
        tpu.enqueue_indirect_dma source(%dma_start3A_386 : memref<128xf32, #tpu.memory_space<vmem>>) target(%dma_start3A_391 : memref<10112xf32, #tpu.memory_space<vmem_shared>>) offsets(%dma_start3A_389 : memref<128xi32, #tpu.memory_space<vmem>>) semaphore(%arg22 : memref<!tpu.dma_semaphore, #tpu.memory_space<semaphore_mem>>) {add = true}
      } else {
      }
      %add3A_116 = arith.constant 2 : i32
      %add3A_117 = arith.addi %add3A_107, %add3A_116 : i32
      %sub3A = arith.constant 2 : i32
      %sub3A_118 = arith.subi %add3A_117, %sub3A : i32
      %mul3A_119 = arith.constant 16 : i32
      %mul3A_120 = arith.muli %sub3A_118, %mul3A_119 : i32
      %add3A_121 = arith.addi %mul3A_120, %arg1 : i32
      %lt3A_122 = arith.constant 2500 : i32
      %lt3A_123 = arith.cmpi slt, %add3A_121, %lt3A_122 : i32
      %convert_element_type3A_124 = arith.extui %lt3A_123 : i1 to i32
      %cond3A_125 = arith.constant 0 : i32
      %cond3A_126 = arith.cmpi ne, %convert_element_type3A_124, %cond3A_125 : i32
      scf.if %cond3A_126 {
        %dma_wait3A = arith.constant 0 : i32
        %dma_wait3A_346 = arith.constant 2 : i32
        %dma_wait3A_347 = arith.constant 0 : i32
        %dma_wait3A_348 = arith.constant 0 : i32
        %dma_wait3A_349 = tpu.memref_slice %arg12[%dma_wait3A, %dma_wait3A_347, %dma_wait3A_348] : memref<2x128x128xf32, #tpu.memory_space<vmem>> -> memref<1x128x128xf32, #tpu.memory_space<vmem>>
        %dma_wait3A_350 = tpu.memref_squeeze %dma_wait3A_349 : memref<1x128x128xf32, #tpu.memory_space<vmem>> -> memref<128x128xf32, #tpu.memory_space<vmem>>
        %dma_wait3A_351 = arith.constant 0 : i32
        %dma_wait3A_352 = tpu.memref_slice %arg10[%dma_wait3A_346, %dma_wait3A_351] : memref<6x128xi32, #tpu.memory_space<vmem>> -> memref<1x128xi32, #tpu.memory_space<vmem>>
        %dma_wait3A_353 = tpu.memref_squeeze %dma_wait3A_352 : memref<1x128xi32, #tpu.memory_space<vmem>> -> memref<128xi32, #tpu.memory_space<vmem>>
        %dma_wait3A_354 = arith.constant 0 : i32
        %dma_wait3A_355 = arith.constant 0 : i32
        %dma_wait3A_356 = tpu.memref_slice %arg16[%dma_wait3A_354, %dma_wait3A_355] : memref<10000x128xf32, #tpu.memory_space<vmem_shared>> -> memref<10000x128xf32, #tpu.memory_space<vmem_shared>>
        tpu.wait_indirect_dma semaphore(%arg21 : memref<!tpu.dma_semaphore, #tpu.memory_space<semaphore_mem>>) src(%dma_wait3A_350 : memref<128x128xf32, #tpu.memory_space<vmem>>) dst(%dma_wait3A_356 : memref<10000x128xf32, #tpu.memory_space<vmem_shared>>)
        %dma_wait3A_357 = arith.constant 0 : i32
        %dma_wait3A_358 = arith.constant 2 : i32
        %dma_wait3A_359 = arith.constant 0 : i32
        %dma_wait3A_360 = tpu.memref_slice %arg13[%dma_wait3A_357, %dma_wait3A_359] : memref<2x128xf32, #tpu.memory_space<vmem>> -> memref<1x128xf32, #tpu.memory_space<vmem>>
        %dma_wait3A_361 = tpu.memref_squeeze %dma_wait3A_360 : memref<1x128xf32, #tpu.memory_space<vmem>> -> memref<128xf32, #tpu.memory_space<vmem>>
        %dma_wait3A_362 = arith.constant 0 : i32
        %dma_wait3A_363 = tpu.memref_slice %arg8[%dma_wait3A_358, %dma_wait3A_362] : memref<6x128xi32, #tpu.memory_space<vmem>> -> memref<1x128xi32, #tpu.memory_space<vmem>>
        %dma_wait3A_364 = tpu.memref_squeeze %dma_wait3A_363 : memref<1x128xi32, #tpu.memory_space<vmem>> -> memref<128xi32, #tpu.memory_space<vmem>>
        %dma_wait3A_365 = arith.constant 0 : i32
        %dma_wait3A_366 = tpu.memref_slice %arg17[%dma_wait3A_365] : memref<10112xf32, #tpu.memory_space<vmem_shared>> -> memref<10112xf32, #tpu.memory_space<vmem_shared>>
        tpu.wait_indirect_dma semaphore(%arg22 : memref<!tpu.dma_semaphore, #tpu.memory_space<semaphore_mem>>) src(%dma_wait3A_361 : memref<128xf32, #tpu.memory_space<vmem>>) dst(%dma_wait3A_366 : memref<10112xf32, #tpu.memory_space<vmem_shared>>)
      } else {
      }
      %mul3A_127 = arith.constant 16 : i32
      %mul3A_128 = arith.muli %add3A_117, %mul3A_127 : i32
      %add3A_129 = arith.addi %mul3A_128, %arg1 : i32
      %lt3A_130 = arith.constant 2500 : i32
      %lt3A_131 = arith.cmpi slt, %add3A_129, %lt3A_130 : i32
      %convert_element_type3A_132 = arith.extui %lt3A_131 : i1 to i32
      %cond3A_133 = arith.constant 0 : i32
      %cond3A_134 = arith.cmpi ne, %convert_element_type3A_132, %cond3A_133 : i32
      scf.if %cond3A_134 {
        %dma_wait3A = arith.constant 2 : i32
        %dma_wait3A_346 = arith.constant 0 : i32
        %dma_wait3A_347 = tpu.memref_slice %arg8[%dma_wait3A, %dma_wait3A_346] : memref<6x128xi32, #tpu.memory_space<vmem>> -> memref<1x128xi32, #tpu.memory_space<vmem>>
        %dma_wait3A_348 = tpu.memref_squeeze %dma_wait3A_347 : memref<1x128xi32, #tpu.memory_space<vmem>> -> memref<128xi32, #tpu.memory_space<vmem>>
        %dma_wait3A_349 = arith.constant 0 : i32
        %dma_wait3A_350 = tpu.memref_slice %arg2[%dma_wait3A_349] : memref<640000xi32, #tpu.memory_space<hbm>> -> memref<128xi32, #tpu.memory_space<hbm>>
        %dma_wait3A_351 = arith.constant 0 : i32
        %dma_wait3A_352 = tpu.memref_slice %arg8[%dma_wait3A, %dma_wait3A_351] : memref<6x128xi32, #tpu.memory_space<vmem>> -> memref<1x128xi32, #tpu.memory_space<vmem>>
        %dma_wait3A_353 = tpu.memref_squeeze %dma_wait3A_352 : memref<1x128xi32, #tpu.memory_space<vmem>> -> memref<128xi32, #tpu.memory_space<vmem>>
        %dma_wait3A_354 = arith.constant 0 : i32
        %dma_wait3A_355 = tpu.memref_slice %arg2[%dma_wait3A_354] : memref<640000xi32, #tpu.memory_space<hbm>> -> memref<128xi32, #tpu.memory_space<hbm>>
        tpu.wait_dma2 semaphore(%arg18 : memref<!tpu.dma_semaphore, #tpu.memory_space<semaphore_mem>>) src(%dma_wait3A_355 : memref<128xi32, #tpu.memory_space<hbm>>) dst(%dma_wait3A_353 : memref<128xi32, #tpu.memory_space<vmem>>)
        %dma_wait3A_356 = arith.constant 2 : i32
        %dma_wait3A_357 = arith.constant 0 : i32
        %dma_wait3A_358 = tpu.memref_slice %arg10[%dma_wait3A_356, %dma_wait3A_357] : memref<6x128xi32, #tpu.memory_space<vmem>> -> memref<1x128xi32, #tpu.memory_space<vmem>>
        %dma_wait3A_359 = tpu.memref_squeeze %dma_wait3A_358 : memref<1x128xi32, #tpu.memory_space<vmem>> -> memref<128xi32, #tpu.memory_space<vmem>>
        %dma_wait3A_360 = arith.constant 0 : i32
        %dma_wait3A_361 = tpu.memref_slice %arg2[%dma_wait3A_360] : memref<640000xi32, #tpu.memory_space<hbm>> -> memref<128xi32, #tpu.memory_space<hbm>>
        %dma_wait3A_362 = arith.constant 0 : i32
        %dma_wait3A_363 = tpu.memref_slice %arg10[%dma_wait3A_356, %dma_wait3A_362] : memref<6x128xi32, #tpu.memory_space<vmem>> -> memref<1x128xi32, #tpu.memory_space<vmem>>
        %dma_wait3A_364 = tpu.memref_squeeze %dma_wait3A_363 : memref<1x128xi32, #tpu.memory_space<vmem>> -> memref<128xi32, #tpu.memory_space<vmem>>
        %dma_wait3A_365 = arith.constant 0 : i32
        %dma_wait3A_366 = tpu.memref_slice %arg2[%dma_wait3A_365] : memref<640000xi32, #tpu.memory_space<hbm>> -> memref<128xi32, #tpu.memory_space<hbm>>
        tpu.wait_dma2 semaphore(%arg18 : memref<!tpu.dma_semaphore, #tpu.memory_space<semaphore_mem>>) src(%dma_wait3A_366 : memref<128xi32, #tpu.memory_space<hbm>>) dst(%dma_wait3A_364 : memref<128xi32, #tpu.memory_space<vmem>>)
        %scan3A_367 = arith.constant 0 : i32
        %scan3A_368 = arith.constant 0 : i32
        %scan3A_369 = arith.constant 8 : i32
        %scan3A_370 = arith.addi %scan3A_368, %scan3A_369 : i32
        %scan3A_371 = arith.constant 1 : i32
        %scan3A_372 = scf.for %scan3A_395 = %scan3A_368 to %scan3A_370 step %scan3A_371 iter_args(%scan3A_396 = %scan3A_367) -> (i32)  : i32 {
          %mul3A_397 = arith.constant 16 : i32
          %mul3A_398 = arith.muli %scan3A_395, %mul3A_397 : i32
          %get3A = arith.constant 2 : i32
          %get3A_399 = arith.index_cast %get3A : i32 to index
          %get3A_400 = arith.index_cast %mul3A_398 : i32 to index
          %get3A_401 = tpu.vector_load %arg8[%get3A_399, %get3A_400] {strides = array<i32>} : memref<6x128xi32, #tpu.memory_space<vmem>>, vector<1x16xi32>,
          %get3A_402 = vector.shape_cast %get3A_401 : vector<1x16xi32> to vector<16xi32>
          %add3A_403 = vector.broadcast %mul3A_29 : i32 to vector<16xi32>
          %add3A_404 = arith.addi %get3A_402, %add3A_403 : vector<16xi32>
          %mul3A_405 = arith.constant 16 : i32
          %mul3A_406 = arith.muli %scan3A_395, %mul3A_405 : i32
          %swap3A = arith.constant 2 : i32
          %swap3A_407 = arith.index_cast %swap3A : i32 to index
          %swap3A_408 = arith.index_cast %mul3A_406 : i32 to index
          %swap3A_409 = tpu.vector_load %arg9[%swap3A_407, %swap3A_408] {strides = array<i32>} : memref<6x128xi32, #tpu.memory_space<vmem>>, vector<1x16xi32>,
          %swap3A_410 = vector.shape_cast %swap3A_409 : vector<1x16xi32> to vector<16xi32>
          %swap3A_411 = vector.shape_cast %add3A_404 : vector<16xi32> to vector<1x16xi32>
          tpu.vector_store %arg9[%swap3A_407, %swap3A_408], %swap3A_411 {strides = array<i32>} : memref<6x128xi32, #tpu.memory_space<vmem>>, vector<1x16xi32>,
          %mul3A_412 = arith.constant 16 : i32
          %mul3A_413 = arith.muli %scan3A_395, %mul3A_412 : i32
          %get3A_414 = arith.constant 2 : i32
          %get3A_415 = arith.index_cast %get3A_414 : i32 to index
          %get3A_416 = arith.index_cast %mul3A_413 : i32 to index
          %get3A_417 = tpu.vector_load %arg10[%get3A_415, %get3A_416] {strides = array<i32>} : memref<6x128xi32, #tpu.memory_space<vmem>>, vector<1x16xi32>,
          %get3A_418 = vector.shape_cast %get3A_417 : vector<1x16xi32> to vector<16xi32>
          %add3A_419 = vector.broadcast %mul3A_29 : i32 to vector<16xi32>
          %add3A_420 = arith.addi %get3A_418, %add3A_419 : vector<16xi32>
          %mul3A_421 = arith.constant 16 : i32
          %mul3A_422 = arith.muli %scan3A_395, %mul3A_421 : i32
          %swap3A_423 = arith.constant 2 : i32
          %swap3A_424 = arith.index_cast %swap3A_423 : i32 to index
          %swap3A_425 = arith.index_cast %mul3A_422 : i32 to index
          %swap3A_426 = tpu.vector_load %arg11[%swap3A_424, %swap3A_425] {strides = array<i32>} : memref<6x128xi32, #tpu.memory_space<vmem>>, vector<1x16xi32>,
          %swap3A_427 = vector.shape_cast %swap3A_426 : vector<1x16xi32> to vector<16xi32>
          %swap3A_428 = vector.shape_cast %add3A_420 : vector<16xi32> to vector<1x16xi32>
          tpu.vector_store %arg11[%swap3A_424, %swap3A_425], %swap3A_428 {strides = array<i32>} : memref<6x128xi32, #tpu.memory_space<vmem>>, vector<1x16xi32>,
          %scan3A_429 = arith.constant 0 : i32
          scf.yield %scan3A_429 : i32
        }
        %scan3A_373 = arith.constant 8 : i32
        %dma_start3A = arith.constant 2 : i32
        %dma_start3A_374 = arith.constant 0 : i32
        %dma_start3A_375 = arith.constant 0 : i32
        %dma_start3A_376 = arith.constant 0 : i32
        %dma_start3A_377 = tpu.memref_slice %arg12[%dma_start3A_374, %dma_start3A_375, %dma_start3A_376] : memref<2x128x128xf32, #tpu.memory_space<vmem>> -> memref<1x128x128xf32, #tpu.memory_space<vmem>>
        %dma_start3A_378 = tpu.memref_squeeze %dma_start3A_377 : memref<1x128x128xf32, #tpu.memory_space<vmem>> -> memref<128x128xf32, #tpu.memory_space<vmem>>
        %dma_start3A_379 = arith.constant 0 : i32
        %dma_start3A_380 = tpu.memref_slice %arg9[%dma_start3A, %dma_start3A_379] : memref<6x128xi32, #tpu.memory_space<vmem>> -> memref<1x128xi32, #tpu.memory_space<vmem>>
        %dma_start3A_381 = tpu.memref_squeeze %dma_start3A_380 : memref<1x128xi32, #tpu.memory_space<vmem>> -> memref<128xi32, #tpu.memory_space<vmem>>
        %dma_start3A_382 = arith.constant 0 : i32
        %dma_start3A_383 = arith.constant 0 : i32
        %dma_start3A_384 = tpu.memref_slice %arg4[%dma_start3A_382, %dma_start3A_383] : memref<20000x128xf32, #tpu.memory_space<hbm>> -> memref<20000x128xf32, #tpu.memory_space<hbm>>
        tpu.enqueue_indirect_dma source(%dma_start3A_384 : memref<20000x128xf32, #tpu.memory_space<hbm>>) target(%dma_start3A_378 : memref<128x128xf32, #tpu.memory_space<vmem>>) offsets(%dma_start3A_381 : memref<128xi32, #tpu.memory_space<vmem>>) semaphore(%arg19 : memref<!tpu.dma_semaphore, #tpu.memory_space<semaphore_mem>>)
        %dma_start3A_385 = arith.constant 2 : i32
        %dma_start3A_386 = arith.constant 0 : i32
        %dma_start3A_387 = arith.constant 0 : i32
        %dma_start3A_388 = tpu.memref_slice %arg13[%dma_start3A_386, %dma_start3A_387] : memref<2x128xf32, #tpu.memory_space<vmem>> -> memref<1x128xf32, #tpu.memory_space<vmem>>
        %dma_start3A_389 = tpu.memref_squeeze %dma_start3A_388 : memref<1x128xf32, #tpu.memory_space<vmem>> -> memref<128xf32, #tpu.memory_space<vmem>>
        %dma_start3A_390 = arith.constant 0 : i32
        %dma_start3A_391 = tpu.memref_slice %arg11[%dma_start3A_385, %dma_start3A_390] : memref<6x128xi32, #tpu.memory_space<vmem>> -> memref<1x128xi32, #tpu.memory_space<vmem>>
        %dma_start3A_392 = tpu.memref_squeeze %dma_start3A_391 : memref<1x128xi32, #tpu.memory_space<vmem>> -> memref<128xi32, #tpu.memory_space<vmem>>
        %dma_start3A_393 = arith.constant 0 : i32
        %dma_start3A_394 = tpu.memref_slice %arg5[%dma_start3A_393] : memref<20096xf32, #tpu.memory_space<hbm>> -> memref<20096xf32, #tpu.memory_space<hbm>>
        tpu.enqueue_indirect_dma source(%dma_start3A_394 : memref<20096xf32, #tpu.memory_space<hbm>>) target(%dma_start3A_389 : memref<128xf32, #tpu.memory_space<vmem>>) offsets(%dma_start3A_392 : memref<128xi32, #tpu.memory_space<vmem>>) semaphore(%arg20 : memref<!tpu.dma_semaphore, #tpu.memory_space<semaphore_mem>>)
      } else {
      }
      %add3A_135 = arith.constant 4 : i32
      %add3A_136 = arith.addi %add3A_107, %add3A_135 : i32
      %mul3A_137 = arith.constant 16 : i32
      %mul3A_138 = arith.muli %add3A_136, %mul3A_137 : i32
      %add3A_139 = arith.addi %mul3A_138, %arg1 : i32
      %lt3A_140 = arith.constant 2500 : i32
      %lt3A_141 = arith.cmpi slt, %add3A_139, %lt3A_140 : i32
      %convert_element_type3A_142 = arith.extui %lt3A_141 : i1 to i32
      %cond3A_143 = arith.constant 0 : i32
      %cond3A_144 = arith.cmpi ne, %convert_element_type3A_142, %cond3A_143 : i32
      scf.if %cond3A_144 {
        %mul3A_346 = arith.constant 320000 : i32
        %mul3A_347 = arith.muli %arg0, %mul3A_346 : i32
        %mul3A_348 = arith.constant 128 : i32
        %mul3A_349 = arith.muli %add3A_139, %mul3A_348 : i32
        %add3A_350 = arith.addi %mul3A_347, %mul3A_349 : i32
        %dma_start3A = arith.constant 4 : i32
        %dma_start3A_351 = arith.constant 0 : i32
        %dma_start3A_352 = tpu.memref_slice %arg8[%dma_start3A, %dma_start3A_351] : memref<6x128xi32, #tpu.memory_space<vmem>> -> memref<1x128xi32, #tpu.memory_space<vmem>>
        %dma_start3A_353 = tpu.memref_squeeze %dma_start3A_352 : memref<1x128xi32, #tpu.memory_space<vmem>> -> memref<128xi32, #tpu.memory_space<vmem>>
        %dma_start3A_354 = tpu.memref_slice %arg2[%add3A_350] : memref<640000xi32, #tpu.memory_space<hbm>> -> memref<128xi32, #tpu.memory_space<hbm>>
        %dma_start3A_355 = arith.constant 0 : i32
        %dma_start3A_356 = tpu.memref_slice %arg8[%dma_start3A, %dma_start3A_355] : memref<6x128xi32, #tpu.memory_space<vmem>> -> memref<1x128xi32, #tpu.memory_space<vmem>>
        %dma_start3A_357 = tpu.memref_squeeze %dma_start3A_356 : memref<1x128xi32, #tpu.memory_space<vmem>> -> memref<128xi32, #tpu.memory_space<vmem>>
        %dma_start3A_358 = tpu.memref_slice %arg2[%add3A_350] : memref<640000xi32, #tpu.memory_space<hbm>> -> memref<128xi32, #tpu.memory_space<hbm>>
        tpu.enqueue_dma source(%dma_start3A_358 : memref<128xi32, #tpu.memory_space<hbm>>) target(%dma_start3A_357 : memref<128xi32, #tpu.memory_space<vmem>>) target_semaphore(%arg18 : memref<!tpu.dma_semaphore, #tpu.memory_space<semaphore_mem>>)
        %dma_start3A_359 = arith.constant 4 : i32
        %dma_start3A_360 = arith.constant 0 : i32
        %dma_start3A_361 = tpu.memref_slice %arg10[%dma_start3A_359, %dma_start3A_360] : memref<6x128xi32, #tpu.memory_space<vmem>> -> memref<1x128xi32, #tpu.memory_space<vmem>>
        %dma_start3A_362 = tpu.memref_squeeze %dma_start3A_361 : memref<1x128xi32, #tpu.memory_space<vmem>> -> memref<128xi32, #tpu.memory_space<vmem>>
        %dma_start3A_363 = tpu.memref_slice %arg3[%add3A_350] : memref<640000xi32, #tpu.memory_space<hbm>> -> memref<128xi32, #tpu.memory_space<hbm>>
        %dma_start3A_364 = arith.constant 0 : i32
        %dma_start3A_365 = tpu.memref_slice %arg10[%dma_start3A_359, %dma_start3A_364] : memref<6x128xi32, #tpu.memory_space<vmem>> -> memref<1x128xi32, #tpu.memory_space<vmem>>
        %dma_start3A_366 = tpu.memref_squeeze %dma_start3A_365 : memref<1x128xi32, #tpu.memory_space<vmem>> -> memref<128xi32, #tpu.memory_space<vmem>>
        %dma_start3A_367 = tpu.memref_slice %arg3[%add3A_350] : memref<640000xi32, #tpu.memory_space<hbm>> -> memref<128xi32, #tpu.memory_space<hbm>>
        tpu.enqueue_dma source(%dma_start3A_367 : memref<128xi32, #tpu.memory_space<hbm>>) target(%dma_start3A_366 : memref<128xi32, #tpu.memory_space<vmem>>) target_semaphore(%arg18 : memref<!tpu.dma_semaphore, #tpu.memory_space<semaphore_mem>>)
      } else {
      }
      %add3A_145 = arith.constant 1 : i32
      %add3A_146 = arith.addi %mul3A_105, %add3A_145 : i32
      %mul3A_147 = arith.constant 16 : i32
      %mul3A_148 = arith.muli %add3A_146, %mul3A_147 : i32
      %add3A_149 = arith.addi %mul3A_148, %arg1 : i32
      %lt3A_150 = arith.constant 2500 : i32
      %lt3A_151 = arith.cmpi slt, %add3A_149, %lt3A_150 : i32
      %convert_element_type3A_152 = arith.extui %lt3A_151 : i1 to i32
      %cond3A_153 = arith.constant 0 : i32
      %cond3A_154 = arith.cmpi ne, %convert_element_type3A_152, %cond3A_153 : i32
      scf.if %cond3A_154 {
        %dma_wait3A = arith.constant 1 : i32
        %dma_wait3A_346 = arith.constant 0 : i32
        %dma_wait3A_347 = arith.constant 0 : i32
        %dma_wait3A_348 = tpu.memref_slice %arg12[%dma_wait3A, %dma_wait3A_346, %dma_wait3A_347] : memref<2x128x128xf32, #tpu.memory_space<vmem>> -> memref<1x128x128xf32, #tpu.memory_space<vmem>>
        %dma_wait3A_349 = tpu.memref_squeeze %dma_wait3A_348 : memref<1x128x128xf32, #tpu.memory_space<vmem>> -> memref<128x128xf32, #tpu.memory_space<vmem>>
        %dma_wait3A_350 = arith.constant 0 : i32
        %dma_wait3A_351 = arith.constant 0 : i32
        %dma_wait3A_352 = tpu.memref_slice %arg4[%dma_wait3A_350, %dma_wait3A_351] : memref<20000x128xf32, #tpu.memory_space<hbm>> -> memref<128x128xf32, #tpu.memory_space<hbm>>
        %dma_wait3A_353 = arith.constant 0 : i32
        %dma_wait3A_354 = arith.constant 0 : i32
        %dma_wait3A_355 = tpu.memref_slice %arg12[%dma_wait3A, %dma_wait3A_353, %dma_wait3A_354] : memref<2x128x128xf32, #tpu.memory_space<vmem>> -> memref<1x128x128xf32, #tpu.memory_space<vmem>>
        %dma_wait3A_356 = tpu.memref_squeeze %dma_wait3A_355 : memref<1x128x128xf32, #tpu.memory_space<vmem>> -> memref<128x128xf32, #tpu.memory_space<vmem>>
        %dma_wait3A_357 = arith.constant 0 : i32
        %dma_wait3A_358 = arith.constant 0 : i32
        %dma_wait3A_359 = tpu.memref_slice %arg4[%dma_wait3A_357, %dma_wait3A_358] : memref<20000x128xf32, #tpu.memory_space<hbm>> -> memref<128x128xf32, #tpu.memory_space<hbm>>
        tpu.wait_dma2 semaphore(%arg19 : memref<!tpu.dma_semaphore, #tpu.memory_space<semaphore_mem>>) src(%dma_wait3A_359 : memref<128x128xf32, #tpu.memory_space<hbm>>) dst(%dma_wait3A_356 : memref<128x128xf32, #tpu.memory_space<vmem>>)
        %dma_wait3A_360 = arith.constant 1 : i32
        %dma_wait3A_361 = arith.constant 0 : i32
        %dma_wait3A_362 = tpu.memref_slice %arg13[%dma_wait3A_360, %dma_wait3A_361] : memref<2x128xf32, #tpu.memory_space<vmem>> -> memref<1x128xf32, #tpu.memory_space<vmem>>
        %dma_wait3A_363 = tpu.memref_squeeze %dma_wait3A_362 : memref<1x128xf32, #tpu.memory_space<vmem>> -> memref<128xf32, #tpu.memory_space<vmem>>
        %dma_wait3A_364 = arith.constant 0 : i32
        %dma_wait3A_365 = tpu.memref_slice %arg5[%dma_wait3A_364] : memref<20096xf32, #tpu.memory_space<hbm>> -> memref<128xf32, #tpu.memory_space<hbm>>
        %dma_wait3A_366 = arith.constant 0 : i32
        %dma_wait3A_367 = tpu.memref_slice %arg13[%dma_wait3A_360, %dma_wait3A_366] : memref<2x128xf32, #tpu.memory_space<vmem>> -> memref<1x128xf32, #tpu.memory_space<vmem>>
        %dma_wait3A_368 = tpu.memref_squeeze %dma_wait3A_367 : memref<1x128xf32, #tpu.memory_space<vmem>> -> memref<128xf32, #tpu.memory_space<vmem>>
        %dma_wait3A_369 = arith.constant 0 : i32
        %dma_wait3A_370 = tpu.memref_slice %arg5[%dma_wait3A_369] : memref<20096xf32, #tpu.memory_space<hbm>> -> memref<128xf32, #tpu.memory_space<hbm>>
        tpu.wait_dma2 semaphore(%arg20 : memref<!tpu.dma_semaphore, #tpu.memory_space<semaphore_mem>>) src(%dma_wait3A_370 : memref<128xf32, #tpu.memory_space<hbm>>) dst(%dma_wait3A_368 : memref<128xf32, #tpu.memory_space<vmem>>)
        %dma_start3A = arith.constant 1 : i32
        %dma_start3A_371 = arith.constant 1 : i32
        %dma_start3A_372 = arith.constant 0 : i32
        %dma_start3A_373 = arith.constant 0 : i32
        %dma_start3A_374 = tpu.memref_slice %arg12[%dma_start3A, %dma_start3A_372, %dma_start3A_373] : memref<2x128x128xf32, #tpu.memory_space<vmem>> -> memref<1x128x128xf32, #tpu.memory_space<vmem>>
        %dma_start3A_375 = tpu.memref_squeeze %dma_start3A_374 : memref<1x128x128xf32, #tpu.memory_space<vmem>> -> memref<128x128xf32, #tpu.memory_space<vmem>>
        %dma_start3A_376 = arith.constant 0 : i32
        %dma_start3A_377 = tpu.memref_slice %arg10[%dma_start3A_371, %dma_start3A_376] : memref<6x128xi32, #tpu.memory_space<vmem>> -> memref<1x128xi32, #tpu.memory_space<vmem>>
        %dma_start3A_378 = tpu.memref_squeeze %dma_start3A_377 : memref<1x128xi32, #tpu.memory_space<vmem>> -> memref<128xi32, #tpu.memory_space<vmem>>
        %dma_start3A_379 = arith.constant 0 : i32
        %dma_start3A_380 = arith.constant 0 : i32
        %dma_start3A_381 = tpu.memref_slice %arg16[%dma_start3A_379, %dma_start3A_380] : memref<10000x128xf32, #tpu.memory_space<vmem_shared>> -> memref<10000x128xf32, #tpu.memory_space<vmem_shared>>
        tpu.enqueue_indirect_dma source(%dma_start3A_375 : memref<128x128xf32, #tpu.memory_space<vmem>>) target(%dma_start3A_381 : memref<10000x128xf32, #tpu.memory_space<vmem_shared>>) offsets(%dma_start3A_378 : memref<128xi32, #tpu.memory_space<vmem>>) semaphore(%arg21 : memref<!tpu.dma_semaphore, #tpu.memory_space<semaphore_mem>>) {add = true}
        %dma_start3A_382 = arith.constant 1 : i32
        %dma_start3A_383 = arith.constant 1 : i32
        %dma_start3A_384 = arith.constant 0 : i32
        %dma_start3A_385 = tpu.memref_slice %arg13[%dma_start3A_382, %dma_start3A_384] : memref<2x128xf32, #tpu.memory_space<vmem>> -> memref<1x128xf32, #tpu.memory_space<vmem>>
        %dma_start3A_386 = tpu.memref_squeeze %dma_start3A_385 : memref<1x128xf32, #tpu.memory_space<vmem>> -> memref<128xf32, #tpu.memory_space<vmem>>
        %dma_start3A_387 = arith.constant 0 : i32
        %dma_start3A_388 = tpu.memref_slice %arg8[%dma_start3A_383, %dma_start3A_387] : memref<6x128xi32, #tpu.memory_space<vmem>> -> memref<1x128xi32, #tpu.memory_space<vmem>>
        %dma_start3A_389 = tpu.memref_squeeze %dma_start3A_388 : memref<1x128xi32, #tpu.memory_space<vmem>> -> memref<128xi32, #tpu.memory_space<vmem>>
        %dma_start3A_390 = arith.constant 0 : i32
        %dma_start3A_391 = tpu.memref_slice %arg17[%dma_start3A_390] : memref<10112xf32, #tpu.memory_space<vmem_shared>> -> memref<10112xf32, #tpu.memory_space<vmem_shared>>
        tpu.enqueue_indirect_dma source(%dma_start3A_386 : memref<128xf32, #tpu.memory_space<vmem>>) target(%dma_start3A_391 : memref<10112xf32, #tpu.memory_space<vmem_shared>>) offsets(%dma_start3A_389 : memref<128xi32, #tpu.memory_space<vmem>>) semaphore(%arg22 : memref<!tpu.dma_semaphore, #tpu.memory_space<semaphore_mem>>) {add = true}
      } else {
      }
      %add3A_155 = arith.constant 2 : i32
      %add3A_156 = arith.addi %add3A_146, %add3A_155 : i32
      %sub3A_157 = arith.constant 2 : i32
      %sub3A_158 = arith.subi %add3A_156, %sub3A_157 : i32
      %mul3A_159 = arith.constant 16 : i32
      %mul3A_160 = arith.muli %sub3A_158, %mul3A_159 : i32
      %add3A_161 = arith.addi %mul3A_160, %arg1 : i32
      %lt3A_162 = arith.constant 2500 : i32
      %lt3A_163 = arith.cmpi slt, %add3A_161, %lt3A_162 : i32
      %convert_element_type3A_164 = arith.extui %lt3A_163 : i1 to i32
      %cond3A_165 = arith.constant 0 : i32
      %cond3A_166 = arith.cmpi ne, %convert_element_type3A_164, %cond3A_165 : i32
      scf.if %cond3A_166 {
        %dma_wait3A = arith.constant 1 : i32
        %dma_wait3A_346 = arith.constant 3 : i32
        %dma_wait3A_347 = arith.constant 0 : i32
        %dma_wait3A_348 = arith.constant 0 : i32
        %dma_wait3A_349 = tpu.memref_slice %arg12[%dma_wait3A, %dma_wait3A_347, %dma_wait3A_348] : memref<2x128x128xf32, #tpu.memory_space<vmem>> -> memref<1x128x128xf32, #tpu.memory_space<vmem>>
        %dma_wait3A_350 = tpu.memref_squeeze %dma_wait3A_349 : memref<1x128x128xf32, #tpu.memory_space<vmem>> -> memref<128x128xf32, #tpu.memory_space<vmem>>
        %dma_wait3A_351 = arith.constant 0 : i32
        %dma_wait3A_352 = tpu.memref_slice %arg10[%dma_wait3A_346, %dma_wait3A_351] : memref<6x128xi32, #tpu.memory_space<vmem>> -> memref<1x128xi32, #tpu.memory_space<vmem>>
        %dma_wait3A_353 = tpu.memref_squeeze %dma_wait3A_352 : memref<1x128xi32, #tpu.memory_space<vmem>> -> memref<128xi32, #tpu.memory_space<vmem>>
        %dma_wait3A_354 = arith.constant 0 : i32
        %dma_wait3A_355 = arith.constant 0 : i32
        %dma_wait3A_356 = tpu.memref_slice %arg16[%dma_wait3A_354, %dma_wait3A_355] : memref<10000x128xf32, #tpu.memory_space<vmem_shared>> -> memref<10000x128xf32, #tpu.memory_space<vmem_shared>>
        tpu.wait_indirect_dma semaphore(%arg21 : memref<!tpu.dma_semaphore, #tpu.memory_space<semaphore_mem>>) src(%dma_wait3A_350 : memref<128x128xf32, #tpu.memory_space<vmem>>) dst(%dma_wait3A_356 : memref<10000x128xf32, #tpu.memory_space<vmem_shared>>)
        %dma_wait3A_357 = arith.constant 1 : i32
        %dma_wait3A_358 = arith.constant 3 : i32
        %dma_wait3A_359 = arith.constant 0 : i32
        %dma_wait3A_360 = tpu.memref_slice %arg13[%dma_wait3A_357, %dma_wait3A_359] : memref<2x128xf32, #tpu.memory_space<vmem>> -> memref<1x128xf32, #tpu.memory_space<vmem>>
        %dma_wait3A_361 = tpu.memref_squeeze %dma_wait3A_360 : memref<1x128xf32, #tpu.memory_space<vmem>> -> memref<128xf32, #tpu.memory_space<vmem>>
        %dma_wait3A_362 = arith.constant 0 : i32
        %dma_wait3A_363 = tpu.memref_slice %arg8[%dma_wait3A_358, %dma_wait3A_362] : memref<6x128xi32, #tpu.memory_space<vmem>> -> memref<1x128xi32, #tpu.memory_space<vmem>>
        %dma_wait3A_364 = tpu.memref_squeeze %dma_wait3A_363 : memref<1x128xi32, #tpu.memory_space<vmem>> -> memref<128xi32, #tpu.memory_space<vmem>>
        %dma_wait3A_365 = arith.constant 0 : i32
        %dma_wait3A_366 = tpu.memref_slice %arg17[%dma_wait3A_365] : memref<10112xf32, #tpu.memory_space<vmem_shared>> -> memref<10112xf32, #tpu.memory_space<vmem_shared>>
        tpu.wait_indirect_dma semaphore(%arg22 : memref<!tpu.dma_semaphore, #tpu.memory_space<semaphore_mem>>) src(%dma_wait3A_361 : memref<128xf32, #tpu.memory_space<vmem>>) dst(%dma_wait3A_366 : memref<10112xf32, #tpu.memory_space<vmem_shared>>)
      } else {
      }
      %mul3A_167 = arith.constant 16 : i32
      %mul3A_168 = arith.muli %add3A_156, %mul3A_167 : i32
      %add3A_169 = arith.addi %mul3A_168, %arg1 : i32
      %lt3A_170 = arith.constant 2500 : i32
      %lt3A_171 = arith.cmpi slt, %add3A_169, %lt3A_170 : i32
      %convert_element_type3A_172 = arith.extui %lt3A_171 : i1 to i32
      %cond3A_173 = arith.constant 0 : i32
      %cond3A_174 = arith.cmpi ne, %convert_element_type3A_172, %cond3A_173 : i32
      scf.if %cond3A_174 {
        %dma_wait3A = arith.constant 3 : i32
        %dma_wait3A_346 = arith.constant 0 : i32
        %dma_wait3A_347 = tpu.memref_slice %arg8[%dma_wait3A, %dma_wait3A_346] : memref<6x128xi32, #tpu.memory_space<vmem>> -> memref<1x128xi32, #tpu.memory_space<vmem>>
        %dma_wait3A_348 = tpu.memref_squeeze %dma_wait3A_347 : memref<1x128xi32, #tpu.memory_space<vmem>> -> memref<128xi32, #tpu.memory_space<vmem>>
        %dma_wait3A_349 = arith.constant 0 : i32
        %dma_wait3A_350 = tpu.memref_slice %arg2[%dma_wait3A_349] : memref<640000xi32, #tpu.memory_space<hbm>> -> memref<128xi32, #tpu.memory_space<hbm>>
        %dma_wait3A_351 = arith.constant 0 : i32
        %dma_wait3A_352 = tpu.memref_slice %arg8[%dma_wait3A, %dma_wait3A_351] : memref<6x128xi32, #tpu.memory_space<vmem>> -> memref<1x128xi32, #tpu.memory_space<vmem>>
        %dma_wait3A_353 = tpu.memref_squeeze %dma_wait3A_352 : memref<1x128xi32, #tpu.memory_space<vmem>> -> memref<128xi32, #tpu.memory_space<vmem>>
        %dma_wait3A_354 = arith.constant 0 : i32
        %dma_wait3A_355 = tpu.memref_slice %arg2[%dma_wait3A_354] : memref<640000xi32, #tpu.memory_space<hbm>> -> memref<128xi32, #tpu.memory_space<hbm>>
        tpu.wait_dma2 semaphore(%arg18 : memref<!tpu.dma_semaphore, #tpu.memory_space<semaphore_mem>>) src(%dma_wait3A_355 : memref<128xi32, #tpu.memory_space<hbm>>) dst(%dma_wait3A_353 : memref<128xi32, #tpu.memory_space<vmem>>)
        %dma_wait3A_356 = arith.constant 3 : i32
        %dma_wait3A_357 = arith.constant 0 : i32
        %dma_wait3A_358 = tpu.memref_slice %arg10[%dma_wait3A_356, %dma_wait3A_357] : memref<6x128xi32, #tpu.memory_space<vmem>> -> memref<1x128xi32, #tpu.memory_space<vmem>>
        %dma_wait3A_359 = tpu.memref_squeeze %dma_wait3A_358 : memref<1x128xi32, #tpu.memory_space<vmem>> -> memref<128xi32, #tpu.memory_space<vmem>>
        %dma_wait3A_360 = arith.constant 0 : i32
        %dma_wait3A_361 = tpu.memref_slice %arg2[%dma_wait3A_360] : memref<640000xi32, #tpu.memory_space<hbm>> -> memref<128xi32, #tpu.memory_space<hbm>>
        %dma_wait3A_362 = arith.constant 0 : i32
        %dma_wait3A_363 = tpu.memref_slice %arg10[%dma_wait3A_356, %dma_wait3A_362] : memref<6x128xi32, #tpu.memory_space<vmem>> -> memref<1x128xi32, #tpu.memory_space<vmem>>
        %dma_wait3A_364 = tpu.memref_squeeze %dma_wait3A_363 : memref<1x128xi32, #tpu.memory_space<vmem>> -> memref<128xi32, #tpu.memory_space<vmem>>
        %dma_wait3A_365 = arith.constant 0 : i32
        %dma_wait3A_366 = tpu.memref_slice %arg2[%dma_wait3A_365] : memref<640000xi32, #tpu.memory_space<hbm>> -> memref<128xi32, #tpu.memory_space<hbm>>
        tpu.wait_dma2 semaphore(%arg18 : memref<!tpu.dma_semaphore, #tpu.memory_space<semaphore_mem>>) src(%dma_wait3A_366 : memref<128xi32, #tpu.memory_space<hbm>>) dst(%dma_wait3A_364 : memref<128xi32, #tpu.memory_space<vmem>>)
        %scan3A_367 = arith.constant 0 : i32
        %scan3A_368 = arith.constant 0 : i32
        %scan3A_369 = arith.constant 8 : i32
        %scan3A_370 = arith.addi %scan3A_368, %scan3A_369 : i32
        %scan3A_371 = arith.constant 1 : i32
        %scan3A_372 = scf.for %scan3A_395 = %scan3A_368 to %scan3A_370 step %scan3A_371 iter_args(%scan3A_396 = %scan3A_367) -> (i32)  : i32 {
          %mul3A_397 = arith.constant 16 : i32
          %mul3A_398 = arith.muli %scan3A_395, %mul3A_397 : i32
          %get3A = arith.constant 3 : i32
          %get3A_399 = arith.index_cast %get3A : i32 to index
          %get3A_400 = arith.index_cast %mul3A_398 : i32 to index
          %get3A_401 = tpu.vector_load %arg8[%get3A_399, %get3A_400] {strides = array<i32>} : memref<6x128xi32, #tpu.memory_space<vmem>>, vector<1x16xi32>,
          %get3A_402 = vector.shape_cast %get3A_401 : vector<1x16xi32> to vector<16xi32>
          %add3A_403 = vector.broadcast %mul3A_29 : i32 to vector<16xi32>
          %add3A_404 = arith.addi %get3A_402, %add3A_403 : vector<16xi32>
          %mul3A_405 = arith.constant 16 : i32
          %mul3A_406 = arith.muli %scan3A_395, %mul3A_405 : i32
          %swap3A = arith.constant 3 : i32
          %swap3A_407 = arith.index_cast %swap3A : i32 to index
          %swap3A_408 = arith.index_cast %mul3A_406 : i32 to index
          %swap3A_409 = tpu.vector_load %arg9[%swap3A_407, %swap3A_408] {strides = array<i32>} : memref<6x128xi32, #tpu.memory_space<vmem>>, vector<1x16xi32>,
          %swap3A_410 = vector.shape_cast %swap3A_409 : vector<1x16xi32> to vector<16xi32>
          %swap3A_411 = vector.shape_cast %add3A_404 : vector<16xi32> to vector<1x16xi32>
          tpu.vector_store %arg9[%swap3A_407, %swap3A_408], %swap3A_411 {strides = array<i32>} : memref<6x128xi32, #tpu.memory_space<vmem>>, vector<1x16xi32>,
          %mul3A_412 = arith.constant 16 : i32
          %mul3A_413 = arith.muli %scan3A_395, %mul3A_412 : i32
          %get3A_414 = arith.constant 3 : i32
          %get3A_415 = arith.index_cast %get3A_414 : i32 to index
          %get3A_416 = arith.index_cast %mul3A_413 : i32 to index
          %get3A_417 = tpu.vector_load %arg10[%get3A_415, %get3A_416] {strides = array<i32>} : memref<6x128xi32, #tpu.memory_space<vmem>>, vector<1x16xi32>,
          %get3A_418 = vector.shape_cast %get3A_417 : vector<1x16xi32> to vector<16xi32>
          %add3A_419 = vector.broadcast %mul3A_29 : i32 to vector<16xi32>
          %add3A_420 = arith.addi %get3A_418, %add3A_419 : vector<16xi32>
          %mul3A_421 = arith.constant 16 : i32
          %mul3A_422 = arith.muli %scan3A_395, %mul3A_421 : i32
          %swap3A_423 = arith.constant 3 : i32
          %swap3A_424 = arith.index_cast %swap3A_423 : i32 to index
          %swap3A_425 = arith.index_cast %mul3A_422 : i32 to index
          %swap3A_426 = tpu.vector_load %arg11[%swap3A_424, %swap3A_425] {strides = array<i32>} : memref<6x128xi32, #tpu.memory_space<vmem>>, vector<1x16xi32>,
          %swap3A_427 = vector.shape_cast %swap3A_426 : vector<1x16xi32> to vector<16xi32>
          %swap3A_428 = vector.shape_cast %add3A_420 : vector<16xi32> to vector<1x16xi32>
          tpu.vector_store %arg11[%swap3A_424, %swap3A_425], %swap3A_428 {strides = array<i32>} : memref<6x128xi32, #tpu.memory_space<vmem>>, vector<1x16xi32>,
          %scan3A_429 = arith.constant 0 : i32
          scf.yield %scan3A_429 : i32
        }
        %scan3A_373 = arith.constant 8 : i32
        %dma_start3A = arith.constant 3 : i32
        %dma_start3A_374 = arith.constant 1 : i32
        %dma_start3A_375 = arith.constant 0 : i32
        %dma_start3A_376 = arith.constant 0 : i32
        %dma_start3A_377 = tpu.memref_slice %arg12[%dma_start3A_374, %dma_start3A_375, %dma_start3A_376] : memref<2x128x128xf32, #tpu.memory_space<vmem>> -> memref<1x128x128xf32, #tpu.memory_space<vmem>>
        %dma_start3A_378 = tpu.memref_squeeze %dma_start3A_377 : memref<1x128x128xf32, #tpu.memory_space<vmem>> -> memref<128x128xf32, #tpu.memory_space<vmem>>
        %dma_start3A_379 = arith.constant 0 : i32
        %dma_start3A_380 = tpu.memref_slice %arg9[%dma_start3A, %dma_start3A_379] : memref<6x128xi32, #tpu.memory_space<vmem>> -> memref<1x128xi32, #tpu.memory_space<vmem>>
        %dma_start3A_381 = tpu.memref_squeeze %dma_start3A_380 : memref<1x128xi32, #tpu.memory_space<vmem>> -> memref<128xi32, #tpu.memory_space<vmem>>
        %dma_start3A_382 = arith.constant 0 : i32
        %dma_start3A_383 = arith.constant 0 : i32
        %dma_start3A_384 = tpu.memref_slice %arg4[%dma_start3A_382, %dma_start3A_383] : memref<20000x128xf32, #tpu.memory_space<hbm>> -> memref<20000x128xf32, #tpu.memory_space<hbm>>
        tpu.enqueue_indirect_dma source(%dma_start3A_384 : memref<20000x128xf32, #tpu.memory_space<hbm>>) target(%dma_start3A_378 : memref<128x128xf32, #tpu.memory_space<vmem>>) offsets(%dma_start3A_381 : memref<128xi32, #tpu.memory_space<vmem>>) semaphore(%arg19 : memref<!tpu.dma_semaphore, #tpu.memory_space<semaphore_mem>>)
        %dma_start3A_385 = arith.constant 3 : i32
        %dma_start3A_386 = arith.constant 1 : i32
        %dma_start3A_387 = arith.constant 0 : i32
        %dma_start3A_388 = tpu.memref_slice %arg13[%dma_start3A_386, %dma_start3A_387] : memref<2x128xf32, #tpu.memory_space<vmem>> -> memref<1x128xf32, #tpu.memory_space<vmem>>
        %dma_start3A_389 = tpu.memref_squeeze %dma_start3A_388 : memref<1x128xf32, #tpu.memory_space<vmem>> -> memref<128xf32, #tpu.memory_space<vmem>>
        %dma_start3A_390 = arith.constant 0 : i32
        %dma_start3A_391 = tpu.memref_slice %arg11[%dma_start3A_385, %dma_start3A_390] : memref<6x128xi32, #tpu.memory_space<vmem>> -> memref<1x128xi32, #tpu.memory_space<vmem>>
        %dma_start3A_392 = tpu.memref_squeeze %dma_start3A_391 : memref<1x128xi32, #tpu.memory_space<vmem>> -> memref<128xi32, #tpu.memory_space<vmem>>
        %dma_start3A_393 = arith.constant 0 : i32
        %dma_start3A_394 = tpu.memref_slice %arg5[%dma_start3A_393] : memref<20096xf32, #tpu.memory_space<hbm>> -> memref<20096xf32, #tpu.memory_space<hbm>>
        tpu.enqueue_indirect_dma source(%dma_start3A_394 : memref<20096xf32, #tpu.memory_space<hbm>>) target(%dma_start3A_389 : memref<128xf32, #tpu.memory_space<vmem>>) offsets(%dma_start3A_392 : memref<128xi32, #tpu.memory_space<vmem>>) semaphore(%arg20 : memref<!tpu.dma_semaphore, #tpu.memory_space<semaphore_mem>>)
      } else {
      }
      %add3A_175 = arith.constant 4 : i32
      %add3A_176 = arith.addi %add3A_146, %add3A_175 : i32
      %mul3A_177 = arith.constant 16 : i32
      %mul3A_178 = arith.muli %add3A_176, %mul3A_177 : i32
      %add3A_179 = arith.addi %mul3A_178, %arg1 : i32
      %lt3A_180 = arith.constant 2500 : i32
      %lt3A_181 = arith.cmpi slt, %add3A_179, %lt3A_180 : i32
      %convert_element_type3A_182 = arith.extui %lt3A_181 : i1 to i32
      %cond3A_183 = arith.constant 0 : i32
      %cond3A_184 = arith.cmpi ne, %convert_element_type3A_182, %cond3A_183 : i32
      scf.if %cond3A_184 {
        %mul3A_346 = arith.constant 320000 : i32
        %mul3A_347 = arith.muli %arg0, %mul3A_346 : i32
        %mul3A_348 = arith.constant 128 : i32
        %mul3A_349 = arith.muli %add3A_179, %mul3A_348 : i32
        %add3A_350 = arith.addi %mul3A_347, %mul3A_349 : i32
        %dma_start3A = arith.constant 5 : i32
        %dma_start3A_351 = arith.constant 0 : i32
        %dma_start3A_352 = tpu.memref_slice %arg8[%dma_start3A, %dma_start3A_351] : memref<6x128xi32, #tpu.memory_space<vmem>> -> memref<1x128xi32, #tpu.memory_space<vmem>>
        %dma_start3A_353 = tpu.memref_squeeze %dma_start3A_352 : memref<1x128xi32, #tpu.memory_space<vmem>> -> memref<128xi32, #tpu.memory_space<vmem>>
        %dma_start3A_354 = tpu.memref_slice %arg2[%add3A_350] : memref<640000xi32, #tpu.memory_space<hbm>> -> memref<128xi32, #tpu.memory_space<hbm>>
        %dma_start3A_355 = arith.constant 0 : i32
        %dma_start3A_356 = tpu.memref_slice %arg8[%dma_start3A, %dma_start3A_355] : memref<6x128xi32, #tpu.memory_space<vmem>> -> memref<1x128xi32, #tpu.memory_space<vmem>>
        %dma_start3A_357 = tpu.memref_squeeze %dma_start3A_356 : memref<1x128xi32, #tpu.memory_space<vmem>> -> memref<128xi32, #tpu.memory_space<vmem>>
        %dma_start3A_358 = tpu.memref_slice %arg2[%add3A_350] : memref<640000xi32, #tpu.memory_space<hbm>> -> memref<128xi32, #tpu.memory_space<hbm>>
        tpu.enqueue_dma source(%dma_start3A_358 : memref<128xi32, #tpu.memory_space<hbm>>) target(%dma_start3A_357 : memref<128xi32, #tpu.memory_space<vmem>>) target_semaphore(%arg18 : memref<!tpu.dma_semaphore, #tpu.memory_space<semaphore_mem>>)
        %dma_start3A_359 = arith.constant 5 : i32
        %dma_start3A_360 = arith.constant 0 : i32
        %dma_start3A_361 = tpu.memref_slice %arg10[%dma_start3A_359, %dma_start3A_360] : memref<6x128xi32, #tpu.memory_space<vmem>> -> memref<1x128xi32, #tpu.memory_space<vmem>>
        %dma_start3A_362 = tpu.memref_squeeze %dma_start3A_361 : memref<1x128xi32, #tpu.memory_space<vmem>> -> memref<128xi32, #tpu.memory_space<vmem>>
        %dma_start3A_363 = tpu.memref_slice %arg3[%add3A_350] : memref<640000xi32, #tpu.memory_space<hbm>> -> memref<128xi32, #tpu.memory_space<hbm>>
        %dma_start3A_364 = arith.constant 0 : i32
        %dma_start3A_365 = tpu.memref_slice %arg10[%dma_start3A_359, %dma_start3A_364] : memref<6x128xi32, #tpu.memory_space<vmem>> -> memref<1x128xi32, #tpu.memory_space<vmem>>
        %dma_start3A_366 = tpu.memref_squeeze %dma_start3A_365 : memref<1x128xi32, #tpu.memory_space<vmem>> -> memref<128xi32, #tpu.memory_space<vmem>>
        %dma_start3A_367 = tpu.memref_slice %arg3[%add3A_350] : memref<640000xi32, #tpu.memory_space<hbm>> -> memref<128xi32, #tpu.memory_space<hbm>>
        tpu.enqueue_dma source(%dma_start3A_367 : memref<128xi32, #tpu.memory_space<hbm>>) target(%dma_start3A_366 : memref<128xi32, #tpu.memory_space<vmem>>) target_semaphore(%arg18 : memref<!tpu.dma_semaphore, #tpu.memory_space<semaphore_mem>>)
      } else {
      }
      %add3A_185 = arith.constant 2 : i32
      %add3A_186 = arith.addi %mul3A_105, %add3A_185 : i32
      %mul3A_187 = arith.constant 16 : i32
      %mul3A_188 = arith.muli %add3A_186, %mul3A_187 : i32
      %add3A_189 = arith.addi %mul3A_188, %arg1 : i32
      %lt3A_190 = arith.constant 2500 : i32
      %lt3A_191 = arith.cmpi slt, %add3A_189, %lt3A_190 : i32
      %convert_element_type3A_192 = arith.extui %lt3A_191 : i1 to i32
      %cond3A_193 = arith.constant 0 : i32
      %cond3A_194 = arith.cmpi ne, %convert_element_type3A_192, %cond3A_193 : i32
      scf.if %cond3A_194 {
        %dma_wait3A = arith.constant 0 : i32
        %dma_wait3A_346 = arith.constant 0 : i32
        %dma_wait3A_347 = arith.constant 0 : i32
        %dma_wait3A_348 = tpu.memref_slice %arg12[%dma_wait3A, %dma_wait3A_346, %dma_wait3A_347] : memref<2x128x128xf32, #tpu.memory_space<vmem>> -> memref<1x128x128xf32, #tpu.memory_space<vmem>>
        %dma_wait3A_349 = tpu.memref_squeeze %dma_wait3A_348 : memref<1x128x128xf32, #tpu.memory_space<vmem>> -> memref<128x128xf32, #tpu.memory_space<vmem>>
        %dma_wait3A_350 = arith.constant 0 : i32
        %dma_wait3A_351 = arith.constant 0 : i32
        %dma_wait3A_352 = tpu.memref_slice %arg4[%dma_wait3A_350, %dma_wait3A_351] : memref<20000x128xf32, #tpu.memory_space<hbm>> -> memref<128x128xf32, #tpu.memory_space<hbm>>
        %dma_wait3A_353 = arith.constant 0 : i32
        %dma_wait3A_354 = arith.constant 0 : i32
        %dma_wait3A_355 = tpu.memref_slice %arg12[%dma_wait3A, %dma_wait3A_353, %dma_wait3A_354] : memref<2x128x128xf32, #tpu.memory_space<vmem>> -> memref<1x128x128xf32, #tpu.memory_space<vmem>>
        %dma_wait3A_356 = tpu.memref_squeeze %dma_wait3A_355 : memref<1x128x128xf32, #tpu.memory_space<vmem>> -> memref<128x128xf32, #tpu.memory_space<vmem>>
        %dma_wait3A_357 = arith.constant 0 : i32
        %dma_wait3A_358 = arith.constant 0 : i32
        %dma_wait3A_359 = tpu.memref_slice %arg4[%dma_wait3A_357, %dma_wait3A_358] : memref<20000x128xf32, #tpu.memory_space<hbm>> -> memref<128x128xf32, #tpu.memory_space<hbm>>
        tpu.wait_dma2 semaphore(%arg19 : memref<!tpu.dma_semaphore, #tpu.memory_space<semaphore_mem>>) src(%dma_wait3A_359 : memref<128x128xf32, #tpu.memory_space<hbm>>) dst(%dma_wait3A_356 : memref<128x128xf32, #tpu.memory_space<vmem>>)
        %dma_wait3A_360 = arith.constant 0 : i32
        %dma_wait3A_361 = arith.constant 0 : i32
        %dma_wait3A_362 = tpu.memref_slice %arg13[%dma_wait3A_360, %dma_wait3A_361] : memref<2x128xf32, #tpu.memory_space<vmem>> -> memref<1x128xf32, #tpu.memory_space<vmem>>
        %dma_wait3A_363 = tpu.memref_squeeze %dma_wait3A_362 : memref<1x128xf32, #tpu.memory_space<vmem>> -> memref<128xf32, #tpu.memory_space<vmem>>
        %dma_wait3A_364 = arith.constant 0 : i32
        %dma_wait3A_365 = tpu.memref_slice %arg5[%dma_wait3A_364] : memref<20096xf32, #tpu.memory_space<hbm>> -> memref<128xf32, #tpu.memory_space<hbm>>
        %dma_wait3A_366 = arith.constant 0 : i32
        %dma_wait3A_367 = tpu.memref_slice %arg13[%dma_wait3A_360, %dma_wait3A_366] : memref<2x128xf32, #tpu.memory_space<vmem>> -> memref<1x128xf32, #tpu.memory_space<vmem>>
        %dma_wait3A_368 = tpu.memref_squeeze %dma_wait3A_367 : memref<1x128xf32, #tpu.memory_space<vmem>> -> memref<128xf32, #tpu.memory_space<vmem>>
        %dma_wait3A_369 = arith.constant 0 : i32
        %dma_wait3A_370 = tpu.memref_slice %arg5[%dma_wait3A_369] : memref<20096xf32, #tpu.memory_space<hbm>> -> memref<128xf32, #tpu.memory_space<hbm>>
        tpu.wait_dma2 semaphore(%arg20 : memref<!tpu.dma_semaphore, #tpu.memory_space<semaphore_mem>>) src(%dma_wait3A_370 : memref<128xf32, #tpu.memory_space<hbm>>) dst(%dma_wait3A_368 : memref<128xf32, #tpu.memory_space<vmem>>)
        %dma_start3A = arith.constant 0 : i32
        %dma_start3A_371 = arith.constant 2 : i32
        %dma_start3A_372 = arith.constant 0 : i32
        %dma_start3A_373 = arith.constant 0 : i32
        %dma_start3A_374 = tpu.memref_slice %arg12[%dma_start3A, %dma_start3A_372, %dma_start3A_373] : memref<2x128x128xf32, #tpu.memory_space<vmem>> -> memref<1x128x128xf32, #tpu.memory_space<vmem>>
        %dma_start3A_375 = tpu.memref_squeeze %dma_start3A_374 : memref<1x128x128xf32, #tpu.memory_space<vmem>> -> memref<128x128xf32, #tpu.memory_space<vmem>>
        %dma_start3A_376 = arith.constant 0 : i32
        %dma_start3A_377 = tpu.memref_slice %arg10[%dma_start3A_371, %dma_start3A_376] : memref<6x128xi32, #tpu.memory_space<vmem>> -> memref<1x128xi32, #tpu.memory_space<vmem>>
        %dma_start3A_378 = tpu.memref_squeeze %dma_start3A_377 : memref<1x128xi32, #tpu.memory_space<vmem>> -> memref<128xi32, #tpu.memory_space<vmem>>
        %dma_start3A_379 = arith.constant 0 : i32
        %dma_start3A_380 = arith.constant 0 : i32
        %dma_start3A_381 = tpu.memref_slice %arg16[%dma_start3A_379, %dma_start3A_380] : memref<10000x128xf32, #tpu.memory_space<vmem_shared>> -> memref<10000x128xf32, #tpu.memory_space<vmem_shared>>
        tpu.enqueue_indirect_dma source(%dma_start3A_375 : memref<128x128xf32, #tpu.memory_space<vmem>>) target(%dma_start3A_381 : memref<10000x128xf32, #tpu.memory_space<vmem_shared>>) offsets(%dma_start3A_378 : memref<128xi32, #tpu.memory_space<vmem>>) semaphore(%arg21 : memref<!tpu.dma_semaphore, #tpu.memory_space<semaphore_mem>>) {add = true}
        %dma_start3A_382 = arith.constant 0 : i32
        %dma_start3A_383 = arith.constant 2 : i32
        %dma_start3A_384 = arith.constant 0 : i32
        %dma_start3A_385 = tpu.memref_slice %arg13[%dma_start3A_382, %dma_start3A_384] : memref<2x128xf32, #tpu.memory_space<vmem>> -> memref<1x128xf32, #tpu.memory_space<vmem>>
        %dma_start3A_386 = tpu.memref_squeeze %dma_start3A_385 : memref<1x128xf32, #tpu.memory_space<vmem>> -> memref<128xf32, #tpu.memory_space<vmem>>
        %dma_start3A_387 = arith.constant 0 : i32
        %dma_start3A_388 = tpu.memref_slice %arg8[%dma_start3A_383, %dma_start3A_387] : memref<6x128xi32, #tpu.memory_space<vmem>> -> memref<1x128xi32, #tpu.memory_space<vmem>>
        %dma_start3A_389 = tpu.memref_squeeze %dma_start3A_388 : memref<1x128xi32, #tpu.memory_space<vmem>> -> memref<128xi32, #tpu.memory_space<vmem>>
        %dma_start3A_390 = arith.constant 0 : i32
        %dma_start3A_391 = tpu.memref_slice %arg17[%dma_start3A_390] : memref<10112xf32, #tpu.memory_space<vmem_shared>> -> memref<10112xf32, #tpu.memory_space<vmem_shared>>
        tpu.enqueue_indirect_dma source(%dma_start3A_386 : memref<128xf32, #tpu.memory_space<vmem>>) target(%dma_start3A_391 : memref<10112xf32, #tpu.memory_space<vmem_shared>>) offsets(%dma_start3A_389 : memref<128xi32, #tpu.memory_space<vmem>>) semaphore(%arg22 : memref<!tpu.dma_semaphore, #tpu.memory_space<semaphore_mem>>) {add = true}
      } else {
      }
      %add3A_195 = arith.constant 2 : i32
      %add3A_196 = arith.addi %add3A_186, %add3A_195 : i32
      %sub3A_197 = arith.constant 2 : i32
      %sub3A_198 = arith.subi %add3A_196, %sub3A_197 : i32
      %mul3A_199 = arith.constant 16 : i32
      %mul3A_200 = arith.muli %sub3A_198, %mul3A_199 : i32
      %add3A_201 = arith.addi %mul3A_200, %arg1 : i32
      %lt3A_202 = arith.constant 2500 : i32
      %lt3A_203 = arith.cmpi slt, %add3A_201, %lt3A_202 : i32
      %convert_element_type3A_204 = arith.extui %lt3A_203 : i1 to i32
      %cond3A_205 = arith.constant 0 : i32
      %cond3A_206 = arith.cmpi ne, %convert_element_type3A_204, %cond3A_205 : i32
      scf.if %cond3A_206 {
        %dma_wait3A = arith.constant 0 : i32
        %dma_wait3A_346 = arith.constant 4 : i32
        %dma_wait3A_347 = arith.constant 0 : i32
        %dma_wait3A_348 = arith.constant 0 : i32
        %dma_wait3A_349 = tpu.memref_slice %arg12[%dma_wait3A, %dma_wait3A_347, %dma_wait3A_348] : memref<2x128x128xf32, #tpu.memory_space<vmem>> -> memref<1x128x128xf32, #tpu.memory_space<vmem>>
        %dma_wait3A_350 = tpu.memref_squeeze %dma_wait3A_349 : memref<1x128x128xf32, #tpu.memory_space<vmem>> -> memref<128x128xf32, #tpu.memory_space<vmem>>
        %dma_wait3A_351 = arith.constant 0 : i32
        %dma_wait3A_352 = tpu.memref_slice %arg10[%dma_wait3A_346, %dma_wait3A_351] : memref<6x128xi32, #tpu.memory_space<vmem>> -> memref<1x128xi32, #tpu.memory_space<vmem>>
        %dma_wait3A_353 = tpu.memref_squeeze %dma_wait3A_352 : memref<1x128xi32, #tpu.memory_space<vmem>> -> memref<128xi32, #tpu.memory_space<vmem>>
        %dma_wait3A_354 = arith.constant 0 : i32
        %dma_wait3A_355 = arith.constant 0 : i32
        %dma_wait3A_356 = tpu.memref_slice %arg16[%dma_wait3A_354, %dma_wait3A_355] : memref<10000x128xf32, #tpu.memory_space<vmem_shared>> -> memref<10000x128xf32, #tpu.memory_space<vmem_shared>>
        tpu.wait_indirect_dma semaphore(%arg21 : memref<!tpu.dma_semaphore, #tpu.memory_space<semaphore_mem>>) src(%dma_wait3A_350 : memref<128x128xf32, #tpu.memory_space<vmem>>) dst(%dma_wait3A_356 : memref<10000x128xf32, #tpu.memory_space<vmem_shared>>)
        %dma_wait3A_357 = arith.constant 0 : i32
        %dma_wait3A_358 = arith.constant 4 : i32
        %dma_wait3A_359 = arith.constant 0 : i32
        %dma_wait3A_360 = tpu.memref_slice %arg13[%dma_wait3A_357, %dma_wait3A_359] : memref<2x128xf32, #tpu.memory_space<vmem>> -> memref<1x128xf32, #tpu.memory_space<vmem>>
        %dma_wait3A_361 = tpu.memref_squeeze %dma_wait3A_360 : memref<1x128xf32, #tpu.memory_space<vmem>> -> memref<128xf32, #tpu.memory_space<vmem>>
        %dma_wait3A_362 = arith.constant 0 : i32
        %dma_wait3A_363 = tpu.memref_slice %arg8[%dma_wait3A_358, %dma_wait3A_362] : memref<6x128xi32, #tpu.memory_space<vmem>> -> memref<1x128xi32, #tpu.memory_space<vmem>>
        %dma_wait3A_364 = tpu.memref_squeeze %dma_wait3A_363 : memref<1x128xi32, #tpu.memory_space<vmem>> -> memref<128xi32, #tpu.memory_space<vmem>>
        %dma_wait3A_365 = arith.constant 0 : i32
        %dma_wait3A_366 = tpu.memref_slice %arg17[%dma_wait3A_365] : memref<10112xf32, #tpu.memory_space<vmem_shared>> -> memref<10112xf32, #tpu.memory_space<vmem_shared>>
        tpu.wait_indirect_dma semaphore(%arg22 : memref<!tpu.dma_semaphore, #tpu.memory_space<semaphore_mem>>) src(%dma_wait3A_361 : memref<128xf32, #tpu.memory_space<vmem>>) dst(%dma_wait3A_366 : memref<10112xf32, #tpu.memory_space<vmem_shared>>)
      } else {
      }
      %mul3A_207 = arith.constant 16 : i32
      %mul3A_208 = arith.muli %add3A_196, %mul3A_207 : i32
      %add3A_209 = arith.addi %mul3A_208, %arg1 : i32
      %lt3A_210 = arith.constant 2500 : i32
      %lt3A_211 = arith.cmpi slt, %add3A_209, %lt3A_210 : i32
      %convert_element_type3A_212 = arith.extui %lt3A_211 : i1 to i32
      %cond3A_213 = arith.constant 0 : i32
      %cond3A_214 = arith.cmpi ne, %convert_element_type3A_212, %cond3A_213 : i32
      scf.if %cond3A_214 {
        %dma_wait3A = arith.constant 4 : i32
        %dma_wait3A_346 = arith.constant 0 : i32
        %dma_wait3A_347 = tpu.memref_slice %arg8[%dma_wait3A, %dma_wait3A_346] : memref<6x128xi32, #tpu.memory_space<vmem>> -> memref<1x128xi32, #tpu.memory_space<vmem>>
        %dma_wait3A_348 = tpu.memref_squeeze %dma_wait3A_347 : memref<1x128xi32, #tpu.memory_space<vmem>> -> memref<128xi32, #tpu.memory_space<vmem>>
        %dma_wait3A_349 = arith.constant 0 : i32
        %dma_wait3A_350 = tpu.memref_slice %arg2[%dma_wait3A_349] : memref<640000xi32, #tpu.memory_space<hbm>> -> memref<128xi32, #tpu.memory_space<hbm>>
        %dma_wait3A_351 = arith.constant 0 : i32
        %dma_wait3A_352 = tpu.memref_slice %arg8[%dma_wait3A, %dma_wait3A_351] : memref<6x128xi32, #tpu.memory_space<vmem>> -> memref<1x128xi32, #tpu.memory_space<vmem>>
        %dma_wait3A_353 = tpu.memref_squeeze %dma_wait3A_352 : memref<1x128xi32, #tpu.memory_space<vmem>> -> memref<128xi32, #tpu.memory_space<vmem>>
        %dma_wait3A_354 = arith.constant 0 : i32
        %dma_wait3A_355 = tpu.memref_slice %arg2[%dma_wait3A_354] : memref<640000xi32, #tpu.memory_space<hbm>> -> memref<128xi32, #tpu.memory_space<hbm>>
        tpu.wait_dma2 semaphore(%arg18 : memref<!tpu.dma_semaphore, #tpu.memory_space<semaphore_mem>>) src(%dma_wait3A_355 : memref<128xi32, #tpu.memory_space<hbm>>) dst(%dma_wait3A_353 : memref<128xi32, #tpu.memory_space<vmem>>)
        %dma_wait3A_356 = arith.constant 4 : i32
        %dma_wait3A_357 = arith.constant 0 : i32
        %dma_wait3A_358 = tpu.memref_slice %arg10[%dma_wait3A_356, %dma_wait3A_357] : memref<6x128xi32, #tpu.memory_space<vmem>> -> memref<1x128xi32, #tpu.memory_space<vmem>>
        %dma_wait3A_359 = tpu.memref_squeeze %dma_wait3A_358 : memref<1x128xi32, #tpu.memory_space<vmem>> -> memref<128xi32, #tpu.memory_space<vmem>>
        %dma_wait3A_360 = arith.constant 0 : i32
        %dma_wait3A_361 = tpu.memref_slice %arg2[%dma_wait3A_360] : memref<640000xi32, #tpu.memory_space<hbm>> -> memref<128xi32, #tpu.memory_space<hbm>>
        %dma_wait3A_362 = arith.constant 0 : i32
        %dma_wait3A_363 = tpu.memref_slice %arg10[%dma_wait3A_356, %dma_wait3A_362] : memref<6x128xi32, #tpu.memory_space<vmem>> -> memref<1x128xi32, #tpu.memory_space<vmem>>
        %dma_wait3A_364 = tpu.memref_squeeze %dma_wait3A_363 : memref<1x128xi32, #tpu.memory_space<vmem>> -> memref<128xi32, #tpu.memory_space<vmem>>
        %dma_wait3A_365 = arith.constant 0 : i32
        %dma_wait3A_366 = tpu.memref_slice %arg2[%dma_wait3A_365] : memref<640000xi32, #tpu.memory_space<hbm>> -> memref<128xi32, #tpu.memory_space<hbm>>
        tpu.wait_dma2 semaphore(%arg18 : memref<!tpu.dma_semaphore, #tpu.memory_space<semaphore_mem>>) src(%dma_wait3A_366 : memref<128xi32, #tpu.memory_space<hbm>>) dst(%dma_wait3A_364 : memref<128xi32, #tpu.memory_space<vmem>>)
        %scan3A_367 = arith.constant 0 : i32
        %scan3A_368 = arith.constant 0 : i32
        %scan3A_369 = arith.constant 8 : i32
        %scan3A_370 = arith.addi %scan3A_368, %scan3A_369 : i32
        %scan3A_371 = arith.constant 1 : i32
        %scan3A_372 = scf.for %scan3A_395 = %scan3A_368 to %scan3A_370 step %scan3A_371 iter_args(%scan3A_396 = %scan3A_367) -> (i32)  : i32 {
          %mul3A_397 = arith.constant 16 : i32
          %mul3A_398 = arith.muli %scan3A_395, %mul3A_397 : i32
          %get3A = arith.constant 4 : i32
          %get3A_399 = arith.index_cast %get3A : i32 to index
          %get3A_400 = arith.index_cast %mul3A_398 : i32 to index
          %get3A_401 = tpu.vector_load %arg8[%get3A_399, %get3A_400] {strides = array<i32>} : memref<6x128xi32, #tpu.memory_space<vmem>>, vector<1x16xi32>,
          %get3A_402 = vector.shape_cast %get3A_401 : vector<1x16xi32> to vector<16xi32>
          %add3A_403 = vector.broadcast %mul3A_29 : i32 to vector<16xi32>
          %add3A_404 = arith.addi %get3A_402, %add3A_403 : vector<16xi32>
          %mul3A_405 = arith.constant 16 : i32
          %mul3A_406 = arith.muli %scan3A_395, %mul3A_405 : i32
          %swap3A = arith.constant 4 : i32
          %swap3A_407 = arith.index_cast %swap3A : i32 to index
          %swap3A_408 = arith.index_cast %mul3A_406 : i32 to index
          %swap3A_409 = tpu.vector_load %arg9[%swap3A_407, %swap3A_408] {strides = array<i32>} : memref<6x128xi32, #tpu.memory_space<vmem>>, vector<1x16xi32>,
          %swap3A_410 = vector.shape_cast %swap3A_409 : vector<1x16xi32> to vector<16xi32>
          %swap3A_411 = vector.shape_cast %add3A_404 : vector<16xi32> to vector<1x16xi32>
          tpu.vector_store %arg9[%swap3A_407, %swap3A_408], %swap3A_411 {strides = array<i32>} : memref<6x128xi32, #tpu.memory_space<vmem>>, vector<1x16xi32>,
          %mul3A_412 = arith.constant 16 : i32
          %mul3A_413 = arith.muli %scan3A_395, %mul3A_412 : i32
          %get3A_414 = arith.constant 4 : i32
          %get3A_415 = arith.index_cast %get3A_414 : i32 to index
          %get3A_416 = arith.index_cast %mul3A_413 : i32 to index
          %get3A_417 = tpu.vector_load %arg10[%get3A_415, %get3A_416] {strides = array<i32>} : memref<6x128xi32, #tpu.memory_space<vmem>>, vector<1x16xi32>,
          %get3A_418 = vector.shape_cast %get3A_417 : vector<1x16xi32> to vector<16xi32>
          %add3A_419 = vector.broadcast %mul3A_29 : i32 to vector<16xi32>
          %add3A_420 = arith.addi %get3A_418, %add3A_419 : vector<16xi32>
          %mul3A_421 = arith.constant 16 : i32
          %mul3A_422 = arith.muli %scan3A_395, %mul3A_421 : i32
          %swap3A_423 = arith.constant 4 : i32
          %swap3A_424 = arith.index_cast %swap3A_423 : i32 to index
          %swap3A_425 = arith.index_cast %mul3A_422 : i32 to index
          %swap3A_426 = tpu.vector_load %arg11[%swap3A_424, %swap3A_425] {strides = array<i32>} : memref<6x128xi32, #tpu.memory_space<vmem>>, vector<1x16xi32>,
          %swap3A_427 = vector.shape_cast %swap3A_426 : vector<1x16xi32> to vector<16xi32>
          %swap3A_428 = vector.shape_cast %add3A_420 : vector<16xi32> to vector<1x16xi32>
          tpu.vector_store %arg11[%swap3A_424, %swap3A_425], %swap3A_428 {strides = array<i32>} : memref<6x128xi32, #tpu.memory_space<vmem>>, vector<1x16xi32>,
          %scan3A_429 = arith.constant 0 : i32
          scf.yield %scan3A_429 : i32
        }
        %scan3A_373 = arith.constant 8 : i32
        %dma_start3A = arith.constant 4 : i32
        %dma_start3A_374 = arith.constant 0 : i32
        %dma_start3A_375 = arith.constant 0 : i32
        %dma_start3A_376 = arith.constant 0 : i32
        %dma_start3A_377 = tpu.memref_slice %arg12[%dma_start3A_374, %dma_start3A_375, %dma_start3A_376] : memref<2x128x128xf32, #tpu.memory_space<vmem>> -> memref<1x128x128xf32, #tpu.memory_space<vmem>>
        %dma_start3A_378 = tpu.memref_squeeze %dma_start3A_377 : memref<1x128x128xf32, #tpu.memory_space<vmem>> -> memref<128x128xf32, #tpu.memory_space<vmem>>
        %dma_start3A_379 = arith.constant 0 : i32
        %dma_start3A_380 = tpu.memref_slice %arg9[%dma_start3A, %dma_start3A_379] : memref<6x128xi32, #tpu.memory_space<vmem>> -> memref<1x128xi32, #tpu.memory_space<vmem>>
        %dma_start3A_381 = tpu.memref_squeeze %dma_start3A_380 : memref<1x128xi32, #tpu.memory_space<vmem>> -> memref<128xi32, #tpu.memory_space<vmem>>
        %dma_start3A_382 = arith.constant 0 : i32
        %dma_start3A_383 = arith.constant 0 : i32
        %dma_start3A_384 = tpu.memref_slice %arg4[%dma_start3A_382, %dma_start3A_383] : memref<20000x128xf32, #tpu.memory_space<hbm>> -> memref<20000x128xf32, #tpu.memory_space<hbm>>
        tpu.enqueue_indirect_dma source(%dma_start3A_384 : memref<20000x128xf32, #tpu.memory_space<hbm>>) target(%dma_start3A_378 : memref<128x128xf32, #tpu.memory_space<vmem>>) offsets(%dma_start3A_381 : memref<128xi32, #tpu.memory_space<vmem>>) semaphore(%arg19 : memref<!tpu.dma_semaphore, #tpu.memory_space<semaphore_mem>>)
        %dma_start3A_385 = arith.constant 4 : i32
        %dma_start3A_386 = arith.constant 0 : i32
        %dma_start3A_387 = arith.constant 0 : i32
        %dma_start3A_388 = tpu.memref_slice %arg13[%dma_start3A_386, %dma_start3A_387] : memref<2x128xf32, #tpu.memory_space<vmem>> -> memref<1x128xf32, #tpu.memory_space<vmem>>
        %dma_start3A_389 = tpu.memref_squeeze %dma_start3A_388 : memref<1x128xf32, #tpu.memory_space<vmem>> -> memref<128xf32, #tpu.memory_space<vmem>>
        %dma_start3A_390 = arith.constant 0 : i32
        %dma_start3A_391 = tpu.memref_slice %arg11[%dma_start3A_385, %dma_start3A_390] : memref<6x128xi32, #tpu.memory_space<vmem>> -> memref<1x128xi32, #tpu.memory_space<vmem>>
        %dma_start3A_392 = tpu.memref_squeeze %dma_start3A_391 : memref<1x128xi32, #tpu.memory_space<vmem>> -> memref<128xi32, #tpu.memory_space<vmem>>
        %dma_start3A_393 = arith.constant 0 : i32
        %dma_start3A_394 = tpu.memref_slice %arg5[%dma_start3A_393] : memref<20096xf32, #tpu.memory_space<hbm>> -> memref<20096xf32, #tpu.memory_space<hbm>>
        tpu.enqueue_indirect_dma source(%dma_start3A_394 : memref<20096xf32, #tpu.memory_space<hbm>>) target(%dma_start3A_389 : memref<128xf32, #tpu.memory_space<vmem>>) offsets(%dma_start3A_392 : memref<128xi32, #tpu.memory_space<vmem>>) semaphore(%arg20 : memref<!tpu.dma_semaphore, #tpu.memory_space<semaphore_mem>>)
      } else {
      }
      %add3A_215 = arith.constant 4 : i32
      %add3A_216 = arith.addi %add3A_186, %add3A_215 : i32
      %mul3A_217 = arith.constant 16 : i32
      %mul3A_218 = arith.muli %add3A_216, %mul3A_217 : i32
      %add3A_219 = arith.addi %mul3A_218, %arg1 : i32
      %lt3A_220 = arith.constant 2500 : i32
      %lt3A_221 = arith.cmpi slt, %add3A_219, %lt3A_220 : i32
      %convert_element_type3A_222 = arith.extui %lt3A_221 : i1 to i32
      %cond3A_223 = arith.constant 0 : i32
      %cond3A_224 = arith.cmpi ne, %convert_element_type3A_222, %cond3A_223 : i32
      scf.if %cond3A_224 {
        %mul3A_346 = arith.constant 320000 : i32
        %mul3A_347 = arith.muli %arg0, %mul3A_346 : i32
        %mul3A_348 = arith.constant 128 : i32
        %mul3A_349 = arith.muli %add3A_219, %mul3A_348 : i32
        %add3A_350 = arith.addi %mul3A_347, %mul3A_349 : i32
        %dma_start3A = arith.constant 0 : i32
        %dma_start3A_351 = arith.constant 0 : i32
        %dma_start3A_352 = tpu.memref_slice %arg8[%dma_start3A, %dma_start3A_351] : memref<6x128xi32, #tpu.memory_space<vmem>> -> memref<1x128xi32, #tpu.memory_space<vmem>>
        %dma_start3A_353 = tpu.memref_squeeze %dma_start3A_352 : memref<1x128xi32, #tpu.memory_space<vmem>> -> memref<128xi32, #tpu.memory_space<vmem>>
        %dma_start3A_354 = tpu.memref_slice %arg2[%add3A_350] : memref<640000xi32, #tpu.memory_space<hbm>> -> memref<128xi32, #tpu.memory_space<hbm>>
        %dma_start3A_355 = arith.constant 0 : i32
        %dma_start3A_356 = tpu.memref_slice %arg8[%dma_start3A, %dma_start3A_355] : memref<6x128xi32, #tpu.memory_space<vmem>> -> memref<1x128xi32, #tpu.memory_space<vmem>>
        %dma_start3A_357 = tpu.memref_squeeze %dma_start3A_356 : memref<1x128xi32, #tpu.memory_space<vmem>> -> memref<128xi32, #tpu.memory_space<vmem>>
        %dma_start3A_358 = tpu.memref_slice %arg2[%add3A_350] : memref<640000xi32, #tpu.memory_space<hbm>> -> memref<128xi32, #tpu.memory_space<hbm>>
        tpu.enqueue_dma source(%dma_start3A_358 : memref<128xi32, #tpu.memory_space<hbm>>) target(%dma_start3A_357 : memref<128xi32, #tpu.memory_space<vmem>>) target_semaphore(%arg18 : memref<!tpu.dma_semaphore, #tpu.memory_space<semaphore_mem>>)
        %dma_start3A_359 = arith.constant 0 : i32
        %dma_start3A_360 = arith.constant 0 : i32
        %dma_start3A_361 = tpu.memref_slice %arg10[%dma_start3A_359, %dma_start3A_360] : memref<6x128xi32, #tpu.memory_space<vmem>> -> memref<1x128xi32, #tpu.memory_space<vmem>>
        %dma_start3A_362 = tpu.memref_squeeze %dma_start3A_361 : memref<1x128xi32, #tpu.memory_space<vmem>> -> memref<128xi32, #tpu.memory_space<vmem>>
        %dma_start3A_363 = tpu.memref_slice %arg3[%add3A_350] : memref<640000xi32, #tpu.memory_space<hbm>> -> memref<128xi32, #tpu.memory_space<hbm>>
        %dma_start3A_364 = arith.constant 0 : i32
        %dma_start3A_365 = tpu.memref_slice %arg10[%dma_start3A_359, %dma_start3A_364] : memref<6x128xi32, #tpu.memory_space<vmem>> -> memref<1x128xi32, #tpu.memory_space<vmem>>
        %dma_start3A_366 = tpu.memref_squeeze %dma_start3A_365 : memref<1x128xi32, #tpu.memory_space<vmem>> -> memref<128xi32, #tpu.memory_space<vmem>>
        %dma_start3A_367 = tpu.memref_slice %arg3[%add3A_350] : memref<640000xi32, #tpu.memory_space<hbm>> -> memref<128xi32, #tpu.memory_space<hbm>>
        tpu.enqueue_dma source(%dma_start3A_367 : memref<128xi32, #tpu.memory_space<hbm>>) target(%dma_start3A_366 : memref<128xi32, #tpu.memory_space<vmem>>) target_semaphore(%arg18 : memref<!tpu.dma_semaphore, #tpu.memory_space<semaphore_mem>>)
      } else {
      }
      %add3A_225 = arith.constant 3 : i32
      %add3A_226 = arith.addi %mul3A_105, %add3A_225 : i32
      %mul3A_227 = arith.constant 16 : i32
      %mul3A_228 = arith.muli %add3A_226, %mul3A_227 : i32
      %add3A_229 = arith.addi %mul3A_228, %arg1 : i32
      %lt3A_230 = arith.constant 2500 : i32
      %lt3A_231 = arith.cmpi slt, %add3A_229, %lt3A_230 : i32
      %convert_element_type3A_232 = arith.extui %lt3A_231 : i1 to i32
      %cond3A_233 = arith.constant 0 : i32
      %cond3A_234 = arith.cmpi ne, %convert_element_type3A_232, %cond3A_233 : i32
      scf.if %cond3A_234 {
        %dma_wait3A = arith.constant 1 : i32
        %dma_wait3A_346 = arith.constant 0 : i32
        %dma_wait3A_347 = arith.constant 0 : i32
        %dma_wait3A_348 = tpu.memref_slice %arg12[%dma_wait3A, %dma_wait3A_346, %dma_wait3A_347] : memref<2x128x128xf32, #tpu.memory_space<vmem>> -> memref<1x128x128xf32, #tpu.memory_space<vmem>>
        %dma_wait3A_349 = tpu.memref_squeeze %dma_wait3A_348 : memref<1x128x128xf32, #tpu.memory_space<vmem>> -> memref<128x128xf32, #tpu.memory_space<vmem>>
        %dma_wait3A_350 = arith.constant 0 : i32
        %dma_wait3A_351 = arith.constant 0 : i32
        %dma_wait3A_352 = tpu.memref_slice %arg4[%dma_wait3A_350, %dma_wait3A_351] : memref<20000x128xf32, #tpu.memory_space<hbm>> -> memref<128x128xf32, #tpu.memory_space<hbm>>
        %dma_wait3A_353 = arith.constant 0 : i32
        %dma_wait3A_354 = arith.constant 0 : i32
        %dma_wait3A_355 = tpu.memref_slice %arg12[%dma_wait3A, %dma_wait3A_353, %dma_wait3A_354] : memref<2x128x128xf32, #tpu.memory_space<vmem>> -> memref<1x128x128xf32, #tpu.memory_space<vmem>>
        %dma_wait3A_356 = tpu.memref_squeeze %dma_wait3A_355 : memref<1x128x128xf32, #tpu.memory_space<vmem>> -> memref<128x128xf32, #tpu.memory_space<vmem>>
        %dma_wait3A_357 = arith.constant 0 : i32
        %dma_wait3A_358 = arith.constant 0 : i32
        %dma_wait3A_359 = tpu.memref_slice %arg4[%dma_wait3A_357, %dma_wait3A_358] : memref<20000x128xf32, #tpu.memory_space<hbm>> -> memref<128x128xf32, #tpu.memory_space<hbm>>
        tpu.wait_dma2 semaphore(%arg19 : memref<!tpu.dma_semaphore, #tpu.memory_space<semaphore_mem>>) src(%dma_wait3A_359 : memref<128x128xf32, #tpu.memory_space<hbm>>) dst(%dma_wait3A_356 : memref<128x128xf32, #tpu.memory_space<vmem>>)
        %dma_wait3A_360 = arith.constant 1 : i32
        %dma_wait3A_361 = arith.constant 0 : i32
        %dma_wait3A_362 = tpu.memref_slice %arg13[%dma_wait3A_360, %dma_wait3A_361] : memref<2x128xf32, #tpu.memory_space<vmem>> -> memref<1x128xf32, #tpu.memory_space<vmem>>
        %dma_wait3A_363 = tpu.memref_squeeze %dma_wait3A_362 : memref<1x128xf32, #tpu.memory_space<vmem>> -> memref<128xf32, #tpu.memory_space<vmem>>
        %dma_wait3A_364 = arith.constant 0 : i32
        %dma_wait3A_365 = tpu.memref_slice %arg5[%dma_wait3A_364] : memref<20096xf32, #tpu.memory_space<hbm>> -> memref<128xf32, #tpu.memory_space<hbm>>
        %dma_wait3A_366 = arith.constant 0 : i32
        %dma_wait3A_367 = tpu.memref_slice %arg13[%dma_wait3A_360, %dma_wait3A_366] : memref<2x128xf32, #tpu.memory_space<vmem>> -> memref<1x128xf32, #tpu.memory_space<vmem>>
        %dma_wait3A_368 = tpu.memref_squeeze %dma_wait3A_367 : memref<1x128xf32, #tpu.memory_space<vmem>> -> memref<128xf32, #tpu.memory_space<vmem>>
        %dma_wait3A_369 = arith.constant 0 : i32
        %dma_wait3A_370 = tpu.memref_slice %arg5[%dma_wait3A_369] : memref<20096xf32, #tpu.memory_space<hbm>> -> memref<128xf32, #tpu.memory_space<hbm>>
        tpu.wait_dma2 semaphore(%arg20 : memref<!tpu.dma_semaphore, #tpu.memory_space<semaphore_mem>>) src(%dma_wait3A_370 : memref<128xf32, #tpu.memory_space<hbm>>) dst(%dma_wait3A_368 : memref<128xf32, #tpu.memory_space<vmem>>)
        %dma_start3A = arith.constant 1 : i32
        %dma_start3A_371 = arith.constant 3 : i32
        %dma_start3A_372 = arith.constant 0 : i32
        %dma_start3A_373 = arith.constant 0 : i32
        %dma_start3A_374 = tpu.memref_slice %arg12[%dma_start3A, %dma_start3A_372, %dma_start3A_373] : memref<2x128x128xf32, #tpu.memory_space<vmem>> -> memref<1x128x128xf32, #tpu.memory_space<vmem>>
        %dma_start3A_375 = tpu.memref_squeeze %dma_start3A_374 : memref<1x128x128xf32, #tpu.memory_space<vmem>> -> memref<128x128xf32, #tpu.memory_space<vmem>>
        %dma_start3A_376 = arith.constant 0 : i32
        %dma_start3A_377 = tpu.memref_slice %arg10[%dma_start3A_371, %dma_start3A_376] : memref<6x128xi32, #tpu.memory_space<vmem>> -> memref<1x128xi32, #tpu.memory_space<vmem>>
        %dma_start3A_378 = tpu.memref_squeeze %dma_start3A_377 : memref<1x128xi32, #tpu.memory_space<vmem>> -> memref<128xi32, #tpu.memory_space<vmem>>
        %dma_start3A_379 = arith.constant 0 : i32
        %dma_start3A_380 = arith.constant 0 : i32
        %dma_start3A_381 = tpu.memref_slice %arg16[%dma_start3A_379, %dma_start3A_380] : memref<10000x128xf32, #tpu.memory_space<vmem_shared>> -> memref<10000x128xf32, #tpu.memory_space<vmem_shared>>
        tpu.enqueue_indirect_dma source(%dma_start3A_375 : memref<128x128xf32, #tpu.memory_space<vmem>>) target(%dma_start3A_381 : memref<10000x128xf32, #tpu.memory_space<vmem_shared>>) offsets(%dma_start3A_378 : memref<128xi32, #tpu.memory_space<vmem>>) semaphore(%arg21 : memref<!tpu.dma_semaphore, #tpu.memory_space<semaphore_mem>>) {add = true}
        %dma_start3A_382 = arith.constant 1 : i32
        %dma_start3A_383 = arith.constant 3 : i32
        %dma_start3A_384 = arith.constant 0 : i32
        %dma_start3A_385 = tpu.memref_slice %arg13[%dma_start3A_382, %dma_start3A_384] : memref<2x128xf32, #tpu.memory_space<vmem>> -> memref<1x128xf32, #tpu.memory_space<vmem>>
        %dma_start3A_386 = tpu.memref_squeeze %dma_start3A_385 : memref<1x128xf32, #tpu.memory_space<vmem>> -> memref<128xf32, #tpu.memory_space<vmem>>
        %dma_start3A_387 = arith.constant 0 : i32
        %dma_start3A_388 = tpu.memref_slice %arg8[%dma_start3A_383, %dma_start3A_387] : memref<6x128xi32, #tpu.memory_space<vmem>> -> memref<1x128xi32, #tpu.memory_space<vmem>>
        %dma_start3A_389 = tpu.memref_squeeze %dma_start3A_388 : memref<1x128xi32, #tpu.memory_space<vmem>> -> memref<128xi32, #tpu.memory_space<vmem>>
        %dma_start3A_390 = arith.constant 0 : i32
        %dma_start3A_391 = tpu.memref_slice %arg17[%dma_start3A_390] : memref<10112xf32, #tpu.memory_space<vmem_shared>> -> memref<10112xf32, #tpu.memory_space<vmem_shared>>
        tpu.enqueue_indirect_dma source(%dma_start3A_386 : memref<128xf32, #tpu.memory_space<vmem>>) target(%dma_start3A_391 : memref<10112xf32, #tpu.memory_space<vmem_shared>>) offsets(%dma_start3A_389 : memref<128xi32, #tpu.memory_space<vmem>>) semaphore(%arg22 : memref<!tpu.dma_semaphore, #tpu.memory_space<semaphore_mem>>) {add = true}
      } else {
      }
      %add3A_235 = arith.constant 2 : i32
      %add3A_236 = arith.addi %add3A_226, %add3A_235 : i32
      %sub3A_237 = arith.constant 2 : i32
      %sub3A_238 = arith.subi %add3A_236, %sub3A_237 : i32
      %mul3A_239 = arith.constant 16 : i32
      %mul3A_240 = arith.muli %sub3A_238, %mul3A_239 : i32
      %add3A_241 = arith.addi %mul3A_240, %arg1 : i32
      %lt3A_242 = arith.constant 2500 : i32
      %lt3A_243 = arith.cmpi slt, %add3A_241, %lt3A_242 : i32
      %convert_element_type3A_244 = arith.extui %lt3A_243 : i1 to i32
      %cond3A_245 = arith.constant 0 : i32
      %cond3A_246 = arith.cmpi ne, %convert_element_type3A_244, %cond3A_245 : i32
      scf.if %cond3A_246 {
        %dma_wait3A = arith.constant 1 : i32
        %dma_wait3A_346 = arith.constant 5 : i32
        %dma_wait3A_347 = arith.constant 0 : i32
        %dma_wait3A_348 = arith.constant 0 : i32
        %dma_wait3A_349 = tpu.memref_slice %arg12[%dma_wait3A, %dma_wait3A_347, %dma_wait3A_348] : memref<2x128x128xf32, #tpu.memory_space<vmem>> -> memref<1x128x128xf32, #tpu.memory_space<vmem>>
        %dma_wait3A_350 = tpu.memref_squeeze %dma_wait3A_349 : memref<1x128x128xf32, #tpu.memory_space<vmem>> -> memref<128x128xf32, #tpu.memory_space<vmem>>
        %dma_wait3A_351 = arith.constant 0 : i32
        %dma_wait3A_352 = tpu.memref_slice %arg10[%dma_wait3A_346, %dma_wait3A_351] : memref<6x128xi32, #tpu.memory_space<vmem>> -> memref<1x128xi32, #tpu.memory_space<vmem>>
        %dma_wait3A_353 = tpu.memref_squeeze %dma_wait3A_352 : memref<1x128xi32, #tpu.memory_space<vmem>> -> memref<128xi32, #tpu.memory_space<vmem>>
        %dma_wait3A_354 = arith.constant 0 : i32
        %dma_wait3A_355 = arith.constant 0 : i32
        %dma_wait3A_356 = tpu.memref_slice %arg16[%dma_wait3A_354, %dma_wait3A_355] : memref<10000x128xf32, #tpu.memory_space<vmem_shared>> -> memref<10000x128xf32, #tpu.memory_space<vmem_shared>>
        tpu.wait_indirect_dma semaphore(%arg21 : memref<!tpu.dma_semaphore, #tpu.memory_space<semaphore_mem>>) src(%dma_wait3A_350 : memref<128x128xf32, #tpu.memory_space<vmem>>) dst(%dma_wait3A_356 : memref<10000x128xf32, #tpu.memory_space<vmem_shared>>)
        %dma_wait3A_357 = arith.constant 1 : i32
        %dma_wait3A_358 = arith.constant 5 : i32
        %dma_wait3A_359 = arith.constant 0 : i32
        %dma_wait3A_360 = tpu.memref_slice %arg13[%dma_wait3A_357, %dma_wait3A_359] : memref<2x128xf32, #tpu.memory_space<vmem>> -> memref<1x128xf32, #tpu.memory_space<vmem>>
        %dma_wait3A_361 = tpu.memref_squeeze %dma_wait3A_360 : memref<1x128xf32, #tpu.memory_space<vmem>> -> memref<128xf32, #tpu.memory_space<vmem>>
        %dma_wait3A_362 = arith.constant 0 : i32
        %dma_wait3A_363 = tpu.memref_slice %arg8[%dma_wait3A_358, %dma_wait3A_362] : memref<6x128xi32, #tpu.memory_space<vmem>> -> memref<1x128xi32, #tpu.memory_space<vmem>>
        %dma_wait3A_364 = tpu.memref_squeeze %dma_wait3A_363 : memref<1x128xi32, #tpu.memory_space<vmem>> -> memref<128xi32, #tpu.memory_space<vmem>>
        %dma_wait3A_365 = arith.constant 0 : i32
        %dma_wait3A_366 = tpu.memref_slice %arg17[%dma_wait3A_365] : memref<10112xf32, #tpu.memory_space<vmem_shared>> -> memref<10112xf32, #tpu.memory_space<vmem_shared>>
        tpu.wait_indirect_dma semaphore(%arg22 : memref<!tpu.dma_semaphore, #tpu.memory_space<semaphore_mem>>) src(%dma_wait3A_361 : memref<128xf32, #tpu.memory_space<vmem>>) dst(%dma_wait3A_366 : memref<10112xf32, #tpu.memory_space<vmem_shared>>)
      } else {
      }
      %mul3A_247 = arith.constant 16 : i32
      %mul3A_248 = arith.muli %add3A_236, %mul3A_247 : i32
      %add3A_249 = arith.addi %mul3A_248, %arg1 : i32
      %lt3A_250 = arith.constant 2500 : i32
      %lt3A_251 = arith.cmpi slt, %add3A_249, %lt3A_250 : i32
      %convert_element_type3A_252 = arith.extui %lt3A_251 : i1 to i32
      %cond3A_253 = arith.constant 0 : i32
      %cond3A_254 = arith.cmpi ne, %convert_element_type3A_252, %cond3A_253 : i32
      scf.if %cond3A_254 {
        %dma_wait3A = arith.constant 5 : i32
        %dma_wait3A_346 = arith.constant 0 : i32
        %dma_wait3A_347 = tpu.memref_slice %arg8[%dma_wait3A, %dma_wait3A_346] : memref<6x128xi32, #tpu.memory_space<vmem>> -> memref<1x128xi32, #tpu.memory_space<vmem>>
        %dma_wait3A_348 = tpu.memref_squeeze %dma_wait3A_347 : memref<1x128xi32, #tpu.memory_space<vmem>> -> memref<128xi32, #tpu.memory_space<vmem>>
        %dma_wait3A_349 = arith.constant 0 : i32
        %dma_wait3A_350 = tpu.memref_slice %arg2[%dma_wait3A_349] : memref<640000xi32, #tpu.memory_space<hbm>> -> memref<128xi32, #tpu.memory_space<hbm>>
        %dma_wait3A_351 = arith.constant 0 : i32
        %dma_wait3A_352 = tpu.memref_slice %arg8[%dma_wait3A, %dma_wait3A_351] : memref<6x128xi32, #tpu.memory_space<vmem>> -> memref<1x128xi32, #tpu.memory_space<vmem>>
        %dma_wait3A_353 = tpu.memref_squeeze %dma_wait3A_352 : memref<1x128xi32, #tpu.memory_space<vmem>> -> memref<128xi32, #tpu.memory_space<vmem>>
        %dma_wait3A_354 = arith.constant 0 : i32
        %dma_wait3A_355 = tpu.memref_slice %arg2[%dma_wait3A_354] : memref<640000xi32, #tpu.memory_space<hbm>> -> memref<128xi32, #tpu.memory_space<hbm>>
        tpu.wait_dma2 semaphore(%arg18 : memref<!tpu.dma_semaphore, #tpu.memory_space<semaphore_mem>>) src(%dma_wait3A_355 : memref<128xi32, #tpu.memory_space<hbm>>) dst(%dma_wait3A_353 : memref<128xi32, #tpu.memory_space<vmem>>)
        %dma_wait3A_356 = arith.constant 5 : i32
        %dma_wait3A_357 = arith.constant 0 : i32
        %dma_wait3A_358 = tpu.memref_slice %arg10[%dma_wait3A_356, %dma_wait3A_357] : memref<6x128xi32, #tpu.memory_space<vmem>> -> memref<1x128xi32, #tpu.memory_space<vmem>>
        %dma_wait3A_359 = tpu.memref_squeeze %dma_wait3A_358 : memref<1x128xi32, #tpu.memory_space<vmem>> -> memref<128xi32, #tpu.memory_space<vmem>>
        %dma_wait3A_360 = arith.constant 0 : i32
        %dma_wait3A_361 = tpu.memref_slice %arg2[%dma_wait3A_360] : memref<640000xi32, #tpu.memory_space<hbm>> -> memref<128xi32, #tpu.memory_space<hbm>>
        %dma_wait3A_362 = arith.constant 0 : i32
        %dma_wait3A_363 = tpu.memref_slice %arg10[%dma_wait3A_356, %dma_wait3A_362] : memref<6x128xi32, #tpu.memory_space<vmem>> -> memref<1x128xi32, #tpu.memory_space<vmem>>
        %dma_wait3A_364 = tpu.memref_squeeze %dma_wait3A_363 : memref<1x128xi32, #tpu.memory_space<vmem>> -> memref<128xi32, #tpu.memory_space<vmem>>
        %dma_wait3A_365 = arith.constant 0 : i32
        %dma_wait3A_366 = tpu.memref_slice %arg2[%dma_wait3A_365] : memref<640000xi32, #tpu.memory_space<hbm>> -> memref<128xi32, #tpu.memory_space<hbm>>
        tpu.wait_dma2 semaphore(%arg18 : memref<!tpu.dma_semaphore, #tpu.memory_space<semaphore_mem>>) src(%dma_wait3A_366 : memref<128xi32, #tpu.memory_space<hbm>>) dst(%dma_wait3A_364 : memref<128xi32, #tpu.memory_space<vmem>>)
        %scan3A_367 = arith.constant 0 : i32
        %scan3A_368 = arith.constant 0 : i32
        %scan3A_369 = arith.constant 8 : i32
        %scan3A_370 = arith.addi %scan3A_368, %scan3A_369 : i32
        %scan3A_371 = arith.constant 1 : i32
        %scan3A_372 = scf.for %scan3A_395 = %scan3A_368 to %scan3A_370 step %scan3A_371 iter_args(%scan3A_396 = %scan3A_367) -> (i32)  : i32 {
          %mul3A_397 = arith.constant 16 : i32
          %mul3A_398 = arith.muli %scan3A_395, %mul3A_397 : i32
          %get3A = arith.constant 5 : i32
          %get3A_399 = arith.index_cast %get3A : i32 to index
          %get3A_400 = arith.index_cast %mul3A_398 : i32 to index
          %get3A_401 = tpu.vector_load %arg8[%get3A_399, %get3A_400] {strides = array<i32>} : memref<6x128xi32, #tpu.memory_space<vmem>>, vector<1x16xi32>,
          %get3A_402 = vector.shape_cast %get3A_401 : vector<1x16xi32> to vector<16xi32>
          %add3A_403 = vector.broadcast %mul3A_29 : i32 to vector<16xi32>
          %add3A_404 = arith.addi %get3A_402, %add3A_403 : vector<16xi32>
          %mul3A_405 = arith.constant 16 : i32
          %mul3A_406 = arith.muli %scan3A_395, %mul3A_405 : i32
          %swap3A = arith.constant 5 : i32
          %swap3A_407 = arith.index_cast %swap3A : i32 to index
          %swap3A_408 = arith.index_cast %mul3A_406 : i32 to index
          %swap3A_409 = tpu.vector_load %arg9[%swap3A_407, %swap3A_408] {strides = array<i32>} : memref<6x128xi32, #tpu.memory_space<vmem>>, vector<1x16xi32>,
          %swap3A_410 = vector.shape_cast %swap3A_409 : vector<1x16xi32> to vector<16xi32>
          %swap3A_411 = vector.shape_cast %add3A_404 : vector<16xi32> to vector<1x16xi32>
          tpu.vector_store %arg9[%swap3A_407, %swap3A_408], %swap3A_411 {strides = array<i32>} : memref<6x128xi32, #tpu.memory_space<vmem>>, vector<1x16xi32>,
          %mul3A_412 = arith.constant 16 : i32
          %mul3A_413 = arith.muli %scan3A_395, %mul3A_412 : i32
          %get3A_414 = arith.constant 5 : i32
          %get3A_415 = arith.index_cast %get3A_414 : i32 to index
          %get3A_416 = arith.index_cast %mul3A_413 : i32 to index
          %get3A_417 = tpu.vector_load %arg10[%get3A_415, %get3A_416] {strides = array<i32>} : memref<6x128xi32, #tpu.memory_space<vmem>>, vector<1x16xi32>,
          %get3A_418 = vector.shape_cast %get3A_417 : vector<1x16xi32> to vector<16xi32>
          %add3A_419 = vector.broadcast %mul3A_29 : i32 to vector<16xi32>
          %add3A_420 = arith.addi %get3A_418, %add3A_419 : vector<16xi32>
          %mul3A_421 = arith.constant 16 : i32
          %mul3A_422 = arith.muli %scan3A_395, %mul3A_421 : i32
          %swap3A_423 = arith.constant 5 : i32
          %swap3A_424 = arith.index_cast %swap3A_423 : i32 to index
          %swap3A_425 = arith.index_cast %mul3A_422 : i32 to index
          %swap3A_426 = tpu.vector_load %arg11[%swap3A_424, %swap3A_425] {strides = array<i32>} : memref<6x128xi32, #tpu.memory_space<vmem>>, vector<1x16xi32>,
          %swap3A_427 = vector.shape_cast %swap3A_426 : vector<1x16xi32> to vector<16xi32>
          %swap3A_428 = vector.shape_cast %add3A_420 : vector<16xi32> to vector<1x16xi32>
          tpu.vector_store %arg11[%swap3A_424, %swap3A_425], %swap3A_428 {strides = array<i32>} : memref<6x128xi32, #tpu.memory_space<vmem>>, vector<1x16xi32>,
          %scan3A_429 = arith.constant 0 : i32
          scf.yield %scan3A_429 : i32
        }
        %scan3A_373 = arith.constant 8 : i32
        %dma_start3A = arith.constant 5 : i32
        %dma_start3A_374 = arith.constant 1 : i32
        %dma_start3A_375 = arith.constant 0 : i32
        %dma_start3A_376 = arith.constant 0 : i32
        %dma_start3A_377 = tpu.memref_slice %arg12[%dma_start3A_374, %dma_start3A_375, %dma_start3A_376] : memref<2x128x128xf32, #tpu.memory_space<vmem>> -> memref<1x128x128xf32, #tpu.memory_space<vmem>>
        %dma_start3A_378 = tpu.memref_squeeze %dma_start3A_377 : memref<1x128x128xf32, #tpu.memory_space<vmem>> -> memref<128x128xf32, #tpu.memory_space<vmem>>
        %dma_start3A_379 = arith.constant 0 : i32
        %dma_start3A_380 = tpu.memref_slice %arg9[%dma_start3A, %dma_start3A_379] : memref<6x128xi32, #tpu.memory_space<vmem>> -> memref<1x128xi32, #tpu.memory_space<vmem>>
        %dma_start3A_381 = tpu.memref_squeeze %dma_start3A_380 : memref<1x128xi32, #tpu.memory_space<vmem>> -> memref<128xi32, #tpu.memory_space<vmem>>
        %dma_start3A_382 = arith.constant 0 : i32
        %dma_start3A_383 = arith.constant 0 : i32
        %dma_start3A_384 = tpu.memref_slice %arg4[%dma_start3A_382, %dma_start3A_383] : memref<20000x128xf32, #tpu.memory_space<hbm>> -> memref<20000x128xf32, #tpu.memory_space<hbm>>
        tpu.enqueue_indirect_dma source(%dma_start3A_384 : memref<20000x128xf32, #tpu.memory_space<hbm>>) target(%dma_start3A_378 : memref<128x128xf32, #tpu.memory_space<vmem>>) offsets(%dma_start3A_381 : memref<128xi32, #tpu.memory_space<vmem>>) semaphore(%arg19 : memref<!tpu.dma_semaphore, #tpu.memory_space<semaphore_mem>>)
        %dma_start3A_385 = arith.constant 5 : i32
        %dma_start3A_386 = arith.constant 1 : i32
        %dma_start3A_387 = arith.constant 0 : i32
        %dma_start3A_388 = tpu.memref_slice %arg13[%dma_start3A_386, %dma_start3A_387] : memref<2x128xf32, #tpu.memory_space<vmem>> -> memref<1x128xf32, #tpu.memory_space<vmem>>
        %dma_start3A_389 = tpu.memref_squeeze %dma_start3A_388 : memref<1x128xf32, #tpu.memory_space<vmem>> -> memref<128xf32, #tpu.memory_space<vmem>>
        %dma_start3A_390 = arith.constant 0 : i32
        %dma_start3A_391 = tpu.memref_slice %arg11[%dma_start3A_385, %dma_start3A_390] : memref<6x128xi32, #tpu.memory_space<vmem>> -> memref<1x128xi32, #tpu.memory_space<vmem>>
        %dma_start3A_392 = tpu.memref_squeeze %dma_start3A_391 : memref<1x128xi32, #tpu.memory_space<vmem>> -> memref<128xi32, #tpu.memory_space<vmem>>
        %dma_start3A_393 = arith.constant 0 : i32
        %dma_start3A_394 = tpu.memref_slice %arg5[%dma_start3A_393] : memref<20096xf32, #tpu.memory_space<hbm>> -> memref<20096xf32, #tpu.memory_space<hbm>>
        tpu.enqueue_indirect_dma source(%dma_start3A_394 : memref<20096xf32, #tpu.memory_space<hbm>>) target(%dma_start3A_389 : memref<128xf32, #tpu.memory_space<vmem>>) offsets(%dma_start3A_392 : memref<128xi32, #tpu.memory_space<vmem>>) semaphore(%arg20 : memref<!tpu.dma_semaphore, #tpu.memory_space<semaphore_mem>>)
      } else {
      }
      %add3A_255 = arith.constant 4 : i32
      %add3A_256 = arith.addi %add3A_226, %add3A_255 : i32
      %mul3A_257 = arith.constant 16 : i32
      %mul3A_258 = arith.muli %add3A_256, %mul3A_257 : i32
      %add3A_259 = arith.addi %mul3A_258, %arg1 : i32
      %lt3A_260 = arith.constant 2500 : i32
      %lt3A_261 = arith.cmpi slt, %add3A_259, %lt3A_260 : i32
      %convert_element_type3A_262 = arith.extui %lt3A_261 : i1 to i32
      %cond3A_263 = arith.constant 0 : i32
      %cond3A_264 = arith.cmpi ne, %convert_element_type3A_262, %cond3A_263 : i32
      scf.if %cond3A_264 {
        %mul3A_346 = arith.constant 320000 : i32
        %mul3A_347 = arith.muli %arg0, %mul3A_346 : i32
        %mul3A_348 = arith.constant 128 : i32
        %mul3A_349 = arith.muli %add3A_259, %mul3A_348 : i32
        %add3A_350 = arith.addi %mul3A_347, %mul3A_349 : i32
        %dma_start3A = arith.constant 1 : i32
        %dma_start3A_351 = arith.constant 0 : i32
        %dma_start3A_352 = tpu.memref_slice %arg8[%dma_start3A, %dma_start3A_351] : memref<6x128xi32, #tpu.memory_space<vmem>> -> memref<1x128xi32, #tpu.memory_space<vmem>>
        %dma_start3A_353 = tpu.memref_squeeze %dma_start3A_352 : memref<1x128xi32, #tpu.memory_space<vmem>> -> memref<128xi32, #tpu.memory_space<vmem>>
        %dma_start3A_354 = tpu.memref_slice %arg2[%add3A_350] : memref<640000xi32, #tpu.memory_space<hbm>> -> memref<128xi32, #tpu.memory_space<hbm>>
        %dma_start3A_355 = arith.constant 0 : i32
        %dma_start3A_356 = tpu.memref_slice %arg8[%dma_start3A, %dma_start3A_355] : memref<6x128xi32, #tpu.memory_space<vmem>> -> memref<1x128xi32, #tpu.memory_space<vmem>>
        %dma_start3A_357 = tpu.memref_squeeze %dma_start3A_356 : memref<1x128xi32, #tpu.memory_space<vmem>> -> memref<128xi32, #tpu.memory_space<vmem>>
        %dma_start3A_358 = tpu.memref_slice %arg2[%add3A_350] : memref<640000xi32, #tpu.memory_space<hbm>> -> memref<128xi32, #tpu.memory_space<hbm>>
        tpu.enqueue_dma source(%dma_start3A_358 : memref<128xi32, #tpu.memory_space<hbm>>) target(%dma_start3A_357 : memref<128xi32, #tpu.memory_space<vmem>>) target_semaphore(%arg18 : memref<!tpu.dma_semaphore, #tpu.memory_space<semaphore_mem>>)
        %dma_start3A_359 = arith.constant 1 : i32
        %dma_start3A_360 = arith.constant 0 : i32
        %dma_start3A_361 = tpu.memref_slice %arg10[%dma_start3A_359, %dma_start3A_360] : memref<6x128xi32, #tpu.memory_space<vmem>> -> memref<1x128xi32, #tpu.memory_space<vmem>>
        %dma_start3A_362 = tpu.memref_squeeze %dma_start3A_361 : memref<1x128xi32, #tpu.memory_space<vmem>> -> memref<128xi32, #tpu.memory_space<vmem>>
        %dma_start3A_363 = tpu.memref_slice %arg3[%add3A_350] : memref<640000xi32, #tpu.memory_space<hbm>> -> memref<128xi32, #tpu.memory_space<hbm>>
        %dma_start3A_364 = arith.constant 0 : i32
        %dma_start3A_365 = tpu.memref_slice %arg10[%dma_start3A_359, %dma_start3A_364] : memref<6x128xi32, #tpu.memory_space<vmem>> -> memref<1x128xi32, #tpu.memory_space<vmem>>
        %dma_start3A_366 = tpu.memref_squeeze %dma_start3A_365 : memref<1x128xi32, #tpu.memory_space<vmem>> -> memref<128xi32, #tpu.memory_space<vmem>>
        %dma_start3A_367 = tpu.memref_slice %arg3[%add3A_350] : memref<640000xi32, #tpu.memory_space<hbm>> -> memref<128xi32, #tpu.memory_space<hbm>>
        tpu.enqueue_dma source(%dma_start3A_367 : memref<128xi32, #tpu.memory_space<hbm>>) target(%dma_start3A_366 : memref<128xi32, #tpu.memory_space<vmem>>) target_semaphore(%arg18 : memref<!tpu.dma_semaphore, #tpu.memory_space<semaphore_mem>>)
      } else {
      }
      %add3A_265 = arith.constant 4 : i32
      %add3A_266 = arith.addi %mul3A_105, %add3A_265 : i32
      %mul3A_267 = arith.constant 16 : i32
      %mul3A_268 = arith.muli %add3A_266, %mul3A_267 : i32
      %add3A_269 = arith.addi %mul3A_268, %arg1 : i32
      %lt3A_270 = arith.constant 2500 : i32
      %lt3A_271 = arith.cmpi slt, %add3A_269, %lt3A_270 : i32
      %convert_element_type3A_272 = arith.extui %lt3A_271 : i1 to i32
      %cond3A_273 = arith.constant 0 : i32
      %cond3A_274 = arith.cmpi ne, %convert_element_type3A_272, %cond3A_273 : i32
      scf.if %cond3A_274 {
        %dma_wait3A = arith.constant 0 : i32
        %dma_wait3A_346 = arith.constant 0 : i32
        %dma_wait3A_347 = arith.constant 0 : i32
        %dma_wait3A_348 = tpu.memref_slice %arg12[%dma_wait3A, %dma_wait3A_346, %dma_wait3A_347] : memref<2x128x128xf32, #tpu.memory_space<vmem>> -> memref<1x128x128xf32, #tpu.memory_space<vmem>>
        %dma_wait3A_349 = tpu.memref_squeeze %dma_wait3A_348 : memref<1x128x128xf32, #tpu.memory_space<vmem>> -> memref<128x128xf32, #tpu.memory_space<vmem>>
        %dma_wait3A_350 = arith.constant 0 : i32
        %dma_wait3A_351 = arith.constant 0 : i32
        %dma_wait3A_352 = tpu.memref_slice %arg4[%dma_wait3A_350, %dma_wait3A_351] : memref<20000x128xf32, #tpu.memory_space<hbm>> -> memref<128x128xf32, #tpu.memory_space<hbm>>
        %dma_wait3A_353 = arith.constant 0 : i32
        %dma_wait3A_354 = arith.constant 0 : i32
        %dma_wait3A_355 = tpu.memref_slice %arg12[%dma_wait3A, %dma_wait3A_353, %dma_wait3A_354] : memref<2x128x128xf32, #tpu.memory_space<vmem>> -> memref<1x128x128xf32, #tpu.memory_space<vmem>>
        %dma_wait3A_356 = tpu.memref_squeeze %dma_wait3A_355 : memref<1x128x128xf32, #tpu.memory_space<vmem>> -> memref<128x128xf32, #tpu.memory_space<vmem>>
        %dma_wait3A_357 = arith.constant 0 : i32
        %dma_wait3A_358 = arith.constant 0 : i32
        %dma_wait3A_359 = tpu.memref_slice %arg4[%dma_wait3A_357, %dma_wait3A_358] : memref<20000x128xf32, #tpu.memory_space<hbm>> -> memref<128x128xf32, #tpu.memory_space<hbm>>
        tpu.wait_dma2 semaphore(%arg19 : memref<!tpu.dma_semaphore, #tpu.memory_space<semaphore_mem>>) src(%dma_wait3A_359 : memref<128x128xf32, #tpu.memory_space<hbm>>) dst(%dma_wait3A_356 : memref<128x128xf32, #tpu.memory_space<vmem>>)
        %dma_wait3A_360 = arith.constant 0 : i32
        %dma_wait3A_361 = arith.constant 0 : i32
        %dma_wait3A_362 = tpu.memref_slice %arg13[%dma_wait3A_360, %dma_wait3A_361] : memref<2x128xf32, #tpu.memory_space<vmem>> -> memref<1x128xf32, #tpu.memory_space<vmem>>
        %dma_wait3A_363 = tpu.memref_squeeze %dma_wait3A_362 : memref<1x128xf32, #tpu.memory_space<vmem>> -> memref<128xf32, #tpu.memory_space<vmem>>
        %dma_wait3A_364 = arith.constant 0 : i32
        %dma_wait3A_365 = tpu.memref_slice %arg5[%dma_wait3A_364] : memref<20096xf32, #tpu.memory_space<hbm>> -> memref<128xf32, #tpu.memory_space<hbm>>
        %dma_wait3A_366 = arith.constant 0 : i32
        %dma_wait3A_367 = tpu.memref_slice %arg13[%dma_wait3A_360, %dma_wait3A_366] : memref<2x128xf32, #tpu.memory_space<vmem>> -> memref<1x128xf32, #tpu.memory_space<vmem>>
        %dma_wait3A_368 = tpu.memref_squeeze %dma_wait3A_367 : memref<1x128xf32, #tpu.memory_space<vmem>> -> memref<128xf32, #tpu.memory_space<vmem>>
        %dma_wait3A_369 = arith.constant 0 : i32
        %dma_wait3A_370 = tpu.memref_slice %arg5[%dma_wait3A_369] : memref<20096xf32, #tpu.memory_space<hbm>> -> memref<128xf32, #tpu.memory_space<hbm>>
        tpu.wait_dma2 semaphore(%arg20 : memref<!tpu.dma_semaphore, #tpu.memory_space<semaphore_mem>>) src(%dma_wait3A_370 : memref<128xf32, #tpu.memory_space<hbm>>) dst(%dma_wait3A_368 : memref<128xf32, #tpu.memory_space<vmem>>)
        %dma_start3A = arith.constant 0 : i32
        %dma_start3A_371 = arith.constant 4 : i32
        %dma_start3A_372 = arith.constant 0 : i32
        %dma_start3A_373 = arith.constant 0 : i32
        %dma_start3A_374 = tpu.memref_slice %arg12[%dma_start3A, %dma_start3A_372, %dma_start3A_373] : memref<2x128x128xf32, #tpu.memory_space<vmem>> -> memref<1x128x128xf32, #tpu.memory_space<vmem>>
        %dma_start3A_375 = tpu.memref_squeeze %dma_start3A_374 : memref<1x128x128xf32, #tpu.memory_space<vmem>> -> memref<128x128xf32, #tpu.memory_space<vmem>>
        %dma_start3A_376 = arith.constant 0 : i32
        %dma_start3A_377 = tpu.memref_slice %arg10[%dma_start3A_371, %dma_start3A_376] : memref<6x128xi32, #tpu.memory_space<vmem>> -> memref<1x128xi32, #tpu.memory_space<vmem>>
        %dma_start3A_378 = tpu.memref_squeeze %dma_start3A_377 : memref<1x128xi32, #tpu.memory_space<vmem>> -> memref<128xi32, #tpu.memory_space<vmem>>
        %dma_start3A_379 = arith.constant 0 : i32
        %dma_start3A_380 = arith.constant 0 : i32
        %dma_start3A_381 = tpu.memref_slice %arg16[%dma_start3A_379, %dma_start3A_380] : memref<10000x128xf32, #tpu.memory_space<vmem_shared>> -> memref<10000x128xf32, #tpu.memory_space<vmem_shared>>
        tpu.enqueue_indirect_dma source(%dma_start3A_375 : memref<128x128xf32, #tpu.memory_space<vmem>>) target(%dma_start3A_381 : memref<10000x128xf32, #tpu.memory_space<vmem_shared>>) offsets(%dma_start3A_378 : memref<128xi32, #tpu.memory_space<vmem>>) semaphore(%arg21 : memref<!tpu.dma_semaphore, #tpu.memory_space<semaphore_mem>>) {add = true}
        %dma_start3A_382 = arith.constant 0 : i32
        %dma_start3A_383 = arith.constant 4 : i32
        %dma_start3A_384 = arith.constant 0 : i32
        %dma_start3A_385 = tpu.memref_slice %arg13[%dma_start3A_382, %dma_start3A_384] : memref<2x128xf32, #tpu.memory_space<vmem>> -> memref<1x128xf32, #tpu.memory_space<vmem>>
        %dma_start3A_386 = tpu.memref_squeeze %dma_start3A_385 : memref<1x128xf32, #tpu.memory_space<vmem>> -> memref<128xf32, #tpu.memory_space<vmem>>
        %dma_start3A_387 = arith.constant 0 : i32
        %dma_start3A_388 = tpu.memref_slice %arg8[%dma_start3A_383, %dma_start3A_387] : memref<6x128xi32, #tpu.memory_space<vmem>> -> memref<1x128xi32, #tpu.memory_space<vmem>>
        %dma_start3A_389 = tpu.memref_squeeze %dma_start3A_388 : memref<1x128xi32, #tpu.memory_space<vmem>> -> memref<128xi32, #tpu.memory_space<vmem>>
        %dma_start3A_390 = arith.constant 0 : i32
        %dma_start3A_391 = tpu.memref_slice %arg17[%dma_start3A_390] : memref<10112xf32, #tpu.memory_space<vmem_shared>> -> memref<10112xf32, #tpu.memory_space<vmem_shared>>
        tpu.enqueue_indirect_dma source(%dma_start3A_386 : memref<128xf32, #tpu.memory_space<vmem>>) target(%dma_start3A_391 : memref<10112xf32, #tpu.memory_space<vmem_shared>>) offsets(%dma_start3A_389 : memref<128xi32, #tpu.memory_space<vmem>>) semaphore(%arg22 : memref<!tpu.dma_semaphore, #tpu.memory_space<semaphore_mem>>) {add = true}
      } else {
      }
      %add3A_275 = arith.constant 2 : i32
      %add3A_276 = arith.addi %add3A_266, %add3A_275 : i32
      %sub3A_277 = arith.constant 2 : i32
      %sub3A_278 = arith.subi %add3A_276, %sub3A_277 : i32
      %mul3A_279 = arith.constant 16 : i32
      %mul3A_280 = arith.muli %sub3A_278, %mul3A_279 : i32
      %add3A_281 = arith.addi %mul3A_280, %arg1 : i32
      %lt3A_282 = arith.constant 2500 : i32
      %lt3A_283 = arith.cmpi slt, %add3A_281, %lt3A_282 : i32
      %convert_element_type3A_284 = arith.extui %lt3A_283 : i1 to i32
      %cond3A_285 = arith.constant 0 : i32
      %cond3A_286 = arith.cmpi ne, %convert_element_type3A_284, %cond3A_285 : i32
      scf.if %cond3A_286 {
        %dma_wait3A = arith.constant 0 : i32
        %dma_wait3A_346 = arith.constant 0 : i32
        %dma_wait3A_347 = arith.constant 0 : i32
        %dma_wait3A_348 = arith.constant 0 : i32
        %dma_wait3A_349 = tpu.memref_slice %arg12[%dma_wait3A, %dma_wait3A_347, %dma_wait3A_348] : memref<2x128x128xf32, #tpu.memory_space<vmem>> -> memref<1x128x128xf32, #tpu.memory_space<vmem>>
        %dma_wait3A_350 = tpu.memref_squeeze %dma_wait3A_349 : memref<1x128x128xf32, #tpu.memory_space<vmem>> -> memref<128x128xf32, #tpu.memory_space<vmem>>
        %dma_wait3A_351 = arith.constant 0 : i32
        %dma_wait3A_352 = tpu.memref_slice %arg10[%dma_wait3A_346, %dma_wait3A_351] : memref<6x128xi32, #tpu.memory_space<vmem>> -> memref<1x128xi32, #tpu.memory_space<vmem>>
        %dma_wait3A_353 = tpu.memref_squeeze %dma_wait3A_352 : memref<1x128xi32, #tpu.memory_space<vmem>> -> memref<128xi32, #tpu.memory_space<vmem>>
        %dma_wait3A_354 = arith.constant 0 : i32
        %dma_wait3A_355 = arith.constant 0 : i32
        %dma_wait3A_356 = tpu.memref_slice %arg16[%dma_wait3A_354, %dma_wait3A_355] : memref<10000x128xf32, #tpu.memory_space<vmem_shared>> -> memref<10000x128xf32, #tpu.memory_space<vmem_shared>>
        tpu.wait_indirect_dma semaphore(%arg21 : memref<!tpu.dma_semaphore, #tpu.memory_space<semaphore_mem>>) src(%dma_wait3A_350 : memref<128x128xf32, #tpu.memory_space<vmem>>) dst(%dma_wait3A_356 : memref<10000x128xf32, #tpu.memory_space<vmem_shared>>)
        %dma_wait3A_357 = arith.constant 0 : i32
        %dma_wait3A_358 = arith.constant 0 : i32
        %dma_wait3A_359 = arith.constant 0 : i32
        %dma_wait3A_360 = tpu.memref_slice %arg13[%dma_wait3A_357, %dma_wait3A_359] : memref<2x128xf32, #tpu.memory_space<vmem>> -> memref<1x128xf32, #tpu.memory_space<vmem>>
        %dma_wait3A_361 = tpu.memref_squeeze %dma_wait3A_360 : memref<1x128xf32, #tpu.memory_space<vmem>> -> memref<128xf32, #tpu.memory_space<vmem>>
        %dma_wait3A_362 = arith.constant 0 : i32
        %dma_wait3A_363 = tpu.memref_slice %arg8[%dma_wait3A_358, %dma_wait3A_362] : memref<6x128xi32, #tpu.memory_space<vmem>> -> memref<1x128xi32, #tpu.memory_space<vmem>>
        %dma_wait3A_364 = tpu.memref_squeeze %dma_wait3A_363 : memref<1x128xi32, #tpu.memory_space<vmem>> -> memref<128xi32, #tpu.memory_space<vmem>>
        %dma_wait3A_365 = arith.constant 0 : i32
        %dma_wait3A_366 = tpu.memref_slice %arg17[%dma_wait3A_365] : memref<10112xf32, #tpu.memory_space<vmem_shared>> -> memref<10112xf32, #tpu.memory_space<vmem_shared>>
        tpu.wait_indirect_dma semaphore(%arg22 : memref<!tpu.dma_semaphore, #tpu.memory_space<semaphore_mem>>) src(%dma_wait3A_361 : memref<128xf32, #tpu.memory_space<vmem>>) dst(%dma_wait3A_366 : memref<10112xf32, #tpu.memory_space<vmem_shared>>)
      } else {
      }
      %mul3A_287 = arith.constant 16 : i32
      %mul3A_288 = arith.muli %add3A_276, %mul3A_287 : i32
      %add3A_289 = arith.addi %mul3A_288, %arg1 : i32
      %lt3A_290 = arith.constant 2500 : i32
      %lt3A_291 = arith.cmpi slt, %add3A_289, %lt3A_290 : i32
      %convert_element_type3A_292 = arith.extui %lt3A_291 : i1 to i32
      %cond3A_293 = arith.constant 0 : i32
      %cond3A_294 = arith.cmpi ne, %convert_element_type3A_292, %cond3A_293 : i32
      scf.if %cond3A_294 {
        %dma_wait3A = arith.constant 0 : i32
        %dma_wait3A_346 = arith.constant 0 : i32
        %dma_wait3A_347 = tpu.memref_slice %arg8[%dma_wait3A, %dma_wait3A_346] : memref<6x128xi32, #tpu.memory_space<vmem>> -> memref<1x128xi32, #tpu.memory_space<vmem>>
        %dma_wait3A_348 = tpu.memref_squeeze %dma_wait3A_347 : memref<1x128xi32, #tpu.memory_space<vmem>> -> memref<128xi32, #tpu.memory_space<vmem>>
        %dma_wait3A_349 = arith.constant 0 : i32
        %dma_wait3A_350 = tpu.memref_slice %arg2[%dma_wait3A_349] : memref<640000xi32, #tpu.memory_space<hbm>> -> memref<128xi32, #tpu.memory_space<hbm>>
        %dma_wait3A_351 = arith.constant 0 : i32
        %dma_wait3A_352 = tpu.memref_slice %arg8[%dma_wait3A, %dma_wait3A_351] : memref<6x128xi32, #tpu.memory_space<vmem>> -> memref<1x128xi32, #tpu.memory_space<vmem>>
        %dma_wait3A_353 = tpu.memref_squeeze %dma_wait3A_352 : memref<1x128xi32, #tpu.memory_space<vmem>> -> memref<128xi32, #tpu.memory_space<vmem>>
        %dma_wait3A_354 = arith.constant 0 : i32
        %dma_wait3A_355 = tpu.memref_slice %arg2[%dma_wait3A_354] : memref<640000xi32, #tpu.memory_space<hbm>> -> memref<128xi32, #tpu.memory_space<hbm>>
        tpu.wait_dma2 semaphore(%arg18 : memref<!tpu.dma_semaphore, #tpu.memory_space<semaphore_mem>>) src(%dma_wait3A_355 : memref<128xi32, #tpu.memory_space<hbm>>) dst(%dma_wait3A_353 : memref<128xi32, #tpu.memory_space<vmem>>)
        %dma_wait3A_356 = arith.constant 0 : i32
        %dma_wait3A_357 = arith.constant 0 : i32
        %dma_wait3A_358 = tpu.memref_slice %arg10[%dma_wait3A_356, %dma_wait3A_357] : memref<6x128xi32, #tpu.memory_space<vmem>> -> memref<1x128xi32, #tpu.memory_space<vmem>>
        %dma_wait3A_359 = tpu.memref_squeeze %dma_wait3A_358 : memref<1x128xi32, #tpu.memory_space<vmem>> -> memref<128xi32, #tpu.memory_space<vmem>>
        %dma_wait3A_360 = arith.constant 0 : i32
        %dma_wait3A_361 = tpu.memref_slice %arg2[%dma_wait3A_360] : memref<640000xi32, #tpu.memory_space<hbm>> -> memref<128xi32, #tpu.memory_space<hbm>>
        %dma_wait3A_362 = arith.constant 0 : i32
        %dma_wait3A_363 = tpu.memref_slice %arg10[%dma_wait3A_356, %dma_wait3A_362] : memref<6x128xi32, #tpu.memory_space<vmem>> -> memref<1x128xi32, #tpu.memory_space<vmem>>
        %dma_wait3A_364 = tpu.memref_squeeze %dma_wait3A_363 : memref<1x128xi32, #tpu.memory_space<vmem>> -> memref<128xi32, #tpu.memory_space<vmem>>
        %dma_wait3A_365 = arith.constant 0 : i32
        %dma_wait3A_366 = tpu.memref_slice %arg2[%dma_wait3A_365] : memref<640000xi32, #tpu.memory_space<hbm>> -> memref<128xi32, #tpu.memory_space<hbm>>
        tpu.wait_dma2 semaphore(%arg18 : memref<!tpu.dma_semaphore, #tpu.memory_space<semaphore_mem>>) src(%dma_wait3A_366 : memref<128xi32, #tpu.memory_space<hbm>>) dst(%dma_wait3A_364 : memref<128xi32, #tpu.memory_space<vmem>>)
        %scan3A_367 = arith.constant 0 : i32
        %scan3A_368 = arith.constant 0 : i32
        %scan3A_369 = arith.constant 8 : i32
        %scan3A_370 = arith.addi %scan3A_368, %scan3A_369 : i32
        %scan3A_371 = arith.constant 1 : i32
        %scan3A_372 = scf.for %scan3A_395 = %scan3A_368 to %scan3A_370 step %scan3A_371 iter_args(%scan3A_396 = %scan3A_367) -> (i32)  : i32 {
          %mul3A_397 = arith.constant 16 : i32
          %mul3A_398 = arith.muli %scan3A_395, %mul3A_397 : i32
          %get3A = arith.constant 0 : i32
          %get3A_399 = arith.index_cast %get3A : i32 to index
          %get3A_400 = arith.index_cast %mul3A_398 : i32 to index
          %get3A_401 = tpu.vector_load %arg8[%get3A_399, %get3A_400] {strides = array<i32>} : memref<6x128xi32, #tpu.memory_space<vmem>>, vector<1x16xi32>,
          %get3A_402 = vector.shape_cast %get3A_401 : vector<1x16xi32> to vector<16xi32>
          %add3A_403 = vector.broadcast %mul3A_29 : i32 to vector<16xi32>
          %add3A_404 = arith.addi %get3A_402, %add3A_403 : vector<16xi32>
          %mul3A_405 = arith.constant 16 : i32
          %mul3A_406 = arith.muli %scan3A_395, %mul3A_405 : i32
          %swap3A = arith.constant 0 : i32
          %swap3A_407 = arith.index_cast %swap3A : i32 to index
          %swap3A_408 = arith.index_cast %mul3A_406 : i32 to index
          %swap3A_409 = tpu.vector_load %arg9[%swap3A_407, %swap3A_408] {strides = array<i32>} : memref<6x128xi32, #tpu.memory_space<vmem>>, vector<1x16xi32>,
          %swap3A_410 = vector.shape_cast %swap3A_409 : vector<1x16xi32> to vector<16xi32>
          %swap3A_411 = vector.shape_cast %add3A_404 : vector<16xi32> to vector<1x16xi32>
          tpu.vector_store %arg9[%swap3A_407, %swap3A_408], %swap3A_411 {strides = array<i32>} : memref<6x128xi32, #tpu.memory_space<vmem>>, vector<1x16xi32>,
          %mul3A_412 = arith.constant 16 : i32
          %mul3A_413 = arith.muli %scan3A_395, %mul3A_412 : i32
          %get3A_414 = arith.constant 0 : i32
          %get3A_415 = arith.index_cast %get3A_414 : i32 to index
          %get3A_416 = arith.index_cast %mul3A_413 : i32 to index
          %get3A_417 = tpu.vector_load %arg10[%get3A_415, %get3A_416] {strides = array<i32>} : memref<6x128xi32, #tpu.memory_space<vmem>>, vector<1x16xi32>,
          %get3A_418 = vector.shape_cast %get3A_417 : vector<1x16xi32> to vector<16xi32>
          %add3A_419 = vector.broadcast %mul3A_29 : i32 to vector<16xi32>
          %add3A_420 = arith.addi %get3A_418, %add3A_419 : vector<16xi32>
          %mul3A_421 = arith.constant 16 : i32
          %mul3A_422 = arith.muli %scan3A_395, %mul3A_421 : i32
          %swap3A_423 = arith.constant 0 : i32
          %swap3A_424 = arith.index_cast %swap3A_423 : i32 to index
          %swap3A_425 = arith.index_cast %mul3A_422 : i32 to index
          %swap3A_426 = tpu.vector_load %arg11[%swap3A_424, %swap3A_425] {strides = array<i32>} : memref<6x128xi32, #tpu.memory_space<vmem>>, vector<1x16xi32>,
          %swap3A_427 = vector.shape_cast %swap3A_426 : vector<1x16xi32> to vector<16xi32>
          %swap3A_428 = vector.shape_cast %add3A_420 : vector<16xi32> to vector<1x16xi32>
          tpu.vector_store %arg11[%swap3A_424, %swap3A_425], %swap3A_428 {strides = array<i32>} : memref<6x128xi32, #tpu.memory_space<vmem>>, vector<1x16xi32>,
          %scan3A_429 = arith.constant 0 : i32
          scf.yield %scan3A_429 : i32
        }
        %scan3A_373 = arith.constant 8 : i32
        %dma_start3A = arith.constant 0 : i32
        %dma_start3A_374 = arith.constant 0 : i32
        %dma_start3A_375 = arith.constant 0 : i32
        %dma_start3A_376 = arith.constant 0 : i32
        %dma_start3A_377 = tpu.memref_slice %arg12[%dma_start3A_374, %dma_start3A_375, %dma_start3A_376] : memref<2x128x128xf32, #tpu.memory_space<vmem>> -> memref<1x128x128xf32, #tpu.memory_space<vmem>>
        %dma_start3A_378 = tpu.memref_squeeze %dma_start3A_377 : memref<1x128x128xf32, #tpu.memory_space<vmem>> -> memref<128x128xf32, #tpu.memory_space<vmem>>
        %dma_start3A_379 = arith.constant 0 : i32
        %dma_start3A_380 = tpu.memref_slice %arg9[%dma_start3A, %dma_start3A_379] : memref<6x128xi32, #tpu.memory_space<vmem>> -> memref<1x128xi32, #tpu.memory_space<vmem>>
        %dma_start3A_381 = tpu.memref_squeeze %dma_start3A_380 : memref<1x128xi32, #tpu.memory_space<vmem>> -> memref<128xi32, #tpu.memory_space<vmem>>
        %dma_start3A_382 = arith.constant 0 : i32
        %dma_start3A_383 = arith.constant 0 : i32
        %dma_start3A_384 = tpu.memref_slice %arg4[%dma_start3A_382, %dma_start3A_383] : memref<20000x128xf32, #tpu.memory_space<hbm>> -> memref<20000x128xf32, #tpu.memory_space<hbm>>
        tpu.enqueue_indirect_dma source(%dma_start3A_384 : memref<20000x128xf32, #tpu.memory_space<hbm>>) target(%dma_start3A_378 : memref<128x128xf32, #tpu.memory_space<vmem>>) offsets(%dma_start3A_381 : memref<128xi32, #tpu.memory_space<vmem>>) semaphore(%arg19 : memref<!tpu.dma_semaphore, #tpu.memory_space<semaphore_mem>>)
        %dma_start3A_385 = arith.constant 0 : i32
        %dma_start3A_386 = arith.constant 0 : i32
        %dma_start3A_387 = arith.constant 0 : i32
        %dma_start3A_388 = tpu.memref_slice %arg13[%dma_start3A_386, %dma_start3A_387] : memref<2x128xf32, #tpu.memory_space<vmem>> -> memref<1x128xf32, #tpu.memory_space<vmem>>
        %dma_start3A_389 = tpu.memref_squeeze %dma_start3A_388 : memref<1x128xf32, #tpu.memory_space<vmem>> -> memref<128xf32, #tpu.memory_space<vmem>>
        %dma_start3A_390 = arith.constant 0 : i32
        %dma_start3A_391 = tpu.memref_slice %arg11[%dma_start3A_385, %dma_start3A_390] : memref<6x128xi32, #tpu.memory_space<vmem>> -> memref<1x128xi32, #tpu.memory_space<vmem>>
        %dma_start3A_392 = tpu.memref_squeeze %dma_start3A_391 : memref<1x128xi32, #tpu.memory_space<vmem>> -> memref<128xi32, #tpu.memory_space<vmem>>
        %dma_start3A_393 = arith.constant 0 : i32
        %dma_start3A_394 = tpu.memref_slice %arg5[%dma_start3A_393] : memref<20096xf32, #tpu.memory_space<hbm>> -> memref<20096xf32, #tpu.memory_space<hbm>>
        tpu.enqueue_indirect_dma source(%dma_start3A_394 : memref<20096xf32, #tpu.memory_space<hbm>>) target(%dma_start3A_389 : memref<128xf32, #tpu.memory_space<vmem>>) offsets(%dma_start3A_392 : memref<128xi32, #tpu.memory_space<vmem>>) semaphore(%arg20 : memref<!tpu.dma_semaphore, #tpu.memory_space<semaphore_mem>>)
      } else {
      }
      %add3A_295 = arith.constant 4 : i32
      %add3A_296 = arith.addi %add3A_266, %add3A_295 : i32
      %mul3A_297 = arith.constant 16 : i32
      %mul3A_298 = arith.muli %add3A_296, %mul3A_297 : i32
      %add3A_299 = arith.addi %mul3A_298, %arg1 : i32
      %lt3A_300 = arith.constant 2500 : i32
      %lt3A_301 = arith.cmpi slt, %add3A_299, %lt3A_300 : i32
      %convert_element_type3A_302 = arith.extui %lt3A_301 : i1 to i32
      %cond3A_303 = arith.constant 0 : i32
      %cond3A_304 = arith.cmpi ne, %convert_element_type3A_302, %cond3A_303 : i32
      scf.if %cond3A_304 {
        %mul3A_346 = arith.constant 320000 : i32
        %mul3A_347 = arith.muli %arg0, %mul3A_346 : i32
        %mul3A_348 = arith.constant 128 : i32
        %mul3A_349 = arith.muli %add3A_299, %mul3A_348 : i32
        %add3A_350 = arith.addi %mul3A_347, %mul3A_349 : i32
        %dma_start3A = arith.constant 2 : i32
        %dma_start3A_351 = arith.constant 0 : i32
        %dma_start3A_352 = tpu.memref_slice %arg8[%dma_start3A, %dma_start3A_351] : memref<6x128xi32, #tpu.memory_space<vmem>> -> memref<1x128xi32, #tpu.memory_space<vmem>>
        %dma_start3A_353 = tpu.memref_squeeze %dma_start3A_352 : memref<1x128xi32, #tpu.memory_space<vmem>> -> memref<128xi32, #tpu.memory_space<vmem>>
        %dma_start3A_354 = tpu.memref_slice %arg2[%add3A_350] : memref<640000xi32, #tpu.memory_space<hbm>> -> memref<128xi32, #tpu.memory_space<hbm>>
        %dma_start3A_355 = arith.constant 0 : i32
        %dma_start3A_356 = tpu.memref_slice %arg8[%dma_start3A, %dma_start3A_355] : memref<6x128xi32, #tpu.memory_space<vmem>> -> memref<1x128xi32, #tpu.memory_space<vmem>>
        %dma_start3A_357 = tpu.memref_squeeze %dma_start3A_356 : memref<1x128xi32, #tpu.memory_space<vmem>> -> memref<128xi32, #tpu.memory_space<vmem>>
        %dma_start3A_358 = tpu.memref_slice %arg2[%add3A_350] : memref<640000xi32, #tpu.memory_space<hbm>> -> memref<128xi32, #tpu.memory_space<hbm>>
        tpu.enqueue_dma source(%dma_start3A_358 : memref<128xi32, #tpu.memory_space<hbm>>) target(%dma_start3A_357 : memref<128xi32, #tpu.memory_space<vmem>>) target_semaphore(%arg18 : memref<!tpu.dma_semaphore, #tpu.memory_space<semaphore_mem>>)
        %dma_start3A_359 = arith.constant 2 : i32
        %dma_start3A_360 = arith.constant 0 : i32
        %dma_start3A_361 = tpu.memref_slice %arg10[%dma_start3A_359, %dma_start3A_360] : memref<6x128xi32, #tpu.memory_space<vmem>> -> memref<1x128xi32, #tpu.memory_space<vmem>>
        %dma_start3A_362 = tpu.memref_squeeze %dma_start3A_361 : memref<1x128xi32, #tpu.memory_space<vmem>> -> memref<128xi32, #tpu.memory_space<vmem>>
        %dma_start3A_363 = tpu.memref_slice %arg3[%add3A_350] : memref<640000xi32, #tpu.memory_space<hbm>> -> memref<128xi32, #tpu.memory_space<hbm>>
        %dma_start3A_364 = arith.constant 0 : i32
        %dma_start3A_365 = tpu.memref_slice %arg10[%dma_start3A_359, %dma_start3A_364] : memref<6x128xi32, #tpu.memory_space<vmem>> -> memref<1x128xi32, #tpu.memory_space<vmem>>
        %dma_start3A_366 = tpu.memref_squeeze %dma_start3A_365 : memref<1x128xi32, #tpu.memory_space<vmem>> -> memref<128xi32, #tpu.memory_space<vmem>>
        %dma_start3A_367 = tpu.memref_slice %arg3[%add3A_350] : memref<640000xi32, #tpu.memory_space<hbm>> -> memref<128xi32, #tpu.memory_space<hbm>>
        tpu.enqueue_dma source(%dma_start3A_367 : memref<128xi32, #tpu.memory_space<hbm>>) target(%dma_start3A_366 : memref<128xi32, #tpu.memory_space<vmem>>) target_semaphore(%arg18 : memref<!tpu.dma_semaphore, #tpu.memory_space<semaphore_mem>>)
      } else {
      }
      %add3A_305 = arith.constant 5 : i32
      %add3A_306 = arith.addi %mul3A_105, %add3A_305 : i32
      %mul3A_307 = arith.constant 16 : i32
      %mul3A_308 = arith.muli %add3A_306, %mul3A_307 : i32
      %add3A_309 = arith.addi %mul3A_308, %arg1 : i32
      %lt3A_310 = arith.constant 2500 : i32
      %lt3A_311 = arith.cmpi slt, %add3A_309, %lt3A_310 : i32
      %convert_element_type3A_312 = arith.extui %lt3A_311 : i1 to i32
      %cond3A_313 = arith.constant 0 : i32
      %cond3A_314 = arith.cmpi ne, %convert_element_type3A_312, %cond3A_313 : i32
      scf.if %cond3A_314 {
        %dma_wait3A = arith.constant 1 : i32
        %dma_wait3A_346 = arith.constant 0 : i32
        %dma_wait3A_347 = arith.constant 0 : i32
        %dma_wait3A_348 = tpu.memref_slice %arg12[%dma_wait3A, %dma_wait3A_346, %dma_wait3A_347] : memref<2x128x128xf32, #tpu.memory_space<vmem>> -> memref<1x128x128xf32, #tpu.memory_space<vmem>>
        %dma_wait3A_349 = tpu.memref_squeeze %dma_wait3A_348 : memref<1x128x128xf32, #tpu.memory_space<vmem>> -> memref<128x128xf32, #tpu.memory_space<vmem>>
        %dma_wait3A_350 = arith.constant 0 : i32
        %dma_wait3A_351 = arith.constant 0 : i32
        %dma_wait3A_352 = tpu.memref_slice %arg4[%dma_wait3A_350, %dma_wait3A_351] : memref<20000x128xf32, #tpu.memory_space<hbm>> -> memref<128x128xf32, #tpu.memory_space<hbm>>
        %dma_wait3A_353 = arith.constant 0 : i32
        %dma_wait3A_354 = arith.constant 0 : i32
        %dma_wait3A_355 = tpu.memref_slice %arg12[%dma_wait3A, %dma_wait3A_353, %dma_wait3A_354] : memref<2x128x128xf32, #tpu.memory_space<vmem>> -> memref<1x128x128xf32, #tpu.memory_space<vmem>>
        %dma_wait3A_356 = tpu.memref_squeeze %dma_wait3A_355 : memref<1x128x128xf32, #tpu.memory_space<vmem>> -> memref<128x128xf32, #tpu.memory_space<vmem>>
        %dma_wait3A_357 = arith.constant 0 : i32
        %dma_wait3A_358 = arith.constant 0 : i32
        %dma_wait3A_359 = tpu.memref_slice %arg4[%dma_wait3A_357, %dma_wait3A_358] : memref<20000x128xf32, #tpu.memory_space<hbm>> -> memref<128x128xf32, #tpu.memory_space<hbm>>
        tpu.wait_dma2 semaphore(%arg19 : memref<!tpu.dma_semaphore, #tpu.memory_space<semaphore_mem>>) src(%dma_wait3A_359 : memref<128x128xf32, #tpu.memory_space<hbm>>) dst(%dma_wait3A_356 : memref<128x128xf32, #tpu.memory_space<vmem>>)
        %dma_wait3A_360 = arith.constant 1 : i32
        %dma_wait3A_361 = arith.constant 0 : i32
        %dma_wait3A_362 = tpu.memref_slice %arg13[%dma_wait3A_360, %dma_wait3A_361] : memref<2x128xf32, #tpu.memory_space<vmem>> -> memref<1x128xf32, #tpu.memory_space<vmem>>
        %dma_wait3A_363 = tpu.memref_squeeze %dma_wait3A_362 : memref<1x128xf32, #tpu.memory_space<vmem>> -> memref<128xf32, #tpu.memory_space<vmem>>
        %dma_wait3A_364 = arith.constant 0 : i32
        %dma_wait3A_365 = tpu.memref_slice %arg5[%dma_wait3A_364] : memref<20096xf32, #tpu.memory_space<hbm>> -> memref<128xf32, #tpu.memory_space<hbm>>
        %dma_wait3A_366 = arith.constant 0 : i32
        %dma_wait3A_367 = tpu.memref_slice %arg13[%dma_wait3A_360, %dma_wait3A_366] : memref<2x128xf32, #tpu.memory_space<vmem>> -> memref<1x128xf32, #tpu.memory_space<vmem>>
        %dma_wait3A_368 = tpu.memref_squeeze %dma_wait3A_367 : memref<1x128xf32, #tpu.memory_space<vmem>> -> memref<128xf32, #tpu.memory_space<vmem>>
        %dma_wait3A_369 = arith.constant 0 : i32
        %dma_wait3A_370 = tpu.memref_slice %arg5[%dma_wait3A_369] : memref<20096xf32, #tpu.memory_space<hbm>> -> memref<128xf32, #tpu.memory_space<hbm>>
        tpu.wait_dma2 semaphore(%arg20 : memref<!tpu.dma_semaphore, #tpu.memory_space<semaphore_mem>>) src(%dma_wait3A_370 : memref<128xf32, #tpu.memory_space<hbm>>) dst(%dma_wait3A_368 : memref<128xf32, #tpu.memory_space<vmem>>)
        %dma_start3A = arith.constant 1 : i32
        %dma_start3A_371 = arith.constant 5 : i32
        %dma_start3A_372 = arith.constant 0 : i32
        %dma_start3A_373 = arith.constant 0 : i32
        %dma_start3A_374 = tpu.memref_slice %arg12[%dma_start3A, %dma_start3A_372, %dma_start3A_373] : memref<2x128x128xf32, #tpu.memory_space<vmem>> -> memref<1x128x128xf32, #tpu.memory_space<vmem>>
        %dma_start3A_375 = tpu.memref_squeeze %dma_start3A_374 : memref<1x128x128xf32, #tpu.memory_space<vmem>> -> memref<128x128xf32, #tpu.memory_space<vmem>>
        %dma_start3A_376 = arith.constant 0 : i32
        %dma_start3A_377 = tpu.memref_slice %arg10[%dma_start3A_371, %dma_start3A_376] : memref<6x128xi32, #tpu.memory_space<vmem>> -> memref<1x128xi32, #tpu.memory_space<vmem>>
        %dma_start3A_378 = tpu.memref_squeeze %dma_start3A_377 : memref<1x128xi32, #tpu.memory_space<vmem>> -> memref<128xi32, #tpu.memory_space<vmem>>
        %dma_start3A_379 = arith.constant 0 : i32
        %dma_start3A_380 = arith.constant 0 : i32
        %dma_start3A_381 = tpu.memref_slice %arg16[%dma_start3A_379, %dma_start3A_380] : memref<10000x128xf32, #tpu.memory_space<vmem_shared>> -> memref<10000x128xf32, #tpu.memory_space<vmem_shared>>
        tpu.enqueue_indirect_dma source(%dma_start3A_375 : memref<128x128xf32, #tpu.memory_space<vmem>>) target(%dma_start3A_381 : memref<10000x128xf32, #tpu.memory_space<vmem_shared>>) offsets(%dma_start3A_378 : memref<128xi32, #tpu.memory_space<vmem>>) semaphore(%arg21 : memref<!tpu.dma_semaphore, #tpu.memory_space<semaphore_mem>>) {add = true}
        %dma_start3A_382 = arith.constant 1 : i32
        %dma_start3A_383 = arith.constant 5 : i32
        %dma_start3A_384 = arith.constant 0 : i32
        %dma_start3A_385 = tpu.memref_slice %arg13[%dma_start3A_382, %dma_start3A_384] : memref<2x128xf32, #tpu.memory_space<vmem>> -> memref<1x128xf32, #tpu.memory_space<vmem>>
        %dma_start3A_386 = tpu.memref_squeeze %dma_start3A_385 : memref<1x128xf32, #tpu.memory_space<vmem>> -> memref<128xf32, #tpu.memory_space<vmem>>
        %dma_start3A_387 = arith.constant 0 : i32
        %dma_start3A_388 = tpu.memref_slice %arg8[%dma_start3A_383, %dma_start3A_387] : memref<6x128xi32, #tpu.memory_space<vmem>> -> memref<1x128xi32, #tpu.memory_space<vmem>>
        %dma_start3A_389 = tpu.memref_squeeze %dma_start3A_388 : memref<1x128xi32, #tpu.memory_space<vmem>> -> memref<128xi32, #tpu.memory_space<vmem>>
        %dma_start3A_390 = arith.constant 0 : i32
        %dma_start3A_391 = tpu.memref_slice %arg17[%dma_start3A_390] : memref<10112xf32, #tpu.memory_space<vmem_shared>> -> memref<10112xf32, #tpu.memory_space<vmem_shared>>
        tpu.enqueue_indirect_dma source(%dma_start3A_386 : memref<128xf32, #tpu.memory_space<vmem>>) target(%dma_start3A_391 : memref<10112xf32, #tpu.memory_space<vmem_shared>>) offsets(%dma_start3A_389 : memref<128xi32, #tpu.memory_space<vmem>>) semaphore(%arg22 : memref<!tpu.dma_semaphore, #tpu.memory_space<semaphore_mem>>) {add = true}
      } else {
      }
      %add3A_315 = arith.constant 2 : i32
      %add3A_316 = arith.addi %add3A_306, %add3A_315 : i32
      %sub3A_317 = arith.constant 2 : i32
      %sub3A_318 = arith.subi %add3A_316, %sub3A_317 : i32
      %mul3A_319 = arith.constant 16 : i32
      %mul3A_320 = arith.muli %sub3A_318, %mul3A_319 : i32
      %add3A_321 = arith.addi %mul3A_320, %arg1 : i32
      %lt3A_322 = arith.constant 2500 : i32
      %lt3A_323 = arith.cmpi slt, %add3A_321, %lt3A_322 : i32
      %convert_element_type3A_324 = arith.extui %lt3A_323 : i1 to i32
      %cond3A_325 = arith.constant 0 : i32
      %cond3A_326 = arith.cmpi ne, %convert_element_type3A_324, %cond3A_325 : i32
      scf.if %cond3A_326 {
        %dma_wait3A = arith.constant 1 : i32
        %dma_wait3A_346 = arith.constant 1 : i32
        %dma_wait3A_347 = arith.constant 0 : i32
        %dma_wait3A_348 = arith.constant 0 : i32
        %dma_wait3A_349 = tpu.memref_slice %arg12[%dma_wait3A, %dma_wait3A_347, %dma_wait3A_348] : memref<2x128x128xf32, #tpu.memory_space<vmem>> -> memref<1x128x128xf32, #tpu.memory_space<vmem>>
        %dma_wait3A_350 = tpu.memref_squeeze %dma_wait3A_349 : memref<1x128x128xf32, #tpu.memory_space<vmem>> -> memref<128x128xf32, #tpu.memory_space<vmem>>
        %dma_wait3A_351 = arith.constant 0 : i32
        %dma_wait3A_352 = tpu.memref_slice %arg10[%dma_wait3A_346, %dma_wait3A_351] : memref<6x128xi32, #tpu.memory_space<vmem>> -> memref<1x128xi32, #tpu.memory_space<vmem>>
        %dma_wait3A_353 = tpu.memref_squeeze %dma_wait3A_352 : memref<1x128xi32, #tpu.memory_space<vmem>> -> memref<128xi32, #tpu.memory_space<vmem>>
        %dma_wait3A_354 = arith.constant 0 : i32
        %dma_wait3A_355 = arith.constant 0 : i32
        %dma_wait3A_356 = tpu.memref_slice %arg16[%dma_wait3A_354, %dma_wait3A_355] : memref<10000x128xf32, #tpu.memory_space<vmem_shared>> -> memref<10000x128xf32, #tpu.memory_space<vmem_shared>>
        tpu.wait_indirect_dma semaphore(%arg21 : memref<!tpu.dma_semaphore, #tpu.memory_space<semaphore_mem>>) src(%dma_wait3A_350 : memref<128x128xf32, #tpu.memory_space<vmem>>) dst(%dma_wait3A_356 : memref<10000x128xf32, #tpu.memory_space<vmem_shared>>)
        %dma_wait3A_357 = arith.constant 1 : i32
        %dma_wait3A_358 = arith.constant 1 : i32
        %dma_wait3A_359 = arith.constant 0 : i32
        %dma_wait3A_360 = tpu.memref_slice %arg13[%dma_wait3A_357, %dma_wait3A_359] : memref<2x128xf32, #tpu.memory_space<vmem>> -> memref<1x128xf32, #tpu.memory_space<vmem>>
        %dma_wait3A_361 = tpu.memref_squeeze %dma_wait3A_360 : memref<1x128xf32, #tpu.memory_space<vmem>> -> memref<128xf32, #tpu.memory_space<vmem>>
        %dma_wait3A_362 = arith.constant 0 : i32
        %dma_wait3A_363 = tpu.memref_slice %arg8[%dma_wait3A_358, %dma_wait3A_362] : memref<6x128xi32, #tpu.memory_space<vmem>> -> memref<1x128xi32, #tpu.memory_space<vmem>>
        %dma_wait3A_364 = tpu.memref_squeeze %dma_wait3A_363 : memref<1x128xi32, #tpu.memory_space<vmem>> -> memref<128xi32, #tpu.memory_space<vmem>>
        %dma_wait3A_365 = arith.constant 0 : i32
        %dma_wait3A_366 = tpu.memref_slice %arg17[%dma_wait3A_365] : memref<10112xf32, #tpu.memory_space<vmem_shared>> -> memref<10112xf32, #tpu.memory_space<vmem_shared>>
        tpu.wait_indirect_dma semaphore(%arg22 : memref<!tpu.dma_semaphore, #tpu.memory_space<semaphore_mem>>) src(%dma_wait3A_361 : memref<128xf32, #tpu.memory_space<vmem>>) dst(%dma_wait3A_366 : memref<10112xf32, #tpu.memory_space<vmem_shared>>)
      } else {
      }
      %mul3A_327 = arith.constant 16 : i32
      %mul3A_328 = arith.muli %add3A_316, %mul3A_327 : i32
      %add3A_329 = arith.addi %mul3A_328, %arg1 : i32
      %lt3A_330 = arith.constant 2500 : i32
      %lt3A_331 = arith.cmpi slt, %add3A_329, %lt3A_330 : i32
      %convert_element_type3A_332 = arith.extui %lt3A_331 : i1 to i32
      %cond3A_333 = arith.constant 0 : i32
      %cond3A_334 = arith.cmpi ne, %convert_element_type3A_332, %cond3A_333 : i32
      scf.if %cond3A_334 {
        %dma_wait3A = arith.constant 1 : i32
        %dma_wait3A_346 = arith.constant 0 : i32
        %dma_wait3A_347 = tpu.memref_slice %arg8[%dma_wait3A, %dma_wait3A_346] : memref<6x128xi32, #tpu.memory_space<vmem>> -> memref<1x128xi32, #tpu.memory_space<vmem>>
        %dma_wait3A_348 = tpu.memref_squeeze %dma_wait3A_347 : memref<1x128xi32, #tpu.memory_space<vmem>> -> memref<128xi32, #tpu.memory_space<vmem>>
        %dma_wait3A_349 = arith.constant 0 : i32
        %dma_wait3A_350 = tpu.memref_slice %arg2[%dma_wait3A_349] : memref<640000xi32, #tpu.memory_space<hbm>> -> memref<128xi32, #tpu.memory_space<hbm>>
        %dma_wait3A_351 = arith.constant 0 : i32
        %dma_wait3A_352 = tpu.memref_slice %arg8[%dma_wait3A, %dma_wait3A_351] : memref<6x128xi32, #tpu.memory_space<vmem>> -> memref<1x128xi32, #tpu.memory_space<vmem>>
        %dma_wait3A_353 = tpu.memref_squeeze %dma_wait3A_352 : memref<1x128xi32, #tpu.memory_space<vmem>> -> memref<128xi32, #tpu.memory_space<vmem>>
        %dma_wait3A_354 = arith.constant 0 : i32
        %dma_wait3A_355 = tpu.memref_slice %arg2[%dma_wait3A_354] : memref<640000xi32, #tpu.memory_space<hbm>> -> memref<128xi32, #tpu.memory_space<hbm>>
        tpu.wait_dma2 semaphore(%arg18 : memref<!tpu.dma_semaphore, #tpu.memory_space<semaphore_mem>>) src(%dma_wait3A_355 : memref<128xi32, #tpu.memory_space<hbm>>) dst(%dma_wait3A_353 : memref<128xi32, #tpu.memory_space<vmem>>)
        %dma_wait3A_356 = arith.constant 1 : i32
        %dma_wait3A_357 = arith.constant 0 : i32
        %dma_wait3A_358 = tpu.memref_slice %arg10[%dma_wait3A_356, %dma_wait3A_357] : memref<6x128xi32, #tpu.memory_space<vmem>> -> memref<1x128xi32, #tpu.memory_space<vmem>>
        %dma_wait3A_359 = tpu.memref_squeeze %dma_wait3A_358 : memref<1x128xi32, #tpu.memory_space<vmem>> -> memref<128xi32, #tpu.memory_space<vmem>>
        %dma_wait3A_360 = arith.constant 0 : i32
        %dma_wait3A_361 = tpu.memref_slice %arg2[%dma_wait3A_360] : memref<640000xi32, #tpu.memory_space<hbm>> -> memref<128xi32, #tpu.memory_space<hbm>>
        %dma_wait3A_362 = arith.constant 0 : i32
        %dma_wait3A_363 = tpu.memref_slice %arg10[%dma_wait3A_356, %dma_wait3A_362] : memref<6x128xi32, #tpu.memory_space<vmem>> -> memref<1x128xi32, #tpu.memory_space<vmem>>
        %dma_wait3A_364 = tpu.memref_squeeze %dma_wait3A_363 : memref<1x128xi32, #tpu.memory_space<vmem>> -> memref<128xi32, #tpu.memory_space<vmem>>
        %dma_wait3A_365 = arith.constant 0 : i32
        %dma_wait3A_366 = tpu.memref_slice %arg2[%dma_wait3A_365] : memref<640000xi32, #tpu.memory_space<hbm>> -> memref<128xi32, #tpu.memory_space<hbm>>
        tpu.wait_dma2 semaphore(%arg18 : memref<!tpu.dma_semaphore, #tpu.memory_space<semaphore_mem>>) src(%dma_wait3A_366 : memref<128xi32, #tpu.memory_space<hbm>>) dst(%dma_wait3A_364 : memref<128xi32, #tpu.memory_space<vmem>>)
        %scan3A_367 = arith.constant 0 : i32
        %scan3A_368 = arith.constant 0 : i32
        %scan3A_369 = arith.constant 8 : i32
        %scan3A_370 = arith.addi %scan3A_368, %scan3A_369 : i32
        %scan3A_371 = arith.constant 1 : i32
        %scan3A_372 = scf.for %scan3A_395 = %scan3A_368 to %scan3A_370 step %scan3A_371 iter_args(%scan3A_396 = %scan3A_367) -> (i32)  : i32 {
          %mul3A_397 = arith.constant 16 : i32
          %mul3A_398 = arith.muli %scan3A_395, %mul3A_397 : i32
          %get3A = arith.constant 1 : i32
          %get3A_399 = arith.index_cast %get3A : i32 to index
          %get3A_400 = arith.index_cast %mul3A_398 : i32 to index
          %get3A_401 = tpu.vector_load %arg8[%get3A_399, %get3A_400] {strides = array<i32>} : memref<6x128xi32, #tpu.memory_space<vmem>>, vector<1x16xi32>,
          %get3A_402 = vector.shape_cast %get3A_401 : vector<1x16xi32> to vector<16xi32>
          %add3A_403 = vector.broadcast %mul3A_29 : i32 to vector<16xi32>
          %add3A_404 = arith.addi %get3A_402, %add3A_403 : vector<16xi32>
          %mul3A_405 = arith.constant 16 : i32
          %mul3A_406 = arith.muli %scan3A_395, %mul3A_405 : i32
          %swap3A = arith.constant 1 : i32
          %swap3A_407 = arith.index_cast %swap3A : i32 to index
          %swap3A_408 = arith.index_cast %mul3A_406 : i32 to index
          %swap3A_409 = tpu.vector_load %arg9[%swap3A_407, %swap3A_408] {strides = array<i32>} : memref<6x128xi32, #tpu.memory_space<vmem>>, vector<1x16xi32>,
          %swap3A_410 = vector.shape_cast %swap3A_409 : vector<1x16xi32> to vector<16xi32>
          %swap3A_411 = vector.shape_cast %add3A_404 : vector<16xi32> to vector<1x16xi32>
          tpu.vector_store %arg9[%swap3A_407, %swap3A_408], %swap3A_411 {strides = array<i32>} : memref<6x128xi32, #tpu.memory_space<vmem>>, vector<1x16xi32>,
          %mul3A_412 = arith.constant 16 : i32
          %mul3A_413 = arith.muli %scan3A_395, %mul3A_412 : i32
          %get3A_414 = arith.constant 1 : i32
          %get3A_415 = arith.index_cast %get3A_414 : i32 to index
          %get3A_416 = arith.index_cast %mul3A_413 : i32 to index
          %get3A_417 = tpu.vector_load %arg10[%get3A_415, %get3A_416] {strides = array<i32>} : memref<6x128xi32, #tpu.memory_space<vmem>>, vector<1x16xi32>,
          %get3A_418 = vector.shape_cast %get3A_417 : vector<1x16xi32> to vector<16xi32>
          %add3A_419 = vector.broadcast %mul3A_29 : i32 to vector<16xi32>
          %add3A_420 = arith.addi %get3A_418, %add3A_419 : vector<16xi32>
          %mul3A_421 = arith.constant 16 : i32
          %mul3A_422 = arith.muli %scan3A_395, %mul3A_421 : i32
          %swap3A_423 = arith.constant 1 : i32
          %swap3A_424 = arith.index_cast %swap3A_423 : i32 to index
          %swap3A_425 = arith.index_cast %mul3A_422 : i32 to index
          %swap3A_426 = tpu.vector_load %arg11[%swap3A_424, %swap3A_425] {strides = array<i32>} : memref<6x128xi32, #tpu.memory_space<vmem>>, vector<1x16xi32>,
          %swap3A_427 = vector.shape_cast %swap3A_426 : vector<1x16xi32> to vector<16xi32>
          %swap3A_428 = vector.shape_cast %add3A_420 : vector<16xi32> to vector<1x16xi32>
          tpu.vector_store %arg11[%swap3A_424, %swap3A_425], %swap3A_428 {strides = array<i32>} : memref<6x128xi32, #tpu.memory_space<vmem>>, vector<1x16xi32>,
          %scan3A_429 = arith.constant 0 : i32
          scf.yield %scan3A_429 : i32
        }
        %scan3A_373 = arith.constant 8 : i32
        %dma_start3A = arith.constant 1 : i32
        %dma_start3A_374 = arith.constant 1 : i32
        %dma_start3A_375 = arith.constant 0 : i32
        %dma_start3A_376 = arith.constant 0 : i32
        %dma_start3A_377 = tpu.memref_slice %arg12[%dma_start3A_374, %dma_start3A_375, %dma_start3A_376] : memref<2x128x128xf32, #tpu.memory_space<vmem>> -> memref<1x128x128xf32, #tpu.memory_space<vmem>>
        %dma_start3A_378 = tpu.memref_squeeze %dma_start3A_377 : memref<1x128x128xf32, #tpu.memory_space<vmem>> -> memref<128x128xf32, #tpu.memory_space<vmem>>
        %dma_start3A_379 = arith.constant 0 : i32
        %dma_start3A_380 = tpu.memref_slice %arg9[%dma_start3A, %dma_start3A_379] : memref<6x128xi32, #tpu.memory_space<vmem>> -> memref<1x128xi32, #tpu.memory_space<vmem>>
        %dma_start3A_381 = tpu.memref_squeeze %dma_start3A_380 : memref<1x128xi32, #tpu.memory_space<vmem>> -> memref<128xi32, #tpu.memory_space<vmem>>
        %dma_start3A_382 = arith.constant 0 : i32
        %dma_start3A_383 = arith.constant 0 : i32
        %dma_start3A_384 = tpu.memref_slice %arg4[%dma_start3A_382, %dma_start3A_383] : memref<20000x128xf32, #tpu.memory_space<hbm>> -> memref<20000x128xf32, #tpu.memory_space<hbm>>
        tpu.enqueue_indirect_dma source(%dma_start3A_384 : memref<20000x128xf32, #tpu.memory_space<hbm>>) target(%dma_start3A_378 : memref<128x128xf32, #tpu.memory_space<vmem>>) offsets(%dma_start3A_381 : memref<128xi32, #tpu.memory_space<vmem>>) semaphore(%arg19 : memref<!tpu.dma_semaphore, #tpu.memory_space<semaphore_mem>>)
        %dma_start3A_385 = arith.constant 1 : i32
        %dma_start3A_386 = arith.constant 1 : i32
        %dma_start3A_387 = arith.constant 0 : i32
        %dma_start3A_388 = tpu.memref_slice %arg13[%dma_start3A_386, %dma_start3A_387] : memref<2x128xf32, #tpu.memory_space<vmem>> -> memref<1x128xf32, #tpu.memory_space<vmem>>
        %dma_start3A_389 = tpu.memref_squeeze %dma_start3A_388 : memref<1x128xf32, #tpu.memory_space<vmem>> -> memref<128xf32, #tpu.memory_space<vmem>>
        %dma_start3A_390 = arith.constant 0 : i32
        %dma_start3A_391 = tpu.memref_slice %arg11[%dma_start3A_385, %dma_start3A_390] : memref<6x128xi32, #tpu.memory_space<vmem>> -> memref<1x128xi32, #tpu.memory_space<vmem>>
        %dma_start3A_392 = tpu.memref_squeeze %dma_start3A_391 : memref<1x128xi32, #tpu.memory_space<vmem>> -> memref<128xi32, #tpu.memory_space<vmem>>
        %dma_start3A_393 = arith.constant 0 : i32
        %dma_start3A_394 = tpu.memref_slice %arg5[%dma_start3A_393] : memref<20096xf32, #tpu.memory_space<hbm>> -> memref<20096xf32, #tpu.memory_space<hbm>>
        tpu.enqueue_indirect_dma source(%dma_start3A_394 : memref<20096xf32, #tpu.memory_space<hbm>>) target(%dma_start3A_389 : memref<128xf32, #tpu.memory_space<vmem>>) offsets(%dma_start3A_392 : memref<128xi32, #tpu.memory_space<vmem>>) semaphore(%arg20 : memref<!tpu.dma_semaphore, #tpu.memory_space<semaphore_mem>>)
      } else {
      }
      %add3A_335 = arith.constant 4 : i32
      %add3A_336 = arith.addi %add3A_306, %add3A_335 : i32
      %mul3A_337 = arith.constant 16 : i32
      %mul3A_338 = arith.muli %add3A_336, %mul3A_337 : i32
      %add3A_339 = arith.addi %mul3A_338, %arg1 : i32
      %lt3A_340 = arith.constant 2500 : i32
      %lt3A_341 = arith.cmpi slt, %add3A_339, %lt3A_340 : i32
      %convert_element_type3A_342 = arith.extui %lt3A_341 : i1 to i32
      %cond3A_343 = arith.constant 0 : i32
      %cond3A_344 = arith.cmpi ne, %convert_element_type3A_342, %cond3A_343 : i32
      scf.if %cond3A_344 {
        %mul3A_346 = arith.constant 320000 : i32
        %mul3A_347 = arith.muli %arg0, %mul3A_346 : i32
        %mul3A_348 = arith.constant 128 : i32
        %mul3A_349 = arith.muli %add3A_339, %mul3A_348 : i32
        %add3A_350 = arith.addi %mul3A_347, %mul3A_349 : i32
        %dma_start3A = arith.constant 3 : i32
        %dma_start3A_351 = arith.constant 0 : i32
        %dma_start3A_352 = tpu.memref_slice %arg8[%dma_start3A, %dma_start3A_351] : memref<6x128xi32, #tpu.memory_space<vmem>> -> memref<1x128xi32, #tpu.memory_space<vmem>>
        %dma_start3A_353 = tpu.memref_squeeze %dma_start3A_352 : memref<1x128xi32, #tpu.memory_space<vmem>> -> memref<128xi32, #tpu.memory_space<vmem>>
        %dma_start3A_354 = tpu.memref_slice %arg2[%add3A_350] : memref<640000xi32, #tpu.memory_space<hbm>> -> memref<128xi32, #tpu.memory_space<hbm>>
        %dma_start3A_355 = arith.constant 0 : i32
        %dma_start3A_356 = tpu.memref_slice %arg8[%dma_start3A, %dma_start3A_355] : memref<6x128xi32, #tpu.memory_space<vmem>> -> memref<1x128xi32, #tpu.memory_space<vmem>>
        %dma_start3A_357 = tpu.memref_squeeze %dma_start3A_356 : memref<1x128xi32, #tpu.memory_space<vmem>> -> memref<128xi32, #tpu.memory_space<vmem>>
        %dma_start3A_358 = tpu.memref_slice %arg2[%add3A_350] : memref<640000xi32, #tpu.memory_space<hbm>> -> memref<128xi32, #tpu.memory_space<hbm>>
        tpu.enqueue_dma source(%dma_start3A_358 : memref<128xi32, #tpu.memory_space<hbm>>) target(%dma_start3A_357 : memref<128xi32, #tpu.memory_space<vmem>>) target_semaphore(%arg18 : memref<!tpu.dma_semaphore, #tpu.memory_space<semaphore_mem>>)
        %dma_start3A_359 = arith.constant 3 : i32
        %dma_start3A_360 = arith.constant 0 : i32
        %dma_start3A_361 = tpu.memref_slice %arg10[%dma_start3A_359, %dma_start3A_360] : memref<6x128xi32, #tpu.memory_space<vmem>> -> memref<1x128xi32, #tpu.memory_space<vmem>>
        %dma_start3A_362 = tpu.memref_squeeze %dma_start3A_361 : memref<1x128xi32, #tpu.memory_space<vmem>> -> memref<128xi32, #tpu.memory_space<vmem>>
        %dma_start3A_363 = tpu.memref_slice %arg3[%add3A_350] : memref<640000xi32, #tpu.memory_space<hbm>> -> memref<128xi32, #tpu.memory_space<hbm>>
        %dma_start3A_364 = arith.constant 0 : i32
        %dma_start3A_365 = tpu.memref_slice %arg10[%dma_start3A_359, %dma_start3A_364] : memref<6x128xi32, #tpu.memory_space<vmem>> -> memref<1x128xi32, #tpu.memory_space<vmem>>
        %dma_start3A_366 = tpu.memref_squeeze %dma_start3A_365 : memref<1x128xi32, #tpu.memory_space<vmem>> -> memref<128xi32, #tpu.memory_space<vmem>>
        %dma_start3A_367 = tpu.memref_slice %arg3[%add3A_350] : memref<640000xi32, #tpu.memory_space<hbm>> -> memref<128xi32, #tpu.memory_space<hbm>>
        tpu.enqueue_dma source(%dma_start3A_367 : memref<128xi32, #tpu.memory_space<hbm>>) target(%dma_start3A_366 : memref<128xi32, #tpu.memory_space<vmem>>) target_semaphore(%arg18 : memref<!tpu.dma_semaphore, #tpu.memory_space<semaphore_mem>>)
      } else {
      }
      %scan3A_345 = arith.constant 0 : i32
      scf.yield %scan3A_345 : i32
    }
    %scan3A_76 = arith.constant 27 : i32
    %barrier3A_77 = arith.constant 0 : index
    tpu.barrier barrier_id(%barrier3A_77)
    %scan3A_78 = arith.constant 0 : i32
    %scan3A_79 = arith.constant 0 : i32
    %scan3A_80 = arith.constant 39 : i32
    %scan3A_81 = arith.addi %scan3A_79, %scan3A_80 : i32
    %scan3A_82 = arith.constant 1 : i32
    %scan3A_83 = scf.for %scan3A_102 = %scan3A_79 to %scan3A_81 step %scan3A_82 iter_args(%scan3A_103 = %scan3A_78) -> (i32)  : i32 {
      %mul3A_104 = arith.constant 624 : i32
      %mul3A_105 = arith.muli %arg1, %mul3A_104 : i32
      %mul3A_106 = arith.constant 16 : i32
      %mul3A_107 = arith.muli %scan3A_102, %mul3A_106 : i32
      %add3A_108 = arith.addi %mul3A_105, %mul3A_107 : i32
      %run_scoped3A = arith.constant 0 : i32
      "tpu.region"() ({
        %run_scoped3A_114 = tpu.sem_alloc : memref<!tpu.dma_semaphore, #tpu.memory_space<semaphore_mem>>
        %dma_start3A = arith.constant 0 : i32
        %dma_start3A_115 = arith.constant 0 : i32
        %dma_start3A_116 = tpu.memref_slice %arg12[%run_scoped3A, %dma_start3A, %dma_start3A_115] : memref<2x128x128xf32, #tpu.memory_space<vmem>> -> memref<1x16x128xf32, #tpu.memory_space<vmem>>
        %dma_start3A_117 = tpu.memref_squeeze %dma_start3A_116 : memref<1x16x128xf32, #tpu.memory_space<vmem>> -> memref<16x128xf32, #tpu.memory_space<vmem>>
        %dma_start3A_118 = arith.constant 0 : i32
        %dma_start3A_119 = tpu.memref_slice %arg16[%add3A_108, %dma_start3A_118] : memref<10000x128xf32, #tpu.memory_space<vmem_shared>> -> memref<16x128xf32, #tpu.memory_space<vmem_shared>>
        %dma_start3A_120 = arith.constant 0 : i32
        %dma_start3A_121 = arith.constant 0 : i32
        %dma_start3A_122 = tpu.memref_slice %arg12[%run_scoped3A, %dma_start3A_120, %dma_start3A_121] : memref<2x128x128xf32, #tpu.memory_space<vmem>> -> memref<1x16x128xf32, #tpu.memory_space<vmem>>
        %dma_start3A_123 = tpu.memref_squeeze %dma_start3A_122 : memref<1x16x128xf32, #tpu.memory_space<vmem>> -> memref<16x128xf32, #tpu.memory_space<vmem>>
        %dma_start3A_124 = arith.constant 0 : i32
        %dma_start3A_125 = tpu.memref_slice %arg16[%add3A_108, %dma_start3A_124] : memref<10000x128xf32, #tpu.memory_space<vmem_shared>> -> memref<16x128xf32, #tpu.memory_space<vmem_shared>>
        tpu.enqueue_dma source(%dma_start3A_125 : memref<16x128xf32, #tpu.memory_space<vmem_shared>>) target(%dma_start3A_123 : memref<16x128xf32, #tpu.memory_space<vmem>>) target_semaphore(%run_scoped3A_114 : memref<!tpu.dma_semaphore, #tpu.memory_space<semaphore_mem>>)
        %dma_wait3A = arith.constant 0 : i32
        %dma_wait3A_126 = arith.constant 0 : i32
        %dma_wait3A_127 = tpu.memref_slice %arg12[%run_scoped3A, %dma_wait3A, %dma_wait3A_126] : memref<2x128x128xf32, #tpu.memory_space<vmem>> -> memref<1x16x128xf32, #tpu.memory_space<vmem>>
        %dma_wait3A_128 = tpu.memref_squeeze %dma_wait3A_127 : memref<1x16x128xf32, #tpu.memory_space<vmem>> -> memref<16x128xf32, #tpu.memory_space<vmem>>
        %dma_wait3A_129 = arith.constant 0 : i32
        %dma_wait3A_130 = tpu.memref_slice %arg16[%add3A_108, %dma_wait3A_129] : memref<10000x128xf32, #tpu.memory_space<vmem_shared>> -> memref<16x128xf32, #tpu.memory_space<vmem_shared>>
        %dma_wait3A_131 = arith.constant 0 : i32
        %dma_wait3A_132 = arith.constant 0 : i32
        %dma_wait3A_133 = tpu.memref_slice %arg12[%run_scoped3A, %dma_wait3A_131, %dma_wait3A_132] : memref<2x128x128xf32, #tpu.memory_space<vmem>> -> memref<1x16x128xf32, #tpu.memory_space<vmem>>
        %dma_wait3A_134 = tpu.memref_squeeze %dma_wait3A_133 : memref<1x16x128xf32, #tpu.memory_space<vmem>> -> memref<16x128xf32, #tpu.memory_space<vmem>>
        %dma_wait3A_135 = arith.constant 0 : i32
        %dma_wait3A_136 = tpu.memref_slice %arg16[%add3A_108, %dma_wait3A_135] : memref<10000x128xf32, #tpu.memory_space<vmem_shared>> -> memref<16x128xf32, #tpu.memory_space<vmem_shared>>
        tpu.wait_dma2 semaphore(%run_scoped3A_114 : memref<!tpu.dma_semaphore, #tpu.memory_space<semaphore_mem>>) src(%dma_wait3A_136 : memref<16x128xf32, #tpu.memory_space<vmem_shared>>) dst(%dma_wait3A_134 : memref<16x128xf32, #tpu.memory_space<vmem>>)
        tpu.yield
      }) : () -> ()
      %mul3A_109 = arith.constant 10000 : i32
      %mul3A_110 = arith.muli %arg0, %mul3A_109 : i32
      %add3A_111 = arith.addi %mul3A_110, %add3A_108 : i32
      %run_scoped3A_112 = arith.constant 0 : i32
      "tpu.region"() ({
        %run_scoped3A_114 = tpu.sem_alloc : memref<!tpu.dma_semaphore, #tpu.memory_space<semaphore_mem>>
        %dma_start3A = arith.constant 0 : i32
        %dma_start3A_115 = arith.constant 0 : i32
        %dma_start3A_116 = tpu.memref_slice %arg12[%run_scoped3A_112, %dma_start3A, %dma_start3A_115] : memref<2x128x128xf32, #tpu.memory_space<vmem>> -> memref<1x16x128xf32, #tpu.memory_space<vmem>>
        %dma_start3A_117 = tpu.memref_squeeze %dma_start3A_116 : memref<1x16x128xf32, #tpu.memory_space<vmem>> -> memref<16x128xf32, #tpu.memory_space<vmem>>
        %dma_start3A_118 = arith.constant 0 : i32
        %dma_start3A_119 = tpu.memref_slice %arg6[%add3A_111, %dma_start3A_118] : memref<20000x128xf32, #tpu.memory_space<hbm>> -> memref<16x128xf32, #tpu.memory_space<hbm>>
        %dma_start3A_120 = arith.constant 0 : i32
        %dma_start3A_121 = tpu.memref_slice %arg6[%add3A_111, %dma_start3A_120] : memref<20000x128xf32, #tpu.memory_space<hbm>> -> memref<16x128xf32, #tpu.memory_space<hbm>>
        %dma_start3A_122 = arith.constant 0 : i32
        %dma_start3A_123 = arith.constant 0 : i32
        %dma_start3A_124 = tpu.memref_slice %arg12[%run_scoped3A_112, %dma_start3A_122, %dma_start3A_123] : memref<2x128x128xf32, #tpu.memory_space<vmem>> -> memref<1x16x128xf32, #tpu.memory_space<vmem>>
        %dma_start3A_125 = tpu.memref_squeeze %dma_start3A_124 : memref<1x16x128xf32, #tpu.memory_space<vmem>> -> memref<16x128xf32, #tpu.memory_space<vmem>>
        tpu.enqueue_dma source(%dma_start3A_125 : memref<16x128xf32, #tpu.memory_space<vmem>>) target(%dma_start3A_121 : memref<16x128xf32, #tpu.memory_space<hbm>>) target_semaphore(%run_scoped3A_114 : memref<!tpu.dma_semaphore, #tpu.memory_space<semaphore_mem>>)
        %dma_wait3A = arith.constant 0 : i32
        %dma_wait3A_126 = arith.constant 0 : i32
        %dma_wait3A_127 = tpu.memref_slice %arg12[%run_scoped3A_112, %dma_wait3A, %dma_wait3A_126] : memref<2x128x128xf32, #tpu.memory_space<vmem>> -> memref<1x16x128xf32, #tpu.memory_space<vmem>>
        %dma_wait3A_128 = tpu.memref_squeeze %dma_wait3A_127 : memref<1x16x128xf32, #tpu.memory_space<vmem>> -> memref<16x128xf32, #tpu.memory_space<vmem>>
        %dma_wait3A_129 = arith.constant 0 : i32
        %dma_wait3A_130 = tpu.memref_slice %arg6[%add3A_111, %dma_wait3A_129] : memref<20000x128xf32, #tpu.memory_space<hbm>> -> memref<16x128xf32, #tpu.memory_space<hbm>>
        %dma_wait3A_131 = arith.constant 0 : i32
        %dma_wait3A_132 = tpu.memref_slice %arg6[%add3A_111, %dma_wait3A_131] : memref<20000x128xf32, #tpu.memory_space<hbm>> -> memref<16x128xf32, #tpu.memory_space<hbm>>
        %dma_wait3A_133 = arith.constant 0 : i32
        %dma_wait3A_134 = arith.constant 0 : i32
        %dma_wait3A_135 = tpu.memref_slice %arg12[%run_scoped3A_112, %dma_wait3A_133, %dma_wait3A_134] : memref<2x128x128xf32, #tpu.memory_space<vmem>> -> memref<1x16x128xf32, #tpu.memory_space<vmem>>
        %dma_wait3A_136 = tpu.memref_squeeze %dma_wait3A_135 : memref<1x16x128xf32, #tpu.memory_space<vmem>> -> memref<16x128xf32, #tpu.memory_space<vmem>>
        tpu.wait_dma2 semaphore(%run_scoped3A_114 : memref<!tpu.dma_semaphore, #tpu.memory_space<semaphore_mem>>) src(%dma_wait3A_136 : memref<16x128xf32, #tpu.memory_space<vmem>>) dst(%dma_wait3A_132 : memref<16x128xf32, #tpu.memory_space<hbm>>)
        tpu.yield
      }) : () -> ()
      %scan3A_113 = arith.constant 0 : i32
      scf.yield %scan3A_113 : i32
    }
    %scan3A_84 = arith.constant 39 : i32
    %eq3A_85 = arith.constant 15 : i32
    %eq3A_86 = arith.cmpi eq, %arg1, %eq3A_85 : i32
    %convert_element_type3A_87 = arith.extui %eq3A_86 : i1 to i32
    %cond3A_88 = arith.constant 0 : i32
    %cond3A_89 = arith.cmpi ne, %convert_element_type3A_87, %cond3A_88 : i32
    scf.if %cond3A_89 {
      %run_scoped3A = arith.constant 0 : i32
      "tpu.region"() ({
        %run_scoped3A_107 = tpu.sem_alloc : memref<!tpu.dma_semaphore, #tpu.memory_space<semaphore_mem>>
        %dma_start3A = arith.constant 0 : i32
        %dma_start3A_108 = arith.constant 0 : i32
        %dma_start3A_109 = tpu.memref_slice %arg12[%run_scoped3A, %dma_start3A, %dma_start3A_108] : memref<2x128x128xf32, #tpu.memory_space<vmem>> -> memref<1x16x128xf32, #tpu.memory_space<vmem>>
        %dma_start3A_110 = tpu.memref_squeeze %dma_start3A_109 : memref<1x16x128xf32, #tpu.memory_space<vmem>> -> memref<16x128xf32, #tpu.memory_space<vmem>>
        %dma_start3A_111 = arith.constant 9984 : i32
        %dma_start3A_112 = arith.constant 0 : i32
        %dma_start3A_113 = tpu.memref_slice %arg16[%dma_start3A_111, %dma_start3A_112] : memref<10000x128xf32, #tpu.memory_space<vmem_shared>> -> memref<16x128xf32, #tpu.memory_space<vmem_shared>>
        %dma_start3A_114 = arith.constant 0 : i32
        %dma_start3A_115 = arith.constant 0 : i32
        %dma_start3A_116 = tpu.memref_slice %arg12[%run_scoped3A, %dma_start3A_114, %dma_start3A_115] : memref<2x128x128xf32, #tpu.memory_space<vmem>> -> memref<1x16x128xf32, #tpu.memory_space<vmem>>
        %dma_start3A_117 = tpu.memref_squeeze %dma_start3A_116 : memref<1x16x128xf32, #tpu.memory_space<vmem>> -> memref<16x128xf32, #tpu.memory_space<vmem>>
        %dma_start3A_118 = arith.constant 9984 : i32
        %dma_start3A_119 = arith.constant 0 : i32
        %dma_start3A_120 = tpu.memref_slice %arg16[%dma_start3A_118, %dma_start3A_119] : memref<10000x128xf32, #tpu.memory_space<vmem_shared>> -> memref<16x128xf32, #tpu.memory_space<vmem_shared>>
        tpu.enqueue_dma source(%dma_start3A_120 : memref<16x128xf32, #tpu.memory_space<vmem_shared>>) target(%dma_start3A_117 : memref<16x128xf32, #tpu.memory_space<vmem>>) target_semaphore(%run_scoped3A_107 : memref<!tpu.dma_semaphore, #tpu.memory_space<semaphore_mem>>)
        %dma_wait3A = arith.constant 0 : i32
        %dma_wait3A_121 = arith.constant 0 : i32
        %dma_wait3A_122 = tpu.memref_slice %arg12[%run_scoped3A, %dma_wait3A, %dma_wait3A_121] : memref<2x128x128xf32, #tpu.memory_space<vmem>> -> memref<1x16x128xf32, #tpu.memory_space<vmem>>
        %dma_wait3A_123 = tpu.memref_squeeze %dma_wait3A_122 : memref<1x16x128xf32, #tpu.memory_space<vmem>> -> memref<16x128xf32, #tpu.memory_space<vmem>>
        %dma_wait3A_124 = arith.constant 9984 : i32
        %dma_wait3A_125 = arith.constant 0 : i32
        %dma_wait3A_126 = tpu.memref_slice %arg16[%dma_wait3A_124, %dma_wait3A_125] : memref<10000x128xf32, #tpu.memory_space<vmem_shared>> -> memref<16x128xf32, #tpu.memory_space<vmem_shared>>
        %dma_wait3A_127 = arith.constant 0 : i32
        %dma_wait3A_128 = arith.constant 0 : i32
        %dma_wait3A_129 = tpu.memref_slice %arg12[%run_scoped3A, %dma_wait3A_127, %dma_wait3A_128] : memref<2x128x128xf32, #tpu.memory_space<vmem>> -> memref<1x16x128xf32, #tpu.memory_space<vmem>>
        %dma_wait3A_130 = tpu.memref_squeeze %dma_wait3A_129 : memref<1x16x128xf32, #tpu.memory_space<vmem>> -> memref<16x128xf32, #tpu.memory_space<vmem>>
        %dma_wait3A_131 = arith.constant 9984 : i32
        %dma_wait3A_132 = arith.constant 0 : i32
        %dma_wait3A_133 = tpu.memref_slice %arg16[%dma_wait3A_131, %dma_wait3A_132] : memref<10000x128xf32, #tpu.memory_space<vmem_shared>> -> memref<16x128xf32, #tpu.memory_space<vmem_shared>>
        tpu.wait_dma2 semaphore(%run_scoped3A_107 : memref<!tpu.dma_semaphore, #tpu.memory_space<semaphore_mem>>) src(%dma_wait3A_133 : memref<16x128xf32, #tpu.memory_space<vmem_shared>>) dst(%dma_wait3A_130 : memref<16x128xf32, #tpu.memory_space<vmem>>)
        tpu.yield
      }) : () -> ()
      %mul3A_102 = arith.constant 10000 : i32
      %mul3A_103 = arith.muli %arg0, %mul3A_102 : i32
      %add3A_104 = arith.constant 9984 : i32
      %add3A_105 = arith.addi %mul3A_103, %add3A_104 : i32
      %run_scoped3A_106 = arith.constant 0 : i32
      "tpu.region"() ({
        %run_scoped3A_107 = tpu.sem_alloc : memref<!tpu.dma_semaphore, #tpu.memory_space<semaphore_mem>>
        %dma_start3A = arith.constant 0 : i32
        %dma_start3A_108 = arith.constant 0 : i32
        %dma_start3A_109 = tpu.memref_slice %arg12[%run_scoped3A_106, %dma_start3A, %dma_start3A_108] : memref<2x128x128xf32, #tpu.memory_space<vmem>> -> memref<1x16x128xf32, #tpu.memory_space<vmem>>
        %dma_start3A_110 = tpu.memref_squeeze %dma_start3A_109 : memref<1x16x128xf32, #tpu.memory_space<vmem>> -> memref<16x128xf32, #tpu.memory_space<vmem>>
        %dma_start3A_111 = arith.constant 0 : i32
        %dma_start3A_112 = tpu.memref_slice %arg6[%add3A_105, %dma_start3A_111] : memref<20000x128xf32, #tpu.memory_space<hbm>> -> memref<16x128xf32, #tpu.memory_space<hbm>>
        %dma_start3A_113 = arith.constant 0 : i32
        %dma_start3A_114 = tpu.memref_slice %arg6[%add3A_105, %dma_start3A_113] : memref<20000x128xf32, #tpu.memory_space<hbm>> -> memref<16x128xf32, #tpu.memory_space<hbm>>
        %dma_start3A_115 = arith.constant 0 : i32
        %dma_start3A_116 = arith.constant 0 : i32
        %dma_start3A_117 = tpu.memref_slice %arg12[%run_scoped3A_106, %dma_start3A_115, %dma_start3A_116] : memref<2x128x128xf32, #tpu.memory_space<vmem>> -> memref<1x16x128xf32, #tpu.memory_space<vmem>>
        %dma_start3A_118 = tpu.memref_squeeze %dma_start3A_117 : memref<1x16x128xf32, #tpu.memory_space<vmem>> -> memref<16x128xf32, #tpu.memory_space<vmem>>
        tpu.enqueue_dma source(%dma_start3A_118 : memref<16x128xf32, #tpu.memory_space<vmem>>) target(%dma_start3A_114 : memref<16x128xf32, #tpu.memory_space<hbm>>) target_semaphore(%run_scoped3A_107 : memref<!tpu.dma_semaphore, #tpu.memory_space<semaphore_mem>>)
        %dma_wait3A = arith.constant 0 : i32
        %dma_wait3A_119 = arith.constant 0 : i32
        %dma_wait3A_120 = tpu.memref_slice %arg12[%run_scoped3A_106, %dma_wait3A, %dma_wait3A_119] : memref<2x128x128xf32, #tpu.memory_space<vmem>> -> memref<1x16x128xf32, #tpu.memory_space<vmem>>
        %dma_wait3A_121 = tpu.memref_squeeze %dma_wait3A_120 : memref<1x16x128xf32, #tpu.memory_space<vmem>> -> memref<16x128xf32, #tpu.memory_space<vmem>>
        %dma_wait3A_122 = arith.constant 0 : i32
        %dma_wait3A_123 = tpu.memref_slice %arg6[%add3A_105, %dma_wait3A_122] : memref<20000x128xf32, #tpu.memory_space<hbm>> -> memref<16x128xf32, #tpu.memory_space<hbm>>
        %dma_wait3A_124 = arith.constant 0 : i32
        %dma_wait3A_125 = tpu.memref_slice %arg6[%add3A_105, %dma_wait3A_124] : memref<20000x128xf32, #tpu.memory_space<hbm>> -> memref<16x128xf32, #tpu.memory_space<hbm>>
        %dma_wait3A_126 = arith.constant 0 : i32
        %dma_wait3A_127 = arith.constant 0 : i32
        %dma_wait3A_128 = tpu.memref_slice %arg12[%run_scoped3A_106, %dma_wait3A_126, %dma_wait3A_127] : memref<2x128x128xf32, #tpu.memory_space<vmem>> -> memref<1x16x128xf32, #tpu.memory_space<vmem>>
        %dma_wait3A_129 = tpu.memref_squeeze %dma_wait3A_128 : memref<1x16x128xf32, #tpu.memory_space<vmem>> -> memref<16x128xf32, #tpu.memory_space<vmem>>
        tpu.wait_dma2 semaphore(%run_scoped3A_107 : memref<!tpu.dma_semaphore, #tpu.memory_space<semaphore_mem>>) src(%dma_wait3A_129 : memref<16x128xf32, #tpu.memory_space<vmem>>) dst(%dma_wait3A_125 : memref<16x128xf32, #tpu.memory_space<hbm>>)
        tpu.yield
      }) : () -> ()
    } else {
    }
    %mul3A_90 = arith.constant 10000 : i32
    %mul3A_91 = arith.muli %arg0, %mul3A_90 : i32
    %mul3A_92 = arith.constant 624 : i32
    %mul3A_93 = arith.muli %arg1, %mul3A_92 : i32
    "tpu.region"() ({
      %run_scoped3A = tpu.sem_alloc : memref<!tpu.dma_semaphore, #tpu.memory_space<semaphore_mem>>
      %dma_start3A = arith.constant 0 : i32
      %dma_start3A_102 = tpu.memref_slice %arg15[%dma_start3A] : memref<640xf32, #tpu.memory_space<vmem>> -> memref<624xf32, #tpu.memory_space<vmem>>
      %dma_start3A_103 = tpu.memref_slice %arg17[%mul3A_93] : memref<10112xf32, #tpu.memory_space<vmem_shared>> -> memref<624xf32, #tpu.memory_space<vmem_shared>>
      %dma_start3A_104 = arith.constant 0 : i32
      %dma_start3A_105 = tpu.memref_slice %arg15[%dma_start3A_104] : memref<640xf32, #tpu.memory_space<vmem>> -> memref<624xf32, #tpu.memory_space<vmem>>
      %dma_start3A_106 = tpu.memref_slice %arg17[%mul3A_93] : memref<10112xf32, #tpu.memory_space<vmem_shared>> -> memref<624xf32, #tpu.memory_space<vmem_shared>>
      tpu.enqueue_dma source(%dma_start3A_106 : memref<624xf32, #tpu.memory_space<vmem_shared>>) target(%dma_start3A_105 : memref<624xf32, #tpu.memory_space<vmem>>) target_semaphore(%run_scoped3A : memref<!tpu.dma_semaphore, #tpu.memory_space<semaphore_mem>>)
      %dma_wait3A = arith.constant 0 : i32
      %dma_wait3A_107 = tpu.memref_slice %arg15[%dma_wait3A] : memref<640xf32, #tpu.memory_space<vmem>> -> memref<624xf32, #tpu.memory_space<vmem>>
      %dma_wait3A_108 = tpu.memref_slice %arg17[%mul3A_93] : memref<10112xf32, #tpu.memory_space<vmem_shared>> -> memref<624xf32, #tpu.memory_space<vmem_shared>>
      %dma_wait3A_109 = arith.constant 0 : i32
      %dma_wait3A_110 = tpu.memref_slice %arg15[%dma_wait3A_109] : memref<640xf32, #tpu.memory_space<vmem>> -> memref<624xf32, #tpu.memory_space<vmem>>
      %dma_wait3A_111 = tpu.memref_slice %arg17[%mul3A_93] : memref<10112xf32, #tpu.memory_space<vmem_shared>> -> memref<624xf32, #tpu.memory_space<vmem_shared>>
      tpu.wait_dma2 semaphore(%run_scoped3A : memref<!tpu.dma_semaphore, #tpu.memory_space<semaphore_mem>>) src(%dma_wait3A_111 : memref<624xf32, #tpu.memory_space<vmem_shared>>) dst(%dma_wait3A_110 : memref<624xf32, #tpu.memory_space<vmem>>)
      tpu.yield
    }) : () -> ()
    %mul3A_94 = arith.constant 624 : i32
    %mul3A_95 = arith.muli %arg1, %mul3A_94 : i32
    %add3A_96 = arith.addi %mul3A_91, %mul3A_95 : i32
    "tpu.region"() ({
      %run_scoped3A = tpu.sem_alloc : memref<!tpu.dma_semaphore, #tpu.memory_space<semaphore_mem>>
      %dma_start3A = arith.constant 0 : i32
      %dma_start3A_102 = tpu.memref_slice %arg15[%dma_start3A] : memref<640xf32, #tpu.memory_space<vmem>> -> memref<624xf32, #tpu.memory_space<vmem>>
      %dma_start3A_103 = tpu.memref_slice %arg7[%add3A_96] : memref<20000xf32, #tpu.memory_space<hbm>> -> memref<624xf32, #tpu.memory_space<hbm>>
      %dma_start3A_104 = tpu.memref_slice %arg7[%add3A_96] : memref<20000xf32, #tpu.memory_space<hbm>> -> memref<624xf32, #tpu.memory_space<hbm>>
      %dma_start3A_105 = arith.constant 0 : i32
      %dma_start3A_106 = tpu.memref_slice %arg15[%dma_start3A_105] : memref<640xf32, #tpu.memory_space<vmem>> -> memref<624xf32, #tpu.memory_space<vmem>>
      tpu.enqueue_dma source(%dma_start3A_106 : memref<624xf32, #tpu.memory_space<vmem>>) target(%dma_start3A_104 : memref<624xf32, #tpu.memory_space<hbm>>) target_semaphore(%run_scoped3A : memref<!tpu.dma_semaphore, #tpu.memory_space<semaphore_mem>>)
      %dma_wait3A = arith.constant 0 : i32
      %dma_wait3A_107 = tpu.memref_slice %arg15[%dma_wait3A] : memref<640xf32, #tpu.memory_space<vmem>> -> memref<624xf32, #tpu.memory_space<vmem>>
      %dma_wait3A_108 = tpu.memref_slice %arg7[%add3A_96] : memref<20000xf32, #tpu.memory_space<hbm>> -> memref<624xf32, #tpu.memory_space<hbm>>
      %dma_wait3A_109 = tpu.memref_slice %arg7[%add3A_96] : memref<20000xf32, #tpu.memory_space<hbm>> -> memref<624xf32, #tpu.memory_space<hbm>>
      %dma_wait3A_110 = arith.constant 0 : i32
      %dma_wait3A_111 = tpu.memref_slice %arg15[%dma_wait3A_110] : memref<640xf32, #tpu.memory_space<vmem>> -> memref<624xf32, #tpu.memory_space<vmem>>
      tpu.wait_dma2 semaphore(%run_scoped3A : memref<!tpu.dma_semaphore, #tpu.memory_space<semaphore_mem>>) src(%dma_wait3A_111 : memref<624xf32, #tpu.memory_space<vmem>>) dst(%dma_wait3A_109 : memref<624xf32, #tpu.memory_space<hbm>>)
      tpu.yield
    }) : () -> ()
    %eq3A_97 = arith.constant 15 : i32
    %eq3A_98 = arith.cmpi eq, %arg1, %eq3A_97 : i32
    %convert_element_type3A_99 = arith.extui %eq3A_98 : i1 to i32
    %cond3A_100 = arith.constant 0 : i32
    %cond3A_101 = arith.cmpi ne, %convert_element_type3A_99, %cond3A_100 : i32
    scf.if %cond3A_101 {
      "tpu.region"() ({
        %run_scoped3A = tpu.sem_alloc : memref<!tpu.dma_semaphore, #tpu.memory_space<semaphore_mem>>
        %dma_start3A = arith.constant 0 : i32
        %dma_start3A_104 = tpu.memref_slice %arg15[%dma_start3A] : memref<640xf32, #tpu.memory_space<vmem>> -> memref<16xf32, #tpu.memory_space<vmem>>
        %dma_start3A_105 = arith.constant 9984 : i32
        %dma_start3A_106 = tpu.memref_slice %arg17[%dma_start3A_105] : memref<10112xf32, #tpu.memory_space<vmem_shared>> -> memref<16xf32, #tpu.memory_space<vmem_shared>>
        %dma_start3A_107 = arith.constant 0 : i32
        %dma_start3A_108 = tpu.memref_slice %arg15[%dma_start3A_107] : memref<640xf32, #tpu.memory_space<vmem>> -> memref<16xf32, #tpu.memory_space<vmem>>
        %dma_start3A_109 = arith.constant 9984 : i32
        %dma_start3A_110 = tpu.memref_slice %arg17[%dma_start3A_109] : memref<10112xf32, #tpu.memory_space<vmem_shared>> -> memref<16xf32, #tpu.memory_space<vmem_shared>>
        tpu.enqueue_dma source(%dma_start3A_110 : memref<16xf32, #tpu.memory_space<vmem_shared>>) target(%dma_start3A_108 : memref<16xf32, #tpu.memory_space<vmem>>) target_semaphore(%run_scoped3A : memref<!tpu.dma_semaphore, #tpu.memory_space<semaphore_mem>>)
        %dma_wait3A = arith.constant 0 : i32
        %dma_wait3A_111 = tpu.memref_slice %arg15[%dma_wait3A] : memref<640xf32, #tpu.memory_space<vmem>> -> memref<16xf32, #tpu.memory_space<vmem>>
        %dma_wait3A_112 = arith.constant 9984 : i32
        %dma_wait3A_113 = tpu.memref_slice %arg17[%dma_wait3A_112] : memref<10112xf32, #tpu.memory_space<vmem_shared>> -> memref<16xf32, #tpu.memory_space<vmem_shared>>
        %dma_wait3A_114 = arith.constant 0 : i32
        %dma_wait3A_115 = tpu.memref_slice %arg15[%dma_wait3A_114] : memref<640xf32, #tpu.memory_space<vmem>> -> memref<16xf32, #tpu.memory_space<vmem>>
        %dma_wait3A_116 = arith.constant 9984 : i32
        %dma_wait3A_117 = tpu.memref_slice %arg17[%dma_wait3A_116] : memref<10112xf32, #tpu.memory_space<vmem_shared>> -> memref<16xf32, #tpu.memory_space<vmem_shared>>
        tpu.wait_dma2 semaphore(%run_scoped3A : memref<!tpu.dma_semaphore, #tpu.memory_space<semaphore_mem>>) src(%dma_wait3A_117 : memref<16xf32, #tpu.memory_space<vmem_shared>>) dst(%dma_wait3A_115 : memref<16xf32, #tpu.memory_space<vmem>>)
        tpu.yield
      }) : () -> ()
      %add3A_102 = arith.constant 9984 : i32
      %add3A_103 = arith.addi %mul3A_91, %add3A_102 : i32
      "tpu.region"() ({
        %run_scoped3A = tpu.sem_alloc : memref<!tpu.dma_semaphore, #tpu.memory_space<semaphore_mem>>
        %dma_start3A = arith.constant 0 : i32
        %dma_start3A_104 = tpu.memref_slice %arg15[%dma_start3A] : memref<640xf32, #tpu.memory_space<vmem>> -> memref<16xf32, #tpu.memory_space<vmem>>
        %dma_start3A_105 = tpu.memref_slice %arg7[%add3A_103] : memref<20000xf32, #tpu.memory_space<hbm>> -> memref<16xf32, #tpu.memory_space<hbm>>
        %dma_start3A_106 = tpu.memref_slice %arg7[%add3A_103] : memref<20000xf32, #tpu.memory_space<hbm>> -> memref<16xf32, #tpu.memory_space<hbm>>
        %dma_start3A_107 = arith.constant 0 : i32
        %dma_start3A_108 = tpu.memref_slice %arg15[%dma_start3A_107] : memref<640xf32, #tpu.memory_space<vmem>> -> memref<16xf32, #tpu.memory_space<vmem>>
        tpu.enqueue_dma source(%dma_start3A_108 : memref<16xf32, #tpu.memory_space<vmem>>) target(%dma_start3A_106 : memref<16xf32, #tpu.memory_space<hbm>>) target_semaphore(%run_scoped3A : memref<!tpu.dma_semaphore, #tpu.memory_space<semaphore_mem>>)
        %dma_wait3A = arith.constant 0 : i32
        %dma_wait3A_109 = tpu.memref_slice %arg15[%dma_wait3A] : memref<640xf32, #tpu.memory_space<vmem>> -> memref<16xf32, #tpu.memory_space<vmem>>
        %dma_wait3A_110 = tpu.memref_slice %arg7[%add3A_103] : memref<20000xf32, #tpu.memory_space<hbm>> -> memref<16xf32, #tpu.memory_space<hbm>>
        %dma_wait3A_111 = tpu.memref_slice %arg7[%add3A_103] : memref<20000xf32, #tpu.memory_space<hbm>> -> memref<16xf32, #tpu.memory_space<hbm>>
        %dma_wait3A_112 = arith.constant 0 : i32
        %dma_wait3A_113 = tpu.memref_slice %arg15[%dma_wait3A_112] : memref<640xf32, #tpu.memory_space<vmem>> -> memref<16xf32, #tpu.memory_space<vmem>>
        tpu.wait_dma2 semaphore(%run_scoped3A : memref<!tpu.dma_semaphore, #tpu.memory_space<semaphore_mem>>) src(%dma_wait3A_113 : memref<16xf32, #tpu.memory_space<vmem>>) dst(%dma_wait3A_111 : memref<16xf32, #tpu.memory_space<hbm>>)
        tpu.yield
      }) : () -> ()
    } else {
    }
    return
  }
}

module attributes {stable_mosaic.version = 14 : i64} {
  func.func @_tca_body(%arg0: memref<2x10000x128xf32, #tpu.memory_space<vmem>>, %arg1: memref<2x10000xf32, #tpu.memory_space<vmem>>, %arg2: memref<2x128x128xf32, #tpu.memory_space<vmem>>, %arg3: memref<2x10000xf32, #tpu.memory_space<vmem>>, %arg4: memref<2x10000x128xf32, #tpu.memory_space<vmem>>) attributes {dimension_semantics = [], scalar_prefetch = 0 : i64, scratch_operands = 0 : i64, tpu.core_type = #tpu.core_type<tc>} {
    %get3A = arith.constant 0 : index
    %get3A_0 = arith.constant 0 : index
    %get3A_1 = vector.load %arg1[%get3A, %get3A_0] : memref<2x10000xf32, #tpu.memory_space<vmem>>, vector<2x10000xf32>
    %max3A = arith.constant 1.000000e+00 : f32
    %max3A_2 = vector.broadcast %max3A : f32 to vector<2x10000xf32>
    %max3A_3 = arith.maximumf %get3A_1, %max3A_2 : vector<2x10000xf32>
    %rsqrt3A = math.rsqrt %max3A_3 : vector<2x10000xf32>
    %swap3A = arith.constant 0 : index
    %swap3A_4 = arith.constant 0 : index
    %swap3A_5 = vector.load %arg3[%swap3A, %swap3A_4] : memref<2x10000xf32, #tpu.memory_space<vmem>>, vector<2x10000xf32>
    tpu.vector_store %arg3[%swap3A, %swap3A_4], %rsqrt3A {strides = array<i32>} : memref<2x10000xf32, #tpu.memory_space<vmem>>, vector<2x10000xf32>,
    %get3A_6 = arith.constant 0 : index
    %get3A_7 = arith.constant 0 : index
    %get3A_8 = arith.constant 0 : index
    %get3A_9 = vector.load %arg0[%get3A_6, %get3A_7, %get3A_8] : memref<2x10000x128xf32, #tpu.memory_space<vmem>>, vector<1x10000x128xf32>
    %get3A_10 = vector.shape_cast %get3A_9 : vector<1x10000x128xf32> to vector<10000x128xf32>
    %get3A_11 = arith.constant 0 : index
    %get3A_12 = arith.constant 0 : index
    %get3A_13 = arith.constant 0 : index
    %get3A_14 = vector.load %arg2[%get3A_11, %get3A_12, %get3A_13] : memref<2x128x128xf32, #tpu.memory_space<vmem>>, vector<1x128x128xf32>
    %get3A_15 = vector.shape_cast %get3A_14 : vector<1x128x128xf32> to vector<128x128xf32>
    %dot_general3A = arith.constant dense<0.000000e+00> : vector<10000x128xf32>
    %dot_general3A_16 = tpu.matmul %get3A_10, %get3A_15, %dot_general3A {dimension_numbers = #tpu.dot_dimension_numbers<[1], [0], [0], [1], [0, 0, 1, 1], [], []>, precision = #tpu.contract_precision<fp32>, transpose_lhs_hint = false} : vector<10000x128xf32>, vector<128x128xf32>, vector<10000x128xf32> -> vector<10000x128xf32>
    %slice3A = vector.extract_strided_slice %rsqrt3A {offsets = [0, 0], sizes = [1, 10000], strides = [1, 1]} : vector<2x10000xf32> to vector<1x10000xf32>
    %squeeze3A = vector.shape_cast %slice3A : vector<1x10000xf32> to vector<10000xf32>
    %broadcast_in_dim3A = vector.shape_cast %squeeze3A : vector<10000xf32> to vector<10000x1xf32>
    %mul3A = vector.broadcast %broadcast_in_dim3A : vector<10000x1xf32> to vector<10000x128xf32>
    %mul3A_17 = arith.mulf %mul3A, %dot_general3A_16 : vector<10000x128xf32>
    %swap3A_18 = arith.constant 0 : index
    %swap3A_19 = arith.constant 0 : index
    %swap3A_20 = arith.constant 0 : index
    %swap3A_21 = vector.load %arg4[%swap3A_18, %swap3A_19, %swap3A_20] : memref<2x10000x128xf32, #tpu.memory_space<vmem>>, vector<1x10000x128xf32>
    %swap3A_22 = vector.shape_cast %swap3A_21 : vector<1x10000x128xf32> to vector<10000x128xf32>
    %swap3A_23 = vector.shape_cast %mul3A_17 : vector<10000x128xf32> to vector<1x10000x128xf32>
    tpu.vector_store %arg4[%swap3A_18, %swap3A_19, %swap3A_20], %swap3A_23 {strides = array<i32>} : memref<2x10000x128xf32, #tpu.memory_space<vmem>>, vector<1x10000x128xf32>,
    %get3A_24 = arith.constant 1 : index
    %get3A_25 = arith.constant 0 : index
    %get3A_26 = arith.constant 0 : index
    %get3A_27 = vector.load %arg0[%get3A_24, %get3A_25, %get3A_26] : memref<2x10000x128xf32, #tpu.memory_space<vmem>>, vector<1x10000x128xf32>
    %get3A_28 = vector.shape_cast %get3A_27 : vector<1x10000x128xf32> to vector<10000x128xf32>
    %get3A_29 = arith.constant 1 : index
    %get3A_30 = arith.constant 0 : index
    %get3A_31 = arith.constant 0 : index
    %get3A_32 = vector.load %arg2[%get3A_29, %get3A_30, %get3A_31] : memref<2x128x128xf32, #tpu.memory_space<vmem>>, vector<1x128x128xf32>
    %get3A_33 = vector.shape_cast %get3A_32 : vector<1x128x128xf32> to vector<128x128xf32>
    %dot_general3A_34 = arith.constant dense<0.000000e+00> : vector<10000x128xf32>
    %dot_general3A_35 = tpu.matmul %get3A_28, %get3A_33, %dot_general3A_34 {dimension_numbers = #tpu.dot_dimension_numbers<[1], [0], [0], [1], [0, 0, 1, 1], [], []>, precision = #tpu.contract_precision<fp32>, transpose_lhs_hint = false} : vector<10000x128xf32>, vector<128x128xf32>, vector<10000x128xf32> -> vector<10000x128xf32>
    %slice3A_36 = vector.extract_strided_slice %rsqrt3A {offsets = [1, 0], sizes = [1, 10000], strides = [1, 1]} : vector<2x10000xf32> to vector<1x10000xf32>
    %squeeze3A_37 = vector.shape_cast %slice3A_36 : vector<1x10000xf32> to vector<10000xf32>
    %broadcast_in_dim3A_38 = vector.shape_cast %squeeze3A_37 : vector<10000xf32> to vector<10000x1xf32>
    %mul3A_39 = vector.broadcast %broadcast_in_dim3A_38 : vector<10000x1xf32> to vector<10000x128xf32>
    %mul3A_40 = arith.mulf %mul3A_39, %dot_general3A_35 : vector<10000x128xf32>
    %swap3A_41 = arith.constant 1 : index
    %swap3A_42 = arith.constant 0 : index
    %swap3A_43 = arith.constant 0 : index
    %swap3A_44 = vector.load %arg4[%swap3A_41, %swap3A_42, %swap3A_43] : memref<2x10000x128xf32, #tpu.memory_space<vmem>>, vector<1x10000x128xf32>
    %swap3A_45 = vector.shape_cast %swap3A_44 : vector<1x10000x128xf32> to vector<10000x128xf32>
    %swap3A_46 = vector.shape_cast %mul3A_40 : vector<10000x128xf32> to vector<1x10000x128xf32>
    tpu.vector_store %arg4[%swap3A_41, %swap3A_42, %swap3A_43], %swap3A_46 {strides = array<i32>} : memref<2x10000x128xf32, #tpu.memory_space<vmem>>, vector<1x10000x128xf32>,
    return
  }
}

module attributes {stable_mosaic.version = 14 : i64} {
  func.func @_tcb_body(%arg0: memref<2x10000x128xf32, #tpu.memory_space<vmem>>, %arg1: memref<2x10000xf32, #tpu.memory_space<vmem>>, %arg2: memref<2x10000xf32, #tpu.memory_space<vmem>>, %arg3: memref<2x128x128xf32, #tpu.memory_space<vmem>>, %arg4: memref<2x128xf32, #tpu.memory_space<vmem>>) attributes {dimension_semantics = [], scalar_prefetch = 0 : i64, scratch_operands = 0 : i64, tpu.core_type = #tpu.core_type<tc>} {
    %get3A = arith.constant 0 : index
    %get3A_0 = arith.constant 0 : index
    %get3A_1 = vector.load %arg1[%get3A, %get3A_0] : memref<2x10000xf32, #tpu.memory_space<vmem>>, vector<1x10000xf32>
    %get3A_2 = vector.shape_cast %get3A_1 : vector<1x10000xf32> to vector<10000xf32>
    %broadcast_in_dim3A = vector.shape_cast %get3A_2 : vector<10000xf32> to vector<10000x1xf32>
    %get3A_3 = arith.constant 0 : index
    %get3A_4 = arith.constant 0 : index
    %get3A_5 = arith.constant 0 : index
    %get3A_6 = vector.load %arg0[%get3A_3, %get3A_4, %get3A_5] : memref<2x10000x128xf32, #tpu.memory_space<vmem>>, vector<1x10000x128xf32>
    %get3A_7 = vector.shape_cast %get3A_6 : vector<1x10000x128xf32> to vector<10000x128xf32>
    %mul3A = vector.broadcast %broadcast_in_dim3A : vector<10000x1xf32> to vector<10000x128xf32>
    %mul3A_8 = arith.mulf %mul3A, %get3A_7 : vector<10000x128xf32>
    %ge3A = arith.constant 0.000000e+00 : f32
    %ge3A_9 = vector.broadcast %ge3A : f32 to vector<10000x128xf32>
    %ge3A_10 = arith.cmpf oge, %mul3A_8, %ge3A_9 : vector<10000x128xf32>
    %mul3A_11 = arith.constant 0.00999999977 : f32
    %mul3A_12 = vector.broadcast %mul3A_11 : f32 to vector<10000x128xf32>
    %mul3A_13 = arith.mulf %mul3A_12, %mul3A_8 : vector<10000x128xf32>
    %select_n3A = arith.select %ge3A_10, %mul3A_8, %mul3A_13 : vector<10000x128xi1>, vector<10000x128xf32>
    %get3A_14 = arith.constant 0 : index
    %get3A_15 = arith.constant 0 : index
    %get3A_16 = vector.load %arg2[%get3A_14, %get3A_15] : memref<2x10000xf32, #tpu.memory_space<vmem>>, vector<1x10000xf32>
    %get3A_17 = vector.shape_cast %get3A_16 : vector<1x10000xf32> to vector<10000xf32>
    %mul3A_18 = arith.mulf %get3A_2, %get3A_17 : vector<10000xf32>
    %broadcast_in_dim3A_19 = vector.shape_cast %mul3A_18 : vector<10000xf32> to vector<1x10000xf32>
    %dot_general3A = arith.constant dense<0.000000e+00> : vector<1x128xf32>
    %dot_general3A_20 = tpu.matmul %broadcast_in_dim3A_19, %select_n3A, %dot_general3A {dimension_numbers = #tpu.dot_dimension_numbers<[1], [0], [0], [1], [0, 0, 1, 1], [], []>, precision = #tpu.contract_precision<fp32>, transpose_lhs_hint = false} : vector<1x10000xf32>, vector<10000x128xf32>, vector<1x128xf32> -> vector<1x128xf32>
    %get3A_21 = arith.constant 0 : index
    %get3A_22 = arith.constant 0 : index
    %get3A_23 = arith.constant 0 : index
    %get3A_24 = vector.load %arg3[%get3A_21, %get3A_22, %get3A_23] : memref<2x128x128xf32, #tpu.memory_space<vmem>>, vector<1x128x128xf32>
    %get3A_25 = vector.shape_cast %get3A_24 : vector<1x128x128xf32> to vector<128x128xf32>
    %dot_general3A_26 = arith.constant dense<0.000000e+00> : vector<1x128xf32>
    %dot_general3A_27 = tpu.matmul %dot_general3A_20, %get3A_25, %dot_general3A_26 {dimension_numbers = #tpu.dot_dimension_numbers<[1], [0], [0], [1], [0, 0, 1, 1], [], []>, precision = #tpu.contract_precision<fp32>, transpose_lhs_hint = false} : vector<1x128xf32>, vector<128x128xf32>, vector<1x128xf32> -> vector<1x128xf32>
    %div3A = arith.constant 1.000000e+04 : f32
    %div3A_28 = vector.broadcast %div3A : f32 to vector<1x128xf32>
    %div3A_29 = arith.divf %dot_general3A_27, %div3A_28 : vector<1x128xf32>
    %squeeze3A = vector.shape_cast %div3A_29 : vector<1x128xf32> to vector<128xf32>
    %swap3A = arith.constant 0 : index
    %swap3A_30 = arith.constant 0 : index
    %swap3A_31 = vector.load %arg4[%swap3A, %swap3A_30] : memref<2x128xf32, #tpu.memory_space<vmem>>, vector<1x128xf32>
    %swap3A_32 = vector.shape_cast %swap3A_31 : vector<1x128xf32> to vector<128xf32>
    %swap3A_33 = vector.shape_cast %squeeze3A : vector<128xf32> to vector<1x128xf32>
    tpu.vector_store %arg4[%swap3A, %swap3A_30], %swap3A_33 {strides = array<i32>} : memref<2x128xf32, #tpu.memory_space<vmem>>, vector<1x128xf32>,
    %get3A_34 = arith.constant 1 : index
    %get3A_35 = arith.constant 0 : index
    %get3A_36 = vector.load %arg1[%get3A_34, %get3A_35] : memref<2x10000xf32, #tpu.memory_space<vmem>>, vector<1x10000xf32>
    %get3A_37 = vector.shape_cast %get3A_36 : vector<1x10000xf32> to vector<10000xf32>
    %broadcast_in_dim3A_38 = vector.shape_cast %get3A_37 : vector<10000xf32> to vector<10000x1xf32>
    %get3A_39 = arith.constant 1 : index
    %get3A_40 = arith.constant 0 : index
    %get3A_41 = arith.constant 0 : index
    %get3A_42 = vector.load %arg0[%get3A_39, %get3A_40, %get3A_41] : memref<2x10000x128xf32, #tpu.memory_space<vmem>>, vector<1x10000x128xf32>
    %get3A_43 = vector.shape_cast %get3A_42 : vector<1x10000x128xf32> to vector<10000x128xf32>
    %mul3A_44 = vector.broadcast %broadcast_in_dim3A_38 : vector<10000x1xf32> to vector<10000x128xf32>
    %mul3A_45 = arith.mulf %mul3A_44, %get3A_43 : vector<10000x128xf32>
    %ge3A_46 = arith.constant 0.000000e+00 : f32
    %ge3A_47 = vector.broadcast %ge3A_46 : f32 to vector<10000x128xf32>
    %ge3A_48 = arith.cmpf oge, %mul3A_45, %ge3A_47 : vector<10000x128xf32>
    %mul3A_49 = arith.constant 0.00999999977 : f32
    %mul3A_50 = vector.broadcast %mul3A_49 : f32 to vector<10000x128xf32>
    %mul3A_51 = arith.mulf %mul3A_50, %mul3A_45 : vector<10000x128xf32>
    %select_n3A_52 = arith.select %ge3A_48, %mul3A_45, %mul3A_51 : vector<10000x128xi1>, vector<10000x128xf32>
    %get3A_53 = arith.constant 1 : index
    %get3A_54 = arith.constant 0 : index
    %get3A_55 = vector.load %arg2[%get3A_53, %get3A_54] : memref<2x10000xf32, #tpu.memory_space<vmem>>, vector<1x10000xf32>
    %get3A_56 = vector.shape_cast %get3A_55 : vector<1x10000xf32> to vector<10000xf32>
    %mul3A_57 = arith.mulf %get3A_37, %get3A_56 : vector<10000xf32>
    %broadcast_in_dim3A_58 = vector.shape_cast %mul3A_57 : vector<10000xf32> to vector<1x10000xf32>
    %dot_general3A_59 = arith.constant dense<0.000000e+00> : vector<1x128xf32>
    %dot_general3A_60 = tpu.matmul %broadcast_in_dim3A_58, %select_n3A_52, %dot_general3A_59 {dimension_numbers = #tpu.dot_dimension_numbers<[1], [0], [0], [1], [0, 0, 1, 1], [], []>, precision = #tpu.contract_precision<fp32>, transpose_lhs_hint = false} : vector<1x10000xf32>, vector<10000x128xf32>, vector<1x128xf32> -> vector<1x128xf32>
    %get3A_61 = arith.constant 1 : index
    %get3A_62 = arith.constant 0 : index
    %get3A_63 = arith.constant 0 : index
    %get3A_64 = vector.load %arg3[%get3A_61, %get3A_62, %get3A_63] : memref<2x128x128xf32, #tpu.memory_space<vmem>>, vector<1x128x128xf32>
    %get3A_65 = vector.shape_cast %get3A_64 : vector<1x128x128xf32> to vector<128x128xf32>
    %dot_general3A_66 = arith.constant dense<0.000000e+00> : vector<1x128xf32>
    %dot_general3A_67 = tpu.matmul %dot_general3A_60, %get3A_65, %dot_general3A_66 {dimension_numbers = #tpu.dot_dimension_numbers<[1], [0], [0], [1], [0, 0, 1, 1], [], []>, precision = #tpu.contract_precision<fp32>, transpose_lhs_hint = false} : vector<1x128xf32>, vector<128x128xf32>, vector<1x128xf32> -> vector<1x128xf32>
    %div3A_68 = arith.constant 1.000000e+04 : f32
    %div3A_69 = vector.broadcast %div3A_68 : f32 to vector<1x128xf32>
    %div3A_70 = arith.divf %dot_general3A_67, %div3A_69 : vector<1x128xf32>
    %squeeze3A_71 = vector.shape_cast %div3A_70 : vector<1x128xf32> to vector<128xf32>
    %swap3A_72 = arith.constant 1 : index
    %swap3A_73 = arith.constant 0 : index
    %swap3A_74 = vector.load %arg4[%swap3A_72, %swap3A_73] : memref<2x128xf32, #tpu.memory_space<vmem>>, vector<1x128xf32>
    %swap3A_75 = vector.shape_cast %swap3A_74 : vector<1x128xf32> to vector<128xf32>
    %swap3A_76 = vector.shape_cast %squeeze3A_71 : vector<128xf32> to vector<1x128xf32>
    tpu.vector_store %arg4[%swap3A_72, %swap3A_73], %swap3A_76 {strides = array<i32>} : memref<2x128xf32, #tpu.memory_space<vmem>>, vector<1x128xf32>,
    return
  }
}

</mosaic_0001>

<sc_bundles>
// kernel: kernel.6.cloned.1.call-start
scs
__scs_entry_jumppad:
0x0: {  	(pc) =	sbr.rel $0x88, $3  }
0x1: {  	(tag) =	ssettag $0x0;
	lr =	simm.s32 $0x1  }
0x2: {  	[smem:$0x3F98] =	sst lr;
	_ =	strace $0xD0000000  }
0x3: {  	_ = 	snop  }
0x4: {  	_ = 	snop  }
0x5: {  	_ = 	snop  }
0x6: {  	_ = 	snop  }
0x7: {  	_ = 	snop  }
__scs_overlays_trampoline_lowered:
0x8: {  	[smem:$0x3FA7] =	sst s0  }
0x9: {  	[smem:$0x3FA8] =	sst s1  }
0xa: {  	[smem:$0x3FA9] =	sst s2  }
0xb: {  	[smem:$0x3FAA] =	sst s3  }
0xc: {  	[smem:$0x3FAB] =	sst s4  }
0xd: {  	[smem:$0x3FAC] =	sst s5  }
0xe: {  	[smem:$0x3FAD] =	sst s6  }
0xf: {  	[smem:$0x3FAE] =	sst s7  }
0x10: {  	[smem:$0x3FAF] =	sst s8  }
0x11: {  	[smem:$0x3FB0] =	sst s9;
	s0 =	simm.s32 @!p0 $0x0  }
0x12: {  	s1 =	sld [smem:$0x3F96];
	s0 =	simm.s32 @p0 $0x1  }
0x13: {  	[smem:$0x3FB1] =	sst s0;
	s0 =	simm.s32 @!p1 $0x0  }
0x14: {  	s2 =	sld [smem:$0x3F95];
	s0 =	simm.s32 @p1 $0x1  }
0x15: {  	[smem:$0x3FB2] =	sst s0;
	s0 =	simm.s32 @!p2 $0x0  }
0x16: {  	s3 =	sld [smem:$0x3FDB];
	s0 =	simm.s32 @p2 $0x1  }
0x17: {  	s4 =	simm.s32 $0x1BF5;
	[smem:$0x3FB4] =	sst s0  }
0x18: {  	s0 =	sld [smem:$0x3F97];
	_ =	swait.ge [sflag:s4], $0x0  }
0x19: {  	s7 =	sld [smem:$0x3F98]  }
0x1a: {  	s8 =	sadd.s32 $0xFFFFE003, lr  }
0x1b: {  	s9 =	sadd.s32 $0xFFFFFEF7, lr;
	s5 =	simm.s32 $0xFFFFFFFF;
	p2 =	slt.u32 s8, $0xFFFFF086  }
0x1c: {  	p1 =	slt.u32 s9, $0xF7A;
	s5 =	simm.s32 @!p2 $0x0  }
0x1d: {  	s5 =	simm.s32 @p1 $0x1;
	p0 =	seq.s32 s7, s2  }
0x1e: {  	s7 =	smul.u32 @!p0 $0xF7A, s2;
	p2 =	seq.s32 @!p0 s5, $0x0  }
0x1f: {  	s9 =	smul.u32 $0xF7A, s1;
	s8 =	simm.s32 @!p0 $0x1BF5;
	p2 =	por !p2, p0  }
0x20: {  	[sflag:s8] =	ssyncset.s32 @!p0 $0xFFFFF086;
	s6 =	sadd.s32 @!p0 s3, s7;
	s7 =	simm.s32 @!p0 $0x108  }
0x21: {  	s3 =	sadd.s32 s3, s9;
	s6 =	sadd.s32 @!p0 $0x88, s6;
	s7 =	simm.s32 @p2 $0x1082  }
0x22: {  	[simem:s7], [sflag:s8] =	dma.local @!p0 [hbm:s6], $0xF7A  }
0x23: {  	s9 =	sor.u32 $0xD0000000, s2;
	s6 =	simm.s32 $0x108;
	_ =	swait.ge @!p0 [sflag:s8], $0x0  }
0x24: {  	s3 =	sadd.s32 $0x88, s3;
	s6 =	simm.s32 @!p1 $0x1082;
	[sflag:s4] =	ssyncset.s32 $0xFFFFF086  }
0x25: {  	[simem:s6], [sflag:s4] =	dma.local [hbm:s3], $0xF7A  }
0x26: {  	[smem:$0x3F98] =	sst s1;
	(tag) =	ssettag s2;
	_ =	strace s9  }
0x27: {  	s1 =	sld [smem:$0x3FA8]  }
0x28: {  	s2 =	sld [smem:$0x3FA9]  }
0x29: {  	s4 =	sld [smem:$0x3FAB]  }
0x2a: {  	p0 =	seq.s32 s5, $0x0;
	s5 =	sld [smem:$0x3FAC]  }
0x2b: {  	s6 =	sld [smem:$0x3FAD]  }
0x2c: {  	s7 =	sld [smem:$0x3FAE]  }
0x2d: {  	s3 =	simm.s32 $0x108;
	s8 =	sld [smem:$0x3FAF]  }
0x2e: {  	s3 =	simm.s32 @!p0 $0x1082;
	s9 =	sld [smem:$0x3FB0]  }
0x2f: {  	lr =	sadd.s32 s0, s3;
	s0 =	sld [smem:$0x3FA7]  }
0x30: {  	s3 =	sld [smem:$0x3FAA]  }
0x31: {  	[smem:$0x3FB3] =	sst s10  }
0x32: {  	s10 =	sld [smem:$0x3FB1];
	_ =	sdelay $0x3  }
0x33: {  	p0 =	seq.s32 s10, $0x1;
	s10 =	sld [smem:$0x3FB3];
	_ =	sdelay $0x3  }
0x34: {  	[smem:$0x3FB3] =	sst s10  }
0x35: {  	s10 =	sld [smem:$0x3FB2];
	_ =	sdelay $0x3  }
0x36: {  	p1 =	seq.s32 s10, $0x1;
	s10 =	sld [smem:$0x3FB3];
	_ =	sdelay $0x3  }
0x37: {  	[smem:$0x3FB3] =	sst s10  }
0x38: {  	s10 =	sld [smem:$0x3FB4]  }
0x39: {  	_ = 	snop;
	(pc) =	sbr.ind lr, $3  }
0x3a: {  	_ = 	snop  }
0x3b: {  	_ = 	snop  }
0x3c: {  	p2 =	seq.s32 s10, $0x1;
	s10 =	sld [smem:$0x3FB3]  }
0x3d: {  	_ =	shalt  }
0x3e: {  	_ =	shalt  }
0x3f: {  	_ =	shalt  }
0x40: {  	_ =	shalt  }
0x41: {  	_ =	shalt  }
0x42: {  	_ =	shalt  }
0x43: {  	_ =	shalt  }
0x44: {  	_ =	shalt  }
0x45: {  	_ =	shalt  }
0x46: {  	_ =	shalt  }
0x47: {  	_ =	shalt  }
0x48: {  	_ =	shalt  }
0x49: {  	_ =	shalt  }
0x4a: {  	_ =	shalt  }
0x4b: {  	_ =	shalt  }
0x4c: {  	_ =	shalt  }
0x4d: {  	_ =	shalt  }
0x4e: {  	_ =	shalt  }
0x4f: {  	_ =	shalt  }
0x50: {  	_ =	shalt  }
0x51: {  	_ =	shalt  }
0x52: {  	_ =	shalt  }
0x53: {  	_ =	shalt  }
0x54: {  	_ =	shalt  }
0x55: {  	_ =	shalt  }
0x56: {  	_ =	shalt  }
0x57: {  	_ =	shalt  }
0x58: {  	_ =	shalt  }
0x59: {  	_ =	shalt  }
0x5a: {  	_ =	shalt  }
0x5b: {  	_ =	shalt  }
0x5c: {  	_ =	shalt  }
0x5d: {  	_ =	shalt  }
0x5e: {  	_ =	shalt  }
0x5f: {  	_ =	shalt  }
0x60: {  	_ =	shalt  }
0x61: {  	_ =	shalt  }
0x62: {  	_ =	shalt  }
0x63: {  	_ =	shalt  }
0x64: {  	_ =	shalt  }
0x65: {  	_ =	shalt  }
0x66: {  	_ =	shalt  }
0x67: {  	_ =	shalt  }
0x68: {  	_ =	shalt  }
0x69: {  	_ =	shalt  }
0x6a: {  	_ =	shalt  }
0x6b: {  	_ =	shalt  }
0x6c: {  	_ =	shalt  }
0x6d: {  	_ =	shalt  }
0x6e: {  	_ =	shalt  }
0x6f: {  	_ =	shalt  }
0x70: {  	_ =	shalt  }
0x71: {  	_ =	shalt  }
0x72: {  	_ =	shalt  }
0x73: {  	_ =	shalt  }
0x74: {  	_ =	shalt  }
0x75: {  	_ =	shalt  }
0x76: {  	_ =	shalt  }
0x77: {  	_ =	shalt  }
0x78: {  	_ =	shalt  }
0x79: {  	_ =	shalt  }
0x7a: {  	_ =	shalt  }
0x7b: {  	_ =	shalt  }
0x7c: {  	_ =	shalt  }
0x7d: {  	_ =	shalt  }
0x7e: {  	_ =	shalt  }
0x7f: {  	_ =	shalt  }
0x80: {  	_ =	shalt  }
0x81: {  	_ =	shalt  }
0x82: {  	_ =	shalt  }
0x83: {  	_ =	shalt  }
0x84: {  	_ =	shalt  }
0x85: {  	_ =	shalt  }
0x86: {  	_ =	shalt  }
0x87: {  	_ =	shalt  }
.Lfunc_end0:
.L_simem_size_0:
called_computation_lowered:
.L_overlay_start_0:
0x88: {  	s2 =	sld [smem:$0x3FD9]  }
0x89: {  	s3 =	sld [smem:$0x3FFE];
	_ =	sdelay $0x1  }
0x8a: {  	s1 =	srdreg.scid  }
0x8b: {  	s0 =	sand.u32 $0x1, s1  }
0x8c: {  	s17 =	sshll.u32 s0, $0xA;
	s2 =	sadd.s32 s3, s2  }
0x8d: {  	s2 =	sadd.s32 s2, s17  }
0x8e: {  	[smem:$0x3FBF] =	sst s2  }
0x8f: {  	_ = 	snop  }
0x90: {  	s2 =	sld [smem:$0x3FC5];
	(tm) =	ssettm $0x1  }
0x91: {  	s18 =	sld [smem:$0x3FFB];
	_ =	sdelay $0x3  }
0x92: {  	_ =	strace s18  }
0x93: {  	s3 =	sld [smem:$0x3FFC];
	_ =	sdelay $0x3  }
0x94: {  	_ =	strace s3  }
0x95: {  	s3 =	sld [smem:$0x3FFD];
	_ =	sdelay $0x3  }
0x96: {  	_ =	strace s3  }
0x97: {  	_ =	strace $0x8FFFFFFF  }
0x98: {  	s19 =	sld [smem:$0x3FDB];
	_ =	sdelay $0x1  }
0x99: {  	s4 =	simm.s32 $_scs_section_size  }
0x9a: {  	s5 =	simm.s32 $_size__tile_overlayer_lowered;
	s6 =	simm.s32 $_tile_overlayer_lowered  }
0x9b: {  	s22 =	simm.s32 $0x1BFF;
	s21 =	sshll.u32 s6, $0x1;
	s3 =	sadd.s32 s4, s19  }
0x9c: {  	s7 =	simm.s32 $0x0;
	s20 =	sshll.u32 s5, $0x1;
	s5 =	sadd.s32 s21, s3  }
0x9d: {  	[timem:s7], [sflag:s22] =	dma.local [hbm:s5], s20  }
0x9e: {  	_ =	swait.ge [sflag:s22], s20  }
0x9f: {  	s4 =	ssub.s32 $0x0, s20;
	[sflag:s22] =	ssyncset.done $0x0  }
0xa0: {  	[sflag:s22] =	ssyncadd.s32 s4;
	_ =	sdelay $0x1  }
0xa1: {  	s23 =	simm.s32 $0x1B8B  }
0xa2: {  	_ =	swait.ge [sflag:s23], $0x1  }
0xa3: {  	[sflag:s23] =	ssyncset.done $0x0  }
0xa4: {  	s25 =	simm.s32 $0x1B8E;
	s24 =	sld [smem:$0x3FFE];
	[sflag:s23] =	ssyncadd.s32 $0xFFFFFFFF  }
0xa5: {  	s26 =	simm.s32 $execute0_lowered;
	[smem:$0x3FD2] =	sst s25  }
0xa6: {  	s5 =	sshll.u32 s26, $0x1;
	_ =	strace $0x80000046;
	[dreg:$0x1] =	wrdreg $0xFFFFFFFF  }
0xa7: {  	s28 =	simm.s32 $_size_execute0_lowered;
	s3 =	sadd.s32 s3, s5;
	[dreg:$0x0] =	wrdreg $0x0  }
0xa8: {  	s5 =	sshll.u32 s28, $0x1;
	[dreg:$0x2] =	wrdreg s3  }
0xa9: {  	[dreg:$0x3] =	wrdreg s5  }
0xaa: {  	[dreg:$0x4] =	wrdreg $0xC0  }
0xab: {  	_ =	task [dreg:s7], $0x5FFFF  }
0xac: {  	[dreg:$0x1] =	wrdreg $0xFFFFFFFF  }
0xad: {  	[dreg:$0x0] =	wrdreg $0x60  }
0xae: {  	[dreg:$0x2] =	wrdreg s24  }
0xaf: {  	[dreg:$0x3] =	wrdreg s2  }
0xb0: {  	[dreg:$0x4] =	wrdreg $0x58000  }
0xb1: {  	[dreg:$0x5] =	wrdreg $0x9  }
0xb2: {  	_ =	task.clear_ibuf [dreg:s7], $0x6FFFF;
	_ =	strace $0x90000046  }
0xb3: {  	s29 =	simm.s32 $0x9;
	_ =	strace $0x80000048  }
0xb4: {  	_ =	swait.ge [sflag:s29], $0x1  }
0xb5: {  	[sflag:s29] =	ssyncadd.s32 $0xFFFFFFFF  }
0xb6: {  	_ =	strace $0x90000048  }
0xb7: {  	_ =	sfence  }
0xb8: {  	s30 =	sld [smem:$0x0];
	_ =	sdelay $0x2  }
0xb9: {  	s31 =	sshll.u32 s1, $0xD;
	s1 =	sshrl.u32 s1, $0x2  }
0xba: {  	s3 =	sand.u32 $0x4000, s31;
	s1 =	sadd.s32 s1, s30  }
0xbb: {  	s0 =	sor.u32 s3, s0;
	s1 =	sshll.u32 s1, $0x11  }
0xbc: {  	s0 =	sor.u32 s1, s0  }
0xbd: {  	s0 =	sadd.s32 $0x8F2B, s0  }
0xbe: {  	[sflag:s0] =	ssyncadd.remote.s32 $0x1  }
0xbf: {  	_ =	sfence.sel $0xFFFF  }
0xc0: {  	[dreg:$0x0] =	wrdreg $0xFFFFFFFF;
	(pc) =	sbr.abs _section_cstart, $3  }
0xc1: {  	[dreg:$0x1] =	wrdreg $0xFFFFFFFF  }
0xc2: {  	_ =	task.clear_ibuf [dreg:s7], $0x2FFFF;
	_ =	strace $0x9FFFFFFF  }
0xc3: {  	(tm) =	ssettm $0x7FFFFFFF  }
tec
execute0_lowered:
.L_overlay_start_1:
0x0: {  	(tag) =	ssettag $0x1  }
0x1: {  	s0 =	rddreg [dreg:$0x0];
	s2 =	srdreg.scid  }
0x2: {  	s1 =	rddreg [dreg:$0x1];
	s14 =	stileid.u32;
	s30 =	simm.s32 $0x4  }
0x3: {  	s31 =	simm.s32 $0x5100;
	s3 =	sand.u32 $0x1, s2;
	s7 =	smul.u32 $0x50, s14  }
0x4: {  	s2 =	rddreg [dreg:$0x2];
	s6 =	sadd.s32 $0x1000, s0;
	s4 =	smul.u32 $0x9C40, s3  }
0x5: {  	s8 =	sadd.s32 $0x29800, s0;
	s5 =	smul.u32 $0x2710, s3;
	s3 =	ssub.s32 $0x2, s3  }
0x6: {  	p0 =	sne.s32 s14, $0xF;
	p1 =	sgt.u32 s14, $0xC;
	s9 =	sshrl.u32 s3, $0x1  }
0x7: {  	s4 =	sadd.s32 s4, s0;
	s0 =	sadd.s32 $0x28E00, s0;
	s7 =	sadd.s32 s7, s5  }
0x8: {  	s3 =	ssub.s32 s3, s9;
	s9 =	smul.u32 $0x270, s14;
	s10 =	sshrl.u32 s7, $0x3  }
0x9: {  	s11 =	sadd.s32 $0x500, s7;
	s12 =	sshll.u32 s7, $0x4;
	s28 =	sadd.s32 $0xA00, s7  }
0xa: {  	s13 =	sadd.s32 $0xF00, s7;
	s16 =	sadd.s32 $0x1400, s7;
	s20 =	sadd.s32 $0x1900, s7  }
0xb: {  	s22 =	sadd.s32 $0x1E00, s7;
	s7 =	sadd.s32 $0x2300, s7;
	s10 =	sadd.s32 s6, s10  }
0xc: {  	s25 =	sshrl.u32 s11, $0x3;
	s26 =	sadd.s32 s8, s12;
	s29 =	sshrl.u32 s28, $0x3  }
0xd: {  	s11 =	sshll.u32 s11, $0x4;
	s15 =	sshrl.u32 s13, $0x3;
	s17 =	sshrl.u32 s16, $0x3  }
0xe: {  	s18 =	sshll.u32 s13, $0x4;
	s21 =	sshrl.u32 s20, $0x3;
	s23 =	sshrl.u32 s22, $0x3  }
0xf: {  	s24 =	sshrl.u32 s7, $0x3;
	s7 =	sshll.u32 s7, $0x4;
	[dreg:$0x4] =	wrdreg s10  }
0x10: {  	s10 =	sadd.s32 s6, s25;
	[dreg:$0x6] =	wrdreg s26;
	s12 =	sadd.s32 s6, s29  }
0x11: {  	s11 =	sadd.s32 s8, s11;
	s19 =	sadd.s32 s8, s18;
	s25 =	sshll.u32 s22, $0x4  }
0x12: {  	s26 =	sadd.s32 s9, s5;
	s7 =	sadd.s32 s8, s7;
	[dreg:$0x5] =	wrdreg s10  }
0x13: {  	s5 =	sshrl.u32 s5, $0x3;
	s22 =	sadd.s32 s9, s2;
	[dreg:$0x7] =	wrdreg s12  }
0x14: {  	s29 =	smax.u32 s3, $0x1;
	s18 =	simm.s32 $0x5180;
	[dreg:$0x8] =	wrdreg s11  }
0x15: {  	s3 =	simm.s32 $0x5280;
	s11 =	sadd.s32 s6, s15;
	[dreg:$0xc] =	wrdreg s19  }
0x16: {  	s9 =	simm.s32 $0x100;
	s12 =	sadd.s32 s6, s21;
	[dreg:$0x9] =	wrdreg s11  }
0x17: {  	s10 =	sshll.u32 s28, $0x4;
	s19 =	simm.s32 $0x0;
	[dreg:$0xd] =	wrdreg s12  }
0x18: {  	s28 =	sshll.u32 s14, $0x4;
	s10 =	sadd.s32 s8, s10;
	[smem:$0x7FF] =	sst s19  }
0x19: {  	s11 =	sshll.u32 s16, $0x4;
	[dreg:$0xa] =	wrdreg s10;
	s10 =	sadd.s32 s6, s17  }
0x1a: {  	s14 =	sor.u32 $0x70, s14;
	s11 =	sadd.s32 s8, s11;
	[dreg:$0xb] =	wrdreg s10  }
0x1b: {  	s4 =	sadd.s32 s28, s4;
	s12 =	simm.s32 $0x0;
	[dreg:$0xe] =	wrdreg s11  }
0x1c: {  	s11 =	sadd.s32 s6, s23;
	s10 =	sshll.u32 s20, $0x4;
	s6 =	sadd.s32 s6, s24  }
0x1d: {  	s20 =	simm.s32 $0x5580;
	[dreg:$0xf] =	wrdreg s11;
	s10 =	sadd.s32 s8, s10  }
0x1e: {  	[dreg:$0x11] =	wrdreg s6;
	s6 =	sshrl.u32 s26, $0x3;
	s26 =	sadd.s32 $0x2700, s2  }
0x1f: {  	[dreg:$0x10] =	wrdreg s10;
	s6 =	sadd.s32 s0, s6;
	s0 =	sadd.s32 s0, s5  }
0x20: {  	s11 =	simm.s32 $0x3;
	[dreg:$0x14] =	wrdreg s6;
	s0 =	sadd.s32 $0x4E0, s0  }
0x21: {  	s10 =	sadd.s32 s8, s25;
	_ =	strace $0x80000047;
	[dreg:$0x15] =	wrdreg s0  }
0x22: {  	s25 =	sadd.s32 $0x15400, s4;
	s4 =	simm.s32 $0x1;
	[dreg:$0x16] =	wrdreg s29  }
0x23: {  	s5 =	simm.s32 $0x80;
	s7 =	smov.u32 @p1 s10;
	[dreg:$0x12] =	wrdreg s10  }
0x24: {  	s8 =	simm.s32 $0x50;
	s6 =	simm.s32 $0x5500;
	[dreg:$0x13] =	wrdreg s7  }
0x25: {  	v0 =	vimm.f32 $1.000000000e+00;
	v1 =	vimm.f32 $0.0e+00;
	s0 =	simm.s32 $0x5200;
	s7 =	simm.s32 $0x2;
	s10 =	simm.s32 $0x2900  }
.LBB2_1:
0x26: {  	[tilespmem:$0x5500] =	vst v0  }
0x27: {  	[tilespmem:$0x5510] =	vst v0  }
0x28: {  	[tilespmem:$0x5520] =	vst v0  }
0x29: {  	[tilespmem:$0x5530] =	vst v0  }
0x2a: {  	[tilespmem:$0x5540] =	vst v0  }
0x2b: {  	[tilespmem:$0x5550] =	vst v0  }
0x2c: {  	[tilespmem:$0x5560] =	vst v0  }
0x2d: {  	[tilespmem:$0x5570] =	vst v0  }
0x2e: {  	[tilespmem:$0x5580] =	vst v1  }
0x2f: {  	[tilespmem:$0x5590] =	vst v1  }
0x30: {  	[tilespmem:$0x55A0] =	vst v1  }
0x31: {  	[tilespmem:$0x55B0] =	vst v1  }
0x32: {  	[tilespmem:$0x55C0] =	vst v1  }
0x33: {  	[tilespmem:$0x55D0] =	vst v1  }
0x34: {  	[tilespmem:$0x55E0] =	vst v1  }
0x35: {  	[tilespmem:$0x55F0] =	vst v1  }
0x36: {  	[tilespmem:$0x5600] =	vst v1  }
0x37: {  	[tilespmem:$0x5610] =	vst v1  }
0x38: {  	[tilespmem:$0x5620] =	vst v1  }
0x39: {  	[tilespmem:$0x5630] =	vst v1  }
0x3a: {  	[tilespmem:$0x5640] =	vst v1  }
0x3b: {  	[tilespmem:$0x5650] =	vst v1  }
0x3c: {  	[tilespmem:$0x5660] =	vst v1  }
0x3d: {  	[tilespmem:$0x5670] =	vst v1  }
0x3e: {  	[tilespmem:$0x5680] =	vst v1  }
0x3f: {  	[tilespmem:$0x5690] =	vst v1  }
0x40: {  	[tilespmem:$0x56A0] =	vst v1  }
0x41: {  	[tilespmem:$0x56B0] =	vst v1  }
0x42: {  	[tilespmem:$0x56C0] =	vst v1  }
0x43: {  	[tilespmem:$0x56D0] =	vst v1  }
0x44: {  	[tilespmem:$0x56E0] =	vst v1  }
0x45: {  	[tilespmem:$0x56F0] =	vst v1  }
0x46: {  	[tilespmem:$0x5700] =	vst v1  }
0x47: {  	[tilespmem:$0x5710] =	vst v1  }
0x48: {  	[tilespmem:$0x5720] =	vst v1  }
0x49: {  	[tilespmem:$0x5730] =	vst v1  }
0x4a: {  	[tilespmem:$0x5740] =	vst v1  }
0x4b: {  	[tilespmem:$0x5750] =	vst v1  }
0x4c: {  	[tilespmem:$0x5760] =	vst v1  }
0x4d: {  	[tilespmem:$0x5770] =	vst v1  }
0x4e: {  	[tilespmem:$0x5780] =	vst v1  }
0x4f: {  	[tilespmem:$0x5790] =	vst v1  }
0x50: {  	[tilespmem:$0x57A0] =	vst v1  }
0x51: {  	[tilespmem:$0x57B0] =	vst v1  }
0x52: {  	[tilespmem:$0x57C0] =	vst v1  }
0x53: {  	[tilespmem:$0x57D0] =	vst v1  }
0x54: {  	[tilespmem:$0x57E0] =	vst v1  }
0x55: {  	[tilespmem:$0x57F0] =	vst v1  }
0x56: {  	[spmem:s22] =	stream.linear.scatter [tilespmem:s20], [sflag:$0x4], $0x270, $0x38;
	[tilespmem:$0x5A78] =	vst v63  }
0x57: {  	_ =	swait.ge [sflag:s30], $0x270  }
0x58: {  	[sflag:s30] =	ssyncset.done $0x0  }
0x59: {  	s13 =	simm.s32 @!p0 $0x5580;
	[sflag:s30] =	ssyncadd.s32 $0xFFFFFD90  }
0x5a: {  	[spmem:s26] =	stream.linear.scatter @!p0 [tilespmem:s13], [sflag:$0x4], $0x10, $0x38;
	[tilespmem:$0x5A78] =	vst v63  }
0x5b: {  	s13 =	simm.s32 @!p0 $0x4  }
0x5c: {  	_ =	swait.ge @!p0 [sflag:s13], $0x10  }
0x5d: {  	s15 =	sadd.s32 $0xFFFFFFD0, s14;
	[sflag:s13] =	ssyncset.done @!p0 $0x0  }
0x5e: {  	s21 =	sadd.s32 $0xFFFFFFF0, s14;
	s29 =	sadd.s32 $0xFFFFFFE0, s14;
	[sflag:s13] =	ssyncadd.s32 @!p0 $0xFFFFFFF0  }
0x5f: {  	s20 =	sadd.s32 $0x0, s25;
	p5 =	sgt.u32 s15, $0x9C3;
	[bflag:$0x0] =	sbarrier.arrive $0xFFFF  }
0x60: {  	[tilespmem:s31], [sflag:$0x1] =	stream.linear.gather [hbm4b:s20+s19], $0x80, $0x38;
	[tilespmem:$0x5A78] =	vst v63  }
0x61: {  	p2 =	sgt.u32 s21, $0x9C3;
	p4 =	sgt.u32 s29, $0x9C3;
	s16 =	sadd.s32 $0x100, s20  }
0x62: {  	[tilespmem:s18], [sflag:$0x1] =	stream.linear.gather [hbm4b:s16+s19], $0x80, $0x38;
	[tilespmem:$0x5A78] =	vst v63  }
0x63: {  	s24 =	sadd.s32 $0x200, s20;
	s21 =	sadd.s32 @!p5 $0x0, s25;
	s23 =	sadd.s32 @!p2 $0x0, s25  }
0x64: {  	[tilespmem:s0], [sflag:$0x1] =	stream.linear.gather [hbm4b:s24+s19], $0x80, $0x38;
	[tilespmem:$0x5A78] =	vst v63  }
0x65: {  	s15 =	simm.s32 @!p5 $0x5300;
	s21 =	sadd.s32 @!p5 $0x400, s21;
	s13 =	sadd.s32 $0x300, s20  }
0x66: {  	[tilespmem:s3], [sflag:$0x1] =	stream.linear.gather [hbm4b:s13+s19], $0x80, $0x38;
	[tilespmem:$0x5A78] =	vst v63  }
0x67: {  	s16 =	simm.s32 @!p5 $0x0;
	s13 =	sadd.s32 @!p2 $0x600, s23;
	s23 =	sadd.s32 @!p4 $0x0, s25  }
0x68: {  	[tilespmem:s15], [sflag:$0x1] =	stream.linear.gather @!p5 [hbm4b:s21+s16], $0x80, $0x38;
	[tilespmem:$0x5A78] =	vst v63  }
0x69: {  	s16 =	sadd.s32 @!p4 $0x500, s23;
	s21 =	simm.s32 @!p4 $0x0;
	s23 =	simm.s32 @!p4 $0x5380  }
0x6a: {  	[tilespmem:s23], [sflag:$0x1] =	stream.linear.gather @!p4 [hbm4b:s16+s21], $0x80, $0x38;
	[tilespmem:$0x5A78] =	vst v63  }
0x6b: {  	p3 =	sgt.u32 s14, $0x9C3;
	s16 =	simm.s32 @!p2 $0x0;
	s21 =	simm.s32 @!p2 $0x5400  }
0x6c: {  	[tilespmem:s21], [sflag:$0x1] =	stream.linear.gather @!p2 [hbm4b:s13+s16], $0x80, $0x38;
	[tilespmem:$0x5A78] =	vst v63  }
0x6d: {  	s13 =	sadd.s32 @!p3 $0x0, s25  }
0x6e: {  	s28 =	simm.s32 @!p3 $0x5480;
	s16 =	simm.s32 @!p3 $0x0;
	s13 =	sadd.s32 @!p3 $0x700, s13  }
0x6f: {  	[tilespmem:s28], [sflag:$0x1] =	stream.linear.gather @!p3 [hbm4b:s13+s16], $0x80, $0x38;
	[tilespmem:$0x5A78] =	vst v63  }
0x70: {  	_ =	swait.ge [sflag:s4], $0x80  }
0x71: {  	[sflag:s4] =	ssyncset.done $0x0  }
0x72: {  	[sflag:s4] =	ssyncadd.s32 $0xFFFFFF80  }
0x73: {  	_ =	swait.ge [sflag:s4], $0x80  }
0x74: {  	[sflag:s4] =	ssyncset.done $0x0  }
0x75: {  	[sflag:s4] =	ssyncadd.s32 $0xFFFFFF80  }
0x76: {  	_ =	swait.ge [sflag:s4], $0x80  }
0x77: {  	[sflag:s4] =	ssyncset.done $0x0  }
0x78: {  	[sflag:s4] =	ssyncadd.s32 $0xFFFFFF80  }
0x79: {  	_ =	swait.ge [sflag:s4], $0x80  }
0x7a: {  	[sflag:s4] =	ssyncset.done $0x0  }
0x7b: {  	s13 =	simm.s32 @!p5 $0x1;
	[sflag:s4] =	ssyncadd.s32 $0xFFFFFF80  }
0x7c: {  	_ =	swait.ge @!p5 [sflag:s13], $0x80  }
0x7d: {  	[sflag:s13] =	ssyncset.done @!p5 $0x0  }
0x7e: {  	s16 =	simm.s32 @!p4 $0x1;
	[sflag:s13] =	ssyncadd.s32 @!p5 $0xFFFFFF80  }
0x7f: {  	_ =	swait.ge @!p4 [sflag:s16], $0x80  }
0x80: {  	[sflag:s16] =	ssyncset.done @!p4 $0x0  }
0x81: {  	s13 =	simm.s32 @!p2 $0x1;
	[sflag:s16] =	ssyncadd.s32 @!p4 $0xFFFFFF80  }
0x82: {  	_ =	swait.ge @!p2 [sflag:s13], $0x80  }
0x83: {  	[sflag:s13] =	ssyncset.done @!p2 $0x0  }
0x84: {  	s16 =	simm.s32 @!p3 $0x1;
	[sflag:s13] =	ssyncadd.s32 @!p2 $0xFFFFFF80  }
0x85: {  	_ =	swait.ge @!p3 [sflag:s16], $0x80  }
0x86: {  	[sflag:s16] =	ssyncset.done @!p3 $0x0  }
0x87: {  	[sflag:s16] =	ssyncadd.s32 @!p3 $0xFFFFFF80  }
0x88: {  	[spmem:s2] =	stream.indirect.scatter.add.f32 [tilespmem:s6], [sflag:$0x2], $0x1, s31, s5, $0xb8;
	[tilespmem:$0x5A78] =	vst v63  }
0x89: {  	_ = 	snop  }
0x8a: {  	[spmem:s2] =	stream.indirect.scatter.add.f32 [tilespmem:s6], [sflag:$0x2], $0x1, s18, s5, $0xb8;
	[tilespmem:$0x5A78] =	vst v63  }
0x8b: {  	_ = 	snop  }
0x8c: {  	[spmem:s2] =	stream.indirect.scatter.add.f32 [tilespmem:s6], [sflag:$0x2], $0x1, s0, s5, $0xb8;
	[tilespmem:$0x5A78] =	vst v63  }
0x8d: {  	_ = 	snop  }
0x8e: {  	[spmem:s2] =	stream.indirect.scatter.add.f32 [tilespmem:s6], [sflag:$0x2], $0x1, s3, s5, $0xb8;
	[tilespmem:$0x5A78] =	vst v63  }
0x8f: {  	s13 =	simm.s32 @!p5 $0x80;
	s16 =	simm.s32 @!p5 $0x5500  }
0x90: {  	[spmem:s2] =	stream.indirect.scatter.add.f32 @!p5 [tilespmem:s16], [sflag:$0x2], $0x1, s15, s13, $0xb8;
	[tilespmem:$0x5A78] =	vst v63  }
0x91: {  	s13 =	simm.s32 @!p4 $0x80;
	s15 =	simm.s32 @!p4 $0x5500  }
0x92: {  	[spmem:s2] =	stream.indirect.scatter.add.f32 @!p4 [tilespmem:s15], [sflag:$0x2], $0x1, s23, s13, $0xb8;
	[tilespmem:$0x5A78] =	vst v63  }
0x93: {  	s13 =	simm.s32 @!p2 $0x80;
	s15 =	simm.s32 @!p2 $0x5500  }
0x94: {  	[spmem:s2] =	stream.indirect.scatter.add.f32 @!p2 [tilespmem:s15], [sflag:$0x2], $0x1, s21, s13, $0xb8;
	[tilespmem:$0x5A78] =	vst v63  }
0x95: {  	s13 =	simm.s32 @!p3 $0x80;
	s15 =	simm.s32 @!p3 $0x5500  }
0x96: {  	[spmem:s2] =	stream.indirect.scatter.add.f32 @!p3 [tilespmem:s15], [sflag:$0x2], $0x1, s28, s13, $0xb8;
	[tilespmem:$0x5A78] =	vst v63  }
0x97: {  	_ =	swait.ge [sflag:s7], $0x80  }
0x98: {  	[sflag:s7] =	ssyncset.done $0x0  }
0x99: {  	[sflag:s7] =	ssyncadd.s32 $0xFFFFFF80  }
0x9a: {  	_ =	swait.ge [sflag:s7], $0x80  }
0x9b: {  	[sflag:s7] =	ssyncset.done $0x0  }
0x9c: {  	[sflag:s7] =	ssyncadd.s32 $0xFFFFFF80  }
0x9d: {  	_ =	swait.ge [sflag:s7], $0x80  }
0x9e: {  	[sflag:s7] =	ssyncset.done $0x0  }
0x9f: {  	[sflag:s7] =	ssyncadd.s32 $0xFFFFFF80  }
0xa0: {  	_ =	swait.ge [sflag:s7], $0x80  }
0xa1: {  	[sflag:s7] =	ssyncset.done $0x0  }
0xa2: {  	s13 =	simm.s32 @!p5 $0x2;
	[sflag:s7] =	ssyncadd.s32 $0xFFFFFF80  }
0xa3: {  	_ =	swait.ge @!p5 [sflag:s13], $0x80  }
0xa4: {  	[sflag:s13] =	ssyncset.done @!p5 $0x0  }
0xa5: {  	s16 =	simm.s32 @!p4 $0x2;
	[sflag:s13] =	ssyncadd.s32 @!p5 $0xFFFFFF80  }
0xa6: {  	s15 =	simm.s32 @!p2 $0x2;
	_ =	swait.ge @!p4 [sflag:s16], $0x80  }
0xa7: {  	s28 =	smov.u32 s14;
	s13 =	simm.s32 $0x800;
	[sflag:s16] =	ssyncset.done @!p4 $0x0  }
.LBB2_2:
0xa8: {  	[sflag:s16] =	ssyncadd.s32 @!p4 $0xFFFFFF80  }
0xa9: {  	s28 =	sadd.s32 $0x80, s28;
	s23 =	smov.u32 s13;
	s13 =	sadd.s32 $0x800, s13  }
0xaa: {  	s16 =	sadd.s32 s23, s25;
	p5 =	sne.s32 s13, $0xA000;
	_ =	swait.ge @!p2 [sflag:s15], $0x80  }
0xab: {  	s21 =	simm.s32 @!p3 $0x2;
	[sflag:s15] =	ssyncset.done @!p2 $0x0  }
0xac: {  	s24 =	sadd.s32 $0x100, s16;
	[sflag:s15] =	ssyncadd.s32 @!p2 $0xFFFFFF80  }
0xad: {  	s17 =	sadd.s32 $0x200, s16;
	_ =	swait.ge @!p3 [sflag:s21], $0x80  }
0xae: {  	s20 =	sadd.s32 $0xFFFFFFF0, s28;
	s15 =	sadd.s32 $0xFFFFFFD0, s28;
	[sflag:s21] =	ssyncset.done @!p3 $0x0  }
0xaf: {  	p2 =	sgt.u32 s20, $0x9C3;
	p6 =	sgt.u32 s15, $0x9C3;
	[sflag:s21] =	ssyncadd.s32 @!p3 $0xFFFFFF80  }
0xb0: {  	[tilespmem:s31], [sflag:$0x1] =	stream.linear.gather [hbm4b:s16+s19], $0x80, $0x38;
	[tilespmem:$0x5A78] =	vst v63  }
0xb1: {  	s20 =	sadd.s32 $0xFFFFFFE0, s28;
	s15 =	sadd.s32 @!p6 s23, s25;
	s21 =	sadd.s32 @!p2 s23, s25  }
0xb2: {  	[tilespmem:s18], [sflag:$0x1] =	stream.linear.gather [hbm4b:s24+s19], $0x80, $0x38;
	[tilespmem:$0x5A78] =	vst v63  }
0xb3: {  	s29 =	sadd.s32 @!p2 $0x600, s21;
	s24 =	sadd.s32 @!p6 $0x400, s15;
	s15 =	simm.s32 @!p6 $0x5300  }
0xb4: {  	[tilespmem:s0], [sflag:$0x1] =	stream.linear.gather [hbm4b:s17+s19], $0x80, $0x38;
	[tilespmem:$0x5A78] =	vst v63  }
0xb5: {  	p4 =	sgt.u32 s20, $0x9C3;
	s16 =	sadd.s32 $0x300, s16;
	s17 =	simm.s32 @!p6 $0x0  }
0xb6: {  	[tilespmem:s3], [sflag:$0x1] =	stream.linear.gather [hbm4b:s16+s19], $0x80, $0x38;
	[tilespmem:$0x5A78] =	vst v63  }
0xb7: {  	s16 =	sadd.s32 @!p4 s23, s25  }
0xb8: {  	[tilespmem:s15], [sflag:$0x1] =	stream.linear.gather @!p6 [hbm4b:s24+s17], $0x80, $0x38;
	[tilespmem:$0x5A78] =	vst v63  }
0xb9: {  	s20 =	simm.s32 @!p4 $0x0;
	s17 =	sadd.s32 @!p4 $0x500, s16;
	s16 =	simm.s32 @!p4 $0x5380  }
0xba: {  	[tilespmem:s16], [sflag:$0x1] =	stream.linear.gather @!p4 [hbm4b:s17+s20], $0x80, $0x38;
	[tilespmem:$0x5A78] =	vst v63  }
0xbb: {  	p3 =	sgt.u32 s28, $0x9C3;
	s21 =	simm.s32 @!p2 $0x5400;
	s17 =	simm.s32 @!p2 $0x0  }
0xbc: {  	[tilespmem:s21], [sflag:$0x1] =	stream.linear.gather @!p2 [hbm4b:s29+s17], $0x80, $0x38;
	[tilespmem:$0x5A78] =	vst v63  }
0xbd: {  	s20 =	simm.s32 @!p3 $0x0;
	s17 =	sadd.s32 @!p3 s23, s25;
	s23 =	simm.s32 @!p3 $0x5480  }
0xbe: {  	s17 =	sadd.s32 @!p3 $0x700, s17  }
0xbf: {  	[tilespmem:s23], [sflag:$0x1] =	stream.linear.gather @!p3 [hbm4b:s17+s20], $0x80, $0x38;
	[tilespmem:$0x5A78] =	vst v63  }
0xc0: {  	_ =	swait.ge [sflag:s4], $0x80  }
0xc1: {  	[sflag:s4] =	ssyncset.done $0x0  }
0xc2: {  	[sflag:s4] =	ssyncadd.s32 $0xFFFFFF80  }
0xc3: {  	_ =	swait.ge [sflag:s4], $0x80  }
0xc4: {  	[sflag:s4] =	ssyncset.done $0x0  }
0xc5: {  	[sflag:s4] =	ssyncadd.s32 $0xFFFFFF80  }
0xc6: {  	_ =	swait.ge [sflag:s4], $0x80  }
0xc7: {  	[sflag:s4] =	ssyncset.done $0x0  }
0xc8: {  	[sflag:s4] =	ssyncadd.s32 $0xFFFFFF80  }
0xc9: {  	_ =	swait.ge [sflag:s4], $0x80  }
0xca: {  	s17 =	simm.s32 @!p6 $0x1;
	[sflag:s4] =	ssyncset.done $0x0  }
0xcb: {  	[sflag:s4] =	ssyncadd.s32 $0xFFFFFF80  }
0xcc: {  	_ =	swait.ge @!p6 [sflag:s17], $0x80  }
0xcd: {  	s20 =	simm.s32 @!p4 $0x1;
	[sflag:s17] =	ssyncset.done @!p6 $0x0  }
0xce: {  	[sflag:s17] =	ssyncadd.s32 @!p6 $0xFFFFFF80  }
0xcf: {  	_ =	swait.ge @!p4 [sflag:s20], $0x80  }
0xd0: {  	s17 =	simm.s32 @!p2 $0x1;
	[sflag:s20] =	ssyncset.done @!p4 $0x0  }
0xd1: {  	[sflag:s20] =	ssyncadd.s32 @!p4 $0xFFFFFF80  }
0xd2: {  	_ =	swait.ge @!p2 [sflag:s17], $0x80  }
0xd3: {  	s20 =	simm.s32 @!p3 $0x1;
	[sflag:s17] =	ssyncset.done @!p2 $0x0  }
0xd4: {  	[sflag:s17] =	ssyncadd.s32 @!p2 $0xFFFFFF80  }
0xd5: {  	_ =	swait.ge @!p3 [sflag:s20], $0x80  }
0xd6: {  	[sflag:s20] =	ssyncset.done @!p3 $0x0  }
0xd7: {  	[sflag:s20] =	ssyncadd.s32 @!p3 $0xFFFFFF80  }
0xd8: {  	[spmem:s2] =	stream.indirect.scatter.add.f32 [tilespmem:s6], [sflag:$0x2], $0x1, s31, s5, $0xb8;
	[tilespmem:$0x5A78] =	vst v63  }
0xd9: {  	_ = 	snop  }
0xda: {  	[spmem:s2] =	stream.indirect.scatter.add.f32 [tilespmem:s6], [sflag:$0x2], $0x1, s18, s5, $0xb8;
	[tilespmem:$0x5A78] =	vst v63  }
0xdb: {  	_ = 	snop  }
0xdc: {  	[spmem:s2] =	stream.indirect.scatter.add.f32 [tilespmem:s6], [sflag:$0x2], $0x1, s0, s5, $0xb8;
	[tilespmem:$0x5A78] =	vst v63  }
0xdd: {  	s17 =	simm.s32 @!p6 $0x80;
	s20 =	simm.s32 @!p6 $0x5500  }
0xde: {  	[spmem:s2] =	stream.indirect.scatter.add.f32 [tilespmem:s6], [sflag:$0x2], $0x1, s3, s5, $0xb8;
	[tilespmem:$0x5A78] =	vst v63  }
0xdf: {  	s24 =	simm.s32 @!p4 $0x80;
	s29 =	simm.s32 @!p4 $0x5500  }
0xe0: {  	[spmem:s2] =	stream.indirect.scatter.add.f32 @!p6 [tilespmem:s20], [sflag:$0x2], $0x1, s15, s17, $0xb8;
	[tilespmem:$0x5A78] =	vst v63  }
0xe1: {  	s15 =	simm.s32 @!p2 $0x80;
	s17 =	simm.s32 @!p2 $0x5500  }
0xe2: {  	[spmem:s2] =	stream.indirect.scatter.add.f32 @!p4 [tilespmem:s29], [sflag:$0x2], $0x1, s16, s24, $0xb8;
	[tilespmem:$0x5A78] =	vst v63  }
0xe3: {  	s20 =	simm.s32 @!p3 $0x5500;
	s16 =	simm.s32 @!p3 $0x80  }
0xe4: {  	[spmem:s2] =	stream.indirect.scatter.add.f32 @!p2 [tilespmem:s17], [sflag:$0x2], $0x1, s21, s15, $0xb8;
	[tilespmem:$0x5A78] =	vst v63  }
0xe5: {  	_ = 	snop  }
0xe6: {  	[spmem:s2] =	stream.indirect.scatter.add.f32 @!p3 [tilespmem:s20], [sflag:$0x2], $0x1, s23, s16, $0xb8;
	[tilespmem:$0x5A78] =	vst v63  }
0xe7: {  	_ =	swait.ge [sflag:s7], $0x80  }
0xe8: {  	[sflag:s7] =	ssyncset.done $0x0  }
0xe9: {  	[sflag:s7] =	ssyncadd.s32 $0xFFFFFF80  }
0xea: {  	_ =	swait.ge [sflag:s7], $0x80  }
0xeb: {  	[sflag:s7] =	ssyncset.done $0x0  }
0xec: {  	[sflag:s7] =	ssyncadd.s32 $0xFFFFFF80  }
0xed: {  	_ =	swait.ge [sflag:s7], $0x80  }
0xee: {  	[sflag:s7] =	ssyncset.done $0x0  }
0xef: {  	[sflag:s7] =	ssyncadd.s32 $0xFFFFFF80  }
0xf0: {  	_ =	swait.ge [sflag:s7], $0x80  }
0xf1: {  	s15 =	simm.s32 @!p6 $0x2;
	[sflag:s7] =	ssyncset.done $0x0  }
0xf2: {  	[sflag:s7] =	ssyncadd.s32 $0xFFFFFF80  }
.Ltmp0:
0xf3: {  	_ =	swait.ge @!p6 [sflag:s15], $0x80;
	(pc) =	sbr.rel @p5 .LBB2_2-.Ltmp0, $4  }
0xf4: {  	s16 =	simm.s32 @!p4 $0x2;
	[sflag:s15] =	ssyncset.done @!p6 $0x0  }
0xf5: {  	[sflag:s15] =	ssyncadd.s32 @!p6 $0xFFFFFF80  }
0xf6: {  	_ =	swait.ge @!p4 [sflag:s16], $0x80  }
0xf7: {  	s15 =	simm.s32 @!p2 $0x2;
	[sflag:s16] =	ssyncset.done @!p4 $0x0  }
0xf8: {  	[sflag:s16] =	ssyncadd.s32 @!p4 $0xFFFFFF80  }
0xf9: {  	_ =	swait.ge @!p2 [sflag:s15], $0x80  }
0xfa: {  	[sflag:s15] =	ssyncset.done @!p2 $0x0  }
0xfb: {  	s13 =	simm.s32 @!p3 $0x2;
	[sflag:s15] =	ssyncadd.s32 @!p2 $0xFFFFFF80  }
0xfc: {  	_ =	swait.ge @!p3 [sflag:s13], $0x80  }
0xfd: {  	[sflag:s13] =	ssyncset.done @!p3 $0x0  }
0xfe: {  	s17 =	rddreg [dreg:$0x4];
	[sflag:s13] =	ssyncadd.s32 @!p3 $0xFFFFFF80  }
0xff: {  	[tilespmem:s19], [sflag:$0x4] =	stream.linear.gather [hbm4b:s17+s19], $0x50, $0x38;
	[tilespmem:$0x5A78] =	vst v63  }
0x100: {  	_ =	swait.ge [sflag:s30], $0x50  }
0x101: {  	[sflag:s30] =	ssyncset.done $0x0  }
0x102: {  	[sflag:s30] =	ssyncadd.s32 $0xFFFFFFB0  }
0x103: {  	[tilespmem:s9], [sflag:$0x3] =	stream.indirect.gather [hbm4b:s1+s8], $0x80, s19, s8, $0xb8;
	[tilespmem:$0x5A78] =	vst v63  }
0x104: {  	s20 =	rddreg [dreg:$0x5]  }
0x105: {  	[tilespmem:s5], [sflag:$0x4] =	stream.linear.gather [hbm4b:s20+s19], $0x50, $0x38;
	[tilespmem:$0x5A78] =	vst v63  }
0x106: {  	_ =	swait.ge [sflag:s30], $0x50  }
0x107: {  	[sflag:s30] =	ssyncset.done $0x0  }
0x108: {  	[sflag:s30] =	ssyncadd.s32 $0xFFFFFFB0  }
0x109: {  	[tilespmem:s10], [sflag:$0x3] =	stream.indirect.gather [hbm4b:s1+s8], $0x80, s5, s8, $0xb8;
	[tilespmem:$0x5A78] =	vst v63  }
0x10a: {  	_ =	swait.ge [sflag:s11], $0x2800  }
0x10b: {  	[sflag:s11] =	ssyncset.done $0x0  }
0x10c: {  	s21 =	rddreg [dreg:$0x6];
	[sflag:s11] =	ssyncadd.s32 $0xFFFFD800  }
0x10d: {  	[hbm4b:s21+s19] =	stream.linear.scatter [tilespmem:s9], [sflag:$0x4], $0x2800, $0x38;
	[tilespmem:$0x5A78] =	vst v63  }
0x10e: {  	_ =	swait.ge [sflag:s30], $0x2800  }
0x10f: {  	[sflag:s30] =	ssyncset.done $0x0  }
0x110: {  	s23 =	rddreg [dreg:$0x7];
	[sflag:s30] =	ssyncadd.s32 $0xFFFFD800  }
0x111: {  	[tilespmem:s19], [sflag:$0x4] =	stream.linear.gather [hbm4b:s23+s19], $0x50, $0x38;
	[tilespmem:$0x5A78] =	vst v63  }
0x112: {  	_ =	swait.ge [sflag:s30], $0x50  }
0x113: {  	[sflag:s30] =	ssyncset.done $0x0  }
0x114: {  	[sflag:s30] =	ssyncadd.s32 $0xFFFFFFB0  }
0x115: {  	[tilespmem:s9], [sflag:$0x3] =	stream.indirect.gather [hbm4b:s1+s8], $0x80, s19, s8, $0xb8;
	[tilespmem:$0x5A78] =	vst v63  }
0x116: {  	_ =	swait.ge [sflag:s11], $0x2800  }
0x117: {  	[sflag:s11] =	ssyncset.done $0x0  }
0x118: {  	s24 =	rddreg [dreg:$0x8];
	[sflag:s11] =	ssyncadd.s32 $0xFFFFD800  }
0x119: {  	[hbm4b:s24+s19] =	stream.linear.scatter [tilespmem:s10], [sflag:$0x4], $0x2800, $0x38;
	[tilespmem:$0x5A78] =	vst v63  }
0x11a: {  	_ =	swait.ge [sflag:s30], $0x2800  }
0x11b: {  	[sflag:s30] =	ssyncset.done $0x0  }
0x11c: {  	s28 =	rddreg [dreg:$0x9];
	[sflag:s30] =	ssyncadd.s32 $0xFFFFD800  }
0x11d: {  	[tilespmem:s5], [sflag:$0x4] =	stream.linear.gather [hbm4b:s28+s19], $0x50, $0x38;
	[tilespmem:$0x5A78] =	vst v63  }
0x11e: {  	_ =	swait.ge [sflag:s30], $0x50  }
0x11f: {  	[sflag:s30] =	ssyncset.done $0x0  }
0x120: {  	[sflag:s30] =	ssyncadd.s32 $0xFFFFFFB0  }
0x121: {  	[tilespmem:s10], [sflag:$0x3] =	stream.indirect.gather [hbm4b:s1+s8], $0x80, s5, s8, $0xb8;
	[tilespmem:$0x5A78] =	vst v63  }
0x122: {  	_ =	swait.ge [sflag:s11], $0x2800  }
0x123: {  	[sflag:s11] =	ssyncset.done $0x0  }
0x124: {  	s29 =	rddreg [dreg:$0xa];
	[sflag:s11] =	ssyncadd.s32 $0xFFFFD800  }
0x125: {  	[hbm4b:s29+s19] =	stream.linear.scatter [tilespmem:s9], [sflag:$0x4], $0x2800, $0x38;
	[tilespmem:$0x5A78] =	vst v63  }
0x126: {  	_ =	swait.ge [sflag:s30], $0x2800  }
0x127: {  	[sflag:s30] =	ssyncset.done $0x0  }
0x128: {  	s15 =	rddreg [dreg:$0xb];
	[sflag:s30] =	ssyncadd.s32 $0xFFFFD800  }
0x129: {  	[tilespmem:s19], [sflag:$0x4] =	stream.linear.gather [hbm4b:s15+s19], $0x50, $0x38;
	[tilespmem:$0x5A78] =	vst v63  }
0x12a: {  	_ =	swait.ge [sflag:s30], $0x50  }
0x12b: {  	[sflag:s30] =	ssyncset.done $0x0  }
0x12c: {  	[sflag:s30] =	ssyncadd.s32 $0xFFFFFFB0  }
0x12d: {  	[tilespmem:s9], [sflag:$0x3] =	stream.indirect.gather [hbm4b:s1+s8], $0x80, s19, s8, $0xb8;
	[tilespmem:$0x5A78] =	vst v63  }
0x12e: {  	_ =	swait.ge [sflag:s11], $0x2800  }
0x12f: {  	[sflag:s11] =	ssyncset.done $0x0  }
0x130: {  	s16 =	rddreg [dreg:$0xc];
	[sflag:s11] =	ssyncadd.s32 $0xFFFFD800  }
0x131: {  	[hbm4b:s16+s19] =	stream.linear.scatter [tilespmem:s10], [sflag:$0x4], $0x2800, $0x38;
	[tilespmem:$0x5A78] =	vst v63  }
0x132: {  	_ =	swait.ge [sflag:s30], $0x2800  }
0x133: {  	[sflag:s30] =	ssyncset.done $0x0  }
0x134: {  	s17 =	rddreg [dreg:$0xd];
	[sflag:s30] =	ssyncadd.s32 $0xFFFFD800  }
0x135: {  	[tilespmem:s5], [sflag:$0x4] =	stream.linear.gather [hbm4b:s17+s19], $0x50, $0x38;
	[tilespmem:$0x5A78] =	vst v63  }
0x136: {  	_ =	swait.ge [sflag:s30], $0x50  }
0x137: {  	[sflag:s30] =	ssyncset.done $0x0  }
0x138: {  	[sflag:s30] =	ssyncadd.s32 $0xFFFFFFB0  }
0x139: {  	[tilespmem:s10], [sflag:$0x3] =	stream.indirect.gather [hbm4b:s1+s8], $0x80, s5, s8, $0xb8;
	[tilespmem:$0x5A78] =	vst v63  }
0x13a: {  	_ =	swait.ge [sflag:s11], $0x2800  }
0x13b: {  	[sflag:s11] =	ssyncset.done $0x0  }
0x13c: {  	s20 =	rddreg [dreg:$0xe];
	[sflag:s11] =	ssyncadd.s32 $0xFFFFD800  }
0x13d: {  	[hbm4b:s20+s19] =	stream.linear.scatter [tilespmem:s9], [sflag:$0x4], $0x2800, $0x38;
	[tilespmem:$0x5A78] =	vst v63  }
0x13e: {  	_ =	swait.ge [sflag:s30], $0x2800  }
0x13f: {  	[sflag:s30] =	ssyncset.done $0x0  }
0x140: {  	s21 =	rddreg [dreg:$0xf];
	[sflag:s30] =	ssyncadd.s32 $0xFFFFD800  }
0x141: {  	[tilespmem:s19], [sflag:$0x4] =	stream.linear.gather [hbm4b:s21+s19], $0x50, $0x38;
	[tilespmem:$0x5A78] =	vst v63  }
0x142: {  	_ =	swait.ge [sflag:s30], $0x50  }
0x143: {  	[sflag:s30] =	ssyncset.done $0x0  }
0x144: {  	[sflag:s30] =	ssyncadd.s32 $0xFFFFFFB0  }
0x145: {  	[tilespmem:s9], [sflag:$0x3] =	stream.indirect.gather [hbm4b:s1+s8], $0x80, s19, s8, $0xb8;
	[tilespmem:$0x5A78] =	vst v63  }
0x146: {  	_ =	swait.ge [sflag:s11], $0x2800  }
0x147: {  	[sflag:s11] =	ssyncset.done $0x0  }
0x148: {  	s23 =	rddreg [dreg:$0x10];
	[sflag:s11] =	ssyncadd.s32 $0xFFFFD800  }
0x149: {  	[hbm4b:s23+s19] =	stream.linear.scatter [tilespmem:s10], [sflag:$0x4], $0x2800, $0x38;
	[tilespmem:$0x5A78] =	vst v63  }
0x14a: {  	_ =	swait.ge [sflag:s30], $0x2800  }
0x14b: {  	s13 =	simm.s32 @!p1 $0x0;
	[sflag:s30] =	ssyncset.done $0x0  }
0x14c: {  	s15 =	simm.s32 @!p1 $0x80;
	s16 =	rddreg [dreg:$0x11];
	[sflag:s30] =	ssyncadd.s32 $0xFFFFD800  }
0x14d: {  	[tilespmem:s15], [sflag:$0x4] =	stream.linear.gather @!p1 [hbm4b:s16+s13], $0x50, $0x38;
	[tilespmem:$0x5A78] =	vst v63  }
0x14e: {  	s16 =	simm.s32 @!p1 $0x4  }
0x14f: {  	_ =	swait.ge @!p1 [sflag:s16], $0x50  }
0x150: {  	[sflag:s16] =	ssyncset.done @!p1 $0x0  }
0x151: {  	s17 =	simm.s32 @!p1 $0x50;
	s20 =	simm.s32 @!p1 $0x2900;
	[sflag:s16] =	ssyncadd.s32 @!p1 $0xFFFFFFB0  }
0x152: {  	[tilespmem:s20], [sflag:$0x3] =	stream.indirect.gather @!p1 [hbm4b:s1+s17], $0x80, s15, s17, $0xb8;
	[tilespmem:$0x5A78] =	vst v63  }
0x153: {  	s15 =	simm.s32 @!p1 $0x3  }
0x154: {  	_ =	swait.ge @!p1 [sflag:s15], $0x2800  }
0x155: {  	[sflag:s15] =	ssyncset.done @!p1 $0x0  }
0x156: {  	s17 =	rddreg [dreg:$0x12];
	[sflag:s15] =	ssyncadd.s32 @!p1 $0xFFFFD800;
	s15 =	simm.s32 @!p1 $0x100  }
0x157: {  	[hbm4b:s17+s13] =	stream.linear.scatter @!p1 [tilespmem:s15], [sflag:$0x4], $0x2800, $0x38;
	[tilespmem:$0x5A78] =	vst v63  }
0x158: {  	_ =	swait.ge @!p1 [sflag:s16], $0x2800  }
0x159: {  	[sflag:s16] =	ssyncset.done @!p1 $0x0  }
0x15a: {  	[sflag:s16] =	ssyncadd.s32 @!p1 $0xFFFFD800  }
0x15b: {  	_ =	swait.ge [sflag:s11], $0x2800  }
0x15c: {  	[sflag:s11] =	ssyncset.done $0x0  }
0x15d: {  	s20 =	simm.s32 @p1 $0x100;
	s24 =	rddreg [dreg:$0x13];
	[sflag:s11] =	ssyncadd.s32 $0xFFFFD800  }
0x15e: {  	[hbm4b:s24+s19] =	stream.linear.scatter [tilespmem:s20], [sflag:$0x4], $0x2800, $0x38;
	[tilespmem:$0x5A78] =	vst v63  }
0x15f: {  	_ =	swait.ge [sflag:s30], $0x2800  }
0x160: {  	[sflag:s30] =	ssyncset.done $0x0  }
0x161: {  	[sflag:s30] =	ssyncadd.s32 $0xFFFFD800  }
0x162: {  	s20 =	simm.s32 $0x5580;
	[bflag:$0x0] =	sbarrier.arrive $0xFFFF  }
0x163: {  	[tilespmem:s20], [sflag:$0x4] =	stream.linear.gather [spmem:s22], $0x270, $0x38;
	[tilespmem:$0x5A78] =	vst v63  }
0x164: {  	_ =	swait.ge [sflag:s30], $0x270  }
0x165: {  	[sflag:s30] =	ssyncset.done $0x0  }
0x166: {  	s28 =	rddreg [dreg:$0x14];
	[sflag:s30] =	ssyncadd.s32 $0xFFFFFD90  }
0x167: {  	[hbm4b:s28+s19] =	stream.linear.scatter [tilespmem:s20], [sflag:$0x4], $0x270, $0x38;
	[tilespmem:$0x5A78] =	vst v63  }
0x168: {  	_ =	swait.ge [sflag:s30], $0x270  }
0x169: {  	[sflag:s30] =	ssyncset.done $0x0  }
0x16a: {  	s13 =	simm.s32 @!p0 $0x5580;
	s15 =	simm.s32 @!p0 $0x4;
	[sflag:s30] =	ssyncadd.s32 $0xFFFFFD90  }
0x16b: {  	[tilespmem:s13], [sflag:$0x4] =	stream.linear.gather @!p0 [spmem:s26], $0x10, $0x38;
	[tilespmem:$0x5A78] =	vst v63  }
0x16c: {  	_ =	swait.ge @!p0 [sflag:s15], $0x10  }
0x16d: {  	[sflag:s15] =	ssyncset.done @!p0 $0x0  }
0x16e: {  	s16 =	simm.s32 @!p0 $0x0;
	s17 =	rddreg [dreg:$0x15];
	[sflag:s15] =	ssyncadd.s32 @!p0 $0xFFFFFFF0  }
0x16f: {  	[hbm4b:s17+s16] =	stream.linear.scatter @!p0 [tilespmem:s13], [sflag:$0x4], $0x10, $0x38;
	[tilespmem:$0x5A78] =	vst v63  }
0x170: {  	_ =	swait.ge @!p0 [sflag:s15], $0x10  }
0x171: {  	s12 =	sadd.s32 $0x1, s12;
	s29 =	rddreg [dreg:$0x16]  }
0x172: {  	p2 =	sne.s32 s12, s29  }
.Ltmp1:
0x173: {  	_ = 	snop;
	(pc) =	sbr.rel @p2 .LBB2_1-.Ltmp1, $3  }
0x174: {  	_ =	sdelay $0x1  }
0x175: {  	[sflag:s15] =	ssyncset.done @!p0 $0x0  }
0x176: {  	[sflag:s15] =	ssyncadd.s32 @!p0 $0xFFFFFFF0  }
0x177: {  	_ =	sfence.sel $0x180000  }
0x178: {  	[bflag:$0x0] =	sbarrier.arrive $0xFFFF  }
0x179: {  	_ =	strace $0x90000047  }
0x17a: {  	s0 =	stileid.u32;
	[bflag:$0x2] =	sbarrier.arrive $0xFFFF  }
0x17b: {  	p0 =	sne.s32 s0, $0x0;
	s0 =	rddreg [dreg:$0x3]  }
0x17c: {  	s0 =	sadd.s32 @!p0 $0x100000, s0  }
0x17d: {  	[sflag:s0] =	ssyncadd.tile.s32 @!p0 $0x1;
	_ =	shalt  }
.Lfunc_end2:
_tile_overlayer_lowered:
.L_overlay_start_2:
0x17e: {  	(tag) =	ssettag $0x2  }
0x17f: {  	s0 =	rddreg [dreg:$0x0];
	s2 =	stileid.u32  }
0x180: {  	s1 =	rddreg [dreg:$0x1];
	p0 =	sne.s32 s2, $0x0  }
0x181: {  	s3 =	rddreg [dreg:$0x2];
	[bflag:$0x3] =	sbarrier.arrive $0xFFFF;
	s2 =	simm.s32 @!p0 $0x1C04  }
0x182: {  	[timem:s3], [sflag:s2] =	dma.local @!p0 [hbm:s0], s1  }
0x183: {  	s0 =	simm.s32 @!p0 $0x4  }
0x184: {  	_ =	swait.ge @!p0 [sflag:s0], s1  }
0x185: {  	s1 =	ssub.s32 @!p0 $0x0, s1;
	[sflag:s0] =	ssyncset.done @!p0 $0x0  }
0x186: {  	[sflag:s0] =	ssyncadd.s32 @!p0 s1  }
0x187: {  	[bflag:$0x3] =	sbarrier.arrive $0xFFFF  }
0x188: {  	_ =	shalt  }

// kernel: kernel.9.cloned.1.call-start
scs
__scs_entry_jumppad:
0x0: {  	(pc) =	sbr.rel $0x88, $3  }
0x1: {  	(tag) =	ssettag $0x0;
	lr =	simm.s32 $0x1  }
0x2: {  	[smem:$0x3F98] =	sst lr;
	_ =	strace $0xD0000000  }
0x3: {  	_ = 	snop  }
0x4: {  	_ = 	snop  }
0x5: {  	_ = 	snop  }
0x6: {  	_ = 	snop  }
0x7: {  	_ = 	snop  }
__scs_overlays_trampoline_lowered:
0x8: {  	[smem:$0x3FA7] =	sst s0  }
0x9: {  	[smem:$0x3FA8] =	sst s1  }
0xa: {  	[smem:$0x3FA9] =	sst s2  }
0xb: {  	[smem:$0x3FAA] =	sst s3  }
0xc: {  	[smem:$0x3FAB] =	sst s4  }
0xd: {  	[smem:$0x3FAC] =	sst s5  }
0xe: {  	[smem:$0x3FAD] =	sst s6  }
0xf: {  	[smem:$0x3FAE] =	sst s7  }
0x10: {  	[smem:$0x3FAF] =	sst s8  }
0x11: {  	[smem:$0x3FB0] =	sst s9;
	s0 =	simm.s32 @!p0 $0x0  }
0x12: {  	s1 =	sld [smem:$0x3F96];
	s0 =	simm.s32 @p0 $0x1  }
0x13: {  	[smem:$0x3FB1] =	sst s0;
	s0 =	simm.s32 @!p1 $0x0  }
0x14: {  	s2 =	sld [smem:$0x3F95];
	s0 =	simm.s32 @p1 $0x1  }
0x15: {  	[smem:$0x3FB2] =	sst s0;
	s0 =	simm.s32 @!p2 $0x0  }
0x16: {  	s3 =	sld [smem:$0x3FDB];
	s0 =	simm.s32 @p2 $0x1  }
0x17: {  	s4 =	simm.s32 $0x1BF5;
	[smem:$0x3FB4] =	sst s0  }
0x18: {  	s0 =	sld [smem:$0x3F97];
	_ =	swait.ge [sflag:s4], $0x0  }
0x19: {  	s7 =	sld [smem:$0x3F98]  }
0x1a: {  	s8 =	sadd.s32 $0xFFFFE003, lr  }
0x1b: {  	s9 =	sadd.s32 $0xFFFFFEF7, lr;
	s5 =	simm.s32 $0xFFFFFFFF;
	p2 =	slt.u32 s8, $0xFFFFF086  }
0x1c: {  	p1 =	slt.u32 s9, $0xF7A;
	s5 =	simm.s32 @!p2 $0x0  }
0x1d: {  	s5 =	simm.s32 @p1 $0x1;
	p0 =	seq.s32 s7, s2  }
0x1e: {  	s7 =	smul.u32 @!p0 $0xF7A, s2;
	p2 =	seq.s32 @!p0 s5, $0x0  }
0x1f: {  	s9 =	smul.u32 $0xF7A, s1;
	s8 =	simm.s32 @!p0 $0x1BF5;
	p2 =	por !p2, p0  }
0x20: {  	[sflag:s8] =	ssyncset.s32 @!p0 $0xFFFFF086;
	s6 =	sadd.s32 @!p0 s3, s7;
	s7 =	simm.s32 @!p0 $0x108  }
0x21: {  	s3 =	sadd.s32 s3, s9;
	s6 =	sadd.s32 @!p0 $0x88, s6;
	s7 =	simm.s32 @p2 $0x1082  }
0x22: {  	[simem:s7], [sflag:s8] =	dma.local @!p0 [hbm:s6], $0xF7A  }
0x23: {  	s9 =	sor.u32 $0xD0000000, s2;
	s6 =	simm.s32 $0x108;
	_ =	swait.ge @!p0 [sflag:s8], $0x0  }
0x24: {  	s3 =	sadd.s32 $0x88, s3;
	s6 =	simm.s32 @!p1 $0x1082;
	[sflag:s4] =	ssyncset.s32 $0xFFFFF086  }
0x25: {  	[simem:s6], [sflag:s4] =	dma.local [hbm:s3], $0xF7A  }
0x26: {  	[smem:$0x3F98] =	sst s1;
	(tag) =	ssettag s2;
	_ =	strace s9  }
0x27: {  	s1 =	sld [smem:$0x3FA8]  }
0x28: {  	s2 =	sld [smem:$0x3FA9]  }
0x29: {  	s4 =	sld [smem:$0x3FAB]  }
0x2a: {  	p0 =	seq.s32 s5, $0x0;
	s5 =	sld [smem:$0x3FAC]  }
0x2b: {  	s6 =	sld [smem:$0x3FAD]  }
0x2c: {  	s7 =	sld [smem:$0x3FAE]  }
0x2d: {  	s3 =	simm.s32 $0x108;
	s8 =	sld [smem:$0x3FAF]  }
0x2e: {  	s3 =	simm.s32 @!p0 $0x1082;
	s9 =	sld [smem:$0x3FB0]  }
0x2f: {  	lr =	sadd.s32 s0, s3;
	s0 =	sld [smem:$0x3FA7]  }
0x30: {  	s3 =	sld [smem:$0x3FAA]  }
0x31: {  	[smem:$0x3FB3] =	sst s10  }
0x32: {  	s10 =	sld [smem:$0x3FB1];
	_ =	sdelay $0x3  }
0x33: {  	p0 =	seq.s32 s10, $0x1;
	s10 =	sld [smem:$0x3FB3];
	_ =	sdelay $0x3  }
0x34: {  	[smem:$0x3FB3] =	sst s10  }
0x35: {  	s10 =	sld [smem:$0x3FB2];
	_ =	sdelay $0x3  }
0x36: {  	p1 =	seq.s32 s10, $0x1;
	s10 =	sld [smem:$0x3FB3];
	_ =	sdelay $0x3  }
0x37: {  	[smem:$0x3FB3] =	sst s10  }
0x38: {  	s10 =	sld [smem:$0x3FB4]  }
0x39: {  	_ = 	snop;
	(pc) =	sbr.ind lr, $3  }
0x3a: {  	_ = 	snop  }
0x3b: {  	_ = 	snop  }
0x3c: {  	p2 =	seq.s32 s10, $0x1;
	s10 =	sld [smem:$0x3FB3]  }
0x3d: {  	_ =	shalt  }
0x3e: {  	_ =	shalt  }
0x3f: {  	_ =	shalt  }
0x40: {  	_ =	shalt  }
0x41: {  	_ =	shalt  }
0x42: {  	_ =	shalt  }
0x43: {  	_ =	shalt  }
0x44: {  	_ =	shalt  }
0x45: {  	_ =	shalt  }
0x46: {  	_ =	shalt  }
0x47: {  	_ =	shalt  }
0x48: {  	_ =	shalt  }
0x49: {  	_ =	shalt  }
0x4a: {  	_ =	shalt  }
0x4b: {  	_ =	shalt  }
0x4c: {  	_ =	shalt  }
0x4d: {  	_ =	shalt  }
0x4e: {  	_ =	shalt  }
0x4f: {  	_ =	shalt  }
0x50: {  	_ =	shalt  }
0x51: {  	_ =	shalt  }
0x52: {  	_ =	shalt  }
0x53: {  	_ =	shalt  }
0x54: {  	_ =	shalt  }
0x55: {  	_ =	shalt  }
0x56: {  	_ =	shalt  }
0x57: {  	_ =	shalt  }
0x58: {  	_ =	shalt  }
0x59: {  	_ =	shalt  }
0x5a: {  	_ =	shalt  }
0x5b: {  	_ =	shalt  }
0x5c: {  	_ =	shalt  }
0x5d: {  	_ =	shalt  }
0x5e: {  	_ =	shalt  }
0x5f: {  	_ =	shalt  }
0x60: {  	_ =	shalt  }
0x61: {  	_ =	shalt  }
0x62: {  	_ =	shalt  }
0x63: {  	_ =	shalt  }
0x64: {  	_ =	shalt  }
0x65: {  	_ =	shalt  }
0x66: {  	_ =	shalt  }
0x67: {  	_ =	shalt  }
0x68: {  	_ =	shalt  }
0x69: {  	_ =	shalt  }
0x6a: {  	_ =	shalt  }
0x6b: {  	_ =	shalt  }
0x6c: {  	_ =	shalt  }
0x6d: {  	_ =	shalt  }
0x6e: {  	_ =	shalt  }
0x6f: {  	_ =	shalt  }
0x70: {  	_ =	shalt  }
0x71: {  	_ =	shalt  }
0x72: {  	_ =	shalt  }
0x73: {  	_ =	shalt  }
0x74: {  	_ =	shalt  }
0x75: {  	_ =	shalt  }
0x76: {  	_ =	shalt  }
0x77: {  	_ =	shalt  }
0x78: {  	_ =	shalt  }
0x79: {  	_ =	shalt  }
0x7a: {  	_ =	shalt  }
0x7b: {  	_ =	shalt  }
0x7c: {  	_ =	shalt  }
0x7d: {  	_ =	shalt  }
0x7e: {  	_ =	shalt  }
0x7f: {  	_ =	shalt  }
0x80: {  	_ =	shalt  }
0x81: {  	_ =	shalt  }
0x82: {  	_ =	shalt  }
0x83: {  	_ =	shalt  }
0x84: {  	_ =	shalt  }
0x85: {  	_ =	shalt  }
0x86: {  	_ =	shalt  }
0x87: {  	_ =	shalt  }
.Lfunc_end0:
.L_simem_size_0:
called_computation.1_lowered:
.L_overlay_start_0:
0x88: {  	s2 =	sld [smem:$0x3FD9]  }
0x89: {  	s3 =	sld [smem:$0x3FFE];
	_ =	sdelay $0x1  }
0x8a: {  	s1 =	srdreg.scid  }
0x8b: {  	s0 =	sand.u32 $0x1, s1  }
0x8c: {  	s16 =	sshll.u32 s0, $0xA;
	s2 =	sadd.s32 s3, s2  }
0x8d: {  	s2 =	sadd.s32 s2, s16  }
0x8e: {  	[smem:$0x3FBF] =	sst s2  }
0x8f: {  	_ = 	snop  }
0x90: {  	(tm) =	ssettm $0x1  }
0x91: {  	s17 =	sld [smem:$0x3FFB];
	_ =	sdelay $0x3  }
0x92: {  	_ =	strace s17  }
0x93: {  	s2 =	sld [smem:$0x3FFC];
	_ =	sdelay $0x3  }
0x94: {  	_ =	strace s2  }
0x95: {  	s2 =	sld [smem:$0x3FFD];
	_ =	sdelay $0x3  }
0x96: {  	_ =	strace s2  }
0x97: {  	_ =	strace $0x8FFFFFFF  }
0x98: {  	s18 =	sld [smem:$0x3FDB];
	_ =	sdelay $0x1  }
0x99: {  	s19 =	simm.s32 $_scs_section_size  }
0x9a: {  	s4 =	simm.s32 $_size__tile_overlayer_lowered;
	s5 =	simm.s32 $_tile_overlayer_lowered  }
0x9b: {  	s22 =	simm.s32 $0x1BFF;
	s21 =	sshll.u32 s5, $0x1;
	s2 =	sadd.s32 s19, s18  }
0x9c: {  	s6 =	simm.s32 $0x0;
	s20 =	sshll.u32 s4, $0x1;
	s4 =	sadd.s32 s21, s2  }
0x9d: {  	[timem:s6], [sflag:s22] =	dma.local [hbm:s4], s20  }
0x9e: {  	_ =	swait.ge [sflag:s22], s20  }
0x9f: {  	s3 =	ssub.s32 $0x0, s20;
	[sflag:s22] =	ssyncset.done $0x0  }
0xa0: {  	[sflag:s22] =	ssyncadd.s32 s3;
	_ =	sdelay $0x1  }
0xa1: {  	s23 =	simm.s32 $0x1B8B  }
0xa2: {  	_ =	swait.ge [sflag:s23], $0x1  }
0xa3: {  	[sflag:s23] =	ssyncset.done $0x0  }
0xa4: {  	s25 =	simm.s32 $0x1B8E;
	s24 =	sld [smem:$0x3FFE];
	[sflag:s23] =	ssyncadd.s32 $0xFFFFFFFF  }
0xa5: {  	s26 =	simm.s32 $execute0_lowered;
	[smem:$0x3FD2] =	sst s25  }
0xa6: {  	s4 =	sshll.u32 s26, $0x1;
	_ =	strace $0x80000049;
	[dreg:$0x1] =	wrdreg $0xFFFFFFFF  }
0xa7: {  	s28 =	simm.s32 $_size_execute0_lowered;
	s2 =	sadd.s32 s2, s4;
	[dreg:$0x0] =	wrdreg $0x0  }
0xa8: {  	s4 =	sshll.u32 s28, $0x1;
	[dreg:$0x2] =	wrdreg s2  }
0xa9: {  	[dreg:$0x3] =	wrdreg s4  }
0xaa: {  	[dreg:$0x4] =	wrdreg $0xC0  }
0xab: {  	_ =	task [dreg:s6], $0x5FFFF  }
0xac: {  	[dreg:$0x1] =	wrdreg $0xFFFFFFFF  }
0xad: {  	[dreg:$0x0] =	wrdreg $0x60  }
0xae: {  	[dreg:$0x2] =	wrdreg s24  }
0xaf: {  	[dreg:$0x3] =	wrdreg $0x9B800  }
0xb0: {  	[dreg:$0x4] =	wrdreg $0x1D4000  }
0xb1: {  	[dreg:$0x5] =	wrdreg $0x9  }
0xb2: {  	_ =	task.clear_ibuf [dreg:s6], $0x6FFFF;
	_ =	strace $0x90000049  }
0xb3: {  	s29 =	simm.s32 $0x9;
	_ =	strace $0x8000004B  }
0xb4: {  	_ =	swait.ge [sflag:s29], $0x1  }
0xb5: {  	[sflag:s29] =	ssyncadd.s32 $0xFFFFFFFF  }
0xb6: {  	_ =	strace $0x9000004B  }
0xb7: {  	_ =	sfence  }
0xb8: {  	s30 =	sld [smem:$0x0];
	_ =	sdelay $0x2  }
0xb9: {  	s31 =	sshll.u32 s1, $0xD;
	s1 =	sshrl.u32 s1, $0x2  }
0xba: {  	s3 =	sand.u32 $0x4000, s31;
	s1 =	sadd.s32 s1, s30  }
0xbb: {  	s0 =	sor.u32 s3, s0;
	s1 =	sshll.u32 s1, $0x11  }
0xbc: {  	s0 =	sor.u32 s1, s0  }
0xbd: {  	s0 =	sadd.s32 $0x8F2B, s0  }
0xbe: {  	[sflag:s0] =	ssyncadd.remote.s32 $0x1  }
0xbf: {  	_ =	sfence.sel $0xFFFF  }
0xc0: {  	[dreg:$0x0] =	wrdreg $0xFFFFFFFF;
	(pc) =	sbr.abs _section_cstart, $3  }
0xc1: {  	[dreg:$0x1] =	wrdreg $0xFFFFFFFF  }
0xc2: {  	_ =	task.clear_ibuf [dreg:s6], $0x2FFFF;
	_ =	strace $0x9FFFFFFF  }
0xc3: {  	(tm) =	ssettm $0x7FFFFFFF  }
tec
execute0_lowered:
.L_overlay_start_1:
0x0: {  	(tag) =	ssettag $0x1  }
0x1: {  	s0 =	rddreg [dreg:$0x0]  }
0x2: {  	s1 =	rddreg [dreg:$0x1];
	s4 =	srdreg.scid  }
0x3: {  	s2 =	rddreg [dreg:$0x2];
	s5 =	sand.u32 $0x1, s4  }
0x4: {  	s4 =	stileid.u32;
	s8 =	smul.u32 $0x9C4, s5  }
0x5: {  	s3 =	simm.s32 $0x0;
	s28 =	simm.s32 $0x6;
	s12 =	smul.u32 $0x4E000, s4  }
0x6: {  	[smem:$0x7FF] =	sst s3;
	s6 =	sadd.s32 $0x1A00, s0;
	s20 =	smul.u32 $0x270, s4  }
0x7: {  	s7 =	sadd.s32 $0x15400, s0;
	s9 =	sadd.s32 $0x2A200, s0;
	s18 =	smul.u32 $0x138800, s5  }
0x8: {  	s10 =	sadd.s32 $0x29800, s0;
	_ =	strace $0x8000004A;
	s21 =	smul.u32 $0x9C40, s5  }
0x9: {  	s11 =	ssub.s32 $0x2, s5;
	s24 =	sshll.u32 s4, $0x4;
	s25 =	smul.u32 $0x2700, s4  }
0xa: {  	p0 =	sne.s32 s4, $0xF;
	s13 =	sshrl.u32 s11, $0x1;
	s8 =	sadd.s32 s4, s8  }
0xb: {  	s11 =	ssub.s32 s11, s13;
	s13 =	smul.u32 $0x2710, s5;
	s8 =	sshll.u32 s8, $0x4  }
0xc: {  	s5 =	smul.u32 $0x27100, s5;
	s14 =	sadd.s32 s6, s8;
	s26 =	sadd.s32 s7, s8  }
0xd: {  	s29 =	sadd.s32 $0x100, s8;
	s15 =	sadd.s32 $0x200, s8;
	s8 =	sadd.s32 $0x300, s8  }
0xe: {  	s17 =	sadd.s32 s20, s13;
	s19 =	sshrl.u32 s13, $0x3;
	[dreg:$0x6] =	wrdreg s14  }
0xf: {  	s5 =	sadd.s32 s5, s9;
	s20 =	sadd.s32 s20, s2;
	[dreg:$0x7] =	wrdreg s26  }
0x10: {  	s16 =	sadd.s32 s6, s29;
	s14 =	sadd.s32 s7, s29;
	[dreg:$0x10] =	wrdreg s20  }
0x11: {  	s30 =	sadd.s32 s6, s15;
	s31 =	sadd.s32 s7, s15;
	[dreg:$0x8] =	wrdreg s16  }
0x12: {  	s15 =	ssub.s32 $0x9A4, s4;
	s22 =	sadd.s32 s6, s8;
	[dreg:$0x9] =	wrdreg s14  }
0x13: {  	s8 =	sadd.s32 s7, s8;
	s7 =	sadd.s32 s21, s7;
	[dreg:$0xa] =	wrdreg s30  }
0x14: {  	s6 =	sadd.s32 s21, s6;
	s26 =	sshrl.u32 s12, $0x2;
	[dreg:$0xb] =	wrdreg s31  }
0x15: {  	s12 =	sadd.s32 $0x138000, s1;
	[dreg:$0x4] =	wrdreg s15;
	s16 =	ssub.s32 $0x994, s4  }
0x16: {  	s15 =	sshrl.u32 s17, $0x3;
	[dreg:$0xd] =	wrdreg s22;
	s14 =	sshrl.u32 s18, $0x3  }
0x17: {  	[dreg:$0xe] =	wrdreg s8;
	s17 =	sadd.s32 $0x1000, s0;
	s18 =	sadd.s32 s26, s1  }
0x18: {  	s31 =	smax.u32 s11, $0x1;
	s26 =	simm.s32 $0x9100;
	[dreg:$0xf] =	wrdreg s12  }
0x19: {  	[dreg:$0x5] =	wrdreg s16;
	s15 =	sadd.s32 s10, s15;
	s10 =	sadd.s32 s10, s19  }
0x1a: {  	s23 =	sadd.s32 s9, s14;
	s14 =	sadd.s32 s24, s7;
	[dreg:$0x13] =	wrdreg s31  }
0x1b: {  	s16 =	sadd.s32 $0x78A00, s0;
	[dreg:$0xc] =	wrdreg s15;
	s29 =	sadd.s32 $0x27000, s23  }
0x1c: {  	s19 =	sadd.s32 s25, s5;
	s30 =	sadd.s32 $0x4E0, s10;
	[dreg:$0x11] =	wrdreg s29  }
0x1d: {  	s0 =	simm.s32 $0x1000;
	s10 =	sadd.s32 $0x2700, s2;
	[dreg:$0x12] =	wrdreg s30  }
0x1e: {  	v1 =	vimm.f32 $0.0e+00;
	v0 =	vmov s13;
	s5 =	simm.s32 $0x0;
	s15 =	sadd.s32 s24, s6;
	[dreg:$0x14] =	wrdreg s10  }
.LBB2_1:
0x1f: {  	s6 =	sand.u32 $0x1E00, s3  }
0x20: {  	s7 =	sand.u32 $0x70, s3;
	s8 =	sshrl.u32 s6, $0x2  }
0x21: {  	s6 =	simm.s32 $0x40;
	s8 =	sor.u32 s7, s8;
	s7 =	simm.s32 $0x0  }
.LBB2_2:
0x22: {  	p1 =	sne.s32 s6, $0x1FC0  }
0x23: {  	[tilespmem:s8+$0x9100] =	vst v1;
	s7 =	sadd.s32 $0x10, s7;
	s8 =	smov.u32 s6;
	s6 =	sadd.s32 $0x40, s6  }
.Ltmp0:
0x24: {  	(pc) =	sbr.rel @p1 .LBB2_2-.Ltmp0, $4  }
0x25: {  	_ = 	snop  }
0x26: {  	s8 =	sand.u32 $0x1E00, s8  }
0x27: {  	s9 =	sand.u32 $0x70, s7;
	s8 =	sshrl.u32 s8, $0x2  }
0x28: {  	s8 =	sor.u32 s9, s8  }
0x29: {  	[tilespmem:s8+$0x9100] =	vst v1  }
0x2a: {  	[tilespmem:$0x9900] =	vst v1  }
0x2b: {  	[tilespmem:$0x9910] =	vst v1  }
0x2c: {  	[tilespmem:$0x9920] =	vst v1  }
0x2d: {  	[tilespmem:$0x9930] =	vst v1  }
0x2e: {  	[tilespmem:$0x9940] =	vst v1  }
0x2f: {  	[tilespmem:$0x9950] =	vst v1  }
0x30: {  	[tilespmem:$0x9960] =	vst v1  }
0x31: {  	[tilespmem:$0x9970] =	vst v1  }
0x32: {  	[tilespmem:$0x9980] =	vst v1  }
0x33: {  	[tilespmem:$0x9990] =	vst v1  }
0x34: {  	[tilespmem:$0x99A0] =	vst v1  }
0x35: {  	[tilespmem:$0x99B0] =	vst v1  }
0x36: {  	[tilespmem:$0x99C0] =	vst v1  }
0x37: {  	[tilespmem:$0x99D0] =	vst v1  }
0x38: {  	[tilespmem:$0x99E0] =	vst v1  }
0x39: {  	[tilespmem:$0x99F0] =	vst v1  }
0x3a: {  	[tilespmem:$0x9A00] =	vst v1  }
0x3b: {  	[tilespmem:$0x9A10] =	vst v1  }
0x3c: {  	[tilespmem:$0x9A20] =	vst v1  }
0x3d: {  	[tilespmem:$0x9A30] =	vst v1  }
0x3e: {  	[tilespmem:$0x9A40] =	vst v1  }
0x3f: {  	[tilespmem:$0x9A50] =	vst v1  }
0x40: {  	[tilespmem:$0x9A60] =	vst v1  }
0x41: {  	[tilespmem:$0x9A70] =	vst v1  }
0x42: {  	[tilespmem:$0x9A80] =	vst v1  }
0x43: {  	[tilespmem:$0x9A90] =	vst v1  }
0x44: {  	[tilespmem:$0x9AA0] =	vst v1  }
0x45: {  	[tilespmem:$0x9AB0] =	vst v1  }
0x46: {  	[tilespmem:$0x9AC0] =	vst v1  }
0x47: {  	[tilespmem:$0x9AD0] =	vst v1  }
0x48: {  	[tilespmem:$0x9AE0] =	vst v1  }
0x49: {  	[tilespmem:$0x9AF0] =	vst v1  }
0x4a: {  	[tilespmem:$0x9B00] =	vst v1  }
0x4b: {  	[tilespmem:$0x9B10] =	vst v1  }
0x4c: {  	[tilespmem:$0x9B20] =	vst v1  }
0x4d: {  	[tilespmem:$0x9B30] =	vst v1  }
0x4e: {  	[tilespmem:$0x9B40] =	vst v1  }
0x4f: {  	[tilespmem:$0x9B50] =	vst v1  }
0x50: {  	[tilespmem:$0x9B60] =	vst v1  }
0x51: {  	s6 =	sadd.s32 $0x0, s18;
	[tilespmem:$0x9B70] =	vst v1  }
0x52: {  	[spmem:s6] =	stream.linear.scatter [tilespmem:s26], [sflag:$0x6], $0x800, $0x38;
	[tilespmem:$0x1D678] =	vst v63  }
0x53: {  	s6 =	simm.s32 $0x2000;
	_ =	swait.ge [sflag:s28], $0x800  }
.LBB2_4:
0x54: {  	s7 =	sshra.s32 s6, $0x2;
	[sflag:s28] =	ssyncset.done $0x0;
	p1 =	sne.s32 s6, $0x4C000  }
.Ltmp1:
0x55: {  	s7 =	sadd.s32 s7, s18;
	[sflag:s28] =	ssyncadd.s32 $0xFFFFF800;
	(pc) =	sbr.rel @p1 .LBB2_4-.Ltmp1, $3  }
0x56: {  	[spmem:s7] =	stream.linear.scatter [tilespmem:s26], [sflag:$0x6], $0x800, $0x38;
	[tilespmem:$0x1D678] =	vst v63  }
0x57: {  	s6 =	sadd.s32 $0x2000, s6;
	_ =	sdelay $0x1  }
0x58: {  	_ =	swait.ge [sflag:s28], $0x800  }
0x59: {  	[sflag:s28] =	ssyncset.done $0x0  }
0x5a: {  	s6 =	simm.s32 @p0 $0x9900;
	[sflag:s28] =	ssyncadd.s32 $0xFFFFF800  }
0x5b: {  	[spmem:s20] =	stream.linear.scatter @p0 [tilespmem:s6], [sflag:$0x6], $0x270, $0x38;
	[tilespmem:$0x1D678] =	vst v63  }
0x5c: {  	s6 =	simm.s32 @p0 $0x6  }
0x5d: {  	_ =	swait.ge @p0 [sflag:s6], $0x270  }
0x5e: {  	[sflag:s6] =	ssyncset.done @p0 $0x0  }
0x5f: {  	[sflag:s6] =	ssyncadd.s32 @p0 $0xFFFFFD90;
	s6 =	simm.s32 @!p0 $0x9100  }
0x60: {  	[spmem:s12] =	stream.linear.scatter @!p0 [tilespmem:s6], [sflag:$0x6], $0x800, $0x38;
	[tilespmem:$0x1D678] =	vst v63  }
0x61: {  	s6 =	simm.s32 @!p0 $0x6  }
0x62: {  	_ =	swait.ge @!p0 [sflag:s6], $0x800  }
0x63: {  	[sflag:s6] =	ssyncset.done @!p0 $0x0  }
0x64: {  	s7 =	simm.s32 @!p0 $0x9900;
	[sflag:s6] =	ssyncadd.s32 @!p0 $0xFFFFF800  }
0x65: {  	[spmem:s20] =	stream.linear.scatter @!p0 [tilespmem:s7], [sflag:$0x6], $0x270, $0x38;
	[tilespmem:$0x1D678] =	vst v63  }
0x66: {  	_ =	swait.ge @!p0 [sflag:s6], $0x270  }
0x67: {  	[sflag:s6] =	ssyncset.done @!p0 $0x0  }
0x68: {  	[sflag:s6] =	ssyncadd.s32 @!p0 $0xFFFFFD90  }
0x69: {  	[spmem:s10] =	stream.linear.scatter @!p0 [tilespmem:s7], [sflag:$0x6], $0x10, $0x38;
	[tilespmem:$0x1D678] =	vst v63  }
0x6a: {  	_ =	swait.ge @!p0 [sflag:s6], $0x10  }
0x6b: {  	[sflag:s6] =	ssyncset.done @!p0 $0x0  }
0x6c: {  	[sflag:s6] =	ssyncadd.s32 @!p0 $0xFFFFFFF0  }
0x6d: {  	[bflag:$0x0] =	sbarrier.arrive $0xFFFF  }
0x6e: {  	s6 =	simm.s32 $0x0;
	s23 =	rddreg [dreg:$0x6]  }
0x6f: {  	[tilespmem:s6], [sflag:$0x1] =	stream.linear.gather [hbm4b:s23+s6], $0x80, $0x38;
	[tilespmem:$0x1D678] =	vst v63  }
0x70: {  	s8 =	simm.s32 $0x800;
	s24 =	rddreg [dreg:$0x7]  }
0x71: {  	[tilespmem:s8], [sflag:$0x1] =	stream.linear.gather [hbm4b:s24+s6], $0x80, $0x38;
	[tilespmem:$0x1D678] =	vst v63  }
0x72: {  	s25 =	rddreg [dreg:$0x8];
	s8 =	simm.s32 $0x80  }
0x73: {  	[tilespmem:s8], [sflag:$0x1] =	stream.linear.gather [hbm4b:s25+s6], $0x80, $0x38;
	[tilespmem:$0x1D678] =	vst v63  }
0x74: {  	s9 =	simm.s32 $0x880;
	s29 =	rddreg [dreg:$0x9]  }
0x75: {  	[tilespmem:s9], [sflag:$0x1] =	stream.linear.gather [hbm4b:s29+s6], $0x80, $0x38;
	[tilespmem:$0x1D678] =	vst v63  }
0x76: {  	s31 =	simm.s32 $0x100;
	s30 =	rddreg [dreg:$0xa]  }
0x77: {  	[tilespmem:s31], [sflag:$0x1] =	stream.linear.gather [hbm4b:s30+s6], $0x80, $0x38;
	[tilespmem:$0x1D678] =	vst v63  }
0x78: {  	s10 =	simm.s32 $0x900;
	s9 =	rddreg [dreg:$0xb]  }
0x79: {  	[tilespmem:s10], [sflag:$0x1] =	stream.linear.gather [hbm4b:s9+s6], $0x80, $0x38;
	[tilespmem:$0x1D678] =	vst v63  }
0x7a: {  	s12 =	simm.s32 $0x180;
	s11 =	rddreg [dreg:$0xd]  }
0x7b: {  	[tilespmem:s12], [sflag:$0x1] =	stream.linear.gather [hbm4b:s11+s6], $0x80, $0x38;
	[tilespmem:$0x1D678] =	vst v63  }
0x7c: {  	s21 =	simm.s32 $0x1;
	s20 =	simm.s32 $0x980;
	s13 =	rddreg [dreg:$0xe]  }
0x7d: {  	[tilespmem:s20], [sflag:$0x1] =	stream.linear.gather [hbm4b:s13+s6], $0x80, $0x38;
	[tilespmem:$0x1D678] =	vst v63  }
0x7e: {  	_ =	swait.ge [sflag:s21], $0x80  }
0x7f: {  	[sflag:s21] =	ssyncset.done $0x0  }
0x80: {  	[sflag:s21] =	ssyncadd.s32 $0xFFFFFF80  }
0x81: {  	_ =	swait.ge [sflag:s21], $0x80  }
0x82: {  	[sflag:s21] =	ssyncset.done $0x0  }
0x83: {  	[sflag:s21] =	ssyncadd.s32 $0xFFFFFF80  }
0x84: {  	v2 =	vld [tilespmem:$0x0]  }
0x85: {  	v3 =	vld [tilespmem:$0x800]  }
0x86: {  	v4 =	vld [tilespmem:$0x10]  }
0x87: {  	v5 =	vld [tilespmem:$0x810]  }
0x88: {  	v6 =	vld [tilespmem:$0x20]  }
0x89: {  	v7 =	vld [tilespmem:$0x820];
	v2 =	vadd.s32 v0, v2  }
0x8a: {  	[tilespmem:$0x400] =	vst v2;
	v2 =	vadd.s32 v0, v3;
	v3 =	vld [tilespmem:$0x30]  }
0x8b: {  	v44 =	vld [tilespmem:$0x830];
	[tilespmem:$0xC00] =	vst v2;
	v2 =	vadd.s32 v0, v4  }
0x8c: {  	v45 =	vld [tilespmem:$0x40];
	[tilespmem:$0x410] =	vst v2;
	v2 =	vadd.s32 v0, v5  }
0x8d: {  	v46 =	vld [tilespmem:$0x840];
	[tilespmem:$0xC10] =	vst v2;
	v2 =	vadd.s32 v0, v6  }
0x8e: {  	v47 =	vld [tilespmem:$0x50];
	[tilespmem:$0x420] =	vst v2;
	v2 =	vadd.s32 v0, v7  }
0x8f: {  	[tilespmem:$0xC20] =	vst v2;
	v2 =	vadd.s32 v0, v3;
	v3 =	vld [tilespmem:$0x850]  }
0x90: {  	v48 =	vld [tilespmem:$0x60];
	[tilespmem:$0x430] =	vst v2;
	v2 =	vadd.s32 v0, v44  }
0x91: {  	v49 =	vld [tilespmem:$0x860];
	[tilespmem:$0xC30] =	vst v2;
	v2 =	vadd.s32 v0, v45  }
0x92: {  	v50 =	vld [tilespmem:$0x70];
	[tilespmem:$0x440] =	vst v2;
	v2 =	vadd.s32 v0, v46  }
0x93: {  	v51 =	vld [tilespmem:$0x870];
	[tilespmem:$0xC40] =	vst v2;
	v2 =	vadd.s32 v0, v47  }
0x94: {  	[tilespmem:$0x450] =	vst v2;
	v2 =	vadd.s32 v0, v3  }
0x95: {  	[tilespmem:$0xC50] =	vst v2;
	v2 =	vadd.s32 v0, v48  }
0x96: {  	[tilespmem:$0x460] =	vst v2;
	v2 =	vadd.s32 v0, v49  }
0x97: {  	[tilespmem:$0xC60] =	vst v2;
	v2 =	vadd.s32 v0, v50  }
0x98: {  	[tilespmem:$0x470] =	vst v2;
	v2 =	vadd.s32 v0, v51  }
0x99: {  	s22 =	simm.s32 $0x400;
	[tilespmem:$0xC70] =	vst v2  }
0x9a: {  	[tilespmem:s0], [sflag:$0x2] =	stream.indirect.gather [hbm4b:s16+s8], $0x80, s22, s8, $0xb8;
	[tilespmem:$0x1D678] =	vst v63  }
0x9b: {  	s23 =	simm.s32 $0xC00;
	s24 =	simm.s32 $0x9000  }
0x9c: {  	[tilespmem:s24], [sflag:$0x3] =	stream.indirect.gather [hbm4b:s17+s8], $0x1, s23, s8, $0xb8;
	[tilespmem:$0x1D678] =	vst v63  }
0x9d: {  	_ =	swait.ge [sflag:s21], $0x80  }
0x9e: {  	[sflag:s21] =	ssyncset.done $0x0  }
0x9f: {  	[sflag:s21] =	ssyncadd.s32 $0xFFFFFF80  }
0xa0: {  	_ =	swait.ge [sflag:s21], $0x80  }
0xa1: {  	[sflag:s21] =	ssyncset.done $0x0  }
0xa2: {  	[sflag:s21] =	ssyncadd.s32 $0xFFFFFF80  }
0xa3: {  	v2 =	vld [tilespmem:$0x80]  }
0xa4: {  	v3 =	vld [tilespmem:$0x880]  }
0xa5: {  	v52 =	vld [tilespmem:$0x90]  }
0xa6: {  	v53 =	vld [tilespmem:$0x890]  }
0xa7: {  	v54 =	vld [tilespmem:$0xA0]  }
0xa8: {  	v55 =	vld [tilespmem:$0x8A0];
	v2 =	vadd.s32 v0, v2  }
0xa9: {  	[tilespmem:$0x480] =	vst v2;
	v2 =	vadd.s32 v0, v3;
	v3 =	vld [tilespmem:$0xB0]  }
0xaa: {  	v56 =	vld [tilespmem:$0x8B0];
	[tilespmem:$0xC80] =	vst v2;
	v2 =	vadd.s32 v0, v52  }
0xab: {  	v57 =	vld [tilespmem:$0xC0];
	[tilespmem:$0x490] =	vst v2;
	v2 =	vadd.s32 v0, v53  }
0xac: {  	v58 =	vld [tilespmem:$0x8C0];
	[tilespmem:$0xC90] =	vst v2;
	v2 =	vadd.s32 v0, v54  }
0xad: {  	v59 =	vld [tilespmem:$0xD0];
	[tilespmem:$0x4A0] =	vst v2;
	v2 =	vadd.s32 v0, v55  }
0xae: {  	[tilespmem:$0xCA0] =	vst v2;
	v2 =	vadd.s32 v0, v3;
	v3 =	vld [tilespmem:$0x8D0]  }
0xaf: {  	v60 =	vld [tilespmem:$0xE0];
	[tilespmem:$0x4B0] =	vst v2;
	v2 =	vadd.s32 v0, v56  }
0xb0: {  	v61 =	vld [tilespmem:$0x8E0];
	[tilespmem:$0xCB0] =	vst v2;
	v2 =	vadd.s32 v0, v57  }
0xb1: {  	v62 =	vld [tilespmem:$0xF0];
	[tilespmem:$0x4C0] =	vst v2;
	v2 =	vadd.s32 v0, v58  }
0xb2: {  	v63 =	vld [tilespmem:$0x8F0];
	[tilespmem:$0xCC0] =	vst v2;
	v2 =	vadd.s32 v0, v59  }
0xb3: {  	[tilespmem:$0x4D0] =	vst v2;
	v2 =	vadd.s32 v0, v3  }
0xb4: {  	[tilespmem:$0xCD0] =	vst v2;
	v2 =	vadd.s32 v0, v60  }
0xb5: {  	[tilespmem:$0x4E0] =	vst v2;
	v2 =	vadd.s32 v0, v61  }
0xb6: {  	[tilespmem:$0xCE0] =	vst v2;
	v2 =	vadd.s32 v0, v62  }
0xb7: {  	[tilespmem:$0x4F0] =	vst v2;
	v2 =	vadd.s32 v0, v63  }
0xb8: {  	s25 =	simm.s32 $0x480;
	s29 =	simm.s32 $0x5000;
	[tilespmem:$0xCF0] =	vst v2  }
0xb9: {  	[tilespmem:s29], [sflag:$0x2] =	stream.indirect.gather [hbm4b:s16+s8], $0x80, s25, s8, $0xb8;
	[tilespmem:$0x1D678] =	vst v63  }
0xba: {  	s7 =	simm.s32 $0x0;
	s30 =	simm.s32 $0xC80;
	s31 =	simm.s32 $0x9080  }
0xbb: {  	[tilespmem:s31], [sflag:$0x3] =	stream.indirect.gather [hbm4b:s17+s8], $0x1, s30, s8, $0xb8;
	[tilespmem:$0x1D678] =	vst v63  }
.LBB2_6:
0xbc: {  	s8 =	sadd.s32 s6, s4  }
0xbd: {  	p1 =	sgt.u32 s8, $0x9C3  }
0xbe: {  	s9 =	simm.s32 @!p1 $0x2  }
0xbf: {  	_ =	swait.ge @!p1 [sflag:s9], $0x4000  }
0xc0: {  	[sflag:s9] =	ssyncset.done @!p1 $0x0  }
0xc1: {  	[sflag:s9] =	ssyncadd.s32 @!p1 $0xFFFFC000;
	s9 =	simm.s32 @!p1 $0x3  }
0xc2: {  	_ =	swait.ge @!p1 [sflag:s9], $0x80  }
0xc3: {  	s10 =	simm.s32 @!p1 $0x800;
	[sflag:s9] =	ssyncset.done @!p1 $0x0  }
0xc4: {  	s11 =	simm.s32 @!p1 $0x1000;
	[sflag:s9] =	ssyncadd.s32 @!p1 $0xFFFFFF80;
	s9 =	simm.s32 @!p1 $0x80  }
0xc5: {  	[spmem:s1] =	stream.indirect.scatter.add.f32 @!p1 [tilespmem:s11], [sflag:$0x4], $0x80, s10, s9, $0xb8;
	[tilespmem:$0x1D678] =	vst v63  }
0xc6: {  	s10 =	simm.s32 @!p1 $0x0;
	s11 =	simm.s32 @!p1 $0x9000  }
0xc7: {  	[spmem:s2] =	stream.indirect.scatter.add.f32 @!p1 [tilespmem:s11], [sflag:$0x5], $0x1, s10, s9, $0xb8;
	[tilespmem:$0x1D678] =	vst v63  }
0xc8: {  	s9 =	simm.s32 @!p1 $0x4  }
0xc9: {  	_ =	swait.ge @!p1 [sflag:s9], $0x4000  }
0xca: {  	[sflag:s9] =	ssyncset.done @!p1 $0x0  }
0xcb: {  	[sflag:s9] =	ssyncadd.s32 @!p1 $0xFFFFC000;
	s9 =	simm.s32 @!p1 $0x5  }
0xcc: {  	_ =	swait.ge @!p1 [sflag:s9], $0x80  }
0xcd: {  	s11 =	rddreg [dreg:$0x4]  }
0xce: {  	[sflag:s9] =	ssyncset.done @!p1 $0x0;
	p3 =	sge.u32 s6, s11  }
0xcf: {  	[sflag:s9] =	ssyncadd.s32 @!p1 $0xFFFFFF80;
	s9 =	simm.s32 @!p3 $0x1  }
0xd0: {  	_ =	swait.ge @!p3 [sflag:s9], $0x80  }
0xd1: {  	[sflag:s9] =	ssyncset.done @!p3 $0x0  }
0xd2: {  	[sflag:s9] =	ssyncadd.s32 @!p3 $0xFFFFFF80  }
0xd3: {  	_ =	swait.ge @!p3 [sflag:s9], $0x80  }
0xd4: {  	[sflag:s9] =	ssyncset.done @!p3 $0x0  }
0xd5: {  	[sflag:s9] =	ssyncadd.s32 @!p3 $0xFFFFFF80  }
0xd6: {  	v2 =	vld @!p3 [tilespmem:$0x100]  }
0xd7: {  	v3 =	vld @!p3 [tilespmem:$0x900]  }
0xd8: {  	v4 =	vld @!p3 [tilespmem:$0x110]  }
0xd9: {  	v5 =	vld @!p3 [tilespmem:$0x910]  }
0xda: {  	v6 =	vld @!p3 [tilespmem:$0x120]  }
0xdb: {  	v7 =	vld @!p3 [tilespmem:$0x920];
	v2 =	vadd.s32 @!p3 v0, v2  }
0xdc: {  	[tilespmem:$0x500] =	vst @!p3 v2;
	v2 =	vadd.s32 @!p3 v0, v3;
	v3 =	vld @!p3 [tilespmem:$0x130]  }
0xdd: {  	[tilespmem:$0xD00] =	vst @!p3 v2;
	v2 =	vadd.s32 @!p3 v0, v4;
	v4 =	vld @!p3 [tilespmem:$0x930]  }
0xde: {  	[tilespmem:$0x510] =	vst @!p3 v2;
	v2 =	vadd.s32 @!p3 v0, v5;
	v5 =	vld @!p3 [tilespmem:$0x140]  }
0xdf: {  	[tilespmem:$0xD10] =	vst @!p3 v2;
	v2 =	vadd.s32 @!p3 v0, v6;
	v6 =	vld @!p3 [tilespmem:$0x940]  }
0xe0: {  	[tilespmem:$0x520] =	vst @!p3 v2;
	v2 =	vadd.s32 @!p3 v0, v7;
	v7 =	vld @!p3 [tilespmem:$0x150]  }
0xe1: {  	[tilespmem:$0xD20] =	vst @!p3 v2;
	v2 =	vadd.s32 @!p3 v0, v3;
	v3 =	vld @!p3 [tilespmem:$0x950]  }
0xe2: {  	[tilespmem:$0x530] =	vst @!p3 v2;
	v2 =	vadd.s32 @!p3 v0, v4;
	v4 =	vld @!p3 [tilespmem:$0x160]  }
0xe3: {  	[tilespmem:$0xD30] =	vst @!p3 v2;
	v2 =	vadd.s32 @!p3 v0, v5;
	v5 =	vld @!p3 [tilespmem:$0x960]  }
0xe4: {  	[tilespmem:$0x540] =	vst @!p3 v2;
	v2 =	vadd.s32 @!p3 v0, v6;
	v6 =	vld @!p3 [tilespmem:$0x170]  }
0xe5: {  	[tilespmem:$0xD40] =	vst @!p3 v2;
	v2 =	vadd.s32 @!p3 v0, v7;
	v7 =	vld @!p3 [tilespmem:$0x970]  }
0xe6: {  	[tilespmem:$0x550] =	vst @!p3 v2;
	v2 =	vadd.s32 @!p3 v0, v3  }
0xe7: {  	[tilespmem:$0xD50] =	vst @!p3 v2;
	v2 =	vadd.s32 @!p3 v0, v4  }
0xe8: {  	[tilespmem:$0x560] =	vst @!p3 v2;
	v2 =	vadd.s32 @!p3 v0, v5  }
0xe9: {  	[tilespmem:$0xD60] =	vst @!p3 v2;
	v2 =	vadd.s32 @!p3 v0, v6  }
0xea: {  	s12 =	sadd.s32 $0x40, s8;
	[tilespmem:$0x570] =	vst @!p3 v2;
	v2 =	vadd.s32 @!p3 v0, v7  }
0xeb: {  	s13 =	simm.s32 @!p3 $0x80;
	s22 =	simm.s32 @!p3 $0x1000;
	s9 =	simm.s32 @!p3 $0x500;
	[tilespmem:$0xD70] =	vst @!p3 v2  }
0xec: {  	[tilespmem:s22], [sflag:$0x2] =	stream.indirect.gather @!p3 [hbm4b:s16+s13], $0x80, s9, s13, $0xb8;
	[tilespmem:$0x1D678] =	vst v63  }
0xed: {  	p1 =	sgt.u32 s12, $0x9C3;
	s23 =	simm.s32 @!p3 $0x9000;
	s9 =	simm.s32 @!p3 $0xD00  }
0xee: {  	[tilespmem:s23], [sflag:$0x3] =	stream.indirect.gather @!p3 [hbm4b:s17+s13], $0x1, s9, s13, $0xb8;
	[tilespmem:$0x1D678] =	vst v63  }
0xef: {  	s9 =	sadd.s32 @!p1 s7, s15  }
0xf0: {  	s11 =	simm.s32 @!p1 $0x0;
	s10 =	sadd.s32 @!p1 $0x400, s9;
	s9 =	simm.s32 @!p1 $0x200  }
0xf1: {  	[tilespmem:s9], [sflag:$0x1] =	stream.linear.gather @!p1 [hbm4b:s10+s11], $0x80, $0x38;
	[tilespmem:$0x1D678] =	vst v63  }
0xf2: {  	s10 =	sadd.s32 @!p1 s7, s14  }
0xf3: {  	p2 =	sgt.u32 s8, $0x9B3;
	s12 =	sadd.s32 @!p1 $0x400, s10;
	s10 =	simm.s32 @!p1 $0xA00  }
0xf4: {  	[tilespmem:s10], [sflag:$0x1] =	stream.linear.gather @!p1 [hbm4b:s12+s11], $0x80, $0x38;
	[tilespmem:$0x1D678] =	vst v63  }
0xf5: {  	s11 =	simm.s32 @!p2 $0x2  }
0xf6: {  	_ =	swait.ge @!p2 [sflag:s11], $0x4000  }
0xf7: {  	[sflag:s11] =	ssyncset.done @!p2 $0x0  }
0xf8: {  	[sflag:s11] =	ssyncadd.s32 @!p2 $0xFFFFC000;
	s11 =	simm.s32 @!p2 $0x3  }
0xf9: {  	_ =	swait.ge @!p2 [sflag:s11], $0x80  }
0xfa: {  	s20 =	simm.s32 @!p2 $0x5000;
	[sflag:s11] =	ssyncset.done @!p2 $0x0  }
0xfb: {  	s12 =	simm.s32 @!p2 $0x880;
	[sflag:s11] =	ssyncadd.s32 @!p2 $0xFFFFFF80;
	s11 =	simm.s32 @!p2 $0x80  }
0xfc: {  	[spmem:s1] =	stream.indirect.scatter.add.f32 @!p2 [tilespmem:s20], [sflag:$0x4], $0x80, s12, s11, $0xb8;
	[tilespmem:$0x1D678] =	vst v63  }
0xfd: {  	s12 =	simm.s32 @!p2 $0x9080  }
0xfe: {  	[spmem:s2] =	stream.indirect.scatter.add.f32 @!p2 [tilespmem:s12], [sflag:$0x5], $0x1, s11, s11, $0xb8;
	[tilespmem:$0x1D678] =	vst v63  }
0xff: {  	s11 =	simm.s32 @!p2 $0x4  }
0x100: {  	_ =	swait.ge @!p2 [sflag:s11], $0x4000  }
0x101: {  	[sflag:s11] =	ssyncset.done @!p2 $0x0  }
0x102: {  	[sflag:s11] =	ssyncadd.s32 @!p2 $0xFFFFC000;
	s11 =	simm.s32 @!p2 $0x5  }
0x103: {  	_ =	swait.ge @!p2 [sflag:s11], $0x80  }
0x104: {  	s20 =	rddreg [dreg:$0x5]  }
0x105: {  	[sflag:s11] =	ssyncset.done @!p2 $0x0;
	p4 =	sge.u32 s6, s20  }
0x106: {  	[sflag:s11] =	ssyncadd.s32 @!p2 $0xFFFFFF80;
	s11 =	simm.s32 @!p4 $0x1  }
0x107: {  	_ =	swait.ge @!p4 [sflag:s11], $0x80  }
0x108: {  	[sflag:s11] =	ssyncset.done @!p4 $0x0  }
0x109: {  	[sflag:s11] =	ssyncadd.s32 @!p4 $0xFFFFFF80  }
0x10a: {  	_ =	swait.ge @!p4 [sflag:s11], $0x80  }
0x10b: {  	[sflag:s11] =	ssyncset.done @!p4 $0x0  }
0x10c: {  	[sflag:s11] =	ssyncadd.s32 @!p4 $0xFFFFFF80  }
0x10d: {  	v2 =	vld @!p4 [tilespmem:$0x180]  }
0x10e: {  	v3 =	vld @!p4 [tilespmem:$0x980]  }
0x10f: {  	v4 =	vld @!p4 [tilespmem:$0x190]  }
0x110: {  	v5 =	vld @!p4 [tilespmem:$0x990]  }
0x111: {  	v6 =	vld @!p4 [tilespmem:$0x1A0]  }
0x112: {  	v7 =	vld @!p4 [tilespmem:$0x9A0];
	v2 =	vadd.s32 @!p4 v0, v2  }
0x113: {  	[tilespmem:$0x580] =	vst @!p4 v2;
	v2 =	vadd.s32 @!p4 v0, v3;
	v3 =	vld @!p4 [tilespmem:$0x1B0]  }
0x114: {  	[tilespmem:$0xD80] =	vst @!p4 v2;
	v2 =	vadd.s32 @!p4 v0, v4;
	v4 =	vld @!p4 [tilespmem:$0x9B0]  }
0x115: {  	[tilespmem:$0x590] =	vst @!p4 v2;
	v2 =	vadd.s32 @!p4 v0, v5;
	v5 =	vld @!p4 [tilespmem:$0x1C0]  }
0x116: {  	[tilespmem:$0xD90] =	vst @!p4 v2;
	v2 =	vadd.s32 @!p4 v0, v6;
	v6 =	vld @!p4 [tilespmem:$0x9C0]  }
0x117: {  	[tilespmem:$0x5A0] =	vst @!p4 v2;
	v2 =	vadd.s32 @!p4 v0, v7;
	v7 =	vld @!p4 [tilespmem:$0x1D0]  }
0x118: {  	[tilespmem:$0xDA0] =	vst @!p4 v2;
	v2 =	vadd.s32 @!p4 v0, v3;
	v3 =	vld @!p4 [tilespmem:$0x9D0]  }
0x119: {  	[tilespmem:$0x5B0] =	vst @!p4 v2;
	v2 =	vadd.s32 @!p4 v0, v4;
	v4 =	vld @!p4 [tilespmem:$0x1E0]  }
0x11a: {  	[tilespmem:$0xDB0] =	vst @!p4 v2;
	v2 =	vadd.s32 @!p4 v0, v5;
	v5 =	vld @!p4 [tilespmem:$0x9E0]  }
0x11b: {  	[tilespmem:$0x5C0] =	vst @!p4 v2;
	v2 =	vadd.s32 @!p4 v0, v6;
	v6 =	vld @!p4 [tilespmem:$0x1F0]  }
0x11c: {  	[tilespmem:$0xDC0] =	vst @!p4 v2;
	v2 =	vadd.s32 @!p4 v0, v7;
	v7 =	vld @!p4 [tilespmem:$0x9F0]  }
0x11d: {  	[tilespmem:$0x5D0] =	vst @!p4 v2;
	v2 =	vadd.s32 @!p4 v0, v3  }
0x11e: {  	[tilespmem:$0xDD0] =	vst @!p4 v2;
	v2 =	vadd.s32 @!p4 v0, v4  }
0x11f: {  	[tilespmem:$0x5E0] =	vst @!p4 v2;
	v2 =	vadd.s32 @!p4 v0, v5  }
0x120: {  	[tilespmem:$0xDE0] =	vst @!p4 v2;
	v2 =	vadd.s32 @!p4 v0, v6  }
0x121: {  	s21 =	sadd.s32 $0x50, s8;
	[tilespmem:$0x5F0] =	vst @!p4 v2;
	v2 =	vadd.s32 @!p4 v0, v7  }
0x122: {  	s24 =	simm.s32 @!p4 $0x80;
	s31 =	simm.s32 @!p4 $0x5000;
	s11 =	simm.s32 @!p4 $0x580;
	[tilespmem:$0xDF0] =	vst @!p4 v2  }
0x123: {  	[tilespmem:s31], [sflag:$0x2] =	stream.indirect.gather @!p4 [hbm4b:s16+s24], $0x80, s11, s24, $0xb8;
	[tilespmem:$0x1D678] =	vst v63  }
0x124: {  	p2 =	sgt.u32 s21, $0x9C3;
	s20 =	simm.s32 @!p4 $0x9080;
	s11 =	simm.s32 @!p4 $0xD80  }
0x125: {  	[tilespmem:s20], [sflag:$0x3] =	stream.indirect.gather @!p4 [hbm4b:s17+s24], $0x1, s11, s24, $0xb8;
	[tilespmem:$0x1D678] =	vst v63  }
0x126: {  	s11 =	sadd.s32 @!p2 s7, s15  }
0x127: {  	s25 =	simm.s32 @!p2 $0x0;
	s12 =	sadd.s32 @!p2 $0x500, s11;
	s11 =	simm.s32 @!p2 $0x280  }
0x128: {  	[tilespmem:s11], [sflag:$0x1] =	stream.linear.gather @!p2 [hbm4b:s12+s25], $0x80, $0x38;
	[tilespmem:$0x1D678] =	vst v63  }
0x129: {  	s12 =	sadd.s32 @!p2 s7, s14  }
0x12a: {  	s30 =	sadd.s32 @!p2 $0x500, s12;
	s12 =	simm.s32 @!p2 $0xA80  }
0x12b: {  	[tilespmem:s12], [sflag:$0x1] =	stream.linear.gather @!p2 [hbm4b:s30+s25], $0x80, $0x38;
	[tilespmem:$0x1D678] =	vst v63  }
0x12c: {  	s25 =	simm.s32 @!p3 $0x2  }
0x12d: {  	_ =	swait.ge @!p3 [sflag:s25], $0x4000  }
0x12e: {  	[sflag:s25] =	ssyncset.done @!p3 $0x0  }
0x12f: {  	[sflag:s25] =	ssyncadd.s32 @!p3 $0xFFFFC000;
	s25 =	simm.s32 @!p3 $0x3  }
0x130: {  	_ =	swait.ge @!p3 [sflag:s25], $0x80  }
0x131: {  	[sflag:s25] =	ssyncset.done @!p3 $0x0  }
0x132: {  	[sflag:s25] =	ssyncadd.s32 @!p3 $0xFFFFFF80;
	s25 =	simm.s32 @!p3 $0x900  }
0x133: {  	[spmem:s1] =	stream.indirect.scatter.add.f32 @!p3 [tilespmem:s22], [sflag:$0x4], $0x80, s25, s13, $0xb8;
	[tilespmem:$0x1D678] =	vst v63  }
0x134: {  	s22 =	simm.s32 @!p3 $0x100  }
0x135: {  	[spmem:s2] =	stream.indirect.scatter.add.f32 @!p3 [tilespmem:s23], [sflag:$0x5], $0x1, s22, s13, $0xb8;
	[tilespmem:$0x1D678] =	vst v63  }
0x136: {  	s13 =	simm.s32 @!p3 $0x4  }
0x137: {  	_ =	swait.ge @!p3 [sflag:s13], $0x4000  }
0x138: {  	[sflag:s13] =	ssyncset.done @!p3 $0x0  }
0x139: {  	[sflag:s13] =	ssyncadd.s32 @!p3 $0xFFFFC000;
	s13 =	simm.s32 @!p3 $0x5  }
0x13a: {  	_ =	swait.ge @!p3 [sflag:s13], $0x80  }
0x13b: {  	[sflag:s13] =	ssyncset.done @!p3 $0x0  }
0x13c: {  	[sflag:s13] =	ssyncadd.s32 @!p3 $0xFFFFFF80;
	s13 =	simm.s32 @!p1 $0x1  }
0x13d: {  	_ =	swait.ge @!p1 [sflag:s13], $0x80  }
0x13e: {  	[sflag:s13] =	ssyncset.done @!p1 $0x0  }
0x13f: {  	[sflag:s13] =	ssyncadd.s32 @!p1 $0xFFFFFF80  }
0x140: {  	_ =	swait.ge @!p1 [sflag:s13], $0x80  }
0x141: {  	[sflag:s13] =	ssyncset.done @!p1 $0x0  }
0x142: {  	[sflag:s13] =	ssyncadd.s32 @!p1 $0xFFFFFF80  }
0x143: {  	v2 =	vld @!p1 [tilespmem:$0x200]  }
0x144: {  	v3 =	vld @!p1 [tilespmem:$0xA00]  }
0x145: {  	v4 =	vld @!p1 [tilespmem:$0x210]  }
0x146: {  	v5 =	vld @!p1 [tilespmem:$0xA10]  }
0x147: {  	v6 =	vld @!p1 [tilespmem:$0x220]  }
0x148: {  	v7 =	vld @!p1 [tilespmem:$0xA20];
	v2 =	vadd.s32 @!p1 v0, v2  }
0x149: {  	[tilespmem:$0x600] =	vst @!p1 v2;
	v2 =	vadd.s32 @!p1 v0, v3;
	v3 =	vld @!p1 [tilespmem:$0x230]  }
0x14a: {  	[tilespmem:$0xE00] =	vst @!p1 v2;
	v2 =	vadd.s32 @!p1 v0, v4;
	v4 =	vld @!p1 [tilespmem:$0xA30]  }
0x14b: {  	[tilespmem:$0x610] =	vst @!p1 v2;
	v2 =	vadd.s32 @!p1 v0, v5;
	v5 =	vld @!p1 [tilespmem:$0x240]  }
0x14c: {  	[tilespmem:$0xE10] =	vst @!p1 v2;
	v2 =	vadd.s32 @!p1 v0, v6;
	v6 =	vld @!p1 [tilespmem:$0xA40]  }
0x14d: {  	[tilespmem:$0x620] =	vst @!p1 v2;
	v2 =	vadd.s32 @!p1 v0, v7;
	v7 =	vld @!p1 [tilespmem:$0x250]  }
0x14e: {  	[tilespmem:$0xE20] =	vst @!p1 v2;
	v2 =	vadd.s32 @!p1 v0, v3;
	v3 =	vld @!p1 [tilespmem:$0xA50]  }
0x14f: {  	[tilespmem:$0x630] =	vst @!p1 v2;
	v2 =	vadd.s32 @!p1 v0, v4;
	v4 =	vld @!p1 [tilespmem:$0x260]  }
0x150: {  	[tilespmem:$0xE30] =	vst @!p1 v2;
	v2 =	vadd.s32 @!p1 v0, v5;
	v5 =	vld @!p1 [tilespmem:$0xA60]  }
0x151: {  	[tilespmem:$0x640] =	vst @!p1 v2;
	v2 =	vadd.s32 @!p1 v0, v6;
	v6 =	vld @!p1 [tilespmem:$0x270]  }
0x152: {  	[tilespmem:$0xE40] =	vst @!p1 v2;
	v2 =	vadd.s32 @!p1 v0, v7;
	v7 =	vld @!p1 [tilespmem:$0xA70]  }
0x153: {  	[tilespmem:$0x650] =	vst @!p1 v2;
	v2 =	vadd.s32 @!p1 v0, v3  }
0x154: {  	[tilespmem:$0xE50] =	vst @!p1 v2;
	v2 =	vadd.s32 @!p1 v0, v4  }
0x155: {  	[tilespmem:$0x660] =	vst @!p1 v2;
	v2 =	vadd.s32 @!p1 v0, v5  }
0x156: {  	[tilespmem:$0xE60] =	vst @!p1 v2;
	v2 =	vadd.s32 @!p1 v0, v6  }
0x157: {  	s25 =	simm.s32 @!p1 $0x1000;
	[tilespmem:$0x670] =	vst @!p1 v2;
	v2 =	vadd.s32 @!p1 v0, v7  }
0x158: {  	s22 =	simm.s32 @!p1 $0x80;
	s23 =	sadd.s32 $0x60, s8;
	s13 =	simm.s32 @!p1 $0x600;
	[tilespmem:$0xE70] =	vst @!p1 v2  }
0x159: {  	[tilespmem:s25], [sflag:$0x2] =	stream.indirect.gather @!p1 [hbm4b:s16+s22], $0x80, s13, s22, $0xb8;
	[tilespmem:$0x1D678] =	vst v63  }
0x15a: {  	s30 =	simm.s32 @!p1 $0x9000;
	p3 =	sgt.u32 s23, $0x9C3;
	s13 =	simm.s32 @!p1 $0xE00  }
0x15b: {  	[tilespmem:s30], [sflag:$0x3] =	stream.indirect.gather @!p1 [hbm4b:s17+s22], $0x1, s13, s22, $0xb8;
	[tilespmem:$0x1D678] =	vst v63  }
0x15c: {  	s13 =	sadd.s32 @!p3 s7, s15  }
0x15d: {  	s23 =	simm.s32 @!p3 $0x0;
	s13 =	sadd.s32 @!p3 $0x600, s13  }
0x15e: {  	[tilespmem:s23], [sflag:$0x1] =	stream.linear.gather @!p3 [hbm4b:s13+s23], $0x80, $0x38;
	[tilespmem:$0x1D678] =	vst v63  }
0x15f: {  	s13 =	sadd.s32 @!p3 s7, s14  }
0x160: {  	s21 =	simm.s32 @!p3 $0x800;
	s13 =	sadd.s32 @!p3 $0x600, s13  }
0x161: {  	[tilespmem:s21], [sflag:$0x1] =	stream.linear.gather @!p3 [hbm4b:s13+s23], $0x80, $0x38;
	[tilespmem:$0x1D678] =	vst v63  }
0x162: {  	s13 =	simm.s32 @!p4 $0x2  }
0x163: {  	_ =	swait.ge @!p4 [sflag:s13], $0x4000  }
0x164: {  	[sflag:s13] =	ssyncset.done @!p4 $0x0  }
0x165: {  	[sflag:s13] =	ssyncadd.s32 @!p4 $0xFFFFC000;
	s13 =	simm.s32 @!p4 $0x3  }
0x166: {  	_ =	swait.ge @!p4 [sflag:s13], $0x80  }
0x167: {  	[sflag:s13] =	ssyncset.done @!p4 $0x0  }
0x168: {  	[sflag:s13] =	ssyncadd.s32 @!p4 $0xFFFFFF80;
	s13 =	simm.s32 @!p4 $0x980  }
0x169: {  	[spmem:s1] =	stream.indirect.scatter.add.f32 @!p4 [tilespmem:s31], [sflag:$0x4], $0x80, s13, s24, $0xb8;
	[tilespmem:$0x1D678] =	vst v63  }
0x16a: {  	s13 =	simm.s32 @!p4 $0x180  }
0x16b: {  	[spmem:s2] =	stream.indirect.scatter.add.f32 @!p4 [tilespmem:s20], [sflag:$0x5], $0x1, s13, s24, $0xb8;
	[tilespmem:$0x1D678] =	vst v63  }
0x16c: {  	s13 =	simm.s32 @!p4 $0x4  }
0x16d: {  	_ =	swait.ge @!p4 [sflag:s13], $0x4000  }
0x16e: {  	[sflag:s13] =	ssyncset.done @!p4 $0x0  }
0x16f: {  	[sflag:s13] =	ssyncadd.s32 @!p4 $0xFFFFC000;
	s13 =	simm.s32 @!p4 $0x5  }
0x170: {  	_ =	swait.ge @!p4 [sflag:s13], $0x80  }
0x171: {  	[sflag:s13] =	ssyncset.done @!p4 $0x0  }
0x172: {  	[sflag:s13] =	ssyncadd.s32 @!p4 $0xFFFFFF80;
	s13 =	simm.s32 @!p2 $0x1  }
0x173: {  	_ =	swait.ge @!p2 [sflag:s13], $0x80  }
0x174: {  	[sflag:s13] =	ssyncset.done @!p2 $0x0  }
0x175: {  	[sflag:s13] =	ssyncadd.s32 @!p2 $0xFFFFFF80  }
0x176: {  	_ =	swait.ge @!p2 [sflag:s13], $0x80  }
0x177: {  	[sflag:s13] =	ssyncset.done @!p2 $0x0  }
0x178: {  	[sflag:s13] =	ssyncadd.s32 @!p2 $0xFFFFFF80  }
0x179: {  	v2 =	vld @!p2 [tilespmem:$0x280]  }
0x17a: {  	v3 =	vld @!p2 [tilespmem:$0xA80]  }
0x17b: {  	v4 =	vld @!p2 [tilespmem:$0x290]  }
0x17c: {  	v5 =	vld @!p2 [tilespmem:$0xA90]  }
0x17d: {  	v6 =	vld @!p2 [tilespmem:$0x2A0]  }
0x17e: {  	v7 =	vld @!p2 [tilespmem:$0xAA0];
	v2 =	vadd.s32 @!p2 v0, v2  }
0x17f: {  	[tilespmem:$0x680] =	vst @!p2 v2;
	v2 =	vadd.s32 @!p2 v0, v3;
	v3 =	vld @!p2 [tilespmem:$0x2B0]  }
0x180: {  	[tilespmem:$0xE80] =	vst @!p2 v2;
	v2 =	vadd.s32 @!p2 v0, v4;
	v4 =	vld @!p2 [tilespmem:$0xAB0]  }
0x181: {  	[tilespmem:$0x690] =	vst @!p2 v2;
	v2 =	vadd.s32 @!p2 v0, v5;
	v5 =	vld @!p2 [tilespmem:$0x2C0]  }
0x182: {  	[tilespmem:$0xE90] =	vst @!p2 v2;
	v2 =	vadd.s32 @!p2 v0, v6;
	v6 =	vld @!p2 [tilespmem:$0xAC0]  }
0x183: {  	[tilespmem:$0x6A0] =	vst @!p2 v2;
	v2 =	vadd.s32 @!p2 v0, v7;
	v7 =	vld @!p2 [tilespmem:$0x2D0]  }
0x184: {  	[tilespmem:$0xEA0] =	vst @!p2 v2;
	v2 =	vadd.s32 @!p2 v0, v3;
	v3 =	vld @!p2 [tilespmem:$0xAD0]  }
0x185: {  	[tilespmem:$0x6B0] =	vst @!p2 v2;
	v2 =	vadd.s32 @!p2 v0, v4;
	v4 =	vld @!p2 [tilespmem:$0x2E0]  }
0x186: {  	[tilespmem:$0xEB0] =	vst @!p2 v2;
	v2 =	vadd.s32 @!p2 v0, v5;
	v5 =	vld @!p2 [tilespmem:$0xAE0]  }
0x187: {  	[tilespmem:$0x6C0] =	vst @!p2 v2;
	v2 =	vadd.s32 @!p2 v0, v6;
	v6 =	vld @!p2 [tilespmem:$0x2F0]  }
0x188: {  	[tilespmem:$0xEC0] =	vst @!p2 v2;
	v2 =	vadd.s32 @!p2 v0, v7;
	v7 =	vld @!p2 [tilespmem:$0xAF0]  }
0x189: {  	[tilespmem:$0x6D0] =	vst @!p2 v2;
	v2 =	vadd.s32 @!p2 v0, v3  }
0x18a: {  	[tilespmem:$0xED0] =	vst @!p2 v2;
	v2 =	vadd.s32 @!p2 v0, v4  }
0x18b: {  	[tilespmem:$0x6E0] =	vst @!p2 v2;
	v2 =	vadd.s32 @!p2 v0, v5  }
0x18c: {  	[tilespmem:$0xEE0] =	vst @!p2 v2;
	v2 =	vadd.s32 @!p2 v0, v6  }
0x18d: {  	s29 =	sadd.s32 $0x70, s8;
	[tilespmem:$0x6F0] =	vst @!p2 v2;
	v2 =	vadd.s32 @!p2 v0, v7  }
0x18e: {  	s23 =	simm.s32 @!p2 $0x80;
	s20 =	simm.s32 @!p2 $0x5000;
	s13 =	simm.s32 @!p2 $0x680;
	[tilespmem:$0xEF0] =	vst @!p2 v2  }
0x18f: {  	[tilespmem:s20], [sflag:$0x2] =	stream.indirect.gather @!p2 [hbm4b:s16+s23], $0x80, s13, s23, $0xb8;
	[tilespmem:$0x1D678] =	vst v63  }
0x190: {  	s24 =	simm.s32 @!p2 $0x9080;
	p4 =	sgt.u32 s29, $0x9C3;
	s13 =	simm.s32 @!p2 $0xE80  }
0x191: {  	[tilespmem:s24], [sflag:$0x3] =	stream.indirect.gather @!p2 [hbm4b:s17+s23], $0x1, s13, s23, $0xb8;
	[tilespmem:$0x1D678] =	vst v63  }
0x192: {  	s13 =	sadd.s32 @!p4 s7, s15  }
0x193: {  	s31 =	simm.s32 @!p4 $0x0;
	s21 =	sadd.s32 @!p4 $0x700, s13;
	s13 =	simm.s32 @!p4 $0x80  }
0x194: {  	[tilespmem:s13], [sflag:$0x1] =	stream.linear.gather @!p4 [hbm4b:s21+s31], $0x80, $0x38;
	[tilespmem:$0x1D678] =	vst v63  }
0x195: {  	s21 =	sadd.s32 @!p4 s7, s14  }
0x196: {  	s29 =	simm.s32 @!p4 $0x880;
	s21 =	sadd.s32 @!p4 $0x700, s21  }
0x197: {  	[tilespmem:s29], [sflag:$0x1] =	stream.linear.gather @!p4 [hbm4b:s21+s31], $0x80, $0x38;
	[tilespmem:$0x1D678] =	vst v63  }
0x198: {  	s21 =	simm.s32 @!p1 $0x2  }
0x199: {  	_ =	swait.ge @!p1 [sflag:s21], $0x4000  }
0x19a: {  	[sflag:s21] =	ssyncset.done @!p1 $0x0  }
0x19b: {  	[sflag:s21] =	ssyncadd.s32 @!p1 $0xFFFFC000;
	s21 =	simm.s32 @!p1 $0x3  }
0x19c: {  	_ =	swait.ge @!p1 [sflag:s21], $0x80  }
0x19d: {  	[sflag:s21] =	ssyncset.done @!p1 $0x0  }
0x19e: {  	[sflag:s21] =	ssyncadd.s32 @!p1 $0xFFFFFF80  }
0x19f: {  	[spmem:s1] =	stream.indirect.scatter.add.f32 @!p1 [tilespmem:s25], [sflag:$0x4], $0x80, s10, s22, $0xb8;
	[tilespmem:$0x1D678] =	vst v63  }
0x1a0: {  	_ = 	snop  }
0x1a1: {  	[spmem:s2] =	stream.indirect.scatter.add.f32 @!p1 [tilespmem:s30], [sflag:$0x5], $0x1, s9, s22, $0xb8;
	[tilespmem:$0x1D678] =	vst v63  }
0x1a2: {  	s9 =	simm.s32 @!p1 $0x4  }
0x1a3: {  	_ =	swait.ge @!p1 [sflag:s9], $0x4000  }
0x1a4: {  	[sflag:s9] =	ssyncset.done @!p1 $0x0  }
0x1a5: {  	[sflag:s9] =	ssyncadd.s32 @!p1 $0xFFFFC000;
	s9 =	simm.s32 @!p1 $0x5  }
0x1a6: {  	_ =	swait.ge @!p1 [sflag:s9], $0x80  }
0x1a7: {  	[sflag:s9] =	ssyncset.done @!p1 $0x0  }
0x1a8: {  	[sflag:s9] =	ssyncadd.s32 @!p1 $0xFFFFFF80;
	s9 =	simm.s32 @!p3 $0x1  }
0x1a9: {  	_ =	swait.ge @!p3 [sflag:s9], $0x80  }
0x1aa: {  	[sflag:s9] =	ssyncset.done @!p3 $0x0  }
0x1ab: {  	[sflag:s9] =	ssyncadd.s32 @!p3 $0xFFFFFF80  }
0x1ac: {  	_ =	swait.ge @!p3 [sflag:s9], $0x80  }
0x1ad: {  	[sflag:s9] =	ssyncset.done @!p3 $0x0  }
0x1ae: {  	[sflag:s9] =	ssyncadd.s32 @!p3 $0xFFFFFF80  }
0x1af: {  	v2 =	vld @!p3 [tilespmem:$0x0]  }
0x1b0: {  	v3 =	vld @!p3 [tilespmem:$0x800]  }
0x1b1: {  	v4 =	vld @!p3 [tilespmem:$0x10]  }
0x1b2: {  	v5 =	vld @!p3 [tilespmem:$0x810]  }
0x1b3: {  	v6 =	vld @!p3 [tilespmem:$0x20]  }
0x1b4: {  	v7 =	vld @!p3 [tilespmem:$0x820];
	v2 =	vadd.s32 @!p3 v0, v2  }
0x1b5: {  	[tilespmem:$0x400] =	vst @!p3 v2;
	v2 =	vadd.s32 @!p3 v0, v3;
	v3 =	vld @!p3 [tilespmem:$0x30]  }
0x1b6: {  	[tilespmem:$0xC00] =	vst @!p3 v2;
	v2 =	vadd.s32 @!p3 v0, v4;
	v4 =	vld @!p3 [tilespmem:$0x830]  }
0x1b7: {  	[tilespmem:$0x410] =	vst @!p3 v2;
	v2 =	vadd.s32 @!p3 v0, v5;
	v5 =	vld @!p3 [tilespmem:$0x40]  }
0x1b8: {  	[tilespmem:$0xC10] =	vst @!p3 v2;
	v2 =	vadd.s32 @!p3 v0, v6;
	v6 =	vld @!p3 [tilespmem:$0x840]  }
0x1b9: {  	[tilespmem:$0x420] =	vst @!p3 v2;
	v2 =	vadd.s32 @!p3 v0, v7;
	v7 =	vld @!p3 [tilespmem:$0x50]  }
0x1ba: {  	[tilespmem:$0xC20] =	vst @!p3 v2;
	v2 =	vadd.s32 @!p3 v0, v3;
	v3 =	vld @!p3 [tilespmem:$0x850]  }
0x1bb: {  	[tilespmem:$0x430] =	vst @!p3 v2;
	v2 =	vadd.s32 @!p3 v0, v4;
	v4 =	vld @!p3 [tilespmem:$0x60]  }
0x1bc: {  	[tilespmem:$0xC30] =	vst @!p3 v2;
	v2 =	vadd.s32 @!p3 v0, v5;
	v5 =	vld @!p3 [tilespmem:$0x860]  }
0x1bd: {  	[tilespmem:$0x440] =	vst @!p3 v2;
	v2 =	vadd.s32 @!p3 v0, v6;
	v6 =	vld @!p3 [tilespmem:$0x70]  }
0x1be: {  	[tilespmem:$0xC40] =	vst @!p3 v2;
	v2 =	vadd.s32 @!p3 v0, v7;
	v7 =	vld @!p3 [tilespmem:$0x870]  }
0x1bf: {  	[tilespmem:$0x450] =	vst @!p3 v2;
	v2 =	vadd.s32 @!p3 v0, v3  }
0x1c0: {  	[tilespmem:$0xC50] =	vst @!p3 v2;
	v2 =	vadd.s32 @!p3 v0, v4  }
0x1c1: {  	[tilespmem:$0x460] =	vst @!p3 v2;
	v2 =	vadd.s32 @!p3 v0, v5  }
0x1c2: {  	[tilespmem:$0xC60] =	vst @!p3 v2;
	v2 =	vadd.s32 @!p3 v0, v6  }
0x1c3: {  	s31 =	sadd.s32 $0x80, s8;
	[tilespmem:$0x470] =	vst @!p3 v2;
	v2 =	vadd.s32 @!p3 v0, v7  }
0x1c4: {  	s21 =	simm.s32 @!p3 $0x1000;
	s10 =	simm.s32 @!p3 $0x400;
	s9 =	simm.s32 @!p3 $0x80;
	[tilespmem:$0xC70] =	vst @!p3 v2  }
0x1c5: {  	[tilespmem:s21], [sflag:$0x2] =	stream.indirect.gather @!p3 [hbm4b:s16+s9], $0x80, s10, s9, $0xb8;
	[tilespmem:$0x1D678] =	vst v63  }
0x1c6: {  	p1 =	sgt.u32 s31, $0x9C3;
	s10 =	simm.s32 @!p3 $0xC00;
	s21 =	simm.s32 @!p3 $0x9000  }
0x1c7: {  	[tilespmem:s21], [sflag:$0x3] =	stream.indirect.gather @!p3 [hbm4b:s17+s9], $0x1, s10, s9, $0xb8;
	[tilespmem:$0x1D678] =	vst v63  }
0x1c8: {  	s9 =	sadd.s32 @!p1 s7, s15  }
0x1c9: {  	s10 =	simm.s32 @!p1 $0x0;
	s21 =	simm.s32 @!p1 $0x100;
	s9 =	sadd.s32 @!p1 $0x800, s9  }
0x1ca: {  	[tilespmem:s21], [sflag:$0x1] =	stream.linear.gather @!p1 [hbm4b:s9+s10], $0x80, $0x38;
	[tilespmem:$0x1D678] =	vst v63  }
0x1cb: {  	s9 =	sadd.s32 @!p1 s7, s14  }
0x1cc: {  	s21 =	simm.s32 @!p1 $0x900;
	s9 =	sadd.s32 @!p1 $0x800, s9  }
0x1cd: {  	[tilespmem:s21], [sflag:$0x1] =	stream.linear.gather @!p1 [hbm4b:s9+s10], $0x80, $0x38;
	[tilespmem:$0x1D678] =	vst v63  }
0x1ce: {  	s9 =	simm.s32 @!p2 $0x2  }
0x1cf: {  	_ =	swait.ge @!p2 [sflag:s9], $0x4000  }
0x1d0: {  	[sflag:s9] =	ssyncset.done @!p2 $0x0  }
0x1d1: {  	[sflag:s9] =	ssyncadd.s32 @!p2 $0xFFFFC000;
	s9 =	simm.s32 @!p2 $0x3  }
0x1d2: {  	_ =	swait.ge @!p2 [sflag:s9], $0x80  }
0x1d3: {  	[sflag:s9] =	ssyncset.done @!p2 $0x0  }
0x1d4: {  	[sflag:s9] =	ssyncadd.s32 @!p2 $0xFFFFFF80  }
0x1d5: {  	[spmem:s1] =	stream.indirect.scatter.add.f32 @!p2 [tilespmem:s20], [sflag:$0x4], $0x80, s12, s23, $0xb8;
	[tilespmem:$0x1D678] =	vst v63  }
0x1d6: {  	s9 =	simm.s32 @!p2 $0x4  }
0x1d7: {  	[spmem:s2] =	stream.indirect.scatter.add.f32 @!p2 [tilespmem:s24], [sflag:$0x5], $0x1, s11, s23, $0xb8;
	[tilespmem:$0x1D678] =	vst v63  }
0x1d8: {  	_ =	swait.ge @!p2 [sflag:s9], $0x4000  }
0x1d9: {  	[sflag:s9] =	ssyncset.done @!p2 $0x0  }
0x1da: {  	[sflag:s9] =	ssyncadd.s32 @!p2 $0xFFFFC000;
	s9 =	simm.s32 @!p2 $0x5  }
0x1db: {  	_ =	swait.ge @!p2 [sflag:s9], $0x80  }
0x1dc: {  	[sflag:s9] =	ssyncset.done @!p2 $0x0  }
0x1dd: {  	[sflag:s9] =	ssyncadd.s32 @!p2 $0xFFFFFF80;
	s9 =	simm.s32 @!p4 $0x1  }
0x1de: {  	_ =	swait.ge @!p4 [sflag:s9], $0x80  }
0x1df: {  	[sflag:s9] =	ssyncset.done @!p4 $0x0  }
0x1e0: {  	[sflag:s9] =	ssyncadd.s32 @!p4 $0xFFFFFF80  }
0x1e1: {  	_ =	swait.ge @!p4 [sflag:s9], $0x80  }
0x1e2: {  	[sflag:s9] =	ssyncset.done @!p4 $0x0  }
0x1e3: {  	[sflag:s9] =	ssyncadd.s32 @!p4 $0xFFFFFF80  }
0x1e4: {  	v2 =	vld @!p4 [tilespmem:$0x80]  }
0x1e5: {  	v3 =	vld @!p4 [tilespmem:$0x880]  }
0x1e6: {  	v4 =	vld @!p4 [tilespmem:$0x90]  }
0x1e7: {  	v5 =	vld @!p4 [tilespmem:$0x890]  }
0x1e8: {  	v6 =	vld @!p4 [tilespmem:$0xA0]  }
0x1e9: {  	v7 =	vld @!p4 [tilespmem:$0x8A0];
	v2 =	vadd.s32 @!p4 v0, v2  }
0x1ea: {  	[tilespmem:$0x480] =	vst @!p4 v2;
	v2 =	vadd.s32 @!p4 v0, v3;
	v3 =	vld @!p4 [tilespmem:$0xB0]  }
0x1eb: {  	[tilespmem:$0xC80] =	vst @!p4 v2;
	v2 =	vadd.s32 @!p4 v0, v4;
	v4 =	vld @!p4 [tilespmem:$0x8B0]  }
0x1ec: {  	[tilespmem:$0x490] =	vst @!p4 v2;
	v2 =	vadd.s32 @!p4 v0, v5;
	v5 =	vld @!p4 [tilespmem:$0xC0]  }
0x1ed: {  	[tilespmem:$0xC90] =	vst @!p4 v2;
	v2 =	vadd.s32 @!p4 v0, v6;
	v6 =	vld @!p4 [tilespmem:$0x8C0]  }
0x1ee: {  	[tilespmem:$0x4A0] =	vst @!p4 v2;
	v2 =	vadd.s32 @!p4 v0, v7;
	v7 =	vld @!p4 [tilespmem:$0xD0]  }
0x1ef: {  	[tilespmem:$0xCA0] =	vst @!p4 v2;
	v2 =	vadd.s32 @!p4 v0, v3;
	v3 =	vld @!p4 [tilespmem:$0x8D0]  }
0x1f0: {  	[tilespmem:$0x4B0] =	vst @!p4 v2;
	v2 =	vadd.s32 @!p4 v0, v4;
	v4 =	vld @!p4 [tilespmem:$0xE0]  }
0x1f1: {  	[tilespmem:$0xCB0] =	vst @!p4 v2;
	v2 =	vadd.s32 @!p4 v0, v5;
	v5 =	vld @!p4 [tilespmem:$0x8E0]  }
0x1f2: {  	[tilespmem:$0x4C0] =	vst @!p4 v2;
	v2 =	vadd.s32 @!p4 v0, v6;
	v6 =	vld @!p4 [tilespmem:$0xF0]  }
0x1f3: {  	[tilespmem:$0xCC0] =	vst @!p4 v2;
	v2 =	vadd.s32 @!p4 v0, v7;
	v7 =	vld @!p4 [tilespmem:$0x8F0]  }
0x1f4: {  	[tilespmem:$0x4D0] =	vst @!p4 v2;
	v2 =	vadd.s32 @!p4 v0, v3  }
0x1f5: {  	[tilespmem:$0xCD0] =	vst @!p4 v2;
	v2 =	vadd.s32 @!p4 v0, v4  }
0x1f6: {  	[tilespmem:$0x4E0] =	vst @!p4 v2;
	v2 =	vadd.s32 @!p4 v0, v5  }
0x1f7: {  	[tilespmem:$0xCE0] =	vst @!p4 v2;
	v2 =	vadd.s32 @!p4 v0, v6  }
0x1f8: {  	s8 =	sadd.s32 $0x90, s8;
	[tilespmem:$0x4F0] =	vst @!p4 v2;
	v2 =	vadd.s32 @!p4 v0, v7  }
0x1f9: {  	s10 =	simm.s32 @!p4 $0x5000;
	p1 =	sgt.u32 s8, $0x9C3;
	s9 =	simm.s32 @!p4 $0x480;
	[tilespmem:$0xCF0] =	vst @!p4 v2  }
0x1fa: {  	[tilespmem:s10], [sflag:$0x2] =	stream.indirect.gather @!p4 [hbm4b:s16+s13], $0x80, s9, s13, $0xb8;
	[tilespmem:$0x1D678] =	vst v63  }
0x1fb: {  	s8 =	sadd.s32 @!p1 s7, s15;
	s9 =	simm.s32 @!p4 $0xC80;
	s10 =	simm.s32 @!p4 $0x9080  }
0x1fc: {  	[tilespmem:s10], [sflag:$0x3] =	stream.indirect.gather @!p4 [hbm4b:s17+s13], $0x1, s9, s13, $0xb8;
	[tilespmem:$0x1D678] =	vst v63  }
0x1fd: {  	s8 =	sadd.s32 @!p1 $0x900, s8;
	s9 =	simm.s32 @!p1 $0x0;
	s10 =	simm.s32 @!p1 $0x180  }
0x1fe: {  	[tilespmem:s10], [sflag:$0x1] =	stream.linear.gather @!p1 [hbm4b:s8+s9], $0x80, $0x38;
	[tilespmem:$0x1D678] =	vst v63  }
0x1ff: {  	s8 =	sadd.s32 @!p1 s7, s14  }
0x200: {  	s10 =	simm.s32 @!p1 $0x980;
	s7 =	sadd.s32 $0x600, s7;
	s8 =	sadd.s32 @!p1 $0x900, s8  }
0x201: {  	[tilespmem:s10], [sflag:$0x1] =	stream.linear.gather @!p1 [hbm4b:s8+s9], $0x80, $0x38;
	[tilespmem:$0x1D678] =	vst v63  }
0x202: {  	p1 =	sne.s32 s7, $0xA200  }
.Ltmp2:
0x203: {  	_ = 	snop;
	(pc) =	sbr.rel @p1 .LBB2_6-.Ltmp2, $2  }
0x204: {  	_ =	sdelay $0x2  }
0x205: {  	s6 =	sadd.s32 $0x60, s6  }
0x206: {  	[bflag:$0x0] =	sbarrier.arrive $0xFFFF  }
0x207: {  	[tilespmem:s0], [sflag:$0x6] =	stream.linear.gather [spmem:s18], $0x800, $0x38;
	[tilespmem:$0x1D678] =	vst v63  }
0x208: {  	_ =	swait.ge [sflag:s28], $0x800  }
0x209: {  	[sflag:s28] =	ssyncset.done $0x0  }
0x20a: {  	s6 =	sadd.s32 $0x0, s19;
	[sflag:s28] =	ssyncadd.s32 $0xFFFFF800  }
0x20b: {  	[hbm4b:s6+s3] =	stream.linear.scatter [tilespmem:s0], [sflag:$0x6], $0x800, $0x38;
	[tilespmem:$0x1D678] =	vst v63  }
0x20c: {  	_ =	swait.ge [sflag:s28], $0x800  }
0x20d: {  	s7 =	smov.u32 s18;
	s6 =	simm.s32 $0x100;
	[sflag:s28] =	ssyncset.done $0x0  }
.LBB2_8:
0x20e: {  	p1 =	sne.s32 s6, $0x2600;
	[sflag:s28] =	ssyncadd.s32 $0xFFFFF800;
	s7 =	sadd.s32 $0x800, s7  }
0x20f: {  	[tilespmem:s0], [sflag:$0x6] =	stream.linear.gather [spmem:s7], $0x800, $0x38;
	[tilespmem:$0x1D678] =	vst v63  }
0x210: {  	s8 =	smov.u32 s6;
	s6 =	sadd.s32 $0x100, s6;
	_ =	swait.ge [sflag:s28], $0x800  }
.Ltmp3:
0x211: {  	[sflag:s28] =	ssyncset.done $0x0;
	(pc) =	sbr.rel @p1 .LBB2_8-.Ltmp3, $4  }
0x212: {  	s8 =	sadd.s32 s8, s19;
	[sflag:s28] =	ssyncadd.s32 $0xFFFFF800  }
0x213: {  	[hbm4b:s8+s3] =	stream.linear.scatter [tilespmem:s0], [sflag:$0x6], $0x800, $0x38;
	[tilespmem:$0x1D678] =	vst v63  }
0x214: {  	_ =	swait.ge [sflag:s28], $0x800  }
0x215: {  	[sflag:s28] =	ssyncset.done $0x0  }
0x216: {  	[sflag:s28] =	ssyncadd.s32 $0xFFFFF800  }
0x217: {  	s6 =	simm.s32 @!p0 $0x1000;
	s12 =	rddreg [dreg:$0xf];
	s7 =	simm.s32 @!p0 $0x6  }
0x218: {  	[tilespmem:s6], [sflag:$0x6] =	stream.linear.gather @!p0 [spmem:s12], $0x800, $0x38;
	[tilespmem:$0x1D678] =	vst v63  }
0x219: {  	_ =	swait.ge @!p0 [sflag:s7], $0x800  }
0x21a: {  	[sflag:s7] =	ssyncset.done @!p0 $0x0  }
0x21b: {  	s8 =	simm.s32 @!p0 $0x0;
	s9 =	rddreg [dreg:$0x11];
	[sflag:s7] =	ssyncadd.s32 @!p0 $0xFFFFF800  }
0x21c: {  	[hbm4b:s9+s8] =	stream.linear.scatter @!p0 [tilespmem:s6], [sflag:$0x6], $0x800, $0x38;
	[tilespmem:$0x1D678] =	vst v63  }
0x21d: {  	_ =	swait.ge @!p0 [sflag:s7], $0x800  }
0x21e: {  	[sflag:s7] =	ssyncset.done @!p0 $0x0  }
0x21f: {  	s29 =	simm.s32 $0x9900;
	s20 =	rddreg [dreg:$0x10];
	[sflag:s7] =	ssyncadd.s32 @!p0 $0xFFFFF800  }
0x220: {  	[tilespmem:s29], [sflag:$0x6] =	stream.linear.gather [spmem:s20], $0x270, $0x38;
	[tilespmem:$0x1D678] =	vst v63  }
0x221: {  	_ =	swait.ge [sflag:s28], $0x270  }
0x222: {  	[sflag:s28] =	ssyncset.done $0x0  }
0x223: {  	s30 =	rddreg [dreg:$0xc];
	[sflag:s28] =	ssyncadd.s32 $0xFFFFFD90  }
0x224: {  	[hbm4b:s30+s3] =	stream.linear.scatter [tilespmem:s29], [sflag:$0x6], $0x270, $0x38;
	[tilespmem:$0x1D678] =	vst v63  }
0x225: {  	_ =	swait.ge [sflag:s28], $0x270  }
0x226: {  	[sflag:s28] =	ssyncset.done $0x0  }
0x227: {  	s6 =	simm.s32 @!p0 $0x9900;
	s10 =	rddreg [dreg:$0x14];
	[sflag:s28] =	ssyncadd.s32 $0xFFFFFD90  }
0x228: {  	[tilespmem:s6], [sflag:$0x6] =	stream.linear.gather @!p0 [spmem:s10], $0x10, $0x38;
	[tilespmem:$0x1D678] =	vst v63  }
0x229: {  	_ =	swait.ge @!p0 [sflag:s7], $0x10  }
0x22a: {  	[sflag:s7] =	ssyncset.done @!p0 $0x0  }
0x22b: {  	s9 =	rddreg [dreg:$0x12];
	[sflag:s7] =	ssyncadd.s32 @!p0 $0xFFFFFFF0  }
0x22c: {  	[hbm4b:s9+s8] =	stream.linear.scatter @!p0 [tilespmem:s6], [sflag:$0x6], $0x10, $0x38;
	[tilespmem:$0x1D678] =	vst v63  }
0x22d: {  	_ =	swait.ge @!p0 [sflag:s7], $0x10  }
0x22e: {  	s5 =	sadd.s32 $0x1, s5;
	s31 =	rddreg [dreg:$0x13]  }
0x22f: {  	p1 =	sne.s32 s5, s31  }
.Ltmp4:
0x230: {  	_ = 	snop;
	(pc) =	sbr.rel @p1 .LBB2_1-.Ltmp4, $3  }
0x231: {  	_ =	sdelay $0x1  }
0x232: {  	[sflag:s7] =	ssyncset.done @!p0 $0x0  }
0x233: {  	[sflag:s7] =	ssyncadd.s32 @!p0 $0xFFFFFFF0  }
0x234: {  	_ =	sfence.sel $0x180000  }
0x235: {  	[bflag:$0x0] =	sbarrier.arrive $0xFFFF  }
0x236: {  	_ =	strace $0x9000004A  }
0x237: {  	[bflag:$0x2] =	sbarrier.arrive $0xFFFF  }
0x238: {  	p0 =	sne.s32 s4, $0x0;
	s0 =	rddreg [dreg:$0x3]  }
0x239: {  	s0 =	sadd.s32 @!p0 $0x100000, s0  }
0x23a: {  	[sflag:s0] =	ssyncadd.tile.s32 @!p0 $0x1;
	_ =	shalt  }
.Lfunc_end2:
_tile_overlayer_lowered:
.L_overlay_start_2:
0x23b: {  	(tag) =	ssettag $0x2  }
0x23c: {  	s0 =	rddreg [dreg:$0x0];
	s2 =	stileid.u32  }
0x23d: {  	s1 =	rddreg [dreg:$0x1];
	p0 =	sne.s32 s2, $0x0  }
0x23e: {  	s3 =	rddreg [dreg:$0x2];
	[bflag:$0x3] =	sbarrier.arrive $0xFFFF;
	s2 =	simm.s32 @!p0 $0x1C06  }
0x23f: {  	[timem:s3], [sflag:s2] =	dma.local @!p0 [hbm:s0], s1  }
0x240: {  	s0 =	simm.s32 @!p0 $0x6  }
0x241: {  	_ =	swait.ge @!p0 [sflag:s0], s1  }
0x242: {  	s1 =	ssub.s32 @!p0 $0x0, s1;
	[sflag:s0] =	ssyncset.done @!p0 $0x0  }
0x243: {  	[sflag:s0] =	ssyncadd.s32 @!p0 s1  }
0x244: {  	[bflag:$0x3] =	sbarrier.arrive $0xFFFF  }
0x245: {  	_ =	shalt  }

</sc_bundles>
